<compile_context>
chip_gen: v7x
topology: tpu7x:2x2x1
jax: 0.10.2.dev20260603
libtpu: 0.0.44.dev20260713+nightly
codegen_flags: <defaults>
</compile_context>

<pallas_src>
import functools

import jax
import jax.numpy as jnp
from jax import lax
from jax.experimental import pallas as pl
from jax.experimental.pallas import tpu as pltpu
from jax.experimental.pallas import tpu_sc as plsc

BATCH = 16384
HIST = 50
EMBED = 32
TOTAL = BATCH * HIST

NUM_CORES = 2
NUM_SUBCORES = 16
NUM_WORKERS = NUM_CORES * NUM_SUBCORES
ROWS_PER_WORKER = BATCH // NUM_WORKERS
PER_WORKER = ROWS_PER_WORKER * HIST
CB = 128
NCB = ROWS_PER_WORKER // CB
NCHUNK = HIST
NBUF = 2
NWBUF = 2
SUB = EMBED // 8

_mesh = plsc.VectorSubcoreMesh(core_axis_name="c", subcore_axis_name="s")


@functools.partial(
    pl.kernel,
    mesh=_mesh,
    compiler_params=pltpu.CompilerParams(
        use_tc_tiling_on_sc=False, needs_layout_passes=False
    ),
    out_type=jax.ShapeDtypeStruct((HIST, SUB, BATCH // CB, 8, CB), jnp.float32),
    scratch_types=[
        pltpu.VMEM((PER_WORKER,), jnp.int32),
        pltpu.VMEM((PER_WORKER,), jnp.int32),
        pltpu.VMEM((NBUF, ROWS_PER_WORKER, EMBED), jnp.float32),
        pltpu.VMEM((NWBUF, SUB, NCB, 8, CB), jnp.float32),
        pltpu.SemaphoreType.DMA((NBUF,)),
        pltpu.SemaphoreType.DMA((NWBUF,)),
    ],
)
def _embed_gather(idx_hbm, table_hbm, out_hbm, idx_v, idxt_v, rows_v, lt_v,
                  gsems, wsems):
    wid = lax.axis_index("s") * NUM_CORES + lax.axis_index("c")
    base = wid * PER_WORKER
    c0 = wid * NCB
    lane = jnp.arange(16, dtype=jnp.int32)
    _ZERO = lane * 0

    pltpu.sync_copy(idx_hbm.at[pl.ds(base, PER_WORKER)], idx_v)

    @pl.loop(0, HIST)
    def _(h):
        for j in range(ROWS_PER_WORKER // 16):
            pos = (j * 16 + lane) * HIST + h
            vals = plsc.load_gather(idx_v, [pos])
            plsc.store_scatter(idxt_v, [h * ROWS_PER_WORKER + j * 16 + lane],
                               vals)

    def gather_descr(h, rb):
        return pltpu.make_async_copy(
            table_hbm.at[
                idxt_v.at[pl.ds(h * ROWS_PER_WORKER, ROWS_PER_WORKER)]
            ],
            rows_v.at[rb],
            gsems.at[rb],
        )

    def write_descr(h, s, w):
        return pltpu.make_async_copy(
            lt_v.at[w].at[s],
            out_hbm.at[h].at[s].at[pl.ds(c0, NCB)],
            wsems.at[w],
        )

    for rb in range(NBUF):
        gather_descr(rb, rb).start()

    @pl.loop(0, NCHUNK, step=NBUF)
    def _(k0):
        for db in range(NBUF):
            k = k0 + db
            rb = db
            w = db % NWBUF
            gather_descr(k, rb).wait()

            @pl.when(k >= NWBUF)
            def _():
                for s in range(SUB):
                    write_descr(k, s, w).wait()

            @pl.loop(0, EMBED)
            def _(t):
                e_vec = ((lane + t) & 15) + ((t >> 4) << 4)
                s_vec = e_vec >> 3
                r_vec = e_vec & 7
                for j0 in range(0, ROWS_PER_WORKER, 16):
                    vals = plsc.load_gather(rows_v.at[rb], [lane + j0, e_vec])
                    plsc.store_scatter(
                        lt_v.at[w],
                        [s_vec, _ZERO + (j0 // CB), r_vec, lane + (j0 % CB)],
                        vals,
                    )

            for s in range(SUB):
                write_descr(k, s, w).start()

            @pl.when(k + NBUF < NCHUNK)
            def _():
                gather_descr(k + NBUF, rb).start()

    for w in range(NWBUF):
        for s in range(SUB):
            pltpu.make_async_copy(
                lt_v.at[w].at[s],
                out_hbm.at[0].at[s].at[pl.ds(c0, NCB)],
                wsems.at[w],
            ).wait()


def kernel(x, table):
    flat = x.reshape(TOTAL)
    lt = _embed_gather(flat, table)
    return jnp.transpose(lt, (2, 4, 0, 1, 3)).reshape(BATCH, HIST, EMBED)

# --- scband reference (transcript-rebuilt; emitter-appended) ---
"""Pipeline reference for scband-embeddings-78872779423973 (READ-ONLY COPY).

The authoritative reference and input builder live on the scoring server;
editing this copy changes nothing except your own understanding.
"""

import jax, jax.numpy as jnp
import numpy as np

VOCAB = 1000000
EMBED_DIM = 32
BATCH = 16384
HIST = 50

def _trunc_normal(key, shape, std=0.02, dtype=jnp.float32):
    # truncated normal in [-2*std, 2*std], matching nn.init.trunc_normal_ defaults (a=-2, b=2 in std units)
    u = jax.random.truncated_normal(key, -2.0, 2.0, shape, dtype)
    return u * std

def setup_inputs(seed: int = 0) -> dict:
    key = jax.random.key(seed)
    k_idx, k_tab = jax.random.split(key)
    x = jax.random.randint(k_idx, (BATCH, HIST), 0, VOCAB, dtype=jnp.int64) if jax.config.jax_enable_x64 else jax.random.randint(k_idx, (BATCH, HIST), 0, VOCAB, dtype=jnp.int32)
    table = _trunc_normal(k_tab, (VOCAB, EMBED_DIM), std=0.02)
    return {"x": x, "table": table}

def reference(x, table):
    # nn.Embedding forward: gather rows of the embedding table
    return jnp.take(table, x, axis=0)

if __name__ == "__main__":
    import jax
    _d = setup_inputs()
    print(jax.jit(kernel)(*tuple(_d.values())))

</pallas_src>

<mosaic_0001>
#map = affine_map<(d0, d1) -> (0)>
#map1 = affine_map<(d0, d1) -> (0, 0)>
#map2 = affine_map<(d0, d1) -> (0, 0, 0, 0, 0)>
module attributes {stable_mosaic.version = 14 : i64} {
  func.func @_embed_gather(%arg0: i32, %arg1: i32, %arg2: memref<819200xi32, #tpu.memory_space<hbm>>, %arg3: memref<1000000x32xf32, #tpu.memory_space<hbm>>, %arg4: memref<50x4x128x8x128xf32, #tpu.memory_space<hbm>>, %arg5: memref<25600xi32, #tpu.memory_space<vmem>>, %arg6: memref<25600xi32, #tpu.memory_space<vmem>>, %arg7: memref<2x512x32xf32, #tpu.memory_space<vmem>>, %arg8: memref<2x4x4x8x128xf32, #tpu.memory_space<vmem>>, %arg9: memref<2x!tpu.dma_semaphore, #tpu.memory_space<semaphore_mem>>, %arg10: memref<2x!tpu.dma_semaphore, #tpu.memory_space<semaphore_mem>>) attributes {dimension_semantics = [#tpu.dimension_semantics<core_parallel>, #tpu.dimension_semantics<subcore_parallel>], iteration_bounds = array<i64: 2, 16>, scalar_prefetch = 0 : i64, scratch_operands = 6 : i64, tpu.core_type = #tpu.core_type<sc_vector_subcore>, window_params = [{transform_indices = #map}, {transform_indices = #map1}, {transform_indices = #map2}]} {
    %mul3A = arith.constant 2 : i32
    %mul3A_0 = arith.muli %arg1, %mul3A : i32
    %add3A = arith.addi %mul3A_0, %arg0 : i32
    %mul3A_1 = arith.constant 25600 : i32
    %mul3A_2 = arith.muli %add3A, %mul3A_1 : i32
    %mul3A_3 = arith.constant 4 : i32
    %mul3A_4 = arith.muli %add3A, %mul3A_3 : i32
    %iota3A = tpu.iota {dimensions = array<i32: 0>} : vector<16xi32>
    %mul3A_5 = arith.constant 0 : i32
    %mul3A_6 = vector.broadcast %mul3A_5 : i32 to vector<16xi32>
    %mul3A_7 = arith.muli %iota3A, %mul3A_6 : vector<16xi32>
    "tpu.region"() ({
      %run_scoped3A = tpu.sem_alloc : memref<!tpu.dma_semaphore, #tpu.memory_space<semaphore_mem>>
      %dma_start3A_497 = tpu.memref_slice %arg2[%mul3A_2] : memref<819200xi32, #tpu.memory_space<hbm>> -> memref<25600xi32, #tpu.memory_space<hbm>>
      %dma_start3A_498 = tpu.memref_slice %arg2[%mul3A_2] : memref<819200xi32, #tpu.memory_space<hbm>> -> memref<25600xi32, #tpu.memory_space<hbm>>
      tpu.enqueue_dma source(%dma_start3A_498 : memref<25600xi32, #tpu.memory_space<hbm>>) target(%arg5 : memref<25600xi32, #tpu.memory_space<vmem>>) target_semaphore(%run_scoped3A : memref<!tpu.dma_semaphore, #tpu.memory_space<semaphore_mem>>)
      %dma_wait3A_499 = tpu.memref_slice %arg2[%mul3A_2] : memref<819200xi32, #tpu.memory_space<hbm>> -> memref<25600xi32, #tpu.memory_space<hbm>>
      %dma_wait3A_500 = tpu.memref_slice %arg2[%mul3A_2] : memref<819200xi32, #tpu.memory_space<hbm>> -> memref<25600xi32, #tpu.memory_space<hbm>>
      tpu.wait_dma2 semaphore(%run_scoped3A : memref<!tpu.dma_semaphore, #tpu.memory_space<semaphore_mem>>) src(%dma_wait3A_500 : memref<25600xi32, #tpu.memory_space<hbm>>) dst(%arg5 : memref<25600xi32, #tpu.memory_space<vmem>>)
      tpu.yield
    }) : () -> ()
    %scan3A = arith.constant 0 : i32
    %scan3A_8 = arith.constant 50 : i32
    %scan3A_9 = arith.addi %scan3A, %scan3A_8 : i32
    %scan3A_10 = arith.constant 1 : i32
    scf.for %scan3A_497 = %scan3A to %scan3A_9 step %scan3A_10  : i32 {
      %mul3A_498 = arith.constant 1 : i32
      %mul3A_499 = arith.muli %scan3A_497, %mul3A_498 : i32
      %add3A_500 = arith.constant 0 : i32
      %add3A_501 = arith.addi %add3A_500, %mul3A_499 : i32
      %add3A_502 = arith.constant 0 : i32
      %add3A_503 = vector.broadcast %add3A_502 : i32 to vector<16xi32>
      %add3A_504 = arith.addi %add3A_503, %iota3A : vector<16xi32>
      %mul3A_505 = arith.constant 50 : i32
      %mul3A_506 = vector.broadcast %mul3A_505 : i32 to vector<16xi32>
      %mul3A_507 = arith.muli %add3A_504, %mul3A_506 : vector<16xi32>
      %add3A_508 = vector.broadcast %add3A_501 : i32 to vector<16xi32>
      %add3A_509 = arith.addi %mul3A_507, %add3A_508 : vector<16xi32>
      %gather3A = tpu.vector_load_idx %arg5[%add3A_509] : memref<25600xi32, #tpu.memory_space<vmem>>[vector<16xi32>], vector<16xi32>,
      %mul3A_510 = arith.constant 512 : i32
      %mul3A_511 = arith.muli %add3A_501, %mul3A_510 : i32
      %add3A_512 = arith.constant 0 : i32
      %add3A_513 = arith.addi %mul3A_511, %add3A_512 : i32
      %add3A_514 = vector.broadcast %add3A_513 : i32 to vector<16xi32>
      %add3A_515 = arith.addi %add3A_514, %iota3A : vector<16xi32>
      tpu.vector_store_idx %arg6[%add3A_515], %gather3A : memref<25600xi32, #tpu.memory_space<vmem>>[vector<16xi32>], vector<16xi32>,
      %add3A_516 = arith.constant 16 : i32
      %add3A_517 = vector.broadcast %add3A_516 : i32 to vector<16xi32>
      %add3A_518 = arith.addi %add3A_517, %iota3A : vector<16xi32>
      %mul3A_519 = arith.constant 50 : i32
      %mul3A_520 = vector.broadcast %mul3A_519 : i32 to vector<16xi32>
      %mul3A_521 = arith.muli %add3A_518, %mul3A_520 : vector<16xi32>
      %add3A_522 = vector.broadcast %add3A_501 : i32 to vector<16xi32>
      %add3A_523 = arith.addi %mul3A_521, %add3A_522 : vector<16xi32>
      %gather3A_524 = tpu.vector_load_idx %arg5[%add3A_523] : memref<25600xi32, #tpu.memory_space<vmem>>[vector<16xi32>], vector<16xi32>,
      %mul3A_525 = arith.constant 512 : i32
      %mul3A_526 = arith.muli %add3A_501, %mul3A_525 : i32
      %add3A_527 = arith.constant 16 : i32
      %add3A_528 = arith.addi %mul3A_526, %add3A_527 : i32
      %add3A_529 = vector.broadcast %add3A_528 : i32 to vector<16xi32>
      %add3A_530 = arith.addi %add3A_529, %iota3A : vector<16xi32>
      tpu.vector_store_idx %arg6[%add3A_530], %gather3A_524 : memref<25600xi32, #tpu.memory_space<vmem>>[vector<16xi32>], vector<16xi32>,
      %add3A_531 = arith.constant 32 : i32
      %add3A_532 = vector.broadcast %add3A_531 : i32 to vector<16xi32>
      %add3A_533 = arith.addi %add3A_532, %iota3A : vector<16xi32>
      %mul3A_534 = arith.constant 50 : i32
      %mul3A_535 = vector.broadcast %mul3A_534 : i32 to vector<16xi32>
      %mul3A_536 = arith.muli %add3A_533, %mul3A_535 : vector<16xi32>
      %add3A_537 = vector.broadcast %add3A_501 : i32 to vector<16xi32>
      %add3A_538 = arith.addi %mul3A_536, %add3A_537 : vector<16xi32>
      %gather3A_539 = tpu.vector_load_idx %arg5[%add3A_538] : memref<25600xi32, #tpu.memory_space<vmem>>[vector<16xi32>], vector<16xi32>,
      %mul3A_540 = arith.constant 512 : i32
      %mul3A_541 = arith.muli %add3A_501, %mul3A_540 : i32
      %add3A_542 = arith.constant 32 : i32
      %add3A_543 = arith.addi %mul3A_541, %add3A_542 : i32
      %add3A_544 = vector.broadcast %add3A_543 : i32 to vector<16xi32>
      %add3A_545 = arith.addi %add3A_544, %iota3A : vector<16xi32>
      tpu.vector_store_idx %arg6[%add3A_545], %gather3A_539 : memref<25600xi32, #tpu.memory_space<vmem>>[vector<16xi32>], vector<16xi32>,
      %add3A_546 = arith.constant 48 : i32
      %add3A_547 = vector.broadcast %add3A_546 : i32 to vector<16xi32>
      %add3A_548 = arith.addi %add3A_547, %iota3A : vector<16xi32>
      %mul3A_549 = arith.constant 50 : i32
      %mul3A_550 = vector.broadcast %mul3A_549 : i32 to vector<16xi32>
      %mul3A_551 = arith.muli %add3A_548, %mul3A_550 : vector<16xi32>
      %add3A_552 = vector.broadcast %add3A_501 : i32 to vector<16xi32>
      %add3A_553 = arith.addi %mul3A_551, %add3A_552 : vector<16xi32>
      %gather3A_554 = tpu.vector_load_idx %arg5[%add3A_553] : memref<25600xi32, #tpu.memory_space<vmem>>[vector<16xi32>], vector<16xi32>,
      %mul3A_555 = arith.constant 512 : i32
      %mul3A_556 = arith.muli %add3A_501, %mul3A_555 : i32
      %add3A_557 = arith.constant 48 : i32
      %add3A_558 = arith.addi %mul3A_556, %add3A_557 : i32
      %add3A_559 = vector.broadcast %add3A_558 : i32 to vector<16xi32>
      %add3A_560 = arith.addi %add3A_559, %iota3A : vector<16xi32>
      tpu.vector_store_idx %arg6[%add3A_560], %gather3A_554 : memref<25600xi32, #tpu.memory_space<vmem>>[vector<16xi32>], vector<16xi32>,
      %add3A_561 = arith.constant 64 : i32
      %add3A_562 = vector.broadcast %add3A_561 : i32 to vector<16xi32>
      %add3A_563 = arith.addi %add3A_562, %iota3A : vector<16xi32>
      %mul3A_564 = arith.constant 50 : i32
      %mul3A_565 = vector.broadcast %mul3A_564 : i32 to vector<16xi32>
      %mul3A_566 = arith.muli %add3A_563, %mul3A_565 : vector<16xi32>
      %add3A_567 = vector.broadcast %add3A_501 : i32 to vector<16xi32>
      %add3A_568 = arith.addi %mul3A_566, %add3A_567 : vector<16xi32>
      %gather3A_569 = tpu.vector_load_idx %arg5[%add3A_568] : memref<25600xi32, #tpu.memory_space<vmem>>[vector<16xi32>], vector<16xi32>,
      %mul3A_570 = arith.constant 512 : i32
      %mul3A_571 = arith.muli %add3A_501, %mul3A_570 : i32
      %add3A_572 = arith.constant 64 : i32
      %add3A_573 = arith.addi %mul3A_571, %add3A_572 : i32
      %add3A_574 = vector.broadcast %add3A_573 : i32 to vector<16xi32>
      %add3A_575 = arith.addi %add3A_574, %iota3A : vector<16xi32>
      tpu.vector_store_idx %arg6[%add3A_575], %gather3A_569 : memref<25600xi32, #tpu.memory_space<vmem>>[vector<16xi32>], vector<16xi32>,
      %add3A_576 = arith.constant 80 : i32
      %add3A_577 = vector.broadcast %add3A_576 : i32 to vector<16xi32>
      %add3A_578 = arith.addi %add3A_577, %iota3A : vector<16xi32>
      %mul3A_579 = arith.constant 50 : i32
      %mul3A_580 = vector.broadcast %mul3A_579 : i32 to vector<16xi32>
      %mul3A_581 = arith.muli %add3A_578, %mul3A_580 : vector<16xi32>
      %add3A_582 = vector.broadcast %add3A_501 : i32 to vector<16xi32>
      %add3A_583 = arith.addi %mul3A_581, %add3A_582 : vector<16xi32>
      %gather3A_584 = tpu.vector_load_idx %arg5[%add3A_583] : memref<25600xi32, #tpu.memory_space<vmem>>[vector<16xi32>], vector<16xi32>,
      %mul3A_585 = arith.constant 512 : i32
      %mul3A_586 = arith.muli %add3A_501, %mul3A_585 : i32
      %add3A_587 = arith.constant 80 : i32
      %add3A_588 = arith.addi %mul3A_586, %add3A_587 : i32
      %add3A_589 = vector.broadcast %add3A_588 : i32 to vector<16xi32>
      %add3A_590 = arith.addi %add3A_589, %iota3A : vector<16xi32>
      tpu.vector_store_idx %arg6[%add3A_590], %gather3A_584 : memref<25600xi32, #tpu.memory_space<vmem>>[vector<16xi32>], vector<16xi32>,
      %add3A_591 = arith.constant 96 : i32
      %add3A_592 = vector.broadcast %add3A_591 : i32 to vector<16xi32>
      %add3A_593 = arith.addi %add3A_592, %iota3A : vector<16xi32>
      %mul3A_594 = arith.constant 50 : i32
      %mul3A_595 = vector.broadcast %mul3A_594 : i32 to vector<16xi32>
      %mul3A_596 = arith.muli %add3A_593, %mul3A_595 : vector<16xi32>
      %add3A_597 = vector.broadcast %add3A_501 : i32 to vector<16xi32>
      %add3A_598 = arith.addi %mul3A_596, %add3A_597 : vector<16xi32>
      %gather3A_599 = tpu.vector_load_idx %arg5[%add3A_598] : memref<25600xi32, #tpu.memory_space<vmem>>[vector<16xi32>], vector<16xi32>,
      %mul3A_600 = arith.constant 512 : i32
      %mul3A_601 = arith.muli %add3A_501, %mul3A_600 : i32
      %add3A_602 = arith.constant 96 : i32
      %add3A_603 = arith.addi %mul3A_601, %add3A_602 : i32
      %add3A_604 = vector.broadcast %add3A_603 : i32 to vector<16xi32>
      %add3A_605 = arith.addi %add3A_604, %iota3A : vector<16xi32>
      tpu.vector_store_idx %arg6[%add3A_605], %gather3A_599 : memref<25600xi32, #tpu.memory_space<vmem>>[vector<16xi32>], vector<16xi32>,
      %add3A_606 = arith.constant 112 : i32
      %add3A_607 = vector.broadcast %add3A_606 : i32 to vector<16xi32>
      %add3A_608 = arith.addi %add3A_607, %iota3A : vector<16xi32>
      %mul3A_609 = arith.constant 50 : i32
      %mul3A_610 = vector.broadcast %mul3A_609 : i32 to vector<16xi32>
      %mul3A_611 = arith.muli %add3A_608, %mul3A_610 : vector<16xi32>
      %add3A_612 = vector.broadcast %add3A_501 : i32 to vector<16xi32>
      %add3A_613 = arith.addi %mul3A_611, %add3A_612 : vector<16xi32>
      %gather3A_614 = tpu.vector_load_idx %arg5[%add3A_613] : memref<25600xi32, #tpu.memory_space<vmem>>[vector<16xi32>], vector<16xi32>,
      %mul3A_615 = arith.constant 512 : i32
      %mul3A_616 = arith.muli %add3A_501, %mul3A_615 : i32
      %add3A_617 = arith.constant 112 : i32
      %add3A_618 = arith.addi %mul3A_616, %add3A_617 : i32
      %add3A_619 = vector.broadcast %add3A_618 : i32 to vector<16xi32>
      %add3A_620 = arith.addi %add3A_619, %iota3A : vector<16xi32>
      tpu.vector_store_idx %arg6[%add3A_620], %gather3A_614 : memref<25600xi32, #tpu.memory_space<vmem>>[vector<16xi32>], vector<16xi32>,
      %add3A_621 = arith.constant 128 : i32
      %add3A_622 = vector.broadcast %add3A_621 : i32 to vector<16xi32>
      %add3A_623 = arith.addi %add3A_622, %iota3A : vector<16xi32>
      %mul3A_624 = arith.constant 50 : i32
      %mul3A_625 = vector.broadcast %mul3A_624 : i32 to vector<16xi32>
      %mul3A_626 = arith.muli %add3A_623, %mul3A_625 : vector<16xi32>
      %add3A_627 = vector.broadcast %add3A_501 : i32 to vector<16xi32>
      %add3A_628 = arith.addi %mul3A_626, %add3A_627 : vector<16xi32>
      %gather3A_629 = tpu.vector_load_idx %arg5[%add3A_628] : memref<25600xi32, #tpu.memory_space<vmem>>[vector<16xi32>], vector<16xi32>,
      %mul3A_630 = arith.constant 512 : i32
      %mul3A_631 = arith.muli %add3A_501, %mul3A_630 : i32
      %add3A_632 = arith.constant 128 : i32
      %add3A_633 = arith.addi %mul3A_631, %add3A_632 : i32
      %add3A_634 = vector.broadcast %add3A_633 : i32 to vector<16xi32>
      %add3A_635 = arith.addi %add3A_634, %iota3A : vector<16xi32>
      tpu.vector_store_idx %arg6[%add3A_635], %gather3A_629 : memref<25600xi32, #tpu.memory_space<vmem>>[vector<16xi32>], vector<16xi32>,
      %add3A_636 = arith.constant 144 : i32
      %add3A_637 = vector.broadcast %add3A_636 : i32 to vector<16xi32>
      %add3A_638 = arith.addi %add3A_637, %iota3A : vector<16xi32>
      %mul3A_639 = arith.constant 50 : i32
      %mul3A_640 = vector.broadcast %mul3A_639 : i32 to vector<16xi32>
      %mul3A_641 = arith.muli %add3A_638, %mul3A_640 : vector<16xi32>
      %add3A_642 = vector.broadcast %add3A_501 : i32 to vector<16xi32>
      %add3A_643 = arith.addi %mul3A_641, %add3A_642 : vector<16xi32>
      %gather3A_644 = tpu.vector_load_idx %arg5[%add3A_643] : memref<25600xi32, #tpu.memory_space<vmem>>[vector<16xi32>], vector<16xi32>,
      %mul3A_645 = arith.constant 512 : i32
      %mul3A_646 = arith.muli %add3A_501, %mul3A_645 : i32
      %add3A_647 = arith.constant 144 : i32
      %add3A_648 = arith.addi %mul3A_646, %add3A_647 : i32
      %add3A_649 = vector.broadcast %add3A_648 : i32 to vector<16xi32>
      %add3A_650 = arith.addi %add3A_649, %iota3A : vector<16xi32>
      tpu.vector_store_idx %arg6[%add3A_650], %gather3A_644 : memref<25600xi32, #tpu.memory_space<vmem>>[vector<16xi32>], vector<16xi32>,
      %add3A_651 = arith.constant 160 : i32
      %add3A_652 = vector.broadcast %add3A_651 : i32 to vector<16xi32>
      %add3A_653 = arith.addi %add3A_652, %iota3A : vector<16xi32>
      %mul3A_654 = arith.constant 50 : i32
      %mul3A_655 = vector.broadcast %mul3A_654 : i32 to vector<16xi32>
      %mul3A_656 = arith.muli %add3A_653, %mul3A_655 : vector<16xi32>
      %add3A_657 = vector.broadcast %add3A_501 : i32 to vector<16xi32>
      %add3A_658 = arith.addi %mul3A_656, %add3A_657 : vector<16xi32>
      %gather3A_659 = tpu.vector_load_idx %arg5[%add3A_658] : memref<25600xi32, #tpu.memory_space<vmem>>[vector<16xi32>], vector<16xi32>,
      %mul3A_660 = arith.constant 512 : i32
      %mul3A_661 = arith.muli %add3A_501, %mul3A_660 : i32
      %add3A_662 = arith.constant 160 : i32
      %add3A_663 = arith.addi %mul3A_661, %add3A_662 : i32
      %add3A_664 = vector.broadcast %add3A_663 : i32 to vector<16xi32>
      %add3A_665 = arith.addi %add3A_664, %iota3A : vector<16xi32>
      tpu.vector_store_idx %arg6[%add3A_665], %gather3A_659 : memref<25600xi32, #tpu.memory_space<vmem>>[vector<16xi32>], vector<16xi32>,
      %add3A_666 = arith.constant 176 : i32
      %add3A_667 = vector.broadcast %add3A_666 : i32 to vector<16xi32>
      %add3A_668 = arith.addi %add3A_667, %iota3A : vector<16xi32>
      %mul3A_669 = arith.constant 50 : i32
      %mul3A_670 = vector.broadcast %mul3A_669 : i32 to vector<16xi32>
      %mul3A_671 = arith.muli %add3A_668, %mul3A_670 : vector<16xi32>
      %add3A_672 = vector.broadcast %add3A_501 : i32 to vector<16xi32>
      %add3A_673 = arith.addi %mul3A_671, %add3A_672 : vector<16xi32>
      %gather3A_674 = tpu.vector_load_idx %arg5[%add3A_673] : memref<25600xi32, #tpu.memory_space<vmem>>[vector<16xi32>], vector<16xi32>,
      %mul3A_675 = arith.constant 512 : i32
      %mul3A_676 = arith.muli %add3A_501, %mul3A_675 : i32
      %add3A_677 = arith.constant 176 : i32
      %add3A_678 = arith.addi %mul3A_676, %add3A_677 : i32
      %add3A_679 = vector.broadcast %add3A_678 : i32 to vector<16xi32>
      %add3A_680 = arith.addi %add3A_679, %iota3A : vector<16xi32>
      tpu.vector_store_idx %arg6[%add3A_680], %gather3A_674 : memref<25600xi32, #tpu.memory_space<vmem>>[vector<16xi32>], vector<16xi32>,
      %add3A_681 = arith.constant 192 : i32
      %add3A_682 = vector.broadcast %add3A_681 : i32 to vector<16xi32>
      %add3A_683 = arith.addi %add3A_682, %iota3A : vector<16xi32>
      %mul3A_684 = arith.constant 50 : i32
      %mul3A_685 = vector.broadcast %mul3A_684 : i32 to vector<16xi32>
      %mul3A_686 = arith.muli %add3A_683, %mul3A_685 : vector<16xi32>
      %add3A_687 = vector.broadcast %add3A_501 : i32 to vector<16xi32>
      %add3A_688 = arith.addi %mul3A_686, %add3A_687 : vector<16xi32>
      %gather3A_689 = tpu.vector_load_idx %arg5[%add3A_688] : memref<25600xi32, #tpu.memory_space<vmem>>[vector<16xi32>], vector<16xi32>,
      %mul3A_690 = arith.constant 512 : i32
      %mul3A_691 = arith.muli %add3A_501, %mul3A_690 : i32
      %add3A_692 = arith.constant 192 : i32
      %add3A_693 = arith.addi %mul3A_691, %add3A_692 : i32
      %add3A_694 = vector.broadcast %add3A_693 : i32 to vector<16xi32>
      %add3A_695 = arith.addi %add3A_694, %iota3A : vector<16xi32>
      tpu.vector_store_idx %arg6[%add3A_695], %gather3A_689 : memref<25600xi32, #tpu.memory_space<vmem>>[vector<16xi32>], vector<16xi32>,
      %add3A_696 = arith.constant 208 : i32
      %add3A_697 = vector.broadcast %add3A_696 : i32 to vector<16xi32>
      %add3A_698 = arith.addi %add3A_697, %iota3A : vector<16xi32>
      %mul3A_699 = arith.constant 50 : i32
      %mul3A_700 = vector.broadcast %mul3A_699 : i32 to vector<16xi32>
      %mul3A_701 = arith.muli %add3A_698, %mul3A_700 : vector<16xi32>
      %add3A_702 = vector.broadcast %add3A_501 : i32 to vector<16xi32>
      %add3A_703 = arith.addi %mul3A_701, %add3A_702 : vector<16xi32>
      %gather3A_704 = tpu.vector_load_idx %arg5[%add3A_703] : memref<25600xi32, #tpu.memory_space<vmem>>[vector<16xi32>], vector<16xi32>,
      %mul3A_705 = arith.constant 512 : i32
      %mul3A_706 = arith.muli %add3A_501, %mul3A_705 : i32
      %add3A_707 = arith.constant 208 : i32
      %add3A_708 = arith.addi %mul3A_706, %add3A_707 : i32
      %add3A_709 = vector.broadcast %add3A_708 : i32 to vector<16xi32>
      %add3A_710 = arith.addi %add3A_709, %iota3A : vector<16xi32>
      tpu.vector_store_idx %arg6[%add3A_710], %gather3A_704 : memref<25600xi32, #tpu.memory_space<vmem>>[vector<16xi32>], vector<16xi32>,
      %add3A_711 = arith.constant 224 : i32
      %add3A_712 = vector.broadcast %add3A_711 : i32 to vector<16xi32>
      %add3A_713 = arith.addi %add3A_712, %iota3A : vector<16xi32>
      %mul3A_714 = arith.constant 50 : i32
      %mul3A_715 = vector.broadcast %mul3A_714 : i32 to vector<16xi32>
      %mul3A_716 = arith.muli %add3A_713, %mul3A_715 : vector<16xi32>
      %add3A_717 = vector.broadcast %add3A_501 : i32 to vector<16xi32>
      %add3A_718 = arith.addi %mul3A_716, %add3A_717 : vector<16xi32>
      %gather3A_719 = tpu.vector_load_idx %arg5[%add3A_718] : memref<25600xi32, #tpu.memory_space<vmem>>[vector<16xi32>], vector<16xi32>,
      %mul3A_720 = arith.constant 512 : i32
      %mul3A_721 = arith.muli %add3A_501, %mul3A_720 : i32
      %add3A_722 = arith.constant 224 : i32
      %add3A_723 = arith.addi %mul3A_721, %add3A_722 : i32
      %add3A_724 = vector.broadcast %add3A_723 : i32 to vector<16xi32>
      %add3A_725 = arith.addi %add3A_724, %iota3A : vector<16xi32>
      tpu.vector_store_idx %arg6[%add3A_725], %gather3A_719 : memref<25600xi32, #tpu.memory_space<vmem>>[vector<16xi32>], vector<16xi32>,
      %add3A_726 = arith.constant 240 : i32
      %add3A_727 = vector.broadcast %add3A_726 : i32 to vector<16xi32>
      %add3A_728 = arith.addi %add3A_727, %iota3A : vector<16xi32>
      %mul3A_729 = arith.constant 50 : i32
      %mul3A_730 = vector.broadcast %mul3A_729 : i32 to vector<16xi32>
      %mul3A_731 = arith.muli %add3A_728, %mul3A_730 : vector<16xi32>
      %add3A_732 = vector.broadcast %add3A_501 : i32 to vector<16xi32>
      %add3A_733 = arith.addi %mul3A_731, %add3A_732 : vector<16xi32>
      %gather3A_734 = tpu.vector_load_idx %arg5[%add3A_733] : memref<25600xi32, #tpu.memory_space<vmem>>[vector<16xi32>], vector<16xi32>,
      %mul3A_735 = arith.constant 512 : i32
      %mul3A_736 = arith.muli %add3A_501, %mul3A_735 : i32
      %add3A_737 = arith.constant 240 : i32
      %add3A_738 = arith.addi %mul3A_736, %add3A_737 : i32
      %add3A_739 = vector.broadcast %add3A_738 : i32 to vector<16xi32>
      %add3A_740 = arith.addi %add3A_739, %iota3A : vector<16xi32>
      tpu.vector_store_idx %arg6[%add3A_740], %gather3A_734 : memref<25600xi32, #tpu.memory_space<vmem>>[vector<16xi32>], vector<16xi32>,
      %add3A_741 = arith.constant 256 : i32
      %add3A_742 = vector.broadcast %add3A_741 : i32 to vector<16xi32>
      %add3A_743 = arith.addi %add3A_742, %iota3A : vector<16xi32>
      %mul3A_744 = arith.constant 50 : i32
      %mul3A_745 = vector.broadcast %mul3A_744 : i32 to vector<16xi32>
      %mul3A_746 = arith.muli %add3A_743, %mul3A_745 : vector<16xi32>
      %add3A_747 = vector.broadcast %add3A_501 : i32 to vector<16xi32>
      %add3A_748 = arith.addi %mul3A_746, %add3A_747 : vector<16xi32>
      %gather3A_749 = tpu.vector_load_idx %arg5[%add3A_748] : memref<25600xi32, #tpu.memory_space<vmem>>[vector<16xi32>], vector<16xi32>,
      %mul3A_750 = arith.constant 512 : i32
      %mul3A_751 = arith.muli %add3A_501, %mul3A_750 : i32
      %add3A_752 = arith.constant 256 : i32
      %add3A_753 = arith.addi %mul3A_751, %add3A_752 : i32
      %add3A_754 = vector.broadcast %add3A_753 : i32 to vector<16xi32>
      %add3A_755 = arith.addi %add3A_754, %iota3A : vector<16xi32>
      tpu.vector_store_idx %arg6[%add3A_755], %gather3A_749 : memref<25600xi32, #tpu.memory_space<vmem>>[vector<16xi32>], vector<16xi32>,
      %add3A_756 = arith.constant 272 : i32
      %add3A_757 = vector.broadcast %add3A_756 : i32 to vector<16xi32>
      %add3A_758 = arith.addi %add3A_757, %iota3A : vector<16xi32>
      %mul3A_759 = arith.constant 50 : i32
      %mul3A_760 = vector.broadcast %mul3A_759 : i32 to vector<16xi32>
      %mul3A_761 = arith.muli %add3A_758, %mul3A_760 : vector<16xi32>
      %add3A_762 = vector.broadcast %add3A_501 : i32 to vector<16xi32>
      %add3A_763 = arith.addi %mul3A_761, %add3A_762 : vector<16xi32>
      %gather3A_764 = tpu.vector_load_idx %arg5[%add3A_763] : memref<25600xi32, #tpu.memory_space<vmem>>[vector<16xi32>], vector<16xi32>,
      %mul3A_765 = arith.constant 512 : i32
      %mul3A_766 = arith.muli %add3A_501, %mul3A_765 : i32
      %add3A_767 = arith.constant 272 : i32
      %add3A_768 = arith.addi %mul3A_766, %add3A_767 : i32
      %add3A_769 = vector.broadcast %add3A_768 : i32 to vector<16xi32>
      %add3A_770 = arith.addi %add3A_769, %iota3A : vector<16xi32>
      tpu.vector_store_idx %arg6[%add3A_770], %gather3A_764 : memref<25600xi32, #tpu.memory_space<vmem>>[vector<16xi32>], vector<16xi32>,
      %add3A_771 = arith.constant 288 : i32
      %add3A_772 = vector.broadcast %add3A_771 : i32 to vector<16xi32>
      %add3A_773 = arith.addi %add3A_772, %iota3A : vector<16xi32>
      %mul3A_774 = arith.constant 50 : i32
      %mul3A_775 = vector.broadcast %mul3A_774 : i32 to vector<16xi32>
      %mul3A_776 = arith.muli %add3A_773, %mul3A_775 : vector<16xi32>
      %add3A_777 = vector.broadcast %add3A_501 : i32 to vector<16xi32>
      %add3A_778 = arith.addi %mul3A_776, %add3A_777 : vector<16xi32>
      %gather3A_779 = tpu.vector_load_idx %arg5[%add3A_778] : memref<25600xi32, #tpu.memory_space<vmem>>[vector<16xi32>], vector<16xi32>,
      %mul3A_780 = arith.constant 512 : i32
      %mul3A_781 = arith.muli %add3A_501, %mul3A_780 : i32
      %add3A_782 = arith.constant 288 : i32
      %add3A_783 = arith.addi %mul3A_781, %add3A_782 : i32
      %add3A_784 = vector.broadcast %add3A_783 : i32 to vector<16xi32>
      %add3A_785 = arith.addi %add3A_784, %iota3A : vector<16xi32>
      tpu.vector_store_idx %arg6[%add3A_785], %gather3A_779 : memref<25600xi32, #tpu.memory_space<vmem>>[vector<16xi32>], vector<16xi32>,
      %add3A_786 = arith.constant 304 : i32
      %add3A_787 = vector.broadcast %add3A_786 : i32 to vector<16xi32>
      %add3A_788 = arith.addi %add3A_787, %iota3A : vector<16xi32>
      %mul3A_789 = arith.constant 50 : i32
      %mul3A_790 = vector.broadcast %mul3A_789 : i32 to vector<16xi32>
      %mul3A_791 = arith.muli %add3A_788, %mul3A_790 : vector<16xi32>
      %add3A_792 = vector.broadcast %add3A_501 : i32 to vector<16xi32>
      %add3A_793 = arith.addi %mul3A_791, %add3A_792 : vector<16xi32>
      %gather3A_794 = tpu.vector_load_idx %arg5[%add3A_793] : memref<25600xi32, #tpu.memory_space<vmem>>[vector<16xi32>], vector<16xi32>,
      %mul3A_795 = arith.constant 512 : i32
      %mul3A_796 = arith.muli %add3A_501, %mul3A_795 : i32
      %add3A_797 = arith.constant 304 : i32
      %add3A_798 = arith.addi %mul3A_796, %add3A_797 : i32
      %add3A_799 = vector.broadcast %add3A_798 : i32 to vector<16xi32>
      %add3A_800 = arith.addi %add3A_799, %iota3A : vector<16xi32>
      tpu.vector_store_idx %arg6[%add3A_800], %gather3A_794 : memref<25600xi32, #tpu.memory_space<vmem>>[vector<16xi32>], vector<16xi32>,
      %add3A_801 = arith.constant 320 : i32
      %add3A_802 = vector.broadcast %add3A_801 : i32 to vector<16xi32>
      %add3A_803 = arith.addi %add3A_802, %iota3A : vector<16xi32>
      %mul3A_804 = arith.constant 50 : i32
      %mul3A_805 = vector.broadcast %mul3A_804 : i32 to vector<16xi32>
      %mul3A_806 = arith.muli %add3A_803, %mul3A_805 : vector<16xi32>
      %add3A_807 = vector.broadcast %add3A_501 : i32 to vector<16xi32>
      %add3A_808 = arith.addi %mul3A_806, %add3A_807 : vector<16xi32>
      %gather3A_809 = tpu.vector_load_idx %arg5[%add3A_808] : memref<25600xi32, #tpu.memory_space<vmem>>[vector<16xi32>], vector<16xi32>,
      %mul3A_810 = arith.constant 512 : i32
      %mul3A_811 = arith.muli %add3A_501, %mul3A_810 : i32
      %add3A_812 = arith.constant 320 : i32
      %add3A_813 = arith.addi %mul3A_811, %add3A_812 : i32
      %add3A_814 = vector.broadcast %add3A_813 : i32 to vector<16xi32>
      %add3A_815 = arith.addi %add3A_814, %iota3A : vector<16xi32>
      tpu.vector_store_idx %arg6[%add3A_815], %gather3A_809 : memref<25600xi32, #tpu.memory_space<vmem>>[vector<16xi32>], vector<16xi32>,
      %add3A_816 = arith.constant 336 : i32
      %add3A_817 = vector.broadcast %add3A_816 : i32 to vector<16xi32>
      %add3A_818 = arith.addi %add3A_817, %iota3A : vector<16xi32>
      %mul3A_819 = arith.constant 50 : i32
      %mul3A_820 = vector.broadcast %mul3A_819 : i32 to vector<16xi32>
      %mul3A_821 = arith.muli %add3A_818, %mul3A_820 : vector<16xi32>
      %add3A_822 = vector.broadcast %add3A_501 : i32 to vector<16xi32>
      %add3A_823 = arith.addi %mul3A_821, %add3A_822 : vector<16xi32>
      %gather3A_824 = tpu.vector_load_idx %arg5[%add3A_823] : memref<25600xi32, #tpu.memory_space<vmem>>[vector<16xi32>], vector<16xi32>,
      %mul3A_825 = arith.constant 512 : i32
      %mul3A_826 = arith.muli %add3A_501, %mul3A_825 : i32
      %add3A_827 = arith.constant 336 : i32
      %add3A_828 = arith.addi %mul3A_826, %add3A_827 : i32
      %add3A_829 = vector.broadcast %add3A_828 : i32 to vector<16xi32>
      %add3A_830 = arith.addi %add3A_829, %iota3A : vector<16xi32>
      tpu.vector_store_idx %arg6[%add3A_830], %gather3A_824 : memref<25600xi32, #tpu.memory_space<vmem>>[vector<16xi32>], vector<16xi32>,
      %add3A_831 = arith.constant 352 : i32
      %add3A_832 = vector.broadcast %add3A_831 : i32 to vector<16xi32>
      %add3A_833 = arith.addi %add3A_832, %iota3A : vector<16xi32>
      %mul3A_834 = arith.constant 50 : i32
      %mul3A_835 = vector.broadcast %mul3A_834 : i32 to vector<16xi32>
      %mul3A_836 = arith.muli %add3A_833, %mul3A_835 : vector<16xi32>
      %add3A_837 = vector.broadcast %add3A_501 : i32 to vector<16xi32>
      %add3A_838 = arith.addi %mul3A_836, %add3A_837 : vector<16xi32>
      %gather3A_839 = tpu.vector_load_idx %arg5[%add3A_838] : memref<25600xi32, #tpu.memory_space<vmem>>[vector<16xi32>], vector<16xi32>,
      %mul3A_840 = arith.constant 512 : i32
      %mul3A_841 = arith.muli %add3A_501, %mul3A_840 : i32
      %add3A_842 = arith.constant 352 : i32
      %add3A_843 = arith.addi %mul3A_841, %add3A_842 : i32
      %add3A_844 = vector.broadcast %add3A_843 : i32 to vector<16xi32>
      %add3A_845 = arith.addi %add3A_844, %iota3A : vector<16xi32>
      tpu.vector_store_idx %arg6[%add3A_845], %gather3A_839 : memref<25600xi32, #tpu.memory_space<vmem>>[vector<16xi32>], vector<16xi32>,
      %add3A_846 = arith.constant 368 : i32
      %add3A_847 = vector.broadcast %add3A_846 : i32 to vector<16xi32>
      %add3A_848 = arith.addi %add3A_847, %iota3A : vector<16xi32>
      %mul3A_849 = arith.constant 50 : i32
      %mul3A_850 = vector.broadcast %mul3A_849 : i32 to vector<16xi32>
      %mul3A_851 = arith.muli %add3A_848, %mul3A_850 : vector<16xi32>
      %add3A_852 = vector.broadcast %add3A_501 : i32 to vector<16xi32>
      %add3A_853 = arith.addi %mul3A_851, %add3A_852 : vector<16xi32>
      %gather3A_854 = tpu.vector_load_idx %arg5[%add3A_853] : memref<25600xi32, #tpu.memory_space<vmem>>[vector<16xi32>], vector<16xi32>,
      %mul3A_855 = arith.constant 512 : i32
      %mul3A_856 = arith.muli %add3A_501, %mul3A_855 : i32
      %add3A_857 = arith.constant 368 : i32
      %add3A_858 = arith.addi %mul3A_856, %add3A_857 : i32
      %add3A_859 = vector.broadcast %add3A_858 : i32 to vector<16xi32>
      %add3A_860 = arith.addi %add3A_859, %iota3A : vector<16xi32>
      tpu.vector_store_idx %arg6[%add3A_860], %gather3A_854 : memref<25600xi32, #tpu.memory_space<vmem>>[vector<16xi32>], vector<16xi32>,
      %add3A_861 = arith.constant 384 : i32
      %add3A_862 = vector.broadcast %add3A_861 : i32 to vector<16xi32>
      %add3A_863 = arith.addi %add3A_862, %iota3A : vector<16xi32>
      %mul3A_864 = arith.constant 50 : i32
      %mul3A_865 = vector.broadcast %mul3A_864 : i32 to vector<16xi32>
      %mul3A_866 = arith.muli %add3A_863, %mul3A_865 : vector<16xi32>
      %add3A_867 = vector.broadcast %add3A_501 : i32 to vector<16xi32>
      %add3A_868 = arith.addi %mul3A_866, %add3A_867 : vector<16xi32>
      %gather3A_869 = tpu.vector_load_idx %arg5[%add3A_868] : memref<25600xi32, #tpu.memory_space<vmem>>[vector<16xi32>], vector<16xi32>,
      %mul3A_870 = arith.constant 512 : i32
      %mul3A_871 = arith.muli %add3A_501, %mul3A_870 : i32
      %add3A_872 = arith.constant 384 : i32
      %add3A_873 = arith.addi %mul3A_871, %add3A_872 : i32
      %add3A_874 = vector.broadcast %add3A_873 : i32 to vector<16xi32>
      %add3A_875 = arith.addi %add3A_874, %iota3A : vector<16xi32>
      tpu.vector_store_idx %arg6[%add3A_875], %gather3A_869 : memref<25600xi32, #tpu.memory_space<vmem>>[vector<16xi32>], vector<16xi32>,
      %add3A_876 = arith.constant 400 : i32
      %add3A_877 = vector.broadcast %add3A_876 : i32 to vector<16xi32>
      %add3A_878 = arith.addi %add3A_877, %iota3A : vector<16xi32>
      %mul3A_879 = arith.constant 50 : i32
      %mul3A_880 = vector.broadcast %mul3A_879 : i32 to vector<16xi32>
      %mul3A_881 = arith.muli %add3A_878, %mul3A_880 : vector<16xi32>
      %add3A_882 = vector.broadcast %add3A_501 : i32 to vector<16xi32>
      %add3A_883 = arith.addi %mul3A_881, %add3A_882 : vector<16xi32>
      %gather3A_884 = tpu.vector_load_idx %arg5[%add3A_883] : memref<25600xi32, #tpu.memory_space<vmem>>[vector<16xi32>], vector<16xi32>,
      %mul3A_885 = arith.constant 512 : i32
      %mul3A_886 = arith.muli %add3A_501, %mul3A_885 : i32
      %add3A_887 = arith.constant 400 : i32
      %add3A_888 = arith.addi %mul3A_886, %add3A_887 : i32
      %add3A_889 = vector.broadcast %add3A_888 : i32 to vector<16xi32>
      %add3A_890 = arith.addi %add3A_889, %iota3A : vector<16xi32>
      tpu.vector_store_idx %arg6[%add3A_890], %gather3A_884 : memref<25600xi32, #tpu.memory_space<vmem>>[vector<16xi32>], vector<16xi32>,
      %add3A_891 = arith.constant 416 : i32
      %add3A_892 = vector.broadcast %add3A_891 : i32 to vector<16xi32>
      %add3A_893 = arith.addi %add3A_892, %iota3A : vector<16xi32>
      %mul3A_894 = arith.constant 50 : i32
      %mul3A_895 = vector.broadcast %mul3A_894 : i32 to vector<16xi32>
      %mul3A_896 = arith.muli %add3A_893, %mul3A_895 : vector<16xi32>
      %add3A_897 = vector.broadcast %add3A_501 : i32 to vector<16xi32>
      %add3A_898 = arith.addi %mul3A_896, %add3A_897 : vector<16xi32>
      %gather3A_899 = tpu.vector_load_idx %arg5[%add3A_898] : memref<25600xi32, #tpu.memory_space<vmem>>[vector<16xi32>], vector<16xi32>,
      %mul3A_900 = arith.constant 512 : i32
      %mul3A_901 = arith.muli %add3A_501, %mul3A_900 : i32
      %add3A_902 = arith.constant 416 : i32
      %add3A_903 = arith.addi %mul3A_901, %add3A_902 : i32
      %add3A_904 = vector.broadcast %add3A_903 : i32 to vector<16xi32>
      %add3A_905 = arith.addi %add3A_904, %iota3A : vector<16xi32>
      tpu.vector_store_idx %arg6[%add3A_905], %gather3A_899 : memref<25600xi32, #tpu.memory_space<vmem>>[vector<16xi32>], vector<16xi32>,
      %add3A_906 = arith.constant 432 : i32
      %add3A_907 = vector.broadcast %add3A_906 : i32 to vector<16xi32>
      %add3A_908 = arith.addi %add3A_907, %iota3A : vector<16xi32>
      %mul3A_909 = arith.constant 50 : i32
      %mul3A_910 = vector.broadcast %mul3A_909 : i32 to vector<16xi32>
      %mul3A_911 = arith.muli %add3A_908, %mul3A_910 : vector<16xi32>
      %add3A_912 = vector.broadcast %add3A_501 : i32 to vector<16xi32>
      %add3A_913 = arith.addi %mul3A_911, %add3A_912 : vector<16xi32>
      %gather3A_914 = tpu.vector_load_idx %arg5[%add3A_913] : memref<25600xi32, #tpu.memory_space<vmem>>[vector<16xi32>], vector<16xi32>,
      %mul3A_915 = arith.constant 512 : i32
      %mul3A_916 = arith.muli %add3A_501, %mul3A_915 : i32
      %add3A_917 = arith.constant 432 : i32
      %add3A_918 = arith.addi %mul3A_916, %add3A_917 : i32
      %add3A_919 = vector.broadcast %add3A_918 : i32 to vector<16xi32>
      %add3A_920 = arith.addi %add3A_919, %iota3A : vector<16xi32>
      tpu.vector_store_idx %arg6[%add3A_920], %gather3A_914 : memref<25600xi32, #tpu.memory_space<vmem>>[vector<16xi32>], vector<16xi32>,
      %add3A_921 = arith.constant 448 : i32
      %add3A_922 = vector.broadcast %add3A_921 : i32 to vector<16xi32>
      %add3A_923 = arith.addi %add3A_922, %iota3A : vector<16xi32>
      %mul3A_924 = arith.constant 50 : i32
      %mul3A_925 = vector.broadcast %mul3A_924 : i32 to vector<16xi32>
      %mul3A_926 = arith.muli %add3A_923, %mul3A_925 : vector<16xi32>
      %add3A_927 = vector.broadcast %add3A_501 : i32 to vector<16xi32>
      %add3A_928 = arith.addi %mul3A_926, %add3A_927 : vector<16xi32>
      %gather3A_929 = tpu.vector_load_idx %arg5[%add3A_928] : memref<25600xi32, #tpu.memory_space<vmem>>[vector<16xi32>], vector<16xi32>,
      %mul3A_930 = arith.constant 512 : i32
      %mul3A_931 = arith.muli %add3A_501, %mul3A_930 : i32
      %add3A_932 = arith.constant 448 : i32
      %add3A_933 = arith.addi %mul3A_931, %add3A_932 : i32
      %add3A_934 = vector.broadcast %add3A_933 : i32 to vector<16xi32>
      %add3A_935 = arith.addi %add3A_934, %iota3A : vector<16xi32>
      tpu.vector_store_idx %arg6[%add3A_935], %gather3A_929 : memref<25600xi32, #tpu.memory_space<vmem>>[vector<16xi32>], vector<16xi32>,
      %add3A_936 = arith.constant 464 : i32
      %add3A_937 = vector.broadcast %add3A_936 : i32 to vector<16xi32>
      %add3A_938 = arith.addi %add3A_937, %iota3A : vector<16xi32>
      %mul3A_939 = arith.constant 50 : i32
      %mul3A_940 = vector.broadcast %mul3A_939 : i32 to vector<16xi32>
      %mul3A_941 = arith.muli %add3A_938, %mul3A_940 : vector<16xi32>
      %add3A_942 = vector.broadcast %add3A_501 : i32 to vector<16xi32>
      %add3A_943 = arith.addi %mul3A_941, %add3A_942 : vector<16xi32>
      %gather3A_944 = tpu.vector_load_idx %arg5[%add3A_943] : memref<25600xi32, #tpu.memory_space<vmem>>[vector<16xi32>], vector<16xi32>,
      %mul3A_945 = arith.constant 512 : i32
      %mul3A_946 = arith.muli %add3A_501, %mul3A_945 : i32
      %add3A_947 = arith.constant 464 : i32
      %add3A_948 = arith.addi %mul3A_946, %add3A_947 : i32
      %add3A_949 = vector.broadcast %add3A_948 : i32 to vector<16xi32>
      %add3A_950 = arith.addi %add3A_949, %iota3A : vector<16xi32>
      tpu.vector_store_idx %arg6[%add3A_950], %gather3A_944 : memref<25600xi32, #tpu.memory_space<vmem>>[vector<16xi32>], vector<16xi32>,
      %add3A_951 = arith.constant 480 : i32
      %add3A_952 = vector.broadcast %add3A_951 : i32 to vector<16xi32>
      %add3A_953 = arith.addi %add3A_952, %iota3A : vector<16xi32>
      %mul3A_954 = arith.constant 50 : i32
      %mul3A_955 = vector.broadcast %mul3A_954 : i32 to vector<16xi32>
      %mul3A_956 = arith.muli %add3A_953, %mul3A_955 : vector<16xi32>
      %add3A_957 = vector.broadcast %add3A_501 : i32 to vector<16xi32>
      %add3A_958 = arith.addi %mul3A_956, %add3A_957 : vector<16xi32>
      %gather3A_959 = tpu.vector_load_idx %arg5[%add3A_958] : memref<25600xi32, #tpu.memory_space<vmem>>[vector<16xi32>], vector<16xi32>,
      %mul3A_960 = arith.constant 512 : i32
      %mul3A_961 = arith.muli %add3A_501, %mul3A_960 : i32
      %add3A_962 = arith.constant 480 : i32
      %add3A_963 = arith.addi %mul3A_961, %add3A_962 : i32
      %add3A_964 = vector.broadcast %add3A_963 : i32 to vector<16xi32>
      %add3A_965 = arith.addi %add3A_964, %iota3A : vector<16xi32>
      tpu.vector_store_idx %arg6[%add3A_965], %gather3A_959 : memref<25600xi32, #tpu.memory_space<vmem>>[vector<16xi32>], vector<16xi32>,
      %add3A_966 = arith.constant 496 : i32
      %add3A_967 = vector.broadcast %add3A_966 : i32 to vector<16xi32>
      %add3A_968 = arith.addi %add3A_967, %iota3A : vector<16xi32>
      %mul3A_969 = arith.constant 50 : i32
      %mul3A_970 = vector.broadcast %mul3A_969 : i32 to vector<16xi32>
      %mul3A_971 = arith.muli %add3A_968, %mul3A_970 : vector<16xi32>
      %add3A_972 = vector.broadcast %add3A_501 : i32 to vector<16xi32>
      %add3A_973 = arith.addi %mul3A_971, %add3A_972 : vector<16xi32>
      %gather3A_974 = tpu.vector_load_idx %arg5[%add3A_973] : memref<25600xi32, #tpu.memory_space<vmem>>[vector<16xi32>], vector<16xi32>,
      %mul3A_975 = arith.constant 512 : i32
      %mul3A_976 = arith.muli %add3A_501, %mul3A_975 : i32
      %add3A_977 = arith.constant 496 : i32
      %add3A_978 = arith.addi %mul3A_976, %add3A_977 : i32
      %add3A_979 = vector.broadcast %add3A_978 : i32 to vector<16xi32>
      %add3A_980 = arith.addi %add3A_979, %iota3A : vector<16xi32>
      tpu.vector_store_idx %arg6[%add3A_980], %gather3A_974 : memref<25600xi32, #tpu.memory_space<vmem>>[vector<16xi32>], vector<16xi32>,
    }
    %scan3A_11 = arith.constant 50 : i32
    %dma_start3A = arith.constant 0 : i32
    %dma_start3A_12 = arith.constant 0 : i32
    %dma_start3A_13 = arith.constant 0 : i32
    %dma_start3A_14 = arith.constant 0 : i32
    %dma_start3A_15 = tpu.memref_slice %arg7[%dma_start3A, %dma_start3A_13, %dma_start3A_14] : memref<2x512x32xf32, #tpu.memory_space<vmem>> -> memref<1x512x32xf32, #tpu.memory_space<vmem>>
    %dma_start3A_16 = tpu.memref_squeeze %dma_start3A_15 : memref<1x512x32xf32, #tpu.memory_space<vmem>> -> memref<512x32xf32, #tpu.memory_space<vmem>>
    %dma_start3A_17 = arith.constant 0 : i32
    %dma_start3A_18 = tpu.memref_slice %arg6[%dma_start3A_17] : memref<25600xi32, #tpu.memory_space<vmem>> -> memref<512xi32, #tpu.memory_space<vmem>>
    %dma_start3A_19 = arith.constant 0 : i32
    %dma_start3A_20 = arith.constant 0 : i32
    %dma_start3A_21 = tpu.memref_slice %arg3[%dma_start3A_19, %dma_start3A_20] : memref<1000000x32xf32, #tpu.memory_space<hbm>> -> memref<1000000x32xf32, #tpu.memory_space<hbm>>
    %dma_start3A_22 = tpu.memref_slice %arg9[%dma_start3A_12] : memref<2x!tpu.dma_semaphore, #tpu.memory_space<semaphore_mem>> -> memref<1x!tpu.dma_semaphore, #tpu.memory_space<semaphore_mem>>
    %dma_start3A_23 = tpu.memref_squeeze %dma_start3A_22 : memref<1x!tpu.dma_semaphore, #tpu.memory_space<semaphore_mem>> -> memref<!tpu.dma_semaphore, #tpu.memory_space<semaphore_mem>>
    tpu.enqueue_indirect_dma source(%dma_start3A_21 : memref<1000000x32xf32, #tpu.memory_space<hbm>>) target(%dma_start3A_16 : memref<512x32xf32, #tpu.memory_space<vmem>>) offsets(%dma_start3A_18 : memref<512xi32, #tpu.memory_space<vmem>>) semaphore(%dma_start3A_23 : memref<!tpu.dma_semaphore, #tpu.memory_space<semaphore_mem>>)
    %dma_start3A_24 = arith.constant 1 : i32
    %dma_start3A_25 = arith.constant 1 : i32
    %dma_start3A_26 = arith.constant 0 : i32
    %dma_start3A_27 = arith.constant 0 : i32
    %dma_start3A_28 = tpu.memref_slice %arg7[%dma_start3A_24, %dma_start3A_26, %dma_start3A_27] : memref<2x512x32xf32, #tpu.memory_space<vmem>> -> memref<1x512x32xf32, #tpu.memory_space<vmem>>
    %dma_start3A_29 = tpu.memref_squeeze %dma_start3A_28 : memref<1x512x32xf32, #tpu.memory_space<vmem>> -> memref<512x32xf32, #tpu.memory_space<vmem>>
    %dma_start3A_30 = arith.constant 512 : i32
    %dma_start3A_31 = tpu.memref_slice %arg6[%dma_start3A_30] : memref<25600xi32, #tpu.memory_space<vmem>> -> memref<512xi32, #tpu.memory_space<vmem>>
    %dma_start3A_32 = arith.constant 0 : i32
    %dma_start3A_33 = arith.constant 0 : i32
    %dma_start3A_34 = tpu.memref_slice %arg3[%dma_start3A_32, %dma_start3A_33] : memref<1000000x32xf32, #tpu.memory_space<hbm>> -> memref<1000000x32xf32, #tpu.memory_space<hbm>>
    %dma_start3A_35 = tpu.memref_slice %arg9[%dma_start3A_25] : memref<2x!tpu.dma_semaphore, #tpu.memory_space<semaphore_mem>> -> memref<1x!tpu.dma_semaphore, #tpu.memory_space<semaphore_mem>>
    %dma_start3A_36 = tpu.memref_squeeze %dma_start3A_35 : memref<1x!tpu.dma_semaphore, #tpu.memory_space<semaphore_mem>> -> memref<!tpu.dma_semaphore, #tpu.memory_space<semaphore_mem>>
    tpu.enqueue_indirect_dma source(%dma_start3A_34 : memref<1000000x32xf32, #tpu.memory_space<hbm>>) target(%dma_start3A_29 : memref<512x32xf32, #tpu.memory_space<vmem>>) offsets(%dma_start3A_31 : memref<512xi32, #tpu.memory_space<vmem>>) semaphore(%dma_start3A_36 : memref<!tpu.dma_semaphore, #tpu.memory_space<semaphore_mem>>)
    %scan3A_37 = arith.constant 0 : i32
    %scan3A_38 = arith.constant 25 : i32
    %scan3A_39 = arith.addi %scan3A_37, %scan3A_38 : i32
    %scan3A_40 = arith.constant 1 : i32
    scf.for %scan3A_497 = %scan3A_37 to %scan3A_39 step %scan3A_40  : i32 {
      %mul3A_498 = arith.constant 2 : i32
      %mul3A_499 = arith.muli %scan3A_497, %mul3A_498 : i32
      %add3A_500 = arith.constant 0 : i32
      %add3A_501 = arith.addi %add3A_500, %mul3A_499 : i32
      %add3A_502 = arith.constant 0 : i32
      %add3A_503 = arith.addi %add3A_501, %add3A_502 : i32
      %mul3A_504 = arith.constant 512 : i32
      %mul3A_505 = arith.muli %add3A_503, %mul3A_504 : i32
      %dma_wait3A_506 = arith.constant 0 : i32
      %dma_wait3A_507 = arith.constant 0 : i32
      %dma_wait3A_508 = arith.constant 0 : i32
      %dma_wait3A_509 = arith.constant 0 : i32
      %dma_wait3A_510 = tpu.memref_slice %arg7[%dma_wait3A_506, %dma_wait3A_508, %dma_wait3A_509] : memref<2x512x32xf32, #tpu.memory_space<vmem>> -> memref<1x512x32xf32, #tpu.memory_space<vmem>>
      %dma_wait3A_511 = tpu.memref_squeeze %dma_wait3A_510 : memref<1x512x32xf32, #tpu.memory_space<vmem>> -> memref<512x32xf32, #tpu.memory_space<vmem>>
      %dma_wait3A_512 = tpu.memref_slice %arg6[%mul3A_505] : memref<25600xi32, #tpu.memory_space<vmem>> -> memref<512xi32, #tpu.memory_space<vmem>>
      %dma_wait3A_513 = arith.constant 0 : i32
      %dma_wait3A_514 = arith.constant 0 : i32
      %dma_wait3A_515 = tpu.memref_slice %arg3[%dma_wait3A_513, %dma_wait3A_514] : memref<1000000x32xf32, #tpu.memory_space<hbm>> -> memref<1000000x32xf32, #tpu.memory_space<hbm>>
      %dma_wait3A_516 = tpu.memref_slice %arg9[%dma_wait3A_507] : memref<2x!tpu.dma_semaphore, #tpu.memory_space<semaphore_mem>> -> memref<1x!tpu.dma_semaphore, #tpu.memory_space<semaphore_mem>>
      %dma_wait3A_517 = tpu.memref_squeeze %dma_wait3A_516 : memref<1x!tpu.dma_semaphore, #tpu.memory_space<semaphore_mem>> -> memref<!tpu.dma_semaphore, #tpu.memory_space<semaphore_mem>>
      tpu.wait_indirect_dma semaphore(%dma_wait3A_517 : memref<!tpu.dma_semaphore, #tpu.memory_space<semaphore_mem>>) src(%dma_wait3A_515 : memref<1000000x32xf32, #tpu.memory_space<hbm>>) dst(%dma_wait3A_511 : memref<512x32xf32, #tpu.memory_space<vmem>>)
      %ge3A = arith.constant 2 : i32
      %ge3A_518 = arith.cmpi sge, %add3A_503, %ge3A : i32
      %convert_element_type3A = arith.extui %ge3A_518 : i1 to i32
      %cond3A = arith.constant 0 : i32
      %cond3A_519 = arith.cmpi ne, %convert_element_type3A, %cond3A : i32
      scf.if %cond3A_519 {
        %dma_wait3A_1012 = arith.constant 0 : i32
        %dma_wait3A_1013 = arith.constant 0 : i32
        %dma_wait3A_1014 = arith.constant 0 : i32
        %dma_wait3A_1015 = arith.constant 0 : i32
        %dma_wait3A_1016 = arith.constant 0 : i32
        %dma_wait3A_1017 = arith.constant 0 : i32
        %dma_wait3A_1018 = arith.constant 0 : i32
        %dma_wait3A_1019 = arith.constant 0 : i32
        %dma_wait3A_1020 = tpu.memref_slice %arg8[%dma_wait3A_1012, %dma_wait3A_1016, %dma_wait3A_1017, %dma_wait3A_1018, %dma_wait3A_1019] : memref<2x4x4x8x128xf32, #tpu.memory_space<vmem>> -> memref<1x4x4x8x128xf32, #tpu.memory_space<vmem>>
        %dma_wait3A_1021 = tpu.memref_squeeze %dma_wait3A_1020 : memref<1x4x4x8x128xf32, #tpu.memory_space<vmem>> -> memref<4x4x8x128xf32, #tpu.memory_space<vmem>>
        %dma_wait3A_1022 = arith.constant 0 : i32
        %dma_wait3A_1023 = arith.constant 0 : i32
        %dma_wait3A_1024 = arith.constant 0 : i32
        %dma_wait3A_1025 = tpu.memref_slice %dma_wait3A_1021[%dma_wait3A_1013, %dma_wait3A_1022, %dma_wait3A_1023, %dma_wait3A_1024] : memref<4x4x8x128xf32, #tpu.memory_space<vmem>> -> memref<1x4x8x128xf32, #tpu.memory_space<vmem>>
        %dma_wait3A_1026 = tpu.memref_squeeze %dma_wait3A_1025 : memref<1x4x8x128xf32, #tpu.memory_space<vmem>> -> memref<4x8x128xf32, #tpu.memory_space<vmem>>
        %dma_wait3A_1027 = arith.constant 0 : i32
        %dma_wait3A_1028 = arith.constant 0 : i32
        %dma_wait3A_1029 = arith.constant 0 : i32
        %dma_wait3A_1030 = arith.constant 0 : i32
        %dma_wait3A_1031 = tpu.memref_slice %arg4[%add3A_503, %dma_wait3A_1027, %dma_wait3A_1028, %dma_wait3A_1029, %dma_wait3A_1030] : memref<50x4x128x8x128xf32, #tpu.memory_space<hbm>> -> memref<1x4x128x8x128xf32, #tpu.memory_space<hbm>>
        %dma_wait3A_1032 = tpu.memref_squeeze %dma_wait3A_1031 : memref<1x4x128x8x128xf32, #tpu.memory_space<hbm>> -> memref<4x128x8x128xf32, #tpu.memory_space<hbm>>
        %dma_wait3A_1033 = arith.constant 0 : i32
        %dma_wait3A_1034 = arith.constant 0 : i32
        %dma_wait3A_1035 = arith.constant 0 : i32
        %dma_wait3A_1036 = tpu.memref_slice %dma_wait3A_1032[%dma_wait3A_1014, %dma_wait3A_1033, %dma_wait3A_1034, %dma_wait3A_1035] : memref<4x128x8x128xf32, #tpu.memory_space<hbm>> -> memref<1x128x8x128xf32, #tpu.memory_space<hbm>>
        %dma_wait3A_1037 = tpu.memref_squeeze %dma_wait3A_1036 : memref<1x128x8x128xf32, #tpu.memory_space<hbm>> -> memref<128x8x128xf32, #tpu.memory_space<hbm>>
        %dma_wait3A_1038 = arith.constant 0 : i32
        %dma_wait3A_1039 = arith.constant 0 : i32
        %dma_wait3A_1040 = tpu.memref_slice %dma_wait3A_1037[%mul3A_4, %dma_wait3A_1038, %dma_wait3A_1039] : memref<128x8x128xf32, #tpu.memory_space<hbm>> -> memref<4x8x128xf32, #tpu.memory_space<hbm>>
        %dma_wait3A_1041 = tpu.memref_slice %arg10[%dma_wait3A_1015] : memref<2x!tpu.dma_semaphore, #tpu.memory_space<semaphore_mem>> -> memref<1x!tpu.dma_semaphore, #tpu.memory_space<semaphore_mem>>
        %dma_wait3A_1042 = tpu.memref_squeeze %dma_wait3A_1041 : memref<1x!tpu.dma_semaphore, #tpu.memory_space<semaphore_mem>> -> memref<!tpu.dma_semaphore, #tpu.memory_space<semaphore_mem>>
        %dma_wait3A_1043 = arith.constant 0 : i32
        %dma_wait3A_1044 = arith.constant 0 : i32
        %dma_wait3A_1045 = arith.constant 0 : i32
        %dma_wait3A_1046 = arith.constant 0 : i32
        %dma_wait3A_1047 = tpu.memref_slice %arg4[%add3A_503, %dma_wait3A_1043, %dma_wait3A_1044, %dma_wait3A_1045, %dma_wait3A_1046] : memref<50x4x128x8x128xf32, #tpu.memory_space<hbm>> -> memref<1x4x128x8x128xf32, #tpu.memory_space<hbm>>
        %dma_wait3A_1048 = tpu.memref_squeeze %dma_wait3A_1047 : memref<1x4x128x8x128xf32, #tpu.memory_space<hbm>> -> memref<4x128x8x128xf32, #tpu.memory_space<hbm>>
        %dma_wait3A_1049 = arith.constant 0 : i32
        %dma_wait3A_1050 = arith.constant 0 : i32
        %dma_wait3A_1051 = arith.constant 0 : i32
        %dma_wait3A_1052 = tpu.memref_slice %dma_wait3A_1048[%dma_wait3A_1014, %dma_wait3A_1049, %dma_wait3A_1050, %dma_wait3A_1051] : memref<4x128x8x128xf32, #tpu.memory_space<hbm>> -> memref<1x128x8x128xf32, #tpu.memory_space<hbm>>
        %dma_wait3A_1053 = tpu.memref_squeeze %dma_wait3A_1052 : memref<1x128x8x128xf32, #tpu.memory_space<hbm>> -> memref<128x8x128xf32, #tpu.memory_space<hbm>>
        %dma_wait3A_1054 = arith.constant 0 : i32
        %dma_wait3A_1055 = arith.constant 0 : i32
        %dma_wait3A_1056 = tpu.memref_slice %dma_wait3A_1053[%mul3A_4, %dma_wait3A_1054, %dma_wait3A_1055] : memref<128x8x128xf32, #tpu.memory_space<hbm>> -> memref<4x8x128xf32, #tpu.memory_space<hbm>>
        %dma_wait3A_1057 = arith.constant 0 : i32
        %dma_wait3A_1058 = arith.constant 0 : i32
        %dma_wait3A_1059 = arith.constant 0 : i32
        %dma_wait3A_1060 = arith.constant 0 : i32
        %dma_wait3A_1061 = tpu.memref_slice %arg8[%dma_wait3A_1012, %dma_wait3A_1057, %dma_wait3A_1058, %dma_wait3A_1059, %dma_wait3A_1060] : memref<2x4x4x8x128xf32, #tpu.memory_space<vmem>> -> memref<1x4x4x8x128xf32, #tpu.memory_space<vmem>>
        %dma_wait3A_1062 = tpu.memref_squeeze %dma_wait3A_1061 : memref<1x4x4x8x128xf32, #tpu.memory_space<vmem>> -> memref<4x4x8x128xf32, #tpu.memory_space<vmem>>
        %dma_wait3A_1063 = arith.constant 0 : i32
        %dma_wait3A_1064 = arith.constant 0 : i32
        %dma_wait3A_1065 = arith.constant 0 : i32
        %dma_wait3A_1066 = tpu.memref_slice %dma_wait3A_1062[%dma_wait3A_1013, %dma_wait3A_1063, %dma_wait3A_1064, %dma_wait3A_1065] : memref<4x4x8x128xf32, #tpu.memory_space<vmem>> -> memref<1x4x8x128xf32, #tpu.memory_space<vmem>>
        %dma_wait3A_1067 = tpu.memref_squeeze %dma_wait3A_1066 : memref<1x4x8x128xf32, #tpu.memory_space<vmem>> -> memref<4x8x128xf32, #tpu.memory_space<vmem>>
        tpu.wait_dma2 semaphore(%dma_wait3A_1042 : memref<!tpu.dma_semaphore, #tpu.memory_space<semaphore_mem>>) src(%dma_wait3A_1067 : memref<4x8x128xf32, #tpu.memory_space<vmem>>) dst(%dma_wait3A_1056 : memref<4x8x128xf32, #tpu.memory_space<hbm>>)
        %dma_wait3A_1068 = arith.constant 0 : i32
        %dma_wait3A_1069 = arith.constant 1 : i32
        %dma_wait3A_1070 = arith.constant 1 : i32
        %dma_wait3A_1071 = arith.constant 0 : i32
        %dma_wait3A_1072 = arith.constant 0 : i32
        %dma_wait3A_1073 = arith.constant 0 : i32
        %dma_wait3A_1074 = arith.constant 0 : i32
        %dma_wait3A_1075 = arith.constant 0 : i32
        %dma_wait3A_1076 = tpu.memref_slice %arg8[%dma_wait3A_1068, %dma_wait3A_1072, %dma_wait3A_1073, %dma_wait3A_1074, %dma_wait3A_1075] : memref<2x4x4x8x128xf32, #tpu.memory_space<vmem>> -> memref<1x4x4x8x128xf32, #tpu.memory_space<vmem>>
        %dma_wait3A_1077 = tpu.memref_squeeze %dma_wait3A_1076 : memref<1x4x4x8x128xf32, #tpu.memory_space<vmem>> -> memref<4x4x8x128xf32, #tpu.memory_space<vmem>>
        %dma_wait3A_1078 = arith.constant 0 : i32
        %dma_wait3A_1079 = arith.constant 0 : i32
        %dma_wait3A_1080 = arith.constant 0 : i32
        %dma_wait3A_1081 = tpu.memref_slice %dma_wait3A_1077[%dma_wait3A_1069, %dma_wait3A_1078, %dma_wait3A_1079, %dma_wait3A_1080] : memref<4x4x8x128xf32, #tpu.memory_space<vmem>> -> memref<1x4x8x128xf32, #tpu.memory_space<vmem>>
        %dma_wait3A_1082 = tpu.memref_squeeze %dma_wait3A_1081 : memref<1x4x8x128xf32, #tpu.memory_space<vmem>> -> memref<4x8x128xf32, #tpu.memory_space<vmem>>
        %dma_wait3A_1083 = arith.constant 0 : i32
        %dma_wait3A_1084 = arith.constant 0 : i32
        %dma_wait3A_1085 = arith.constant 0 : i32
        %dma_wait3A_1086 = arith.constant 0 : i32
        %dma_wait3A_1087 = tpu.memref_slice %arg4[%add3A_503, %dma_wait3A_1083, %dma_wait3A_1084, %dma_wait3A_1085, %dma_wait3A_1086] : memref<50x4x128x8x128xf32, #tpu.memory_space<hbm>> -> memref<1x4x128x8x128xf32, #tpu.memory_space<hbm>>
        %dma_wait3A_1088 = tpu.memref_squeeze %dma_wait3A_1087 : memref<1x4x128x8x128xf32, #tpu.memory_space<hbm>> -> memref<4x128x8x128xf32, #tpu.memory_space<hbm>>
        %dma_wait3A_1089 = arith.constant 0 : i32
        %dma_wait3A_1090 = arith.constant 0 : i32
        %dma_wait3A_1091 = arith.constant 0 : i32
        %dma_wait3A_1092 = tpu.memref_slice %dma_wait3A_1088[%dma_wait3A_1070, %dma_wait3A_1089, %dma_wait3A_1090, %dma_wait3A_1091] : memref<4x128x8x128xf32, #tpu.memory_space<hbm>> -> memref<1x128x8x128xf32, #tpu.memory_space<hbm>>
        %dma_wait3A_1093 = tpu.memref_squeeze %dma_wait3A_1092 : memref<1x128x8x128xf32, #tpu.memory_space<hbm>> -> memref<128x8x128xf32, #tpu.memory_space<hbm>>
        %dma_wait3A_1094 = arith.constant 0 : i32
        %dma_wait3A_1095 = arith.constant 0 : i32
        %dma_wait3A_1096 = tpu.memref_slice %dma_wait3A_1093[%mul3A_4, %dma_wait3A_1094, %dma_wait3A_1095] : memref<128x8x128xf32, #tpu.memory_space<hbm>> -> memref<4x8x128xf32, #tpu.memory_space<hbm>>
        %dma_wait3A_1097 = tpu.memref_slice %arg10[%dma_wait3A_1071] : memref<2x!tpu.dma_semaphore, #tpu.memory_space<semaphore_mem>> -> memref<1x!tpu.dma_semaphore, #tpu.memory_space<semaphore_mem>>
        %dma_wait3A_1098 = tpu.memref_squeeze %dma_wait3A_1097 : memref<1x!tpu.dma_semaphore, #tpu.memory_space<semaphore_mem>> -> memref<!tpu.dma_semaphore, #tpu.memory_space<semaphore_mem>>
        %dma_wait3A_1099 = arith.constant 0 : i32
        %dma_wait3A_1100 = arith.constant 0 : i32
        %dma_wait3A_1101 = arith.constant 0 : i32
        %dma_wait3A_1102 = arith.constant 0 : i32
        %dma_wait3A_1103 = tpu.memref_slice %arg4[%add3A_503, %dma_wait3A_1099, %dma_wait3A_1100, %dma_wait3A_1101, %dma_wait3A_1102] : memref<50x4x128x8x128xf32, #tpu.memory_space<hbm>> -> memref<1x4x128x8x128xf32, #tpu.memory_space<hbm>>
        %dma_wait3A_1104 = tpu.memref_squeeze %dma_wait3A_1103 : memref<1x4x128x8x128xf32, #tpu.memory_space<hbm>> -> memref<4x128x8x128xf32, #tpu.memory_space<hbm>>
        %dma_wait3A_1105 = arith.constant 0 : i32
        %dma_wait3A_1106 = arith.constant 0 : i32
        %dma_wait3A_1107 = arith.constant 0 : i32
        %dma_wait3A_1108 = tpu.memref_slice %dma_wait3A_1104[%dma_wait3A_1070, %dma_wait3A_1105, %dma_wait3A_1106, %dma_wait3A_1107] : memref<4x128x8x128xf32, #tpu.memory_space<hbm>> -> memref<1x128x8x128xf32, #tpu.memory_space<hbm>>
        %dma_wait3A_1109 = tpu.memref_squeeze %dma_wait3A_1108 : memref<1x128x8x128xf32, #tpu.memory_space<hbm>> -> memref<128x8x128xf32, #tpu.memory_space<hbm>>
        %dma_wait3A_1110 = arith.constant 0 : i32
        %dma_wait3A_1111 = arith.constant 0 : i32
        %dma_wait3A_1112 = tpu.memref_slice %dma_wait3A_1109[%mul3A_4, %dma_wait3A_1110, %dma_wait3A_1111] : memref<128x8x128xf32, #tpu.memory_space<hbm>> -> memref<4x8x128xf32, #tpu.memory_space<hbm>>
        %dma_wait3A_1113 = arith.constant 0 : i32
        %dma_wait3A_1114 = arith.constant 0 : i32
        %dma_wait3A_1115 = arith.constant 0 : i32
        %dma_wait3A_1116 = arith.constant 0 : i32
        %dma_wait3A_1117 = tpu.memref_slice %arg8[%dma_wait3A_1068, %dma_wait3A_1113, %dma_wait3A_1114, %dma_wait3A_1115, %dma_wait3A_1116] : memref<2x4x4x8x128xf32, #tpu.memory_space<vmem>> -> memref<1x4x4x8x128xf32, #tpu.memory_space<vmem>>
        %dma_wait3A_1118 = tpu.memref_squeeze %dma_wait3A_1117 : memref<1x4x4x8x128xf32, #tpu.memory_space<vmem>> -> memref<4x4x8x128xf32, #tpu.memory_space<vmem>>
        %dma_wait3A_1119 = arith.constant 0 : i32
        %dma_wait3A_1120 = arith.constant 0 : i32
        %dma_wait3A_1121 = arith.constant 0 : i32
        %dma_wait3A_1122 = tpu.memref_slice %dma_wait3A_1118[%dma_wait3A_1069, %dma_wait3A_1119, %dma_wait3A_1120, %dma_wait3A_1121] : memref<4x4x8x128xf32, #tpu.memory_space<vmem>> -> memref<1x4x8x128xf32, #tpu.memory_space<vmem>>
        %dma_wait3A_1123 = tpu.memref_squeeze %dma_wait3A_1122 : memref<1x4x8x128xf32, #tpu.memory_space<vmem>> -> memref<4x8x128xf32, #tpu.memory_space<vmem>>
        tpu.wait_dma2 semaphore(%dma_wait3A_1098 : memref<!tpu.dma_semaphore, #tpu.memory_space<semaphore_mem>>) src(%dma_wait3A_1123 : memref<4x8x128xf32, #tpu.memory_space<vmem>>) dst(%dma_wait3A_1112 : memref<4x8x128xf32, #tpu.memory_space<hbm>>)
        %dma_wait3A_1124 = arith.constant 0 : i32
        %dma_wait3A_1125 = arith.constant 2 : i32
        %dma_wait3A_1126 = arith.constant 2 : i32
        %dma_wait3A_1127 = arith.constant 0 : i32
        %dma_wait3A_1128 = arith.constant 0 : i32
        %dma_wait3A_1129 = arith.constant 0 : i32
        %dma_wait3A_1130 = arith.constant 0 : i32
        %dma_wait3A_1131 = arith.constant 0 : i32
        %dma_wait3A_1132 = tpu.memref_slice %arg8[%dma_wait3A_1124, %dma_wait3A_1128, %dma_wait3A_1129, %dma_wait3A_1130, %dma_wait3A_1131] : memref<2x4x4x8x128xf32, #tpu.memory_space<vmem>> -> memref<1x4x4x8x128xf32, #tpu.memory_space<vmem>>
        %dma_wait3A_1133 = tpu.memref_squeeze %dma_wait3A_1132 : memref<1x4x4x8x128xf32, #tpu.memory_space<vmem>> -> memref<4x4x8x128xf32, #tpu.memory_space<vmem>>
        %dma_wait3A_1134 = arith.constant 0 : i32
        %dma_wait3A_1135 = arith.constant 0 : i32
        %dma_wait3A_1136 = arith.constant 0 : i32
        %dma_wait3A_1137 = tpu.memref_slice %dma_wait3A_1133[%dma_wait3A_1125, %dma_wait3A_1134, %dma_wait3A_1135, %dma_wait3A_1136] : memref<4x4x8x128xf32, #tpu.memory_space<vmem>> -> memref<1x4x8x128xf32, #tpu.memory_space<vmem>>
        %dma_wait3A_1138 = tpu.memref_squeeze %dma_wait3A_1137 : memref<1x4x8x128xf32, #tpu.memory_space<vmem>> -> memref<4x8x128xf32, #tpu.memory_space<vmem>>
        %dma_wait3A_1139 = arith.constant 0 : i32
        %dma_wait3A_1140 = arith.constant 0 : i32
        %dma_wait3A_1141 = arith.constant 0 : i32
        %dma_wait3A_1142 = arith.constant 0 : i32
        %dma_wait3A_1143 = tpu.memref_slice %arg4[%add3A_503, %dma_wait3A_1139, %dma_wait3A_1140, %dma_wait3A_1141, %dma_wait3A_1142] : memref<50x4x128x8x128xf32, #tpu.memory_space<hbm>> -> memref<1x4x128x8x128xf32, #tpu.memory_space<hbm>>
        %dma_wait3A_1144 = tpu.memref_squeeze %dma_wait3A_1143 : memref<1x4x128x8x128xf32, #tpu.memory_space<hbm>> -> memref<4x128x8x128xf32, #tpu.memory_space<hbm>>
        %dma_wait3A_1145 = arith.constant 0 : i32
        %dma_wait3A_1146 = arith.constant 0 : i32
        %dma_wait3A_1147 = arith.constant 0 : i32
        %dma_wait3A_1148 = tpu.memref_slice %dma_wait3A_1144[%dma_wait3A_1126, %dma_wait3A_1145, %dma_wait3A_1146, %dma_wait3A_1147] : memref<4x128x8x128xf32, #tpu.memory_space<hbm>> -> memref<1x128x8x128xf32, #tpu.memory_space<hbm>>
        %dma_wait3A_1149 = tpu.memref_squeeze %dma_wait3A_1148 : memref<1x128x8x128xf32, #tpu.memory_space<hbm>> -> memref<128x8x128xf32, #tpu.memory_space<hbm>>
        %dma_wait3A_1150 = arith.constant 0 : i32
        %dma_wait3A_1151 = arith.constant 0 : i32
        %dma_wait3A_1152 = tpu.memref_slice %dma_wait3A_1149[%mul3A_4, %dma_wait3A_1150, %dma_wait3A_1151] : memref<128x8x128xf32, #tpu.memory_space<hbm>> -> memref<4x8x128xf32, #tpu.memory_space<hbm>>
        %dma_wait3A_1153 = tpu.memref_slice %arg10[%dma_wait3A_1127] : memref<2x!tpu.dma_semaphore, #tpu.memory_space<semaphore_mem>> -> memref<1x!tpu.dma_semaphore, #tpu.memory_space<semaphore_mem>>
        %dma_wait3A_1154 = tpu.memref_squeeze %dma_wait3A_1153 : memref<1x!tpu.dma_semaphore, #tpu.memory_space<semaphore_mem>> -> memref<!tpu.dma_semaphore, #tpu.memory_space<semaphore_mem>>
        %dma_wait3A_1155 = arith.constant 0 : i32
        %dma_wait3A_1156 = arith.constant 0 : i32
        %dma_wait3A_1157 = arith.constant 0 : i32
        %dma_wait3A_1158 = arith.constant 0 : i32
        %dma_wait3A_1159 = tpu.memref_slice %arg4[%add3A_503, %dma_wait3A_1155, %dma_wait3A_1156, %dma_wait3A_1157, %dma_wait3A_1158] : memref<50x4x128x8x128xf32, #tpu.memory_space<hbm>> -> memref<1x4x128x8x128xf32, #tpu.memory_space<hbm>>
        %dma_wait3A_1160 = tpu.memref_squeeze %dma_wait3A_1159 : memref<1x4x128x8x128xf32, #tpu.memory_space<hbm>> -> memref<4x128x8x128xf32, #tpu.memory_space<hbm>>
        %dma_wait3A_1161 = arith.constant 0 : i32
        %dma_wait3A_1162 = arith.constant 0 : i32
        %dma_wait3A_1163 = arith.constant 0 : i32
        %dma_wait3A_1164 = tpu.memref_slice %dma_wait3A_1160[%dma_wait3A_1126, %dma_wait3A_1161, %dma_wait3A_1162, %dma_wait3A_1163] : memref<4x128x8x128xf32, #tpu.memory_space<hbm>> -> memref<1x128x8x128xf32, #tpu.memory_space<hbm>>
        %dma_wait3A_1165 = tpu.memref_squeeze %dma_wait3A_1164 : memref<1x128x8x128xf32, #tpu.memory_space<hbm>> -> memref<128x8x128xf32, #tpu.memory_space<hbm>>
        %dma_wait3A_1166 = arith.constant 0 : i32
        %dma_wait3A_1167 = arith.constant 0 : i32
        %dma_wait3A_1168 = tpu.memref_slice %dma_wait3A_1165[%mul3A_4, %dma_wait3A_1166, %dma_wait3A_1167] : memref<128x8x128xf32, #tpu.memory_space<hbm>> -> memref<4x8x128xf32, #tpu.memory_space<hbm>>
        %dma_wait3A_1169 = arith.constant 0 : i32
        %dma_wait3A_1170 = arith.constant 0 : i32
        %dma_wait3A_1171 = arith.constant 0 : i32
        %dma_wait3A_1172 = arith.constant 0 : i32
        %dma_wait3A_1173 = tpu.memref_slice %arg8[%dma_wait3A_1124, %dma_wait3A_1169, %dma_wait3A_1170, %dma_wait3A_1171, %dma_wait3A_1172] : memref<2x4x4x8x128xf32, #tpu.memory_space<vmem>> -> memref<1x4x4x8x128xf32, #tpu.memory_space<vmem>>
        %dma_wait3A_1174 = tpu.memref_squeeze %dma_wait3A_1173 : memref<1x4x4x8x128xf32, #tpu.memory_space<vmem>> -> memref<4x4x8x128xf32, #tpu.memory_space<vmem>>
        %dma_wait3A_1175 = arith.constant 0 : i32
        %dma_wait3A_1176 = arith.constant 0 : i32
        %dma_wait3A_1177 = arith.constant 0 : i32
        %dma_wait3A_1178 = tpu.memref_slice %dma_wait3A_1174[%dma_wait3A_1125, %dma_wait3A_1175, %dma_wait3A_1176, %dma_wait3A_1177] : memref<4x4x8x128xf32, #tpu.memory_space<vmem>> -> memref<1x4x8x128xf32, #tpu.memory_space<vmem>>
        %dma_wait3A_1179 = tpu.memref_squeeze %dma_wait3A_1178 : memref<1x4x8x128xf32, #tpu.memory_space<vmem>> -> memref<4x8x128xf32, #tpu.memory_space<vmem>>
        tpu.wait_dma2 semaphore(%dma_wait3A_1154 : memref<!tpu.dma_semaphore, #tpu.memory_space<semaphore_mem>>) src(%dma_wait3A_1179 : memref<4x8x128xf32, #tpu.memory_space<vmem>>) dst(%dma_wait3A_1168 : memref<4x8x128xf32, #tpu.memory_space<hbm>>)
        %dma_wait3A_1180 = arith.constant 0 : i32
        %dma_wait3A_1181 = arith.constant 3 : i32
        %dma_wait3A_1182 = arith.constant 3 : i32
        %dma_wait3A_1183 = arith.constant 0 : i32
        %dma_wait3A_1184 = arith.constant 0 : i32
        %dma_wait3A_1185 = arith.constant 0 : i32
        %dma_wait3A_1186 = arith.constant 0 : i32
        %dma_wait3A_1187 = arith.constant 0 : i32
        %dma_wait3A_1188 = tpu.memref_slice %arg8[%dma_wait3A_1180, %dma_wait3A_1184, %dma_wait3A_1185, %dma_wait3A_1186, %dma_wait3A_1187] : memref<2x4x4x8x128xf32, #tpu.memory_space<vmem>> -> memref<1x4x4x8x128xf32, #tpu.memory_space<vmem>>
        %dma_wait3A_1189 = tpu.memref_squeeze %dma_wait3A_1188 : memref<1x4x4x8x128xf32, #tpu.memory_space<vmem>> -> memref<4x4x8x128xf32, #tpu.memory_space<vmem>>
        %dma_wait3A_1190 = arith.constant 0 : i32
        %dma_wait3A_1191 = arith.constant 0 : i32
        %dma_wait3A_1192 = arith.constant 0 : i32
        %dma_wait3A_1193 = tpu.memref_slice %dma_wait3A_1189[%dma_wait3A_1181, %dma_wait3A_1190, %dma_wait3A_1191, %dma_wait3A_1192] : memref<4x4x8x128xf32, #tpu.memory_space<vmem>> -> memref<1x4x8x128xf32, #tpu.memory_space<vmem>>
        %dma_wait3A_1194 = tpu.memref_squeeze %dma_wait3A_1193 : memref<1x4x8x128xf32, #tpu.memory_space<vmem>> -> memref<4x8x128xf32, #tpu.memory_space<vmem>>
        %dma_wait3A_1195 = arith.constant 0 : i32
        %dma_wait3A_1196 = arith.constant 0 : i32
        %dma_wait3A_1197 = arith.constant 0 : i32
        %dma_wait3A_1198 = arith.constant 0 : i32
        %dma_wait3A_1199 = tpu.memref_slice %arg4[%add3A_503, %dma_wait3A_1195, %dma_wait3A_1196, %dma_wait3A_1197, %dma_wait3A_1198] : memref<50x4x128x8x128xf32, #tpu.memory_space<hbm>> -> memref<1x4x128x8x128xf32, #tpu.memory_space<hbm>>
        %dma_wait3A_1200 = tpu.memref_squeeze %dma_wait3A_1199 : memref<1x4x128x8x128xf32, #tpu.memory_space<hbm>> -> memref<4x128x8x128xf32, #tpu.memory_space<hbm>>
        %dma_wait3A_1201 = arith.constant 0 : i32
        %dma_wait3A_1202 = arith.constant 0 : i32
        %dma_wait3A_1203 = arith.constant 0 : i32
        %dma_wait3A_1204 = tpu.memref_slice %dma_wait3A_1200[%dma_wait3A_1182, %dma_wait3A_1201, %dma_wait3A_1202, %dma_wait3A_1203] : memref<4x128x8x128xf32, #tpu.memory_space<hbm>> -> memref<1x128x8x128xf32, #tpu.memory_space<hbm>>
        %dma_wait3A_1205 = tpu.memref_squeeze %dma_wait3A_1204 : memref<1x128x8x128xf32, #tpu.memory_space<hbm>> -> memref<128x8x128xf32, #tpu.memory_space<hbm>>
        %dma_wait3A_1206 = arith.constant 0 : i32
        %dma_wait3A_1207 = arith.constant 0 : i32
        %dma_wait3A_1208 = tpu.memref_slice %dma_wait3A_1205[%mul3A_4, %dma_wait3A_1206, %dma_wait3A_1207] : memref<128x8x128xf32, #tpu.memory_space<hbm>> -> memref<4x8x128xf32, #tpu.memory_space<hbm>>
        %dma_wait3A_1209 = tpu.memref_slice %arg10[%dma_wait3A_1183] : memref<2x!tpu.dma_semaphore, #tpu.memory_space<semaphore_mem>> -> memref<1x!tpu.dma_semaphore, #tpu.memory_space<semaphore_mem>>
        %dma_wait3A_1210 = tpu.memref_squeeze %dma_wait3A_1209 : memref<1x!tpu.dma_semaphore, #tpu.memory_space<semaphore_mem>> -> memref<!tpu.dma_semaphore, #tpu.memory_space<semaphore_mem>>
        %dma_wait3A_1211 = arith.constant 0 : i32
        %dma_wait3A_1212 = arith.constant 0 : i32
        %dma_wait3A_1213 = arith.constant 0 : i32
        %dma_wait3A_1214 = arith.constant 0 : i32
        %dma_wait3A_1215 = tpu.memref_slice %arg4[%add3A_503, %dma_wait3A_1211, %dma_wait3A_1212, %dma_wait3A_1213, %dma_wait3A_1214] : memref<50x4x128x8x128xf32, #tpu.memory_space<hbm>> -> memref<1x4x128x8x128xf32, #tpu.memory_space<hbm>>
        %dma_wait3A_1216 = tpu.memref_squeeze %dma_wait3A_1215 : memref<1x4x128x8x128xf32, #tpu.memory_space<hbm>> -> memref<4x128x8x128xf32, #tpu.memory_space<hbm>>
        %dma_wait3A_1217 = arith.constant 0 : i32
        %dma_wait3A_1218 = arith.constant 0 : i32
        %dma_wait3A_1219 = arith.constant 0 : i32
        %dma_wait3A_1220 = tpu.memref_slice %dma_wait3A_1216[%dma_wait3A_1182, %dma_wait3A_1217, %dma_wait3A_1218, %dma_wait3A_1219] : memref<4x128x8x128xf32, #tpu.memory_space<hbm>> -> memref<1x128x8x128xf32, #tpu.memory_space<hbm>>
        %dma_wait3A_1221 = tpu.memref_squeeze %dma_wait3A_1220 : memref<1x128x8x128xf32, #tpu.memory_space<hbm>> -> memref<128x8x128xf32, #tpu.memory_space<hbm>>
        %dma_wait3A_1222 = arith.constant 0 : i32
        %dma_wait3A_1223 = arith.constant 0 : i32
        %dma_wait3A_1224 = tpu.memref_slice %dma_wait3A_1221[%mul3A_4, %dma_wait3A_1222, %dma_wait3A_1223] : memref<128x8x128xf32, #tpu.memory_space<hbm>> -> memref<4x8x128xf32, #tpu.memory_space<hbm>>
        %dma_wait3A_1225 = arith.constant 0 : i32
        %dma_wait3A_1226 = arith.constant 0 : i32
        %dma_wait3A_1227 = arith.constant 0 : i32
        %dma_wait3A_1228 = arith.constant 0 : i32
        %dma_wait3A_1229 = tpu.memref_slice %arg8[%dma_wait3A_1180, %dma_wait3A_1225, %dma_wait3A_1226, %dma_wait3A_1227, %dma_wait3A_1228] : memref<2x4x4x8x128xf32, #tpu.memory_space<vmem>> -> memref<1x4x4x8x128xf32, #tpu.memory_space<vmem>>
        %dma_wait3A_1230 = tpu.memref_squeeze %dma_wait3A_1229 : memref<1x4x4x8x128xf32, #tpu.memory_space<vmem>> -> memref<4x4x8x128xf32, #tpu.memory_space<vmem>>
        %dma_wait3A_1231 = arith.constant 0 : i32
        %dma_wait3A_1232 = arith.constant 0 : i32
        %dma_wait3A_1233 = arith.constant 0 : i32
        %dma_wait3A_1234 = tpu.memref_slice %dma_wait3A_1230[%dma_wait3A_1181, %dma_wait3A_1231, %dma_wait3A_1232, %dma_wait3A_1233] : memref<4x4x8x128xf32, #tpu.memory_space<vmem>> -> memref<1x4x8x128xf32, #tpu.memory_space<vmem>>
        %dma_wait3A_1235 = tpu.memref_squeeze %dma_wait3A_1234 : memref<1x4x8x128xf32, #tpu.memory_space<vmem>> -> memref<4x8x128xf32, #tpu.memory_space<vmem>>
        tpu.wait_dma2 semaphore(%dma_wait3A_1210 : memref<!tpu.dma_semaphore, #tpu.memory_space<semaphore_mem>>) src(%dma_wait3A_1235 : memref<4x8x128xf32, #tpu.memory_space<vmem>>) dst(%dma_wait3A_1224 : memref<4x8x128xf32, #tpu.memory_space<hbm>>)
      } else {
      }
      %scan3A_520 = arith.constant 0 : i32
      %scan3A_521 = arith.constant 32 : i32
      %scan3A_522 = arith.addi %scan3A_520, %scan3A_521 : i32
      %scan3A_523 = arith.constant 1 : i32
      scf.for %scan3A_1012 = %scan3A_520 to %scan3A_522 step %scan3A_523  : i32 {
        %mul3A_1013 = arith.constant 1 : i32
        %mul3A_1014 = arith.muli %scan3A_1012, %mul3A_1013 : i32
        %add3A_1015 = arith.constant 0 : i32
        %add3A_1016 = arith.addi %add3A_1015, %mul3A_1014 : i32
        %add3A_1017 = vector.broadcast %add3A_1016 : i32 to vector<16xi32>
        %add3A_1018 = arith.addi %iota3A, %add3A_1017 : vector<16xi32>
        %and3A = arith.constant 15 : i32
        %and3A_1019 = vector.broadcast %and3A : i32 to vector<16xi32>
        %and3A_1020 = arith.andi %add3A_1018, %and3A_1019 : vector<16xi32>
        %shift_right_arithmetic3A = arith.constant 4 : i32
        %shift_right_arithmetic3A_1021 = arith.shrsi %add3A_1016, %shift_right_arithmetic3A : i32
        %shift_left3A = arith.constant 4 : i32
        %shift_left3A_1022 = arith.shli %shift_right_arithmetic3A_1021, %shift_left3A : i32
        %add3A_1023 = vector.broadcast %shift_left3A_1022 : i32 to vector<16xi32>
        %add3A_1024 = arith.addi %and3A_1020, %add3A_1023 : vector<16xi32>
        %shift_right_arithmetic3A_1025 = arith.constant 3 : i32
        %shift_right_arithmetic3A_1026 = vector.broadcast %shift_right_arithmetic3A_1025 : i32 to vector<16xi32>
        %shift_right_arithmetic3A_1027 = arith.shrsi %add3A_1024, %shift_right_arithmetic3A_1026 : vector<16xi32>
        %and3A_1028 = arith.constant 7 : i32
        %and3A_1029 = vector.broadcast %and3A_1028 : i32 to vector<16xi32>
        %and3A_1030 = arith.andi %add3A_1024, %and3A_1029 : vector<16xi32>
        %add3A_1031 = arith.constant 0 : i32
        %add3A_1032 = vector.broadcast %add3A_1031 : i32 to vector<16xi32>
        %add3A_1033 = arith.addi %iota3A, %add3A_1032 : vector<16xi32>
        %gather3A = arith.constant 0 : i32
        %gather3A_1034 = arith.constant 0 : i32
        %gather3A_1035 = arith.constant 0 : i32
        %gather3A_1036 = tpu.memref_slice %arg7[%gather3A, %gather3A_1034, %gather3A_1035] : memref<2x512x32xf32, #tpu.memory_space<vmem>> -> memref<1x512x32xf32, #tpu.memory_space<vmem>>
        %gather3A_1037 = tpu.memref_squeeze %gather3A_1036 : memref<1x512x32xf32, #tpu.memory_space<vmem>> -> memref<512x32xf32, #tpu.memory_space<vmem>>
        %gather3A_1038 = tpu.vector_load_idx %gather3A_1037[%add3A_1033, %add3A_1024] : memref<512x32xf32, #tpu.memory_space<vmem>>[vector<16xi32>, vector<16xi32>], vector<16xf32>,
        %add3A_1039 = arith.constant 0 : i32
        %add3A_1040 = vector.broadcast %add3A_1039 : i32 to vector<16xi32>
        %add3A_1041 = arith.addi %mul3A_7, %add3A_1040 : vector<16xi32>
        %add3A_1042 = arith.constant 0 : i32
        %add3A_1043 = vector.broadcast %add3A_1042 : i32 to vector<16xi32>
        %add3A_1044 = arith.addi %iota3A, %add3A_1043 : vector<16xi32>
        %scatter3A = arith.constant 0 : i32
        %scatter3A_1045 = arith.constant 0 : i32
        %scatter3A_1046 = arith.constant 0 : i32
        %scatter3A_1047 = arith.constant 0 : i32
        %scatter3A_1048 = arith.constant 0 : i32
        %scatter3A_1049 = tpu.memref_slice %arg8[%scatter3A, %scatter3A_1045, %scatter3A_1046, %scatter3A_1047, %scatter3A_1048] : memref<2x4x4x8x128xf32, #tpu.memory_space<vmem>> -> memref<1x4x4x8x128xf32, #tpu.memory_space<vmem>>
        %scatter3A_1050 = tpu.memref_squeeze %scatter3A_1049 : memref<1x4x4x8x128xf32, #tpu.memory_space<vmem>> -> memref<4x4x8x128xf32, #tpu.memory_space<vmem>>
        tpu.vector_store_idx %scatter3A_1050[%shift_right_arithmetic3A_1027, %add3A_1041, %and3A_1030, %add3A_1044], %gather3A_1038 : memref<4x4x8x128xf32, #tpu.memory_space<vmem>>[vector<16xi32>, vector<16xi32>, vector<16xi32>, vector<16xi32>], vector<16xf32>,
        %add3A_1051 = arith.constant 16 : i32
        %add3A_1052 = vector.broadcast %add3A_1051 : i32 to vector<16xi32>
        %add3A_1053 = arith.addi %iota3A, %add3A_1052 : vector<16xi32>
        %gather3A_1054 = arith.constant 0 : i32
        %gather3A_1055 = arith.constant 0 : i32
        %gather3A_1056 = arith.constant 0 : i32
        %gather3A_1057 = tpu.memref_slice %arg7[%gather3A_1054, %gather3A_1055, %gather3A_1056] : memref<2x512x32xf32, #tpu.memory_space<vmem>> -> memref<1x512x32xf32, #tpu.memory_space<vmem>>
        %gather3A_1058 = tpu.memref_squeeze %gather3A_1057 : memref<1x512x32xf32, #tpu.memory_space<vmem>> -> memref<512x32xf32, #tpu.memory_space<vmem>>
        %gather3A_1059 = tpu.vector_load_idx %gather3A_1058[%add3A_1053, %add3A_1024] : memref<512x32xf32, #tpu.memory_space<vmem>>[vector<16xi32>, vector<16xi32>], vector<16xf32>,
        %add3A_1060 = arith.constant 0 : i32
        %add3A_1061 = vector.broadcast %add3A_1060 : i32 to vector<16xi32>
        %add3A_1062 = arith.addi %mul3A_7, %add3A_1061 : vector<16xi32>
        %add3A_1063 = arith.constant 16 : i32
        %add3A_1064 = vector.broadcast %add3A_1063 : i32 to vector<16xi32>
        %add3A_1065 = arith.addi %iota3A, %add3A_1064 : vector<16xi32>
        %scatter3A_1066 = arith.constant 0 : i32
        %scatter3A_1067 = arith.constant 0 : i32
        %scatter3A_1068 = arith.constant 0 : i32
        %scatter3A_1069 = arith.constant 0 : i32
        %scatter3A_1070 = arith.constant 0 : i32
        %scatter3A_1071 = tpu.memref_slice %arg8[%scatter3A_1066, %scatter3A_1067, %scatter3A_1068, %scatter3A_1069, %scatter3A_1070] : memref<2x4x4x8x128xf32, #tpu.memory_space<vmem>> -> memref<1x4x4x8x128xf32, #tpu.memory_space<vmem>>
        %scatter3A_1072 = tpu.memref_squeeze %scatter3A_1071 : memref<1x4x4x8x128xf32, #tpu.memory_space<vmem>> -> memref<4x4x8x128xf32, #tpu.memory_space<vmem>>
        tpu.vector_store_idx %scatter3A_1072[%shift_right_arithmetic3A_1027, %add3A_1062, %and3A_1030, %add3A_1065], %gather3A_1059 : memref<4x4x8x128xf32, #tpu.memory_space<vmem>>[vector<16xi32>, vector<16xi32>, vector<16xi32>, vector<16xi32>], vector<16xf32>,
        %add3A_1073 = arith.constant 32 : i32
        %add3A_1074 = vector.broadcast %add3A_1073 : i32 to vector<16xi32>
        %add3A_1075 = arith.addi %iota3A, %add3A_1074 : vector<16xi32>
        %gather3A_1076 = arith.constant 0 : i32
        %gather3A_1077 = arith.constant 0 : i32
        %gather3A_1078 = arith.constant 0 : i32
        %gather3A_1079 = tpu.memref_slice %arg7[%gather3A_1076, %gather3A_1077, %gather3A_1078] : memref<2x512x32xf32, #tpu.memory_space<vmem>> -> memref<1x512x32xf32, #tpu.memory_space<vmem>>
        %gather3A_1080 = tpu.memref_squeeze %gather3A_1079 : memref<1x512x32xf32, #tpu.memory_space<vmem>> -> memref<512x32xf32, #tpu.memory_space<vmem>>
        %gather3A_1081 = tpu.vector_load_idx %gather3A_1080[%add3A_1075, %add3A_1024] : memref<512x32xf32, #tpu.memory_space<vmem>>[vector<16xi32>, vector<16xi32>], vector<16xf32>,
        %add3A_1082 = arith.constant 0 : i32
        %add3A_1083 = vector.broadcast %add3A_1082 : i32 to vector<16xi32>
        %add3A_1084 = arith.addi %mul3A_7, %add3A_1083 : vector<16xi32>
        %add3A_1085 = arith.constant 32 : i32
        %add3A_1086 = vector.broadcast %add3A_1085 : i32 to vector<16xi32>
        %add3A_1087 = arith.addi %iota3A, %add3A_1086 : vector<16xi32>
        %scatter3A_1088 = arith.constant 0 : i32
        %scatter3A_1089 = arith.constant 0 : i32
        %scatter3A_1090 = arith.constant 0 : i32
        %scatter3A_1091 = arith.constant 0 : i32
        %scatter3A_1092 = arith.constant 0 : i32
        %scatter3A_1093 = tpu.memref_slice %arg8[%scatter3A_1088, %scatter3A_1089, %scatter3A_1090, %scatter3A_1091, %scatter3A_1092] : memref<2x4x4x8x128xf32, #tpu.memory_space<vmem>> -> memref<1x4x4x8x128xf32, #tpu.memory_space<vmem>>
        %scatter3A_1094 = tpu.memref_squeeze %scatter3A_1093 : memref<1x4x4x8x128xf32, #tpu.memory_space<vmem>> -> memref<4x4x8x128xf32, #tpu.memory_space<vmem>>
        tpu.vector_store_idx %scatter3A_1094[%shift_right_arithmetic3A_1027, %add3A_1084, %and3A_1030, %add3A_1087], %gather3A_1081 : memref<4x4x8x128xf32, #tpu.memory_space<vmem>>[vector<16xi32>, vector<16xi32>, vector<16xi32>, vector<16xi32>], vector<16xf32>,
        %add3A_1095 = arith.constant 48 : i32
        %add3A_1096 = vector.broadcast %add3A_1095 : i32 to vector<16xi32>
        %add3A_1097 = arith.addi %iota3A, %add3A_1096 : vector<16xi32>
        %gather3A_1098 = arith.constant 0 : i32
        %gather3A_1099 = arith.constant 0 : i32
        %gather3A_1100 = arith.constant 0 : i32
        %gather3A_1101 = tpu.memref_slice %arg7[%gather3A_1098, %gather3A_1099, %gather3A_1100] : memref<2x512x32xf32, #tpu.memory_space<vmem>> -> memref<1x512x32xf32, #tpu.memory_space<vmem>>
        %gather3A_1102 = tpu.memref_squeeze %gather3A_1101 : memref<1x512x32xf32, #tpu.memory_space<vmem>> -> memref<512x32xf32, #tpu.memory_space<vmem>>
        %gather3A_1103 = tpu.vector_load_idx %gather3A_1102[%add3A_1097, %add3A_1024] : memref<512x32xf32, #tpu.memory_space<vmem>>[vector<16xi32>, vector<16xi32>], vector<16xf32>,
        %add3A_1104 = arith.constant 0 : i32
        %add3A_1105 = vector.broadcast %add3A_1104 : i32 to vector<16xi32>
        %add3A_1106 = arith.addi %mul3A_7, %add3A_1105 : vector<16xi32>
        %add3A_1107 = arith.constant 48 : i32
        %add3A_1108 = vector.broadcast %add3A_1107 : i32 to vector<16xi32>
        %add3A_1109 = arith.addi %iota3A, %add3A_1108 : vector<16xi32>
        %scatter3A_1110 = arith.constant 0 : i32
        %scatter3A_1111 = arith.constant 0 : i32
        %scatter3A_1112 = arith.constant 0 : i32
        %scatter3A_1113 = arith.constant 0 : i32
        %scatter3A_1114 = arith.constant 0 : i32
        %scatter3A_1115 = tpu.memref_slice %arg8[%scatter3A_1110, %scatter3A_1111, %scatter3A_1112, %scatter3A_1113, %scatter3A_1114] : memref<2x4x4x8x128xf32, #tpu.memory_space<vmem>> -> memref<1x4x4x8x128xf32, #tpu.memory_space<vmem>>
        %scatter3A_1116 = tpu.memref_squeeze %scatter3A_1115 : memref<1x4x4x8x128xf32, #tpu.memory_space<vmem>> -> memref<4x4x8x128xf32, #tpu.memory_space<vmem>>
        tpu.vector_store_idx %scatter3A_1116[%shift_right_arithmetic3A_1027, %add3A_1106, %and3A_1030, %add3A_1109], %gather3A_1103 : memref<4x4x8x128xf32, #tpu.memory_space<vmem>>[vector<16xi32>, vector<16xi32>, vector<16xi32>, vector<16xi32>], vector<16xf32>,
        %add3A_1117 = arith.constant 64 : i32
        %add3A_1118 = vector.broadcast %add3A_1117 : i32 to vector<16xi32>
        %add3A_1119 = arith.addi %iota3A, %add3A_1118 : vector<16xi32>
        %gather3A_1120 = arith.constant 0 : i32
        %gather3A_1121 = arith.constant 0 : i32
        %gather3A_1122 = arith.constant 0 : i32
        %gather3A_1123 = tpu.memref_slice %arg7[%gather3A_1120, %gather3A_1121, %gather3A_1122] : memref<2x512x32xf32, #tpu.memory_space<vmem>> -> memref<1x512x32xf32, #tpu.memory_space<vmem>>
        %gather3A_1124 = tpu.memref_squeeze %gather3A_1123 : memref<1x512x32xf32, #tpu.memory_space<vmem>> -> memref<512x32xf32, #tpu.memory_space<vmem>>
        %gather3A_1125 = tpu.vector_load_idx %gather3A_1124[%add3A_1119, %add3A_1024] : memref<512x32xf32, #tpu.memory_space<vmem>>[vector<16xi32>, vector<16xi32>], vector<16xf32>,
        %add3A_1126 = arith.constant 0 : i32
        %add3A_1127 = vector.broadcast %add3A_1126 : i32 to vector<16xi32>
        %add3A_1128 = arith.addi %mul3A_7, %add3A_1127 : vector<16xi32>
        %add3A_1129 = arith.constant 64 : i32
        %add3A_1130 = vector.broadcast %add3A_1129 : i32 to vector<16xi32>
        %add3A_1131 = arith.addi %iota3A, %add3A_1130 : vector<16xi32>
        %scatter3A_1132 = arith.constant 0 : i32
        %scatter3A_1133 = arith.constant 0 : i32
        %scatter3A_1134 = arith.constant 0 : i32
        %scatter3A_1135 = arith.constant 0 : i32
        %scatter3A_1136 = arith.constant 0 : i32
        %scatter3A_1137 = tpu.memref_slice %arg8[%scatter3A_1132, %scatter3A_1133, %scatter3A_1134, %scatter3A_1135, %scatter3A_1136] : memref<2x4x4x8x128xf32, #tpu.memory_space<vmem>> -> memref<1x4x4x8x128xf32, #tpu.memory_space<vmem>>
        %scatter3A_1138 = tpu.memref_squeeze %scatter3A_1137 : memref<1x4x4x8x128xf32, #tpu.memory_space<vmem>> -> memref<4x4x8x128xf32, #tpu.memory_space<vmem>>
        tpu.vector_store_idx %scatter3A_1138[%shift_right_arithmetic3A_1027, %add3A_1128, %and3A_1030, %add3A_1131], %gather3A_1125 : memref<4x4x8x128xf32, #tpu.memory_space<vmem>>[vector<16xi32>, vector<16xi32>, vector<16xi32>, vector<16xi32>], vector<16xf32>,
        %add3A_1139 = arith.constant 80 : i32
        %add3A_1140 = vector.broadcast %add3A_1139 : i32 to vector<16xi32>
        %add3A_1141 = arith.addi %iota3A, %add3A_1140 : vector<16xi32>
        %gather3A_1142 = arith.constant 0 : i32
        %gather3A_1143 = arith.constant 0 : i32
        %gather3A_1144 = arith.constant 0 : i32
        %gather3A_1145 = tpu.memref_slice %arg7[%gather3A_1142, %gather3A_1143, %gather3A_1144] : memref<2x512x32xf32, #tpu.memory_space<vmem>> -> memref<1x512x32xf32, #tpu.memory_space<vmem>>
        %gather3A_1146 = tpu.memref_squeeze %gather3A_1145 : memref<1x512x32xf32, #tpu.memory_space<vmem>> -> memref<512x32xf32, #tpu.memory_space<vmem>>
        %gather3A_1147 = tpu.vector_load_idx %gather3A_1146[%add3A_1141, %add3A_1024] : memref<512x32xf32, #tpu.memory_space<vmem>>[vector<16xi32>, vector<16xi32>], vector<16xf32>,
        %add3A_1148 = arith.constant 0 : i32
        %add3A_1149 = vector.broadcast %add3A_1148 : i32 to vector<16xi32>
        %add3A_1150 = arith.addi %mul3A_7, %add3A_1149 : vector<16xi32>
        %add3A_1151 = arith.constant 80 : i32
        %add3A_1152 = vector.broadcast %add3A_1151 : i32 to vector<16xi32>
        %add3A_1153 = arith.addi %iota3A, %add3A_1152 : vector<16xi32>
        %scatter3A_1154 = arith.constant 0 : i32
        %scatter3A_1155 = arith.constant 0 : i32
        %scatter3A_1156 = arith.constant 0 : i32
        %scatter3A_1157 = arith.constant 0 : i32
        %scatter3A_1158 = arith.constant 0 : i32
        %scatter3A_1159 = tpu.memref_slice %arg8[%scatter3A_1154, %scatter3A_1155, %scatter3A_1156, %scatter3A_1157, %scatter3A_1158] : memref<2x4x4x8x128xf32, #tpu.memory_space<vmem>> -> memref<1x4x4x8x128xf32, #tpu.memory_space<vmem>>
        %scatter3A_1160 = tpu.memref_squeeze %scatter3A_1159 : memref<1x4x4x8x128xf32, #tpu.memory_space<vmem>> -> memref<4x4x8x128xf32, #tpu.memory_space<vmem>>
        tpu.vector_store_idx %scatter3A_1160[%shift_right_arithmetic3A_1027, %add3A_1150, %and3A_1030, %add3A_1153], %gather3A_1147 : memref<4x4x8x128xf32, #tpu.memory_space<vmem>>[vector<16xi32>, vector<16xi32>, vector<16xi32>, vector<16xi32>], vector<16xf32>,
        %add3A_1161 = arith.constant 96 : i32
        %add3A_1162 = vector.broadcast %add3A_1161 : i32 to vector<16xi32>
        %add3A_1163 = arith.addi %iota3A, %add3A_1162 : vector<16xi32>
        %gather3A_1164 = arith.constant 0 : i32
        %gather3A_1165 = arith.constant 0 : i32
        %gather3A_1166 = arith.constant 0 : i32
        %gather3A_1167 = tpu.memref_slice %arg7[%gather3A_1164, %gather3A_1165, %gather3A_1166] : memref<2x512x32xf32, #tpu.memory_space<vmem>> -> memref<1x512x32xf32, #tpu.memory_space<vmem>>
        %gather3A_1168 = tpu.memref_squeeze %gather3A_1167 : memref<1x512x32xf32, #tpu.memory_space<vmem>> -> memref<512x32xf32, #tpu.memory_space<vmem>>
        %gather3A_1169 = tpu.vector_load_idx %gather3A_1168[%add3A_1163, %add3A_1024] : memref<512x32xf32, #tpu.memory_space<vmem>>[vector<16xi32>, vector<16xi32>], vector<16xf32>,
        %add3A_1170 = arith.constant 0 : i32
        %add3A_1171 = vector.broadcast %add3A_1170 : i32 to vector<16xi32>
        %add3A_1172 = arith.addi %mul3A_7, %add3A_1171 : vector<16xi32>
        %add3A_1173 = arith.constant 96 : i32
        %add3A_1174 = vector.broadcast %add3A_1173 : i32 to vector<16xi32>
        %add3A_1175 = arith.addi %iota3A, %add3A_1174 : vector<16xi32>
        %scatter3A_1176 = arith.constant 0 : i32
        %scatter3A_1177 = arith.constant 0 : i32
        %scatter3A_1178 = arith.constant 0 : i32
        %scatter3A_1179 = arith.constant 0 : i32
        %scatter3A_1180 = arith.constant 0 : i32
        %scatter3A_1181 = tpu.memref_slice %arg8[%scatter3A_1176, %scatter3A_1177, %scatter3A_1178, %scatter3A_1179, %scatter3A_1180] : memref<2x4x4x8x128xf32, #tpu.memory_space<vmem>> -> memref<1x4x4x8x128xf32, #tpu.memory_space<vmem>>
        %scatter3A_1182 = tpu.memref_squeeze %scatter3A_1181 : memref<1x4x4x8x128xf32, #tpu.memory_space<vmem>> -> memref<4x4x8x128xf32, #tpu.memory_space<vmem>>
        tpu.vector_store_idx %scatter3A_1182[%shift_right_arithmetic3A_1027, %add3A_1172, %and3A_1030, %add3A_1175], %gather3A_1169 : memref<4x4x8x128xf32, #tpu.memory_space<vmem>>[vector<16xi32>, vector<16xi32>, vector<16xi32>, vector<16xi32>], vector<16xf32>,
        %add3A_1183 = arith.constant 112 : i32
        %add3A_1184 = vector.broadcast %add3A_1183 : i32 to vector<16xi32>
        %add3A_1185 = arith.addi %iota3A, %add3A_1184 : vector<16xi32>
        %gather3A_1186 = arith.constant 0 : i32
        %gather3A_1187 = arith.constant 0 : i32
        %gather3A_1188 = arith.constant 0 : i32
        %gather3A_1189 = tpu.memref_slice %arg7[%gather3A_1186, %gather3A_1187, %gather3A_1188] : memref<2x512x32xf32, #tpu.memory_space<vmem>> -> memref<1x512x32xf32, #tpu.memory_space<vmem>>
        %gather3A_1190 = tpu.memref_squeeze %gather3A_1189 : memref<1x512x32xf32, #tpu.memory_space<vmem>> -> memref<512x32xf32, #tpu.memory_space<vmem>>
        %gather3A_1191 = tpu.vector_load_idx %gather3A_1190[%add3A_1185, %add3A_1024] : memref<512x32xf32, #tpu.memory_space<vmem>>[vector<16xi32>, vector<16xi32>], vector<16xf32>,
        %add3A_1192 = arith.constant 0 : i32
        %add3A_1193 = vector.broadcast %add3A_1192 : i32 to vector<16xi32>
        %add3A_1194 = arith.addi %mul3A_7, %add3A_1193 : vector<16xi32>
        %add3A_1195 = arith.constant 112 : i32
        %add3A_1196 = vector.broadcast %add3A_1195 : i32 to vector<16xi32>
        %add3A_1197 = arith.addi %iota3A, %add3A_1196 : vector<16xi32>
        %scatter3A_1198 = arith.constant 0 : i32
        %scatter3A_1199 = arith.constant 0 : i32
        %scatter3A_1200 = arith.constant 0 : i32
        %scatter3A_1201 = arith.constant 0 : i32
        %scatter3A_1202 = arith.constant 0 : i32
        %scatter3A_1203 = tpu.memref_slice %arg8[%scatter3A_1198, %scatter3A_1199, %scatter3A_1200, %scatter3A_1201, %scatter3A_1202] : memref<2x4x4x8x128xf32, #tpu.memory_space<vmem>> -> memref<1x4x4x8x128xf32, #tpu.memory_space<vmem>>
        %scatter3A_1204 = tpu.memref_squeeze %scatter3A_1203 : memref<1x4x4x8x128xf32, #tpu.memory_space<vmem>> -> memref<4x4x8x128xf32, #tpu.memory_space<vmem>>
        tpu.vector_store_idx %scatter3A_1204[%shift_right_arithmetic3A_1027, %add3A_1194, %and3A_1030, %add3A_1197], %gather3A_1191 : memref<4x4x8x128xf32, #tpu.memory_space<vmem>>[vector<16xi32>, vector<16xi32>, vector<16xi32>, vector<16xi32>], vector<16xf32>,
        %add3A_1205 = arith.constant 128 : i32
        %add3A_1206 = vector.broadcast %add3A_1205 : i32 to vector<16xi32>
        %add3A_1207 = arith.addi %iota3A, %add3A_1206 : vector<16xi32>
        %gather3A_1208 = arith.constant 0 : i32
        %gather3A_1209 = arith.constant 0 : i32
        %gather3A_1210 = arith.constant 0 : i32
        %gather3A_1211 = tpu.memref_slice %arg7[%gather3A_1208, %gather3A_1209, %gather3A_1210] : memref<2x512x32xf32, #tpu.memory_space<vmem>> -> memref<1x512x32xf32, #tpu.memory_space<vmem>>
        %gather3A_1212 = tpu.memref_squeeze %gather3A_1211 : memref<1x512x32xf32, #tpu.memory_space<vmem>> -> memref<512x32xf32, #tpu.memory_space<vmem>>
        %gather3A_1213 = tpu.vector_load_idx %gather3A_1212[%add3A_1207, %add3A_1024] : memref<512x32xf32, #tpu.memory_space<vmem>>[vector<16xi32>, vector<16xi32>], vector<16xf32>,
        %add3A_1214 = arith.constant 1 : i32
        %add3A_1215 = vector.broadcast %add3A_1214 : i32 to vector<16xi32>
        %add3A_1216 = arith.addi %mul3A_7, %add3A_1215 : vector<16xi32>
        %add3A_1217 = arith.constant 0 : i32
        %add3A_1218 = vector.broadcast %add3A_1217 : i32 to vector<16xi32>
        %add3A_1219 = arith.addi %iota3A, %add3A_1218 : vector<16xi32>
        %scatter3A_1220 = arith.constant 0 : i32
        %scatter3A_1221 = arith.constant 0 : i32
        %scatter3A_1222 = arith.constant 0 : i32
        %scatter3A_1223 = arith.constant 0 : i32
        %scatter3A_1224 = arith.constant 0 : i32
        %scatter3A_1225 = tpu.memref_slice %arg8[%scatter3A_1220, %scatter3A_1221, %scatter3A_1222, %scatter3A_1223, %scatter3A_1224] : memref<2x4x4x8x128xf32, #tpu.memory_space<vmem>> -> memref<1x4x4x8x128xf32, #tpu.memory_space<vmem>>
        %scatter3A_1226 = tpu.memref_squeeze %scatter3A_1225 : memref<1x4x4x8x128xf32, #tpu.memory_space<vmem>> -> memref<4x4x8x128xf32, #tpu.memory_space<vmem>>
        tpu.vector_store_idx %scatter3A_1226[%shift_right_arithmetic3A_1027, %add3A_1216, %and3A_1030, %add3A_1219], %gather3A_1213 : memref<4x4x8x128xf32, #tpu.memory_space<vmem>>[vector<16xi32>, vector<16xi32>, vector<16xi32>, vector<16xi32>], vector<16xf32>,
        %add3A_1227 = arith.constant 144 : i32
        %add3A_1228 = vector.broadcast %add3A_1227 : i32 to vector<16xi32>
        %add3A_1229 = arith.addi %iota3A, %add3A_1228 : vector<16xi32>
        %gather3A_1230 = arith.constant 0 : i32
        %gather3A_1231 = arith.constant 0 : i32
        %gather3A_1232 = arith.constant 0 : i32
        %gather3A_1233 = tpu.memref_slice %arg7[%gather3A_1230, %gather3A_1231, %gather3A_1232] : memref<2x512x32xf32, #tpu.memory_space<vmem>> -> memref<1x512x32xf32, #tpu.memory_space<vmem>>
        %gather3A_1234 = tpu.memref_squeeze %gather3A_1233 : memref<1x512x32xf32, #tpu.memory_space<vmem>> -> memref<512x32xf32, #tpu.memory_space<vmem>>
        %gather3A_1235 = tpu.vector_load_idx %gather3A_1234[%add3A_1229, %add3A_1024] : memref<512x32xf32, #tpu.memory_space<vmem>>[vector<16xi32>, vector<16xi32>], vector<16xf32>,
        %add3A_1236 = arith.constant 1 : i32
        %add3A_1237 = vector.broadcast %add3A_1236 : i32 to vector<16xi32>
        %add3A_1238 = arith.addi %mul3A_7, %add3A_1237 : vector<16xi32>
        %add3A_1239 = arith.constant 16 : i32
        %add3A_1240 = vector.broadcast %add3A_1239 : i32 to vector<16xi32>
        %add3A_1241 = arith.addi %iota3A, %add3A_1240 : vector<16xi32>
        %scatter3A_1242 = arith.constant 0 : i32
        %scatter3A_1243 = arith.constant 0 : i32
        %scatter3A_1244 = arith.constant 0 : i32
        %scatter3A_1245 = arith.constant 0 : i32
        %scatter3A_1246 = arith.constant 0 : i32
        %scatter3A_1247 = tpu.memref_slice %arg8[%scatter3A_1242, %scatter3A_1243, %scatter3A_1244, %scatter3A_1245, %scatter3A_1246] : memref<2x4x4x8x128xf32, #tpu.memory_space<vmem>> -> memref<1x4x4x8x128xf32, #tpu.memory_space<vmem>>
        %scatter3A_1248 = tpu.memref_squeeze %scatter3A_1247 : memref<1x4x4x8x128xf32, #tpu.memory_space<vmem>> -> memref<4x4x8x128xf32, #tpu.memory_space<vmem>>
        tpu.vector_store_idx %scatter3A_1248[%shift_right_arithmetic3A_1027, %add3A_1238, %and3A_1030, %add3A_1241], %gather3A_1235 : memref<4x4x8x128xf32, #tpu.memory_space<vmem>>[vector<16xi32>, vector<16xi32>, vector<16xi32>, vector<16xi32>], vector<16xf32>,
        %add3A_1249 = arith.constant 160 : i32
        %add3A_1250 = vector.broadcast %add3A_1249 : i32 to vector<16xi32>
        %add3A_1251 = arith.addi %iota3A, %add3A_1250 : vector<16xi32>
        %gather3A_1252 = arith.constant 0 : i32
        %gather3A_1253 = arith.constant 0 : i32
        %gather3A_1254 = arith.constant 0 : i32
        %gather3A_1255 = tpu.memref_slice %arg7[%gather3A_1252, %gather3A_1253, %gather3A_1254] : memref<2x512x32xf32, #tpu.memory_space<vmem>> -> memref<1x512x32xf32, #tpu.memory_space<vmem>>
        %gather3A_1256 = tpu.memref_squeeze %gather3A_1255 : memref<1x512x32xf32, #tpu.memory_space<vmem>> -> memref<512x32xf32, #tpu.memory_space<vmem>>
        %gather3A_1257 = tpu.vector_load_idx %gather3A_1256[%add3A_1251, %add3A_1024] : memref<512x32xf32, #tpu.memory_space<vmem>>[vector<16xi32>, vector<16xi32>], vector<16xf32>,
        %add3A_1258 = arith.constant 1 : i32
        %add3A_1259 = vector.broadcast %add3A_1258 : i32 to vector<16xi32>
        %add3A_1260 = arith.addi %mul3A_7, %add3A_1259 : vector<16xi32>
        %add3A_1261 = arith.constant 32 : i32
        %add3A_1262 = vector.broadcast %add3A_1261 : i32 to vector<16xi32>
        %add3A_1263 = arith.addi %iota3A, %add3A_1262 : vector<16xi32>
        %scatter3A_1264 = arith.constant 0 : i32
        %scatter3A_1265 = arith.constant 0 : i32
        %scatter3A_1266 = arith.constant 0 : i32
        %scatter3A_1267 = arith.constant 0 : i32
        %scatter3A_1268 = arith.constant 0 : i32
        %scatter3A_1269 = tpu.memref_slice %arg8[%scatter3A_1264, %scatter3A_1265, %scatter3A_1266, %scatter3A_1267, %scatter3A_1268] : memref<2x4x4x8x128xf32, #tpu.memory_space<vmem>> -> memref<1x4x4x8x128xf32, #tpu.memory_space<vmem>>
        %scatter3A_1270 = tpu.memref_squeeze %scatter3A_1269 : memref<1x4x4x8x128xf32, #tpu.memory_space<vmem>> -> memref<4x4x8x128xf32, #tpu.memory_space<vmem>>
        tpu.vector_store_idx %scatter3A_1270[%shift_right_arithmetic3A_1027, %add3A_1260, %and3A_1030, %add3A_1263], %gather3A_1257 : memref<4x4x8x128xf32, #tpu.memory_space<vmem>>[vector<16xi32>, vector<16xi32>, vector<16xi32>, vector<16xi32>], vector<16xf32>,
        %add3A_1271 = arith.constant 176 : i32
        %add3A_1272 = vector.broadcast %add3A_1271 : i32 to vector<16xi32>
        %add3A_1273 = arith.addi %iota3A, %add3A_1272 : vector<16xi32>
        %gather3A_1274 = arith.constant 0 : i32
        %gather3A_1275 = arith.constant 0 : i32
        %gather3A_1276 = arith.constant 0 : i32
        %gather3A_1277 = tpu.memref_slice %arg7[%gather3A_1274, %gather3A_1275, %gather3A_1276] : memref<2x512x32xf32, #tpu.memory_space<vmem>> -> memref<1x512x32xf32, #tpu.memory_space<vmem>>
        %gather3A_1278 = tpu.memref_squeeze %gather3A_1277 : memref<1x512x32xf32, #tpu.memory_space<vmem>> -> memref<512x32xf32, #tpu.memory_space<vmem>>
        %gather3A_1279 = tpu.vector_load_idx %gather3A_1278[%add3A_1273, %add3A_1024] : memref<512x32xf32, #tpu.memory_space<vmem>>[vector<16xi32>, vector<16xi32>], vector<16xf32>,
        %add3A_1280 = arith.constant 1 : i32
        %add3A_1281 = vector.broadcast %add3A_1280 : i32 to vector<16xi32>
        %add3A_1282 = arith.addi %mul3A_7, %add3A_1281 : vector<16xi32>
        %add3A_1283 = arith.constant 48 : i32
        %add3A_1284 = vector.broadcast %add3A_1283 : i32 to vector<16xi32>
        %add3A_1285 = arith.addi %iota3A, %add3A_1284 : vector<16xi32>
        %scatter3A_1286 = arith.constant 0 : i32
        %scatter3A_1287 = arith.constant 0 : i32
        %scatter3A_1288 = arith.constant 0 : i32
        %scatter3A_1289 = arith.constant 0 : i32
        %scatter3A_1290 = arith.constant 0 : i32
        %scatter3A_1291 = tpu.memref_slice %arg8[%scatter3A_1286, %scatter3A_1287, %scatter3A_1288, %scatter3A_1289, %scatter3A_1290] : memref<2x4x4x8x128xf32, #tpu.memory_space<vmem>> -> memref<1x4x4x8x128xf32, #tpu.memory_space<vmem>>
        %scatter3A_1292 = tpu.memref_squeeze %scatter3A_1291 : memref<1x4x4x8x128xf32, #tpu.memory_space<vmem>> -> memref<4x4x8x128xf32, #tpu.memory_space<vmem>>
        tpu.vector_store_idx %scatter3A_1292[%shift_right_arithmetic3A_1027, %add3A_1282, %and3A_1030, %add3A_1285], %gather3A_1279 : memref<4x4x8x128xf32, #tpu.memory_space<vmem>>[vector<16xi32>, vector<16xi32>, vector<16xi32>, vector<16xi32>], vector<16xf32>,
        %add3A_1293 = arith.constant 192 : i32
        %add3A_1294 = vector.broadcast %add3A_1293 : i32 to vector<16xi32>
        %add3A_1295 = arith.addi %iota3A, %add3A_1294 : vector<16xi32>
        %gather3A_1296 = arith.constant 0 : i32
        %gather3A_1297 = arith.constant 0 : i32
        %gather3A_1298 = arith.constant 0 : i32
        %gather3A_1299 = tpu.memref_slice %arg7[%gather3A_1296, %gather3A_1297, %gather3A_1298] : memref<2x512x32xf32, #tpu.memory_space<vmem>> -> memref<1x512x32xf32, #tpu.memory_space<vmem>>
        %gather3A_1300 = tpu.memref_squeeze %gather3A_1299 : memref<1x512x32xf32, #tpu.memory_space<vmem>> -> memref<512x32xf32, #tpu.memory_space<vmem>>
        %gather3A_1301 = tpu.vector_load_idx %gather3A_1300[%add3A_1295, %add3A_1024] : memref<512x32xf32, #tpu.memory_space<vmem>>[vector<16xi32>, vector<16xi32>], vector<16xf32>,
        %add3A_1302 = arith.constant 1 : i32
        %add3A_1303 = vector.broadcast %add3A_1302 : i32 to vector<16xi32>
        %add3A_1304 = arith.addi %mul3A_7, %add3A_1303 : vector<16xi32>
        %add3A_1305 = arith.constant 64 : i32
        %add3A_1306 = vector.broadcast %add3A_1305 : i32 to vector<16xi32>
        %add3A_1307 = arith.addi %iota3A, %add3A_1306 : vector<16xi32>
        %scatter3A_1308 = arith.constant 0 : i32
        %scatter3A_1309 = arith.constant 0 : i32
        %scatter3A_1310 = arith.constant 0 : i32
        %scatter3A_1311 = arith.constant 0 : i32
        %scatter3A_1312 = arith.constant 0 : i32
        %scatter3A_1313 = tpu.memref_slice %arg8[%scatter3A_1308, %scatter3A_1309, %scatter3A_1310, %scatter3A_1311, %scatter3A_1312] : memref<2x4x4x8x128xf32, #tpu.memory_space<vmem>> -> memref<1x4x4x8x128xf32, #tpu.memory_space<vmem>>
        %scatter3A_1314 = tpu.memref_squeeze %scatter3A_1313 : memref<1x4x4x8x128xf32, #tpu.memory_space<vmem>> -> memref<4x4x8x128xf32, #tpu.memory_space<vmem>>
        tpu.vector_store_idx %scatter3A_1314[%shift_right_arithmetic3A_1027, %add3A_1304, %and3A_1030, %add3A_1307], %gather3A_1301 : memref<4x4x8x128xf32, #tpu.memory_space<vmem>>[vector<16xi32>, vector<16xi32>, vector<16xi32>, vector<16xi32>], vector<16xf32>,
        %add3A_1315 = arith.constant 208 : i32
        %add3A_1316 = vector.broadcast %add3A_1315 : i32 to vector<16xi32>
        %add3A_1317 = arith.addi %iota3A, %add3A_1316 : vector<16xi32>
        %gather3A_1318 = arith.constant 0 : i32
        %gather3A_1319 = arith.constant 0 : i32
        %gather3A_1320 = arith.constant 0 : i32
        %gather3A_1321 = tpu.memref_slice %arg7[%gather3A_1318, %gather3A_1319, %gather3A_1320] : memref<2x512x32xf32, #tpu.memory_space<vmem>> -> memref<1x512x32xf32, #tpu.memory_space<vmem>>
        %gather3A_1322 = tpu.memref_squeeze %gather3A_1321 : memref<1x512x32xf32, #tpu.memory_space<vmem>> -> memref<512x32xf32, #tpu.memory_space<vmem>>
        %gather3A_1323 = tpu.vector_load_idx %gather3A_1322[%add3A_1317, %add3A_1024] : memref<512x32xf32, #tpu.memory_space<vmem>>[vector<16xi32>, vector<16xi32>], vector<16xf32>,
        %add3A_1324 = arith.constant 1 : i32
        %add3A_1325 = vector.broadcast %add3A_1324 : i32 to vector<16xi32>
        %add3A_1326 = arith.addi %mul3A_7, %add3A_1325 : vector<16xi32>
        %add3A_1327 = arith.constant 80 : i32
        %add3A_1328 = vector.broadcast %add3A_1327 : i32 to vector<16xi32>
        %add3A_1329 = arith.addi %iota3A, %add3A_1328 : vector<16xi32>
        %scatter3A_1330 = arith.constant 0 : i32
        %scatter3A_1331 = arith.constant 0 : i32
        %scatter3A_1332 = arith.constant 0 : i32
        %scatter3A_1333 = arith.constant 0 : i32
        %scatter3A_1334 = arith.constant 0 : i32
        %scatter3A_1335 = tpu.memref_slice %arg8[%scatter3A_1330, %scatter3A_1331, %scatter3A_1332, %scatter3A_1333, %scatter3A_1334] : memref<2x4x4x8x128xf32, #tpu.memory_space<vmem>> -> memref<1x4x4x8x128xf32, #tpu.memory_space<vmem>>
        %scatter3A_1336 = tpu.memref_squeeze %scatter3A_1335 : memref<1x4x4x8x128xf32, #tpu.memory_space<vmem>> -> memref<4x4x8x128xf32, #tpu.memory_space<vmem>>
        tpu.vector_store_idx %scatter3A_1336[%shift_right_arithmetic3A_1027, %add3A_1326, %and3A_1030, %add3A_1329], %gather3A_1323 : memref<4x4x8x128xf32, #tpu.memory_space<vmem>>[vector<16xi32>, vector<16xi32>, vector<16xi32>, vector<16xi32>], vector<16xf32>,
        %add3A_1337 = arith.constant 224 : i32
        %add3A_1338 = vector.broadcast %add3A_1337 : i32 to vector<16xi32>
        %add3A_1339 = arith.addi %iota3A, %add3A_1338 : vector<16xi32>
        %gather3A_1340 = arith.constant 0 : i32
        %gather3A_1341 = arith.constant 0 : i32
        %gather3A_1342 = arith.constant 0 : i32
        %gather3A_1343 = tpu.memref_slice %arg7[%gather3A_1340, %gather3A_1341, %gather3A_1342] : memref<2x512x32xf32, #tpu.memory_space<vmem>> -> memref<1x512x32xf32, #tpu.memory_space<vmem>>
        %gather3A_1344 = tpu.memref_squeeze %gather3A_1343 : memref<1x512x32xf32, #tpu.memory_space<vmem>> -> memref<512x32xf32, #tpu.memory_space<vmem>>
        %gather3A_1345 = tpu.vector_load_idx %gather3A_1344[%add3A_1339, %add3A_1024] : memref<512x32xf32, #tpu.memory_space<vmem>>[vector<16xi32>, vector<16xi32>], vector<16xf32>,
        %add3A_1346 = arith.constant 1 : i32
        %add3A_1347 = vector.broadcast %add3A_1346 : i32 to vector<16xi32>
        %add3A_1348 = arith.addi %mul3A_7, %add3A_1347 : vector<16xi32>
        %add3A_1349 = arith.constant 96 : i32
        %add3A_1350 = vector.broadcast %add3A_1349 : i32 to vector<16xi32>
        %add3A_1351 = arith.addi %iota3A, %add3A_1350 : vector<16xi32>
        %scatter3A_1352 = arith.constant 0 : i32
        %scatter3A_1353 = arith.constant 0 : i32
        %scatter3A_1354 = arith.constant 0 : i32
        %scatter3A_1355 = arith.constant 0 : i32
        %scatter3A_1356 = arith.constant 0 : i32
        %scatter3A_1357 = tpu.memref_slice %arg8[%scatter3A_1352, %scatter3A_1353, %scatter3A_1354, %scatter3A_1355, %scatter3A_1356] : memref<2x4x4x8x128xf32, #tpu.memory_space<vmem>> -> memref<1x4x4x8x128xf32, #tpu.memory_space<vmem>>
        %scatter3A_1358 = tpu.memref_squeeze %scatter3A_1357 : memref<1x4x4x8x128xf32, #tpu.memory_space<vmem>> -> memref<4x4x8x128xf32, #tpu.memory_space<vmem>>
        tpu.vector_store_idx %scatter3A_1358[%shift_right_arithmetic3A_1027, %add3A_1348, %and3A_1030, %add3A_1351], %gather3A_1345 : memref<4x4x8x128xf32, #tpu.memory_space<vmem>>[vector<16xi32>, vector<16xi32>, vector<16xi32>, vector<16xi32>], vector<16xf32>,
        %add3A_1359 = arith.constant 240 : i32
        %add3A_1360 = vector.broadcast %add3A_1359 : i32 to vector<16xi32>
        %add3A_1361 = arith.addi %iota3A, %add3A_1360 : vector<16xi32>
        %gather3A_1362 = arith.constant 0 : i32
        %gather3A_1363 = arith.constant 0 : i32
        %gather3A_1364 = arith.constant 0 : i32
        %gather3A_1365 = tpu.memref_slice %arg7[%gather3A_1362, %gather3A_1363, %gather3A_1364] : memref<2x512x32xf32, #tpu.memory_space<vmem>> -> memref<1x512x32xf32, #tpu.memory_space<vmem>>
        %gather3A_1366 = tpu.memref_squeeze %gather3A_1365 : memref<1x512x32xf32, #tpu.memory_space<vmem>> -> memref<512x32xf32, #tpu.memory_space<vmem>>
        %gather3A_1367 = tpu.vector_load_idx %gather3A_1366[%add3A_1361, %add3A_1024] : memref<512x32xf32, #tpu.memory_space<vmem>>[vector<16xi32>, vector<16xi32>], vector<16xf32>,
        %add3A_1368 = arith.constant 1 : i32
        %add3A_1369 = vector.broadcast %add3A_1368 : i32 to vector<16xi32>
        %add3A_1370 = arith.addi %mul3A_7, %add3A_1369 : vector<16xi32>
        %add3A_1371 = arith.constant 112 : i32
        %add3A_1372 = vector.broadcast %add3A_1371 : i32 to vector<16xi32>
        %add3A_1373 = arith.addi %iota3A, %add3A_1372 : vector<16xi32>
        %scatter3A_1374 = arith.constant 0 : i32
        %scatter3A_1375 = arith.constant 0 : i32
        %scatter3A_1376 = arith.constant 0 : i32
        %scatter3A_1377 = arith.constant 0 : i32
        %scatter3A_1378 = arith.constant 0 : i32
        %scatter3A_1379 = tpu.memref_slice %arg8[%scatter3A_1374, %scatter3A_1375, %scatter3A_1376, %scatter3A_1377, %scatter3A_1378] : memref<2x4x4x8x128xf32, #tpu.memory_space<vmem>> -> memref<1x4x4x8x128xf32, #tpu.memory_space<vmem>>
        %scatter3A_1380 = tpu.memref_squeeze %scatter3A_1379 : memref<1x4x4x8x128xf32, #tpu.memory_space<vmem>> -> memref<4x4x8x128xf32, #tpu.memory_space<vmem>>
        tpu.vector_store_idx %scatter3A_1380[%shift_right_arithmetic3A_1027, %add3A_1370, %and3A_1030, %add3A_1373], %gather3A_1367 : memref<4x4x8x128xf32, #tpu.memory_space<vmem>>[vector<16xi32>, vector<16xi32>, vector<16xi32>, vector<16xi32>], vector<16xf32>,
        %add3A_1381 = arith.constant 256 : i32
        %add3A_1382 = vector.broadcast %add3A_1381 : i32 to vector<16xi32>
        %add3A_1383 = arith.addi %iota3A, %add3A_1382 : vector<16xi32>
        %gather3A_1384 = arith.constant 0 : i32
        %gather3A_1385 = arith.constant 0 : i32
        %gather3A_1386 = arith.constant 0 : i32
        %gather3A_1387 = tpu.memref_slice %arg7[%gather3A_1384, %gather3A_1385, %gather3A_1386] : memref<2x512x32xf32, #tpu.memory_space<vmem>> -> memref<1x512x32xf32, #tpu.memory_space<vmem>>
        %gather3A_1388 = tpu.memref_squeeze %gather3A_1387 : memref<1x512x32xf32, #tpu.memory_space<vmem>> -> memref<512x32xf32, #tpu.memory_space<vmem>>
        %gather3A_1389 = tpu.vector_load_idx %gather3A_1388[%add3A_1383, %add3A_1024] : memref<512x32xf32, #tpu.memory_space<vmem>>[vector<16xi32>, vector<16xi32>], vector<16xf32>,
        %add3A_1390 = arith.constant 2 : i32
        %add3A_1391 = vector.broadcast %add3A_1390 : i32 to vector<16xi32>
        %add3A_1392 = arith.addi %mul3A_7, %add3A_1391 : vector<16xi32>
        %add3A_1393 = arith.constant 0 : i32
        %add3A_1394 = vector.broadcast %add3A_1393 : i32 to vector<16xi32>
        %add3A_1395 = arith.addi %iota3A, %add3A_1394 : vector<16xi32>
        %scatter3A_1396 = arith.constant 0 : i32
        %scatter3A_1397 = arith.constant 0 : i32
        %scatter3A_1398 = arith.constant 0 : i32
        %scatter3A_1399 = arith.constant 0 : i32
        %scatter3A_1400 = arith.constant 0 : i32
        %scatter3A_1401 = tpu.memref_slice %arg8[%scatter3A_1396, %scatter3A_1397, %scatter3A_1398, %scatter3A_1399, %scatter3A_1400] : memref<2x4x4x8x128xf32, #tpu.memory_space<vmem>> -> memref<1x4x4x8x128xf32, #tpu.memory_space<vmem>>
        %scatter3A_1402 = tpu.memref_squeeze %scatter3A_1401 : memref<1x4x4x8x128xf32, #tpu.memory_space<vmem>> -> memref<4x4x8x128xf32, #tpu.memory_space<vmem>>
        tpu.vector_store_idx %scatter3A_1402[%shift_right_arithmetic3A_1027, %add3A_1392, %and3A_1030, %add3A_1395], %gather3A_1389 : memref<4x4x8x128xf32, #tpu.memory_space<vmem>>[vector<16xi32>, vector<16xi32>, vector<16xi32>, vector<16xi32>], vector<16xf32>,
        %add3A_1403 = arith.constant 272 : i32
        %add3A_1404 = vector.broadcast %add3A_1403 : i32 to vector<16xi32>
        %add3A_1405 = arith.addi %iota3A, %add3A_1404 : vector<16xi32>
        %gather3A_1406 = arith.constant 0 : i32
        %gather3A_1407 = arith.constant 0 : i32
        %gather3A_1408 = arith.constant 0 : i32
        %gather3A_1409 = tpu.memref_slice %arg7[%gather3A_1406, %gather3A_1407, %gather3A_1408] : memref<2x512x32xf32, #tpu.memory_space<vmem>> -> memref<1x512x32xf32, #tpu.memory_space<vmem>>
        %gather3A_1410 = tpu.memref_squeeze %gather3A_1409 : memref<1x512x32xf32, #tpu.memory_space<vmem>> -> memref<512x32xf32, #tpu.memory_space<vmem>>
        %gather3A_1411 = tpu.vector_load_idx %gather3A_1410[%add3A_1405, %add3A_1024] : memref<512x32xf32, #tpu.memory_space<vmem>>[vector<16xi32>, vector<16xi32>], vector<16xf32>,
        %add3A_1412 = arith.constant 2 : i32
        %add3A_1413 = vector.broadcast %add3A_1412 : i32 to vector<16xi32>
        %add3A_1414 = arith.addi %mul3A_7, %add3A_1413 : vector<16xi32>
        %add3A_1415 = arith.constant 16 : i32
        %add3A_1416 = vector.broadcast %add3A_1415 : i32 to vector<16xi32>
        %add3A_1417 = arith.addi %iota3A, %add3A_1416 : vector<16xi32>
        %scatter3A_1418 = arith.constant 0 : i32
        %scatter3A_1419 = arith.constant 0 : i32
        %scatter3A_1420 = arith.constant 0 : i32
        %scatter3A_1421 = arith.constant 0 : i32
        %scatter3A_1422 = arith.constant 0 : i32
        %scatter3A_1423 = tpu.memref_slice %arg8[%scatter3A_1418, %scatter3A_1419, %scatter3A_1420, %scatter3A_1421, %scatter3A_1422] : memref<2x4x4x8x128xf32, #tpu.memory_space<vmem>> -> memref<1x4x4x8x128xf32, #tpu.memory_space<vmem>>
        %scatter3A_1424 = tpu.memref_squeeze %scatter3A_1423 : memref<1x4x4x8x128xf32, #tpu.memory_space<vmem>> -> memref<4x4x8x128xf32, #tpu.memory_space<vmem>>
        tpu.vector_store_idx %scatter3A_1424[%shift_right_arithmetic3A_1027, %add3A_1414, %and3A_1030, %add3A_1417], %gather3A_1411 : memref<4x4x8x128xf32, #tpu.memory_space<vmem>>[vector<16xi32>, vector<16xi32>, vector<16xi32>, vector<16xi32>], vector<16xf32>,
        %add3A_1425 = arith.constant 288 : i32
        %add3A_1426 = vector.broadcast %add3A_1425 : i32 to vector<16xi32>
        %add3A_1427 = arith.addi %iota3A, %add3A_1426 : vector<16xi32>
        %gather3A_1428 = arith.constant 0 : i32
        %gather3A_1429 = arith.constant 0 : i32
        %gather3A_1430 = arith.constant 0 : i32
        %gather3A_1431 = tpu.memref_slice %arg7[%gather3A_1428, %gather3A_1429, %gather3A_1430] : memref<2x512x32xf32, #tpu.memory_space<vmem>> -> memref<1x512x32xf32, #tpu.memory_space<vmem>>
        %gather3A_1432 = tpu.memref_squeeze %gather3A_1431 : memref<1x512x32xf32, #tpu.memory_space<vmem>> -> memref<512x32xf32, #tpu.memory_space<vmem>>
        %gather3A_1433 = tpu.vector_load_idx %gather3A_1432[%add3A_1427, %add3A_1024] : memref<512x32xf32, #tpu.memory_space<vmem>>[vector<16xi32>, vector<16xi32>], vector<16xf32>,
        %add3A_1434 = arith.constant 2 : i32
        %add3A_1435 = vector.broadcast %add3A_1434 : i32 to vector<16xi32>
        %add3A_1436 = arith.addi %mul3A_7, %add3A_1435 : vector<16xi32>
        %add3A_1437 = arith.constant 32 : i32
        %add3A_1438 = vector.broadcast %add3A_1437 : i32 to vector<16xi32>
        %add3A_1439 = arith.addi %iota3A, %add3A_1438 : vector<16xi32>
        %scatter3A_1440 = arith.constant 0 : i32
        %scatter3A_1441 = arith.constant 0 : i32
        %scatter3A_1442 = arith.constant 0 : i32
        %scatter3A_1443 = arith.constant 0 : i32
        %scatter3A_1444 = arith.constant 0 : i32
        %scatter3A_1445 = tpu.memref_slice %arg8[%scatter3A_1440, %scatter3A_1441, %scatter3A_1442, %scatter3A_1443, %scatter3A_1444] : memref<2x4x4x8x128xf32, #tpu.memory_space<vmem>> -> memref<1x4x4x8x128xf32, #tpu.memory_space<vmem>>
        %scatter3A_1446 = tpu.memref_squeeze %scatter3A_1445 : memref<1x4x4x8x128xf32, #tpu.memory_space<vmem>> -> memref<4x4x8x128xf32, #tpu.memory_space<vmem>>
        tpu.vector_store_idx %scatter3A_1446[%shift_right_arithmetic3A_1027, %add3A_1436, %and3A_1030, %add3A_1439], %gather3A_1433 : memref<4x4x8x128xf32, #tpu.memory_space<vmem>>[vector<16xi32>, vector<16xi32>, vector<16xi32>, vector<16xi32>], vector<16xf32>,
        %add3A_1447 = arith.constant 304 : i32
        %add3A_1448 = vector.broadcast %add3A_1447 : i32 to vector<16xi32>
        %add3A_1449 = arith.addi %iota3A, %add3A_1448 : vector<16xi32>
        %gather3A_1450 = arith.constant 0 : i32
        %gather3A_1451 = arith.constant 0 : i32
        %gather3A_1452 = arith.constant 0 : i32
        %gather3A_1453 = tpu.memref_slice %arg7[%gather3A_1450, %gather3A_1451, %gather3A_1452] : memref<2x512x32xf32, #tpu.memory_space<vmem>> -> memref<1x512x32xf32, #tpu.memory_space<vmem>>
        %gather3A_1454 = tpu.memref_squeeze %gather3A_1453 : memref<1x512x32xf32, #tpu.memory_space<vmem>> -> memref<512x32xf32, #tpu.memory_space<vmem>>
        %gather3A_1455 = tpu.vector_load_idx %gather3A_1454[%add3A_1449, %add3A_1024] : memref<512x32xf32, #tpu.memory_space<vmem>>[vector<16xi32>, vector<16xi32>], vector<16xf32>,
        %add3A_1456 = arith.constant 2 : i32
        %add3A_1457 = vector.broadcast %add3A_1456 : i32 to vector<16xi32>
        %add3A_1458 = arith.addi %mul3A_7, %add3A_1457 : vector<16xi32>
        %add3A_1459 = arith.constant 48 : i32
        %add3A_1460 = vector.broadcast %add3A_1459 : i32 to vector<16xi32>
        %add3A_1461 = arith.addi %iota3A, %add3A_1460 : vector<16xi32>
        %scatter3A_1462 = arith.constant 0 : i32
        %scatter3A_1463 = arith.constant 0 : i32
        %scatter3A_1464 = arith.constant 0 : i32
        %scatter3A_1465 = arith.constant 0 : i32
        %scatter3A_1466 = arith.constant 0 : i32
        %scatter3A_1467 = tpu.memref_slice %arg8[%scatter3A_1462, %scatter3A_1463, %scatter3A_1464, %scatter3A_1465, %scatter3A_1466] : memref<2x4x4x8x128xf32, #tpu.memory_space<vmem>> -> memref<1x4x4x8x128xf32, #tpu.memory_space<vmem>>
        %scatter3A_1468 = tpu.memref_squeeze %scatter3A_1467 : memref<1x4x4x8x128xf32, #tpu.memory_space<vmem>> -> memref<4x4x8x128xf32, #tpu.memory_space<vmem>>
        tpu.vector_store_idx %scatter3A_1468[%shift_right_arithmetic3A_1027, %add3A_1458, %and3A_1030, %add3A_1461], %gather3A_1455 : memref<4x4x8x128xf32, #tpu.memory_space<vmem>>[vector<16xi32>, vector<16xi32>, vector<16xi32>, vector<16xi32>], vector<16xf32>,
        %add3A_1469 = arith.constant 320 : i32
        %add3A_1470 = vector.broadcast %add3A_1469 : i32 to vector<16xi32>
        %add3A_1471 = arith.addi %iota3A, %add3A_1470 : vector<16xi32>
        %gather3A_1472 = arith.constant 0 : i32
        %gather3A_1473 = arith.constant 0 : i32
        %gather3A_1474 = arith.constant 0 : i32
        %gather3A_1475 = tpu.memref_slice %arg7[%gather3A_1472, %gather3A_1473, %gather3A_1474] : memref<2x512x32xf32, #tpu.memory_space<vmem>> -> memref<1x512x32xf32, #tpu.memory_space<vmem>>
        %gather3A_1476 = tpu.memref_squeeze %gather3A_1475 : memref<1x512x32xf32, #tpu.memory_space<vmem>> -> memref<512x32xf32, #tpu.memory_space<vmem>>
        %gather3A_1477 = tpu.vector_load_idx %gather3A_1476[%add3A_1471, %add3A_1024] : memref<512x32xf32, #tpu.memory_space<vmem>>[vector<16xi32>, vector<16xi32>], vector<16xf32>,
        %add3A_1478 = arith.constant 2 : i32
        %add3A_1479 = vector.broadcast %add3A_1478 : i32 to vector<16xi32>
        %add3A_1480 = arith.addi %mul3A_7, %add3A_1479 : vector<16xi32>
        %add3A_1481 = arith.constant 64 : i32
        %add3A_1482 = vector.broadcast %add3A_1481 : i32 to vector<16xi32>
        %add3A_1483 = arith.addi %iota3A, %add3A_1482 : vector<16xi32>
        %scatter3A_1484 = arith.constant 0 : i32
        %scatter3A_1485 = arith.constant 0 : i32
        %scatter3A_1486 = arith.constant 0 : i32
        %scatter3A_1487 = arith.constant 0 : i32
        %scatter3A_1488 = arith.constant 0 : i32
        %scatter3A_1489 = tpu.memref_slice %arg8[%scatter3A_1484, %scatter3A_1485, %scatter3A_1486, %scatter3A_1487, %scatter3A_1488] : memref<2x4x4x8x128xf32, #tpu.memory_space<vmem>> -> memref<1x4x4x8x128xf32, #tpu.memory_space<vmem>>
        %scatter3A_1490 = tpu.memref_squeeze %scatter3A_1489 : memref<1x4x4x8x128xf32, #tpu.memory_space<vmem>> -> memref<4x4x8x128xf32, #tpu.memory_space<vmem>>
        tpu.vector_store_idx %scatter3A_1490[%shift_right_arithmetic3A_1027, %add3A_1480, %and3A_1030, %add3A_1483], %gather3A_1477 : memref<4x4x8x128xf32, #tpu.memory_space<vmem>>[vector<16xi32>, vector<16xi32>, vector<16xi32>, vector<16xi32>], vector<16xf32>,
        %add3A_1491 = arith.constant 336 : i32
        %add3A_1492 = vector.broadcast %add3A_1491 : i32 to vector<16xi32>
        %add3A_1493 = arith.addi %iota3A, %add3A_1492 : vector<16xi32>
        %gather3A_1494 = arith.constant 0 : i32
        %gather3A_1495 = arith.constant 0 : i32
        %gather3A_1496 = arith.constant 0 : i32
        %gather3A_1497 = tpu.memref_slice %arg7[%gather3A_1494, %gather3A_1495, %gather3A_1496] : memref<2x512x32xf32, #tpu.memory_space<vmem>> -> memref<1x512x32xf32, #tpu.memory_space<vmem>>
        %gather3A_1498 = tpu.memref_squeeze %gather3A_1497 : memref<1x512x32xf32, #tpu.memory_space<vmem>> -> memref<512x32xf32, #tpu.memory_space<vmem>>
        %gather3A_1499 = tpu.vector_load_idx %gather3A_1498[%add3A_1493, %add3A_1024] : memref<512x32xf32, #tpu.memory_space<vmem>>[vector<16xi32>, vector<16xi32>], vector<16xf32>,
        %add3A_1500 = arith.constant 2 : i32
        %add3A_1501 = vector.broadcast %add3A_1500 : i32 to vector<16xi32>
        %add3A_1502 = arith.addi %mul3A_7, %add3A_1501 : vector<16xi32>
        %add3A_1503 = arith.constant 80 : i32
        %add3A_1504 = vector.broadcast %add3A_1503 : i32 to vector<16xi32>
        %add3A_1505 = arith.addi %iota3A, %add3A_1504 : vector<16xi32>
        %scatter3A_1506 = arith.constant 0 : i32
        %scatter3A_1507 = arith.constant 0 : i32
        %scatter3A_1508 = arith.constant 0 : i32
        %scatter3A_1509 = arith.constant 0 : i32
        %scatter3A_1510 = arith.constant 0 : i32
        %scatter3A_1511 = tpu.memref_slice %arg8[%scatter3A_1506, %scatter3A_1507, %scatter3A_1508, %scatter3A_1509, %scatter3A_1510] : memref<2x4x4x8x128xf32, #tpu.memory_space<vmem>> -> memref<1x4x4x8x128xf32, #tpu.memory_space<vmem>>
        %scatter3A_1512 = tpu.memref_squeeze %scatter3A_1511 : memref<1x4x4x8x128xf32, #tpu.memory_space<vmem>> -> memref<4x4x8x128xf32, #tpu.memory_space<vmem>>
        tpu.vector_store_idx %scatter3A_1512[%shift_right_arithmetic3A_1027, %add3A_1502, %and3A_1030, %add3A_1505], %gather3A_1499 : memref<4x4x8x128xf32, #tpu.memory_space<vmem>>[vector<16xi32>, vector<16xi32>, vector<16xi32>, vector<16xi32>], vector<16xf32>,
        %add3A_1513 = arith.constant 352 : i32
        %add3A_1514 = vector.broadcast %add3A_1513 : i32 to vector<16xi32>
        %add3A_1515 = arith.addi %iota3A, %add3A_1514 : vector<16xi32>
        %gather3A_1516 = arith.constant 0 : i32
        %gather3A_1517 = arith.constant 0 : i32
        %gather3A_1518 = arith.constant 0 : i32
        %gather3A_1519 = tpu.memref_slice %arg7[%gather3A_1516, %gather3A_1517, %gather3A_1518] : memref<2x512x32xf32, #tpu.memory_space<vmem>> -> memref<1x512x32xf32, #tpu.memory_space<vmem>>
        %gather3A_1520 = tpu.memref_squeeze %gather3A_1519 : memref<1x512x32xf32, #tpu.memory_space<vmem>> -> memref<512x32xf32, #tpu.memory_space<vmem>>
        %gather3A_1521 = tpu.vector_load_idx %gather3A_1520[%add3A_1515, %add3A_1024] : memref<512x32xf32, #tpu.memory_space<vmem>>[vector<16xi32>, vector<16xi32>], vector<16xf32>,
        %add3A_1522 = arith.constant 2 : i32
        %add3A_1523 = vector.broadcast %add3A_1522 : i32 to vector<16xi32>
        %add3A_1524 = arith.addi %mul3A_7, %add3A_1523 : vector<16xi32>
        %add3A_1525 = arith.constant 96 : i32
        %add3A_1526 = vector.broadcast %add3A_1525 : i32 to vector<16xi32>
        %add3A_1527 = arith.addi %iota3A, %add3A_1526 : vector<16xi32>
        %scatter3A_1528 = arith.constant 0 : i32
        %scatter3A_1529 = arith.constant 0 : i32
        %scatter3A_1530 = arith.constant 0 : i32
        %scatter3A_1531 = arith.constant 0 : i32
        %scatter3A_1532 = arith.constant 0 : i32
        %scatter3A_1533 = tpu.memref_slice %arg8[%scatter3A_1528, %scatter3A_1529, %scatter3A_1530, %scatter3A_1531, %scatter3A_1532] : memref<2x4x4x8x128xf32, #tpu.memory_space<vmem>> -> memref<1x4x4x8x128xf32, #tpu.memory_space<vmem>>
        %scatter3A_1534 = tpu.memref_squeeze %scatter3A_1533 : memref<1x4x4x8x128xf32, #tpu.memory_space<vmem>> -> memref<4x4x8x128xf32, #tpu.memory_space<vmem>>
        tpu.vector_store_idx %scatter3A_1534[%shift_right_arithmetic3A_1027, %add3A_1524, %and3A_1030, %add3A_1527], %gather3A_1521 : memref<4x4x8x128xf32, #tpu.memory_space<vmem>>[vector<16xi32>, vector<16xi32>, vector<16xi32>, vector<16xi32>], vector<16xf32>,
        %add3A_1535 = arith.constant 368 : i32
        %add3A_1536 = vector.broadcast %add3A_1535 : i32 to vector<16xi32>
        %add3A_1537 = arith.addi %iota3A, %add3A_1536 : vector<16xi32>
        %gather3A_1538 = arith.constant 0 : i32
        %gather3A_1539 = arith.constant 0 : i32
        %gather3A_1540 = arith.constant 0 : i32
        %gather3A_1541 = tpu.memref_slice %arg7[%gather3A_1538, %gather3A_1539, %gather3A_1540] : memref<2x512x32xf32, #tpu.memory_space<vmem>> -> memref<1x512x32xf32, #tpu.memory_space<vmem>>
        %gather3A_1542 = tpu.memref_squeeze %gather3A_1541 : memref<1x512x32xf32, #tpu.memory_space<vmem>> -> memref<512x32xf32, #tpu.memory_space<vmem>>
        %gather3A_1543 = tpu.vector_load_idx %gather3A_1542[%add3A_1537, %add3A_1024] : memref<512x32xf32, #tpu.memory_space<vmem>>[vector<16xi32>, vector<16xi32>], vector<16xf32>,
        %add3A_1544 = arith.constant 2 : i32
        %add3A_1545 = vector.broadcast %add3A_1544 : i32 to vector<16xi32>
        %add3A_1546 = arith.addi %mul3A_7, %add3A_1545 : vector<16xi32>
        %add3A_1547 = arith.constant 112 : i32
        %add3A_1548 = vector.broadcast %add3A_1547 : i32 to vector<16xi32>
        %add3A_1549 = arith.addi %iota3A, %add3A_1548 : vector<16xi32>
        %scatter3A_1550 = arith.constant 0 : i32
        %scatter3A_1551 = arith.constant 0 : i32
        %scatter3A_1552 = arith.constant 0 : i32
        %scatter3A_1553 = arith.constant 0 : i32
        %scatter3A_1554 = arith.constant 0 : i32
        %scatter3A_1555 = tpu.memref_slice %arg8[%scatter3A_1550, %scatter3A_1551, %scatter3A_1552, %scatter3A_1553, %scatter3A_1554] : memref<2x4x4x8x128xf32, #tpu.memory_space<vmem>> -> memref<1x4x4x8x128xf32, #tpu.memory_space<vmem>>
        %scatter3A_1556 = tpu.memref_squeeze %scatter3A_1555 : memref<1x4x4x8x128xf32, #tpu.memory_space<vmem>> -> memref<4x4x8x128xf32, #tpu.memory_space<vmem>>
        tpu.vector_store_idx %scatter3A_1556[%shift_right_arithmetic3A_1027, %add3A_1546, %and3A_1030, %add3A_1549], %gather3A_1543 : memref<4x4x8x128xf32, #tpu.memory_space<vmem>>[vector<16xi32>, vector<16xi32>, vector<16xi32>, vector<16xi32>], vector<16xf32>,
        %add3A_1557 = arith.constant 384 : i32
        %add3A_1558 = vector.broadcast %add3A_1557 : i32 to vector<16xi32>
        %add3A_1559 = arith.addi %iota3A, %add3A_1558 : vector<16xi32>
        %gather3A_1560 = arith.constant 0 : i32
        %gather3A_1561 = arith.constant 0 : i32
        %gather3A_1562 = arith.constant 0 : i32
        %gather3A_1563 = tpu.memref_slice %arg7[%gather3A_1560, %gather3A_1561, %gather3A_1562] : memref<2x512x32xf32, #tpu.memory_space<vmem>> -> memref<1x512x32xf32, #tpu.memory_space<vmem>>
        %gather3A_1564 = tpu.memref_squeeze %gather3A_1563 : memref<1x512x32xf32, #tpu.memory_space<vmem>> -> memref<512x32xf32, #tpu.memory_space<vmem>>
        %gather3A_1565 = tpu.vector_load_idx %gather3A_1564[%add3A_1559, %add3A_1024] : memref<512x32xf32, #tpu.memory_space<vmem>>[vector<16xi32>, vector<16xi32>], vector<16xf32>,
        %add3A_1566 = arith.constant 3 : i32
        %add3A_1567 = vector.broadcast %add3A_1566 : i32 to vector<16xi32>
        %add3A_1568 = arith.addi %mul3A_7, %add3A_1567 : vector<16xi32>
        %add3A_1569 = arith.constant 0 : i32
        %add3A_1570 = vector.broadcast %add3A_1569 : i32 to vector<16xi32>
        %add3A_1571 = arith.addi %iota3A, %add3A_1570 : vector<16xi32>
        %scatter3A_1572 = arith.constant 0 : i32
        %scatter3A_1573 = arith.constant 0 : i32
        %scatter3A_1574 = arith.constant 0 : i32
        %scatter3A_1575 = arith.constant 0 : i32
        %scatter3A_1576 = arith.constant 0 : i32
        %scatter3A_1577 = tpu.memref_slice %arg8[%scatter3A_1572, %scatter3A_1573, %scatter3A_1574, %scatter3A_1575, %scatter3A_1576] : memref<2x4x4x8x128xf32, #tpu.memory_space<vmem>> -> memref<1x4x4x8x128xf32, #tpu.memory_space<vmem>>
        %scatter3A_1578 = tpu.memref_squeeze %scatter3A_1577 : memref<1x4x4x8x128xf32, #tpu.memory_space<vmem>> -> memref<4x4x8x128xf32, #tpu.memory_space<vmem>>
        tpu.vector_store_idx %scatter3A_1578[%shift_right_arithmetic3A_1027, %add3A_1568, %and3A_1030, %add3A_1571], %gather3A_1565 : memref<4x4x8x128xf32, #tpu.memory_space<vmem>>[vector<16xi32>, vector<16xi32>, vector<16xi32>, vector<16xi32>], vector<16xf32>,
        %add3A_1579 = arith.constant 400 : i32
        %add3A_1580 = vector.broadcast %add3A_1579 : i32 to vector<16xi32>
        %add3A_1581 = arith.addi %iota3A, %add3A_1580 : vector<16xi32>
        %gather3A_1582 = arith.constant 0 : i32
        %gather3A_1583 = arith.constant 0 : i32
        %gather3A_1584 = arith.constant 0 : i32
        %gather3A_1585 = tpu.memref_slice %arg7[%gather3A_1582, %gather3A_1583, %gather3A_1584] : memref<2x512x32xf32, #tpu.memory_space<vmem>> -> memref<1x512x32xf32, #tpu.memory_space<vmem>>
        %gather3A_1586 = tpu.memref_squeeze %gather3A_1585 : memref<1x512x32xf32, #tpu.memory_space<vmem>> -> memref<512x32xf32, #tpu.memory_space<vmem>>
        %gather3A_1587 = tpu.vector_load_idx %gather3A_1586[%add3A_1581, %add3A_1024] : memref<512x32xf32, #tpu.memory_space<vmem>>[vector<16xi32>, vector<16xi32>], vector<16xf32>,
        %add3A_1588 = arith.constant 3 : i32
        %add3A_1589 = vector.broadcast %add3A_1588 : i32 to vector<16xi32>
        %add3A_1590 = arith.addi %mul3A_7, %add3A_1589 : vector<16xi32>
        %add3A_1591 = arith.constant 16 : i32
        %add3A_1592 = vector.broadcast %add3A_1591 : i32 to vector<16xi32>
        %add3A_1593 = arith.addi %iota3A, %add3A_1592 : vector<16xi32>
        %scatter3A_1594 = arith.constant 0 : i32
        %scatter3A_1595 = arith.constant 0 : i32
        %scatter3A_1596 = arith.constant 0 : i32
        %scatter3A_1597 = arith.constant 0 : i32
        %scatter3A_1598 = arith.constant 0 : i32
        %scatter3A_1599 = tpu.memref_slice %arg8[%scatter3A_1594, %scatter3A_1595, %scatter3A_1596, %scatter3A_1597, %scatter3A_1598] : memref<2x4x4x8x128xf32, #tpu.memory_space<vmem>> -> memref<1x4x4x8x128xf32, #tpu.memory_space<vmem>>
        %scatter3A_1600 = tpu.memref_squeeze %scatter3A_1599 : memref<1x4x4x8x128xf32, #tpu.memory_space<vmem>> -> memref<4x4x8x128xf32, #tpu.memory_space<vmem>>
        tpu.vector_store_idx %scatter3A_1600[%shift_right_arithmetic3A_1027, %add3A_1590, %and3A_1030, %add3A_1593], %gather3A_1587 : memref<4x4x8x128xf32, #tpu.memory_space<vmem>>[vector<16xi32>, vector<16xi32>, vector<16xi32>, vector<16xi32>], vector<16xf32>,
        %add3A_1601 = arith.constant 416 : i32
        %add3A_1602 = vector.broadcast %add3A_1601 : i32 to vector<16xi32>
        %add3A_1603 = arith.addi %iota3A, %add3A_1602 : vector<16xi32>
        %gather3A_1604 = arith.constant 0 : i32
        %gather3A_1605 = arith.constant 0 : i32
        %gather3A_1606 = arith.constant 0 : i32
        %gather3A_1607 = tpu.memref_slice %arg7[%gather3A_1604, %gather3A_1605, %gather3A_1606] : memref<2x512x32xf32, #tpu.memory_space<vmem>> -> memref<1x512x32xf32, #tpu.memory_space<vmem>>
        %gather3A_1608 = tpu.memref_squeeze %gather3A_1607 : memref<1x512x32xf32, #tpu.memory_space<vmem>> -> memref<512x32xf32, #tpu.memory_space<vmem>>
        %gather3A_1609 = tpu.vector_load_idx %gather3A_1608[%add3A_1603, %add3A_1024] : memref<512x32xf32, #tpu.memory_space<vmem>>[vector<16xi32>, vector<16xi32>], vector<16xf32>,
        %add3A_1610 = arith.constant 3 : i32
        %add3A_1611 = vector.broadcast %add3A_1610 : i32 to vector<16xi32>
        %add3A_1612 = arith.addi %mul3A_7, %add3A_1611 : vector<16xi32>
        %add3A_1613 = arith.constant 32 : i32
        %add3A_1614 = vector.broadcast %add3A_1613 : i32 to vector<16xi32>
        %add3A_1615 = arith.addi %iota3A, %add3A_1614 : vector<16xi32>
        %scatter3A_1616 = arith.constant 0 : i32
        %scatter3A_1617 = arith.constant 0 : i32
        %scatter3A_1618 = arith.constant 0 : i32
        %scatter3A_1619 = arith.constant 0 : i32
        %scatter3A_1620 = arith.constant 0 : i32
        %scatter3A_1621 = tpu.memref_slice %arg8[%scatter3A_1616, %scatter3A_1617, %scatter3A_1618, %scatter3A_1619, %scatter3A_1620] : memref<2x4x4x8x128xf32, #tpu.memory_space<vmem>> -> memref<1x4x4x8x128xf32, #tpu.memory_space<vmem>>
        %scatter3A_1622 = tpu.memref_squeeze %scatter3A_1621 : memref<1x4x4x8x128xf32, #tpu.memory_space<vmem>> -> memref<4x4x8x128xf32, #tpu.memory_space<vmem>>
        tpu.vector_store_idx %scatter3A_1622[%shift_right_arithmetic3A_1027, %add3A_1612, %and3A_1030, %add3A_1615], %gather3A_1609 : memref<4x4x8x128xf32, #tpu.memory_space<vmem>>[vector<16xi32>, vector<16xi32>, vector<16xi32>, vector<16xi32>], vector<16xf32>,
        %add3A_1623 = arith.constant 432 : i32
        %add3A_1624 = vector.broadcast %add3A_1623 : i32 to vector<16xi32>
        %add3A_1625 = arith.addi %iota3A, %add3A_1624 : vector<16xi32>
        %gather3A_1626 = arith.constant 0 : i32
        %gather3A_1627 = arith.constant 0 : i32
        %gather3A_1628 = arith.constant 0 : i32
        %gather3A_1629 = tpu.memref_slice %arg7[%gather3A_1626, %gather3A_1627, %gather3A_1628] : memref<2x512x32xf32, #tpu.memory_space<vmem>> -> memref<1x512x32xf32, #tpu.memory_space<vmem>>
        %gather3A_1630 = tpu.memref_squeeze %gather3A_1629 : memref<1x512x32xf32, #tpu.memory_space<vmem>> -> memref<512x32xf32, #tpu.memory_space<vmem>>
        %gather3A_1631 = tpu.vector_load_idx %gather3A_1630[%add3A_1625, %add3A_1024] : memref<512x32xf32, #tpu.memory_space<vmem>>[vector<16xi32>, vector<16xi32>], vector<16xf32>,
        %add3A_1632 = arith.constant 3 : i32
        %add3A_1633 = vector.broadcast %add3A_1632 : i32 to vector<16xi32>
        %add3A_1634 = arith.addi %mul3A_7, %add3A_1633 : vector<16xi32>
        %add3A_1635 = arith.constant 48 : i32
        %add3A_1636 = vector.broadcast %add3A_1635 : i32 to vector<16xi32>
        %add3A_1637 = arith.addi %iota3A, %add3A_1636 : vector<16xi32>
        %scatter3A_1638 = arith.constant 0 : i32
        %scatter3A_1639 = arith.constant 0 : i32
        %scatter3A_1640 = arith.constant 0 : i32
        %scatter3A_1641 = arith.constant 0 : i32
        %scatter3A_1642 = arith.constant 0 : i32
        %scatter3A_1643 = tpu.memref_slice %arg8[%scatter3A_1638, %scatter3A_1639, %scatter3A_1640, %scatter3A_1641, %scatter3A_1642] : memref<2x4x4x8x128xf32, #tpu.memory_space<vmem>> -> memref<1x4x4x8x128xf32, #tpu.memory_space<vmem>>
        %scatter3A_1644 = tpu.memref_squeeze %scatter3A_1643 : memref<1x4x4x8x128xf32, #tpu.memory_space<vmem>> -> memref<4x4x8x128xf32, #tpu.memory_space<vmem>>
        tpu.vector_store_idx %scatter3A_1644[%shift_right_arithmetic3A_1027, %add3A_1634, %and3A_1030, %add3A_1637], %gather3A_1631 : memref<4x4x8x128xf32, #tpu.memory_space<vmem>>[vector<16xi32>, vector<16xi32>, vector<16xi32>, vector<16xi32>], vector<16xf32>,
        %add3A_1645 = arith.constant 448 : i32
        %add3A_1646 = vector.broadcast %add3A_1645 : i32 to vector<16xi32>
        %add3A_1647 = arith.addi %iota3A, %add3A_1646 : vector<16xi32>
        %gather3A_1648 = arith.constant 0 : i32
        %gather3A_1649 = arith.constant 0 : i32
        %gather3A_1650 = arith.constant 0 : i32
        %gather3A_1651 = tpu.memref_slice %arg7[%gather3A_1648, %gather3A_1649, %gather3A_1650] : memref<2x512x32xf32, #tpu.memory_space<vmem>> -> memref<1x512x32xf32, #tpu.memory_space<vmem>>
        %gather3A_1652 = tpu.memref_squeeze %gather3A_1651 : memref<1x512x32xf32, #tpu.memory_space<vmem>> -> memref<512x32xf32, #tpu.memory_space<vmem>>
        %gather3A_1653 = tpu.vector_load_idx %gather3A_1652[%add3A_1647, %add3A_1024] : memref<512x32xf32, #tpu.memory_space<vmem>>[vector<16xi32>, vector<16xi32>], vector<16xf32>,
        %add3A_1654 = arith.constant 3 : i32
        %add3A_1655 = vector.broadcast %add3A_1654 : i32 to vector<16xi32>
        %add3A_1656 = arith.addi %mul3A_7, %add3A_1655 : vector<16xi32>
        %add3A_1657 = arith.constant 64 : i32
        %add3A_1658 = vector.broadcast %add3A_1657 : i32 to vector<16xi32>
        %add3A_1659 = arith.addi %iota3A, %add3A_1658 : vector<16xi32>
        %scatter3A_1660 = arith.constant 0 : i32
        %scatter3A_1661 = arith.constant 0 : i32
        %scatter3A_1662 = arith.constant 0 : i32
        %scatter3A_1663 = arith.constant 0 : i32
        %scatter3A_1664 = arith.constant 0 : i32
        %scatter3A_1665 = tpu.memref_slice %arg8[%scatter3A_1660, %scatter3A_1661, %scatter3A_1662, %scatter3A_1663, %scatter3A_1664] : memref<2x4x4x8x128xf32, #tpu.memory_space<vmem>> -> memref<1x4x4x8x128xf32, #tpu.memory_space<vmem>>
        %scatter3A_1666 = tpu.memref_squeeze %scatter3A_1665 : memref<1x4x4x8x128xf32, #tpu.memory_space<vmem>> -> memref<4x4x8x128xf32, #tpu.memory_space<vmem>>
        tpu.vector_store_idx %scatter3A_1666[%shift_right_arithmetic3A_1027, %add3A_1656, %and3A_1030, %add3A_1659], %gather3A_1653 : memref<4x4x8x128xf32, #tpu.memory_space<vmem>>[vector<16xi32>, vector<16xi32>, vector<16xi32>, vector<16xi32>], vector<16xf32>,
        %add3A_1667 = arith.constant 464 : i32
        %add3A_1668 = vector.broadcast %add3A_1667 : i32 to vector<16xi32>
        %add3A_1669 = arith.addi %iota3A, %add3A_1668 : vector<16xi32>
        %gather3A_1670 = arith.constant 0 : i32
        %gather3A_1671 = arith.constant 0 : i32
        %gather3A_1672 = arith.constant 0 : i32
        %gather3A_1673 = tpu.memref_slice %arg7[%gather3A_1670, %gather3A_1671, %gather3A_1672] : memref<2x512x32xf32, #tpu.memory_space<vmem>> -> memref<1x512x32xf32, #tpu.memory_space<vmem>>
        %gather3A_1674 = tpu.memref_squeeze %gather3A_1673 : memref<1x512x32xf32, #tpu.memory_space<vmem>> -> memref<512x32xf32, #tpu.memory_space<vmem>>
        %gather3A_1675 = tpu.vector_load_idx %gather3A_1674[%add3A_1669, %add3A_1024] : memref<512x32xf32, #tpu.memory_space<vmem>>[vector<16xi32>, vector<16xi32>], vector<16xf32>,
        %add3A_1676 = arith.constant 3 : i32
        %add3A_1677 = vector.broadcast %add3A_1676 : i32 to vector<16xi32>
        %add3A_1678 = arith.addi %mul3A_7, %add3A_1677 : vector<16xi32>
        %add3A_1679 = arith.constant 80 : i32
        %add3A_1680 = vector.broadcast %add3A_1679 : i32 to vector<16xi32>
        %add3A_1681 = arith.addi %iota3A, %add3A_1680 : vector<16xi32>
        %scatter3A_1682 = arith.constant 0 : i32
        %scatter3A_1683 = arith.constant 0 : i32
        %scatter3A_1684 = arith.constant 0 : i32
        %scatter3A_1685 = arith.constant 0 : i32
        %scatter3A_1686 = arith.constant 0 : i32
        %scatter3A_1687 = tpu.memref_slice %arg8[%scatter3A_1682, %scatter3A_1683, %scatter3A_1684, %scatter3A_1685, %scatter3A_1686] : memref<2x4x4x8x128xf32, #tpu.memory_space<vmem>> -> memref<1x4x4x8x128xf32, #tpu.memory_space<vmem>>
        %scatter3A_1688 = tpu.memref_squeeze %scatter3A_1687 : memref<1x4x4x8x128xf32, #tpu.memory_space<vmem>> -> memref<4x4x8x128xf32, #tpu.memory_space<vmem>>
        tpu.vector_store_idx %scatter3A_1688[%shift_right_arithmetic3A_1027, %add3A_1678, %and3A_1030, %add3A_1681], %gather3A_1675 : memref<4x4x8x128xf32, #tpu.memory_space<vmem>>[vector<16xi32>, vector<16xi32>, vector<16xi32>, vector<16xi32>], vector<16xf32>,
        %add3A_1689 = arith.constant 480 : i32
        %add3A_1690 = vector.broadcast %add3A_1689 : i32 to vector<16xi32>
        %add3A_1691 = arith.addi %iota3A, %add3A_1690 : vector<16xi32>
        %gather3A_1692 = arith.constant 0 : i32
        %gather3A_1693 = arith.constant 0 : i32
        %gather3A_1694 = arith.constant 0 : i32
        %gather3A_1695 = tpu.memref_slice %arg7[%gather3A_1692, %gather3A_1693, %gather3A_1694] : memref<2x512x32xf32, #tpu.memory_space<vmem>> -> memref<1x512x32xf32, #tpu.memory_space<vmem>>
        %gather3A_1696 = tpu.memref_squeeze %gather3A_1695 : memref<1x512x32xf32, #tpu.memory_space<vmem>> -> memref<512x32xf32, #tpu.memory_space<vmem>>
        %gather3A_1697 = tpu.vector_load_idx %gather3A_1696[%add3A_1691, %add3A_1024] : memref<512x32xf32, #tpu.memory_space<vmem>>[vector<16xi32>, vector<16xi32>], vector<16xf32>,
        %add3A_1698 = arith.constant 3 : i32
        %add3A_1699 = vector.broadcast %add3A_1698 : i32 to vector<16xi32>
        %add3A_1700 = arith.addi %mul3A_7, %add3A_1699 : vector<16xi32>
        %add3A_1701 = arith.constant 96 : i32
        %add3A_1702 = vector.broadcast %add3A_1701 : i32 to vector<16xi32>
        %add3A_1703 = arith.addi %iota3A, %add3A_1702 : vector<16xi32>
        %scatter3A_1704 = arith.constant 0 : i32
        %scatter3A_1705 = arith.constant 0 : i32
        %scatter3A_1706 = arith.constant 0 : i32
        %scatter3A_1707 = arith.constant 0 : i32
        %scatter3A_1708 = arith.constant 0 : i32
        %scatter3A_1709 = tpu.memref_slice %arg8[%scatter3A_1704, %scatter3A_1705, %scatter3A_1706, %scatter3A_1707, %scatter3A_1708] : memref<2x4x4x8x128xf32, #tpu.memory_space<vmem>> -> memref<1x4x4x8x128xf32, #tpu.memory_space<vmem>>
        %scatter3A_1710 = tpu.memref_squeeze %scatter3A_1709 : memref<1x4x4x8x128xf32, #tpu.memory_space<vmem>> -> memref<4x4x8x128xf32, #tpu.memory_space<vmem>>
        tpu.vector_store_idx %scatter3A_1710[%shift_right_arithmetic3A_1027, %add3A_1700, %and3A_1030, %add3A_1703], %gather3A_1697 : memref<4x4x8x128xf32, #tpu.memory_space<vmem>>[vector<16xi32>, vector<16xi32>, vector<16xi32>, vector<16xi32>], vector<16xf32>,
        %add3A_1711 = arith.constant 496 : i32
        %add3A_1712 = vector.broadcast %add3A_1711 : i32 to vector<16xi32>
        %add3A_1713 = arith.addi %iota3A, %add3A_1712 : vector<16xi32>
        %gather3A_1714 = arith.constant 0 : i32
        %gather3A_1715 = arith.constant 0 : i32
        %gather3A_1716 = arith.constant 0 : i32
        %gather3A_1717 = tpu.memref_slice %arg7[%gather3A_1714, %gather3A_1715, %gather3A_1716] : memref<2x512x32xf32, #tpu.memory_space<vmem>> -> memref<1x512x32xf32, #tpu.memory_space<vmem>>
        %gather3A_1718 = tpu.memref_squeeze %gather3A_1717 : memref<1x512x32xf32, #tpu.memory_space<vmem>> -> memref<512x32xf32, #tpu.memory_space<vmem>>
        %gather3A_1719 = tpu.vector_load_idx %gather3A_1718[%add3A_1713, %add3A_1024] : memref<512x32xf32, #tpu.memory_space<vmem>>[vector<16xi32>, vector<16xi32>], vector<16xf32>,
        %add3A_1720 = arith.constant 3 : i32
        %add3A_1721 = vector.broadcast %add3A_1720 : i32 to vector<16xi32>
        %add3A_1722 = arith.addi %mul3A_7, %add3A_1721 : vector<16xi32>
        %add3A_1723 = arith.constant 112 : i32
        %add3A_1724 = vector.broadcast %add3A_1723 : i32 to vector<16xi32>
        %add3A_1725 = arith.addi %iota3A, %add3A_1724 : vector<16xi32>
        %scatter3A_1726 = arith.constant 0 : i32
        %scatter3A_1727 = arith.constant 0 : i32
        %scatter3A_1728 = arith.constant 0 : i32
        %scatter3A_1729 = arith.constant 0 : i32
        %scatter3A_1730 = arith.constant 0 : i32
        %scatter3A_1731 = tpu.memref_slice %arg8[%scatter3A_1726, %scatter3A_1727, %scatter3A_1728, %scatter3A_1729, %scatter3A_1730] : memref<2x4x4x8x128xf32, #tpu.memory_space<vmem>> -> memref<1x4x4x8x128xf32, #tpu.memory_space<vmem>>
        %scatter3A_1732 = tpu.memref_squeeze %scatter3A_1731 : memref<1x4x4x8x128xf32, #tpu.memory_space<vmem>> -> memref<4x4x8x128xf32, #tpu.memory_space<vmem>>
        tpu.vector_store_idx %scatter3A_1732[%shift_right_arithmetic3A_1027, %add3A_1722, %and3A_1030, %add3A_1725], %gather3A_1719 : memref<4x4x8x128xf32, #tpu.memory_space<vmem>>[vector<16xi32>, vector<16xi32>, vector<16xi32>, vector<16xi32>], vector<16xf32>,
      }
      %scan3A_524 = arith.constant 32 : i32
      %dma_start3A_525 = arith.constant 0 : i32
      %dma_start3A_526 = arith.constant 0 : i32
      %dma_start3A_527 = arith.constant 0 : i32
      %dma_start3A_528 = arith.constant 0 : i32
      %dma_start3A_529 = arith.constant 0 : i32
      %dma_start3A_530 = arith.constant 0 : i32
      %dma_start3A_531 = arith.constant 0 : i32
      %dma_start3A_532 = arith.constant 0 : i32
      %dma_start3A_533 = tpu.memref_slice %arg8[%dma_start3A_525, %dma_start3A_529, %dma_start3A_530, %dma_start3A_531, %dma_start3A_532] : memref<2x4x4x8x128xf32, #tpu.memory_space<vmem>> -> memref<1x4x4x8x128xf32, #tpu.memory_space<vmem>>
      %dma_start3A_534 = tpu.memref_squeeze %dma_start3A_533 : memref<1x4x4x8x128xf32, #tpu.memory_space<vmem>> -> memref<4x4x8x128xf32, #tpu.memory_space<vmem>>
      %dma_start3A_535 = arith.constant 0 : i32
      %dma_start3A_536 = arith.constant 0 : i32
      %dma_start3A_537 = arith.constant 0 : i32
      %dma_start3A_538 = tpu.memref_slice %dma_start3A_534[%dma_start3A_526, %dma_start3A_535, %dma_start3A_536, %dma_start3A_537] : memref<4x4x8x128xf32, #tpu.memory_space<vmem>> -> memref<1x4x8x128xf32, #tpu.memory_space<vmem>>
      %dma_start3A_539 = tpu.memref_squeeze %dma_start3A_538 : memref<1x4x8x128xf32, #tpu.memory_space<vmem>> -> memref<4x8x128xf32, #tpu.memory_space<vmem>>
      %dma_start3A_540 = arith.constant 0 : i32
      %dma_start3A_541 = arith.constant 0 : i32
      %dma_start3A_542 = arith.constant 0 : i32
      %dma_start3A_543 = arith.constant 0 : i32
      %dma_start3A_544 = tpu.memref_slice %arg4[%add3A_503, %dma_start3A_540, %dma_start3A_541, %dma_start3A_542, %dma_start3A_543] : memref<50x4x128x8x128xf32, #tpu.memory_space<hbm>> -> memref<1x4x128x8x128xf32, #tpu.memory_space<hbm>>
      %dma_start3A_545 = tpu.memref_squeeze %dma_start3A_544 : memref<1x4x128x8x128xf32, #tpu.memory_space<hbm>> -> memref<4x128x8x128xf32, #tpu.memory_space<hbm>>
      %dma_start3A_546 = arith.constant 0 : i32
      %dma_start3A_547 = arith.constant 0 : i32
      %dma_start3A_548 = arith.constant 0 : i32
      %dma_start3A_549 = tpu.memref_slice %dma_start3A_545[%dma_start3A_527, %dma_start3A_546, %dma_start3A_547, %dma_start3A_548] : memref<4x128x8x128xf32, #tpu.memory_space<hbm>> -> memref<1x128x8x128xf32, #tpu.memory_space<hbm>>
      %dma_start3A_550 = tpu.memref_squeeze %dma_start3A_549 : memref<1x128x8x128xf32, #tpu.memory_space<hbm>> -> memref<128x8x128xf32, #tpu.memory_space<hbm>>
      %dma_start3A_551 = arith.constant 0 : i32
      %dma_start3A_552 = arith.constant 0 : i32
      %dma_start3A_553 = tpu.memref_slice %dma_start3A_550[%mul3A_4, %dma_start3A_551, %dma_start3A_552] : memref<128x8x128xf32, #tpu.memory_space<hbm>> -> memref<4x8x128xf32, #tpu.memory_space<hbm>>
      %dma_start3A_554 = tpu.memref_slice %arg10[%dma_start3A_528] : memref<2x!tpu.dma_semaphore, #tpu.memory_space<semaphore_mem>> -> memref<1x!tpu.dma_semaphore, #tpu.memory_space<semaphore_mem>>
      %dma_start3A_555 = tpu.memref_squeeze %dma_start3A_554 : memref<1x!tpu.dma_semaphore, #tpu.memory_space<semaphore_mem>> -> memref<!tpu.dma_semaphore, #tpu.memory_space<semaphore_mem>>
      %dma_start3A_556 = arith.constant 0 : i32
      %dma_start3A_557 = arith.constant 0 : i32
      %dma_start3A_558 = arith.constant 0 : i32
      %dma_start3A_559 = arith.constant 0 : i32
      %dma_start3A_560 = tpu.memref_slice %arg4[%add3A_503, %dma_start3A_556, %dma_start3A_557, %dma_start3A_558, %dma_start3A_559] : memref<50x4x128x8x128xf32, #tpu.memory_space<hbm>> -> memref<1x4x128x8x128xf32, #tpu.memory_space<hbm>>
      %dma_start3A_561 = tpu.memref_squeeze %dma_start3A_560 : memref<1x4x128x8x128xf32, #tpu.memory_space<hbm>> -> memref<4x128x8x128xf32, #tpu.memory_space<hbm>>
      %dma_start3A_562 = arith.constant 0 : i32
      %dma_start3A_563 = arith.constant 0 : i32
      %dma_start3A_564 = arith.constant 0 : i32
      %dma_start3A_565 = tpu.memref_slice %dma_start3A_561[%dma_start3A_527, %dma_start3A_562, %dma_start3A_563, %dma_start3A_564] : memref<4x128x8x128xf32, #tpu.memory_space<hbm>> -> memref<1x128x8x128xf32, #tpu.memory_space<hbm>>
      %dma_start3A_566 = tpu.memref_squeeze %dma_start3A_565 : memref<1x128x8x128xf32, #tpu.memory_space<hbm>> -> memref<128x8x128xf32, #tpu.memory_space<hbm>>
      %dma_start3A_567 = arith.constant 0 : i32
      %dma_start3A_568 = arith.constant 0 : i32
      %dma_start3A_569 = tpu.memref_slice %dma_start3A_566[%mul3A_4, %dma_start3A_567, %dma_start3A_568] : memref<128x8x128xf32, #tpu.memory_space<hbm>> -> memref<4x8x128xf32, #tpu.memory_space<hbm>>
      %dma_start3A_570 = arith.constant 0 : i32
      %dma_start3A_571 = arith.constant 0 : i32
      %dma_start3A_572 = arith.constant 0 : i32
      %dma_start3A_573 = arith.constant 0 : i32
      %dma_start3A_574 = tpu.memref_slice %arg8[%dma_start3A_525, %dma_start3A_570, %dma_start3A_571, %dma_start3A_572, %dma_start3A_573] : memref<2x4x4x8x128xf32, #tpu.memory_space<vmem>> -> memref<1x4x4x8x128xf32, #tpu.memory_space<vmem>>
      %dma_start3A_575 = tpu.memref_squeeze %dma_start3A_574 : memref<1x4x4x8x128xf32, #tpu.memory_space<vmem>> -> memref<4x4x8x128xf32, #tpu.memory_space<vmem>>
      %dma_start3A_576 = arith.constant 0 : i32
      %dma_start3A_577 = arith.constant 0 : i32
      %dma_start3A_578 = arith.constant 0 : i32
      %dma_start3A_579 = tpu.memref_slice %dma_start3A_575[%dma_start3A_526, %dma_start3A_576, %dma_start3A_577, %dma_start3A_578] : memref<4x4x8x128xf32, #tpu.memory_space<vmem>> -> memref<1x4x8x128xf32, #tpu.memory_space<vmem>>
      %dma_start3A_580 = tpu.memref_squeeze %dma_start3A_579 : memref<1x4x8x128xf32, #tpu.memory_space<vmem>> -> memref<4x8x128xf32, #tpu.memory_space<vmem>>
      tpu.enqueue_dma source(%dma_start3A_580 : memref<4x8x128xf32, #tpu.memory_space<vmem>>) target(%dma_start3A_569 : memref<4x8x128xf32, #tpu.memory_space<hbm>>) target_semaphore(%dma_start3A_555 : memref<!tpu.dma_semaphore, #tpu.memory_space<semaphore_mem>>)
      %dma_start3A_581 = arith.constant 0 : i32
      %dma_start3A_582 = arith.constant 1 : i32
      %dma_start3A_583 = arith.constant 1 : i32
      %dma_start3A_584 = arith.constant 0 : i32
      %dma_start3A_585 = arith.constant 0 : i32
      %dma_start3A_586 = arith.constant 0 : i32
      %dma_start3A_587 = arith.constant 0 : i32
      %dma_start3A_588 = arith.constant 0 : i32
      %dma_start3A_589 = tpu.memref_slice %arg8[%dma_start3A_581, %dma_start3A_585, %dma_start3A_586, %dma_start3A_587, %dma_start3A_588] : memref<2x4x4x8x128xf32, #tpu.memory_space<vmem>> -> memref<1x4x4x8x128xf32, #tpu.memory_space<vmem>>
      %dma_start3A_590 = tpu.memref_squeeze %dma_start3A_589 : memref<1x4x4x8x128xf32, #tpu.memory_space<vmem>> -> memref<4x4x8x128xf32, #tpu.memory_space<vmem>>
      %dma_start3A_591 = arith.constant 0 : i32
      %dma_start3A_592 = arith.constant 0 : i32
      %dma_start3A_593 = arith.constant 0 : i32
      %dma_start3A_594 = tpu.memref_slice %dma_start3A_590[%dma_start3A_582, %dma_start3A_591, %dma_start3A_592, %dma_start3A_593] : memref<4x4x8x128xf32, #tpu.memory_space<vmem>> -> memref<1x4x8x128xf32, #tpu.memory_space<vmem>>
      %dma_start3A_595 = tpu.memref_squeeze %dma_start3A_594 : memref<1x4x8x128xf32, #tpu.memory_space<vmem>> -> memref<4x8x128xf32, #tpu.memory_space<vmem>>
      %dma_start3A_596 = arith.constant 0 : i32
      %dma_start3A_597 = arith.constant 0 : i32
      %dma_start3A_598 = arith.constant 0 : i32
      %dma_start3A_599 = arith.constant 0 : i32
      %dma_start3A_600 = tpu.memref_slice %arg4[%add3A_503, %dma_start3A_596, %dma_start3A_597, %dma_start3A_598, %dma_start3A_599] : memref<50x4x128x8x128xf32, #tpu.memory_space<hbm>> -> memref<1x4x128x8x128xf32, #tpu.memory_space<hbm>>
      %dma_start3A_601 = tpu.memref_squeeze %dma_start3A_600 : memref<1x4x128x8x128xf32, #tpu.memory_space<hbm>> -> memref<4x128x8x128xf32, #tpu.memory_space<hbm>>
      %dma_start3A_602 = arith.constant 0 : i32
      %dma_start3A_603 = arith.constant 0 : i32
      %dma_start3A_604 = arith.constant 0 : i32
      %dma_start3A_605 = tpu.memref_slice %dma_start3A_601[%dma_start3A_583, %dma_start3A_602, %dma_start3A_603, %dma_start3A_604] : memref<4x128x8x128xf32, #tpu.memory_space<hbm>> -> memref<1x128x8x128xf32, #tpu.memory_space<hbm>>
      %dma_start3A_606 = tpu.memref_squeeze %dma_start3A_605 : memref<1x128x8x128xf32, #tpu.memory_space<hbm>> -> memref<128x8x128xf32, #tpu.memory_space<hbm>>
      %dma_start3A_607 = arith.constant 0 : i32
      %dma_start3A_608 = arith.constant 0 : i32
      %dma_start3A_609 = tpu.memref_slice %dma_start3A_606[%mul3A_4, %dma_start3A_607, %dma_start3A_608] : memref<128x8x128xf32, #tpu.memory_space<hbm>> -> memref<4x8x128xf32, #tpu.memory_space<hbm>>
      %dma_start3A_610 = tpu.memref_slice %arg10[%dma_start3A_584] : memref<2x!tpu.dma_semaphore, #tpu.memory_space<semaphore_mem>> -> memref<1x!tpu.dma_semaphore, #tpu.memory_space<semaphore_mem>>
      %dma_start3A_611 = tpu.memref_squeeze %dma_start3A_610 : memref<1x!tpu.dma_semaphore, #tpu.memory_space<semaphore_mem>> -> memref<!tpu.dma_semaphore, #tpu.memory_space<semaphore_mem>>
      %dma_start3A_612 = arith.constant 0 : i32
      %dma_start3A_613 = arith.constant 0 : i32
      %dma_start3A_614 = arith.constant 0 : i32
      %dma_start3A_615 = arith.constant 0 : i32
      %dma_start3A_616 = tpu.memref_slice %arg4[%add3A_503, %dma_start3A_612, %dma_start3A_613, %dma_start3A_614, %dma_start3A_615] : memref<50x4x128x8x128xf32, #tpu.memory_space<hbm>> -> memref<1x4x128x8x128xf32, #tpu.memory_space<hbm>>
      %dma_start3A_617 = tpu.memref_squeeze %dma_start3A_616 : memref<1x4x128x8x128xf32, #tpu.memory_space<hbm>> -> memref<4x128x8x128xf32, #tpu.memory_space<hbm>>
      %dma_start3A_618 = arith.constant 0 : i32
      %dma_start3A_619 = arith.constant 0 : i32
      %dma_start3A_620 = arith.constant 0 : i32
      %dma_start3A_621 = tpu.memref_slice %dma_start3A_617[%dma_start3A_583, %dma_start3A_618, %dma_start3A_619, %dma_start3A_620] : memref<4x128x8x128xf32, #tpu.memory_space<hbm>> -> memref<1x128x8x128xf32, #tpu.memory_space<hbm>>
      %dma_start3A_622 = tpu.memref_squeeze %dma_start3A_621 : memref<1x128x8x128xf32, #tpu.memory_space<hbm>> -> memref<128x8x128xf32, #tpu.memory_space<hbm>>
      %dma_start3A_623 = arith.constant 0 : i32
      %dma_start3A_624 = arith.constant 0 : i32
      %dma_start3A_625 = tpu.memref_slice %dma_start3A_622[%mul3A_4, %dma_start3A_623, %dma_start3A_624] : memref<128x8x128xf32, #tpu.memory_space<hbm>> -> memref<4x8x128xf32, #tpu.memory_space<hbm>>
      %dma_start3A_626 = arith.constant 0 : i32
      %dma_start3A_627 = arith.constant 0 : i32
      %dma_start3A_628 = arith.constant 0 : i32
      %dma_start3A_629 = arith.constant 0 : i32
      %dma_start3A_630 = tpu.memref_slice %arg8[%dma_start3A_581, %dma_start3A_626, %dma_start3A_627, %dma_start3A_628, %dma_start3A_629] : memref<2x4x4x8x128xf32, #tpu.memory_space<vmem>> -> memref<1x4x4x8x128xf32, #tpu.memory_space<vmem>>
      %dma_start3A_631 = tpu.memref_squeeze %dma_start3A_630 : memref<1x4x4x8x128xf32, #tpu.memory_space<vmem>> -> memref<4x4x8x128xf32, #tpu.memory_space<vmem>>
      %dma_start3A_632 = arith.constant 0 : i32
      %dma_start3A_633 = arith.constant 0 : i32
      %dma_start3A_634 = arith.constant 0 : i32
      %dma_start3A_635 = tpu.memref_slice %dma_start3A_631[%dma_start3A_582, %dma_start3A_632, %dma_start3A_633, %dma_start3A_634] : memref<4x4x8x128xf32, #tpu.memory_space<vmem>> -> memref<1x4x8x128xf32, #tpu.memory_space<vmem>>
      %dma_start3A_636 = tpu.memref_squeeze %dma_start3A_635 : memref<1x4x8x128xf32, #tpu.memory_space<vmem>> -> memref<4x8x128xf32, #tpu.memory_space<vmem>>
      tpu.enqueue_dma source(%dma_start3A_636 : memref<4x8x128xf32, #tpu.memory_space<vmem>>) target(%dma_start3A_625 : memref<4x8x128xf32, #tpu.memory_space<hbm>>) target_semaphore(%dma_start3A_611 : memref<!tpu.dma_semaphore, #tpu.memory_space<semaphore_mem>>)
      %dma_start3A_637 = arith.constant 0 : i32
      %dma_start3A_638 = arith.constant 2 : i32
      %dma_start3A_639 = arith.constant 2 : i32
      %dma_start3A_640 = arith.constant 0 : i32
      %dma_start3A_641 = arith.constant 0 : i32
      %dma_start3A_642 = arith.constant 0 : i32
      %dma_start3A_643 = arith.constant 0 : i32
      %dma_start3A_644 = arith.constant 0 : i32
      %dma_start3A_645 = tpu.memref_slice %arg8[%dma_start3A_637, %dma_start3A_641, %dma_start3A_642, %dma_start3A_643, %dma_start3A_644] : memref<2x4x4x8x128xf32, #tpu.memory_space<vmem>> -> memref<1x4x4x8x128xf32, #tpu.memory_space<vmem>>
      %dma_start3A_646 = tpu.memref_squeeze %dma_start3A_645 : memref<1x4x4x8x128xf32, #tpu.memory_space<vmem>> -> memref<4x4x8x128xf32, #tpu.memory_space<vmem>>
      %dma_start3A_647 = arith.constant 0 : i32
      %dma_start3A_648 = arith.constant 0 : i32
      %dma_start3A_649 = arith.constant 0 : i32
      %dma_start3A_650 = tpu.memref_slice %dma_start3A_646[%dma_start3A_638, %dma_start3A_647, %dma_start3A_648, %dma_start3A_649] : memref<4x4x8x128xf32, #tpu.memory_space<vmem>> -> memref<1x4x8x128xf32, #tpu.memory_space<vmem>>
      %dma_start3A_651 = tpu.memref_squeeze %dma_start3A_650 : memref<1x4x8x128xf32, #tpu.memory_space<vmem>> -> memref<4x8x128xf32, #tpu.memory_space<vmem>>
      %dma_start3A_652 = arith.constant 0 : i32
      %dma_start3A_653 = arith.constant 0 : i32
      %dma_start3A_654 = arith.constant 0 : i32
      %dma_start3A_655 = arith.constant 0 : i32
      %dma_start3A_656 = tpu.memref_slice %arg4[%add3A_503, %dma_start3A_652, %dma_start3A_653, %dma_start3A_654, %dma_start3A_655] : memref<50x4x128x8x128xf32, #tpu.memory_space<hbm>> -> memref<1x4x128x8x128xf32, #tpu.memory_space<hbm>>
      %dma_start3A_657 = tpu.memref_squeeze %dma_start3A_656 : memref<1x4x128x8x128xf32, #tpu.memory_space<hbm>> -> memref<4x128x8x128xf32, #tpu.memory_space<hbm>>
      %dma_start3A_658 = arith.constant 0 : i32
      %dma_start3A_659 = arith.constant 0 : i32
      %dma_start3A_660 = arith.constant 0 : i32
      %dma_start3A_661 = tpu.memref_slice %dma_start3A_657[%dma_start3A_639, %dma_start3A_658, %dma_start3A_659, %dma_start3A_660] : memref<4x128x8x128xf32, #tpu.memory_space<hbm>> -> memref<1x128x8x128xf32, #tpu.memory_space<hbm>>
      %dma_start3A_662 = tpu.memref_squeeze %dma_start3A_661 : memref<1x128x8x128xf32, #tpu.memory_space<hbm>> -> memref<128x8x128xf32, #tpu.memory_space<hbm>>
      %dma_start3A_663 = arith.constant 0 : i32
      %dma_start3A_664 = arith.constant 0 : i32
      %dma_start3A_665 = tpu.memref_slice %dma_start3A_662[%mul3A_4, %dma_start3A_663, %dma_start3A_664] : memref<128x8x128xf32, #tpu.memory_space<hbm>> -> memref<4x8x128xf32, #tpu.memory_space<hbm>>
      %dma_start3A_666 = tpu.memref_slice %arg10[%dma_start3A_640] : memref<2x!tpu.dma_semaphore, #tpu.memory_space<semaphore_mem>> -> memref<1x!tpu.dma_semaphore, #tpu.memory_space<semaphore_mem>>
      %dma_start3A_667 = tpu.memref_squeeze %dma_start3A_666 : memref<1x!tpu.dma_semaphore, #tpu.memory_space<semaphore_mem>> -> memref<!tpu.dma_semaphore, #tpu.memory_space<semaphore_mem>>
      %dma_start3A_668 = arith.constant 0 : i32
      %dma_start3A_669 = arith.constant 0 : i32
      %dma_start3A_670 = arith.constant 0 : i32
      %dma_start3A_671 = arith.constant 0 : i32
      %dma_start3A_672 = tpu.memref_slice %arg4[%add3A_503, %dma_start3A_668, %dma_start3A_669, %dma_start3A_670, %dma_start3A_671] : memref<50x4x128x8x128xf32, #tpu.memory_space<hbm>> -> memref<1x4x128x8x128xf32, #tpu.memory_space<hbm>>
      %dma_start3A_673 = tpu.memref_squeeze %dma_start3A_672 : memref<1x4x128x8x128xf32, #tpu.memory_space<hbm>> -> memref<4x128x8x128xf32, #tpu.memory_space<hbm>>
      %dma_start3A_674 = arith.constant 0 : i32
      %dma_start3A_675 = arith.constant 0 : i32
      %dma_start3A_676 = arith.constant 0 : i32
      %dma_start3A_677 = tpu.memref_slice %dma_start3A_673[%dma_start3A_639, %dma_start3A_674, %dma_start3A_675, %dma_start3A_676] : memref<4x128x8x128xf32, #tpu.memory_space<hbm>> -> memref<1x128x8x128xf32, #tpu.memory_space<hbm>>
      %dma_start3A_678 = tpu.memref_squeeze %dma_start3A_677 : memref<1x128x8x128xf32, #tpu.memory_space<hbm>> -> memref<128x8x128xf32, #tpu.memory_space<hbm>>
      %dma_start3A_679 = arith.constant 0 : i32
      %dma_start3A_680 = arith.constant 0 : i32
      %dma_start3A_681 = tpu.memref_slice %dma_start3A_678[%mul3A_4, %dma_start3A_679, %dma_start3A_680] : memref<128x8x128xf32, #tpu.memory_space<hbm>> -> memref<4x8x128xf32, #tpu.memory_space<hbm>>
      %dma_start3A_682 = arith.constant 0 : i32
      %dma_start3A_683 = arith.constant 0 : i32
      %dma_start3A_684 = arith.constant 0 : i32
      %dma_start3A_685 = arith.constant 0 : i32
      %dma_start3A_686 = tpu.memref_slice %arg8[%dma_start3A_637, %dma_start3A_682, %dma_start3A_683, %dma_start3A_684, %dma_start3A_685] : memref<2x4x4x8x128xf32, #tpu.memory_space<vmem>> -> memref<1x4x4x8x128xf32, #tpu.memory_space<vmem>>
      %dma_start3A_687 = tpu.memref_squeeze %dma_start3A_686 : memref<1x4x4x8x128xf32, #tpu.memory_space<vmem>> -> memref<4x4x8x128xf32, #tpu.memory_space<vmem>>
      %dma_start3A_688 = arith.constant 0 : i32
      %dma_start3A_689 = arith.constant 0 : i32
      %dma_start3A_690 = arith.constant 0 : i32
      %dma_start3A_691 = tpu.memref_slice %dma_start3A_687[%dma_start3A_638, %dma_start3A_688, %dma_start3A_689, %dma_start3A_690] : memref<4x4x8x128xf32, #tpu.memory_space<vmem>> -> memref<1x4x8x128xf32, #tpu.memory_space<vmem>>
      %dma_start3A_692 = tpu.memref_squeeze %dma_start3A_691 : memref<1x4x8x128xf32, #tpu.memory_space<vmem>> -> memref<4x8x128xf32, #tpu.memory_space<vmem>>
      tpu.enqueue_dma source(%dma_start3A_692 : memref<4x8x128xf32, #tpu.memory_space<vmem>>) target(%dma_start3A_681 : memref<4x8x128xf32, #tpu.memory_space<hbm>>) target_semaphore(%dma_start3A_667 : memref<!tpu.dma_semaphore, #tpu.memory_space<semaphore_mem>>)
      %dma_start3A_693 = arith.constant 0 : i32
      %dma_start3A_694 = arith.constant 3 : i32
      %dma_start3A_695 = arith.constant 3 : i32
      %dma_start3A_696 = arith.constant 0 : i32
      %dma_start3A_697 = arith.constant 0 : i32
      %dma_start3A_698 = arith.constant 0 : i32
      %dma_start3A_699 = arith.constant 0 : i32
      %dma_start3A_700 = arith.constant 0 : i32
      %dma_start3A_701 = tpu.memref_slice %arg8[%dma_start3A_693, %dma_start3A_697, %dma_start3A_698, %dma_start3A_699, %dma_start3A_700] : memref<2x4x4x8x128xf32, #tpu.memory_space<vmem>> -> memref<1x4x4x8x128xf32, #tpu.memory_space<vmem>>
      %dma_start3A_702 = tpu.memref_squeeze %dma_start3A_701 : memref<1x4x4x8x128xf32, #tpu.memory_space<vmem>> -> memref<4x4x8x128xf32, #tpu.memory_space<vmem>>
      %dma_start3A_703 = arith.constant 0 : i32
      %dma_start3A_704 = arith.constant 0 : i32
      %dma_start3A_705 = arith.constant 0 : i32
      %dma_start3A_706 = tpu.memref_slice %dma_start3A_702[%dma_start3A_694, %dma_start3A_703, %dma_start3A_704, %dma_start3A_705] : memref<4x4x8x128xf32, #tpu.memory_space<vmem>> -> memref<1x4x8x128xf32, #tpu.memory_space<vmem>>
      %dma_start3A_707 = tpu.memref_squeeze %dma_start3A_706 : memref<1x4x8x128xf32, #tpu.memory_space<vmem>> -> memref<4x8x128xf32, #tpu.memory_space<vmem>>
      %dma_start3A_708 = arith.constant 0 : i32
      %dma_start3A_709 = arith.constant 0 : i32
      %dma_start3A_710 = arith.constant 0 : i32
      %dma_start3A_711 = arith.constant 0 : i32
      %dma_start3A_712 = tpu.memref_slice %arg4[%add3A_503, %dma_start3A_708, %dma_start3A_709, %dma_start3A_710, %dma_start3A_711] : memref<50x4x128x8x128xf32, #tpu.memory_space<hbm>> -> memref<1x4x128x8x128xf32, #tpu.memory_space<hbm>>
      %dma_start3A_713 = tpu.memref_squeeze %dma_start3A_712 : memref<1x4x128x8x128xf32, #tpu.memory_space<hbm>> -> memref<4x128x8x128xf32, #tpu.memory_space<hbm>>
      %dma_start3A_714 = arith.constant 0 : i32
      %dma_start3A_715 = arith.constant 0 : i32
      %dma_start3A_716 = arith.constant 0 : i32
      %dma_start3A_717 = tpu.memref_slice %dma_start3A_713[%dma_start3A_695, %dma_start3A_714, %dma_start3A_715, %dma_start3A_716] : memref<4x128x8x128xf32, #tpu.memory_space<hbm>> -> memref<1x128x8x128xf32, #tpu.memory_space<hbm>>
      %dma_start3A_718 = tpu.memref_squeeze %dma_start3A_717 : memref<1x128x8x128xf32, #tpu.memory_space<hbm>> -> memref<128x8x128xf32, #tpu.memory_space<hbm>>
      %dma_start3A_719 = arith.constant 0 : i32
      %dma_start3A_720 = arith.constant 0 : i32
      %dma_start3A_721 = tpu.memref_slice %dma_start3A_718[%mul3A_4, %dma_start3A_719, %dma_start3A_720] : memref<128x8x128xf32, #tpu.memory_space<hbm>> -> memref<4x8x128xf32, #tpu.memory_space<hbm>>
      %dma_start3A_722 = tpu.memref_slice %arg10[%dma_start3A_696] : memref<2x!tpu.dma_semaphore, #tpu.memory_space<semaphore_mem>> -> memref<1x!tpu.dma_semaphore, #tpu.memory_space<semaphore_mem>>
      %dma_start3A_723 = tpu.memref_squeeze %dma_start3A_722 : memref<1x!tpu.dma_semaphore, #tpu.memory_space<semaphore_mem>> -> memref<!tpu.dma_semaphore, #tpu.memory_space<semaphore_mem>>
      %dma_start3A_724 = arith.constant 0 : i32
      %dma_start3A_725 = arith.constant 0 : i32
      %dma_start3A_726 = arith.constant 0 : i32
      %dma_start3A_727 = arith.constant 0 : i32
      %dma_start3A_728 = tpu.memref_slice %arg4[%add3A_503, %dma_start3A_724, %dma_start3A_725, %dma_start3A_726, %dma_start3A_727] : memref<50x4x128x8x128xf32, #tpu.memory_space<hbm>> -> memref<1x4x128x8x128xf32, #tpu.memory_space<hbm>>
      %dma_start3A_729 = tpu.memref_squeeze %dma_start3A_728 : memref<1x4x128x8x128xf32, #tpu.memory_space<hbm>> -> memref<4x128x8x128xf32, #tpu.memory_space<hbm>>
      %dma_start3A_730 = arith.constant 0 : i32
      %dma_start3A_731 = arith.constant 0 : i32
      %dma_start3A_732 = arith.constant 0 : i32
      %dma_start3A_733 = tpu.memref_slice %dma_start3A_729[%dma_start3A_695, %dma_start3A_730, %dma_start3A_731, %dma_start3A_732] : memref<4x128x8x128xf32, #tpu.memory_space<hbm>> -> memref<1x128x8x128xf32, #tpu.memory_space<hbm>>
      %dma_start3A_734 = tpu.memref_squeeze %dma_start3A_733 : memref<1x128x8x128xf32, #tpu.memory_space<hbm>> -> memref<128x8x128xf32, #tpu.memory_space<hbm>>
      %dma_start3A_735 = arith.constant 0 : i32
      %dma_start3A_736 = arith.constant 0 : i32
      %dma_start3A_737 = tpu.memref_slice %dma_start3A_734[%mul3A_4, %dma_start3A_735, %dma_start3A_736] : memref<128x8x128xf32, #tpu.memory_space<hbm>> -> memref<4x8x128xf32, #tpu.memory_space<hbm>>
      %dma_start3A_738 = arith.constant 0 : i32
      %dma_start3A_739 = arith.constant 0 : i32
      %dma_start3A_740 = arith.constant 0 : i32
      %dma_start3A_741 = arith.constant 0 : i32
      %dma_start3A_742 = tpu.memref_slice %arg8[%dma_start3A_693, %dma_start3A_738, %dma_start3A_739, %dma_start3A_740, %dma_start3A_741] : memref<2x4x4x8x128xf32, #tpu.memory_space<vmem>> -> memref<1x4x4x8x128xf32, #tpu.memory_space<vmem>>
      %dma_start3A_743 = tpu.memref_squeeze %dma_start3A_742 : memref<1x4x4x8x128xf32, #tpu.memory_space<vmem>> -> memref<4x4x8x128xf32, #tpu.memory_space<vmem>>
      %dma_start3A_744 = arith.constant 0 : i32
      %dma_start3A_745 = arith.constant 0 : i32
      %dma_start3A_746 = arith.constant 0 : i32
      %dma_start3A_747 = tpu.memref_slice %dma_start3A_743[%dma_start3A_694, %dma_start3A_744, %dma_start3A_745, %dma_start3A_746] : memref<4x4x8x128xf32, #tpu.memory_space<vmem>> -> memref<1x4x8x128xf32, #tpu.memory_space<vmem>>
      %dma_start3A_748 = tpu.memref_squeeze %dma_start3A_747 : memref<1x4x8x128xf32, #tpu.memory_space<vmem>> -> memref<4x8x128xf32, #tpu.memory_space<vmem>>
      tpu.enqueue_dma source(%dma_start3A_748 : memref<4x8x128xf32, #tpu.memory_space<vmem>>) target(%dma_start3A_737 : memref<4x8x128xf32, #tpu.memory_space<hbm>>) target_semaphore(%dma_start3A_723 : memref<!tpu.dma_semaphore, #tpu.memory_space<semaphore_mem>>)
      %add3A_749 = arith.constant 2 : i32
      %add3A_750 = arith.addi %add3A_503, %add3A_749 : i32
      %lt3A = arith.constant 50 : i32
      %lt3A_751 = arith.cmpi slt, %add3A_750, %lt3A : i32
      %convert_element_type3A_752 = arith.extui %lt3A_751 : i1 to i32
      %cond3A_753 = arith.constant 0 : i32
      %cond3A_754 = arith.cmpi ne, %convert_element_type3A_752, %cond3A_753 : i32
      scf.if %cond3A_754 {
        %add3A_1012 = arith.constant 2 : i32
        %add3A_1013 = arith.addi %add3A_503, %add3A_1012 : i32
        %mul3A_1014 = arith.constant 512 : i32
        %mul3A_1015 = arith.muli %add3A_1013, %mul3A_1014 : i32
        %dma_start3A_1016 = arith.constant 0 : i32
        %dma_start3A_1017 = arith.constant 0 : i32
        %dma_start3A_1018 = arith.constant 0 : i32
        %dma_start3A_1019 = arith.constant 0 : i32
        %dma_start3A_1020 = tpu.memref_slice %arg7[%dma_start3A_1016, %dma_start3A_1018, %dma_start3A_1019] : memref<2x512x32xf32, #tpu.memory_space<vmem>> -> memref<1x512x32xf32, #tpu.memory_space<vmem>>
        %dma_start3A_1021 = tpu.memref_squeeze %dma_start3A_1020 : memref<1x512x32xf32, #tpu.memory_space<vmem>> -> memref<512x32xf32, #tpu.memory_space<vmem>>
        %dma_start3A_1022 = tpu.memref_slice %arg6[%mul3A_1015] : memref<25600xi32, #tpu.memory_space<vmem>> -> memref<512xi32, #tpu.memory_space<vmem>>
        %dma_start3A_1023 = arith.constant 0 : i32
        %dma_start3A_1024 = arith.constant 0 : i32
        %dma_start3A_1025 = tpu.memref_slice %arg3[%dma_start3A_1023, %dma_start3A_1024] : memref<1000000x32xf32, #tpu.memory_space<hbm>> -> memref<1000000x32xf32, #tpu.memory_space<hbm>>
        %dma_start3A_1026 = tpu.memref_slice %arg9[%dma_start3A_1017] : memref<2x!tpu.dma_semaphore, #tpu.memory_space<semaphore_mem>> -> memref<1x!tpu.dma_semaphore, #tpu.memory_space<semaphore_mem>>
        %dma_start3A_1027 = tpu.memref_squeeze %dma_start3A_1026 : memref<1x!tpu.dma_semaphore, #tpu.memory_space<semaphore_mem>> -> memref<!tpu.dma_semaphore, #tpu.memory_space<semaphore_mem>>
        tpu.enqueue_indirect_dma source(%dma_start3A_1025 : memref<1000000x32xf32, #tpu.memory_space<hbm>>) target(%dma_start3A_1021 : memref<512x32xf32, #tpu.memory_space<vmem>>) offsets(%dma_start3A_1022 : memref<512xi32, #tpu.memory_space<vmem>>) semaphore(%dma_start3A_1027 : memref<!tpu.dma_semaphore, #tpu.memory_space<semaphore_mem>>)
      } else {
      }
      %add3A_755 = arith.constant 1 : i32
      %add3A_756 = arith.addi %add3A_501, %add3A_755 : i32
      %mul3A_757 = arith.constant 512 : i32
      %mul3A_758 = arith.muli %add3A_756, %mul3A_757 : i32
      %dma_wait3A_759 = arith.constant 1 : i32
      %dma_wait3A_760 = arith.constant 1 : i32
      %dma_wait3A_761 = arith.constant 0 : i32
      %dma_wait3A_762 = arith.constant 0 : i32
      %dma_wait3A_763 = tpu.memref_slice %arg7[%dma_wait3A_759, %dma_wait3A_761, %dma_wait3A_762] : memref<2x512x32xf32, #tpu.memory_space<vmem>> -> memref<1x512x32xf32, #tpu.memory_space<vmem>>
      %dma_wait3A_764 = tpu.memref_squeeze %dma_wait3A_763 : memref<1x512x32xf32, #tpu.memory_space<vmem>> -> memref<512x32xf32, #tpu.memory_space<vmem>>
      %dma_wait3A_765 = tpu.memref_slice %arg6[%mul3A_758] : memref<25600xi32, #tpu.memory_space<vmem>> -> memref<512xi32, #tpu.memory_space<vmem>>
      %dma_wait3A_766 = arith.constant 0 : i32
      %dma_wait3A_767 = arith.constant 0 : i32
      %dma_wait3A_768 = tpu.memref_slice %arg3[%dma_wait3A_766, %dma_wait3A_767] : memref<1000000x32xf32, #tpu.memory_space<hbm>> -> memref<1000000x32xf32, #tpu.memory_space<hbm>>
      %dma_wait3A_769 = tpu.memref_slice %arg9[%dma_wait3A_760] : memref<2x!tpu.dma_semaphore, #tpu.memory_space<semaphore_mem>> -> memref<1x!tpu.dma_semaphore, #tpu.memory_space<semaphore_mem>>
      %dma_wait3A_770 = tpu.memref_squeeze %dma_wait3A_769 : memref<1x!tpu.dma_semaphore, #tpu.memory_space<semaphore_mem>> -> memref<!tpu.dma_semaphore, #tpu.memory_space<semaphore_mem>>
      tpu.wait_indirect_dma semaphore(%dma_wait3A_770 : memref<!tpu.dma_semaphore, #tpu.memory_space<semaphore_mem>>) src(%dma_wait3A_768 : memref<1000000x32xf32, #tpu.memory_space<hbm>>) dst(%dma_wait3A_764 : memref<512x32xf32, #tpu.memory_space<vmem>>)
      %ge3A_771 = arith.constant 2 : i32
      %ge3A_772 = arith.cmpi sge, %add3A_756, %ge3A_771 : i32
      %convert_element_type3A_773 = arith.extui %ge3A_772 : i1 to i32
      %cond3A_774 = arith.constant 0 : i32
      %cond3A_775 = arith.cmpi ne, %convert_element_type3A_773, %cond3A_774 : i32
      scf.if %cond3A_775 {
        %dma_wait3A_1012 = arith.constant 1 : i32
        %dma_wait3A_1013 = arith.constant 0 : i32
        %dma_wait3A_1014 = arith.constant 0 : i32
        %dma_wait3A_1015 = arith.constant 1 : i32
        %dma_wait3A_1016 = arith.constant 0 : i32
        %dma_wait3A_1017 = arith.constant 0 : i32
        %dma_wait3A_1018 = arith.constant 0 : i32
        %dma_wait3A_1019 = arith.constant 0 : i32
        %dma_wait3A_1020 = tpu.memref_slice %arg8[%dma_wait3A_1012, %dma_wait3A_1016, %dma_wait3A_1017, %dma_wait3A_1018, %dma_wait3A_1019] : memref<2x4x4x8x128xf32, #tpu.memory_space<vmem>> -> memref<1x4x4x8x128xf32, #tpu.memory_space<vmem>>
        %dma_wait3A_1021 = tpu.memref_squeeze %dma_wait3A_1020 : memref<1x4x4x8x128xf32, #tpu.memory_space<vmem>> -> memref<4x4x8x128xf32, #tpu.memory_space<vmem>>
        %dma_wait3A_1022 = arith.constant 0 : i32
        %dma_wait3A_1023 = arith.constant 0 : i32
        %dma_wait3A_1024 = arith.constant 0 : i32
        %dma_wait3A_1025 = tpu.memref_slice %dma_wait3A_1021[%dma_wait3A_1013, %dma_wait3A_1022, %dma_wait3A_1023, %dma_wait3A_1024] : memref<4x4x8x128xf32, #tpu.memory_space<vmem>> -> memref<1x4x8x128xf32, #tpu.memory_space<vmem>>
        %dma_wait3A_1026 = tpu.memref_squeeze %dma_wait3A_1025 : memref<1x4x8x128xf32, #tpu.memory_space<vmem>> -> memref<4x8x128xf32, #tpu.memory_space<vmem>>
        %dma_wait3A_1027 = arith.constant 0 : i32
        %dma_wait3A_1028 = arith.constant 0 : i32
        %dma_wait3A_1029 = arith.constant 0 : i32
        %dma_wait3A_1030 = arith.constant 0 : i32
        %dma_wait3A_1031 = tpu.memref_slice %arg4[%add3A_756, %dma_wait3A_1027, %dma_wait3A_1028, %dma_wait3A_1029, %dma_wait3A_1030] : memref<50x4x128x8x128xf32, #tpu.memory_space<hbm>> -> memref<1x4x128x8x128xf32, #tpu.memory_space<hbm>>
        %dma_wait3A_1032 = tpu.memref_squeeze %dma_wait3A_1031 : memref<1x4x128x8x128xf32, #tpu.memory_space<hbm>> -> memref<4x128x8x128xf32, #tpu.memory_space<hbm>>
        %dma_wait3A_1033 = arith.constant 0 : i32
        %dma_wait3A_1034 = arith.constant 0 : i32
        %dma_wait3A_1035 = arith.constant 0 : i32
        %dma_wait3A_1036 = tpu.memref_slice %dma_wait3A_1032[%dma_wait3A_1014, %dma_wait3A_1033, %dma_wait3A_1034, %dma_wait3A_1035] : memref<4x128x8x128xf32, #tpu.memory_space<hbm>> -> memref<1x128x8x128xf32, #tpu.memory_space<hbm>>
        %dma_wait3A_1037 = tpu.memref_squeeze %dma_wait3A_1036 : memref<1x128x8x128xf32, #tpu.memory_space<hbm>> -> memref<128x8x128xf32, #tpu.memory_space<hbm>>
        %dma_wait3A_1038 = arith.constant 0 : i32
        %dma_wait3A_1039 = arith.constant 0 : i32
        %dma_wait3A_1040 = tpu.memref_slice %dma_wait3A_1037[%mul3A_4, %dma_wait3A_1038, %dma_wait3A_1039] : memref<128x8x128xf32, #tpu.memory_space<hbm>> -> memref<4x8x128xf32, #tpu.memory_space<hbm>>
        %dma_wait3A_1041 = tpu.memref_slice %arg10[%dma_wait3A_1015] : memref<2x!tpu.dma_semaphore, #tpu.memory_space<semaphore_mem>> -> memref<1x!tpu.dma_semaphore, #tpu.memory_space<semaphore_mem>>
        %dma_wait3A_1042 = tpu.memref_squeeze %dma_wait3A_1041 : memref<1x!tpu.dma_semaphore, #tpu.memory_space<semaphore_mem>> -> memref<!tpu.dma_semaphore, #tpu.memory_space<semaphore_mem>>
        %dma_wait3A_1043 = arith.constant 0 : i32
        %dma_wait3A_1044 = arith.constant 0 : i32
        %dma_wait3A_1045 = arith.constant 0 : i32
        %dma_wait3A_1046 = arith.constant 0 : i32
        %dma_wait3A_1047 = tpu.memref_slice %arg4[%add3A_756, %dma_wait3A_1043, %dma_wait3A_1044, %dma_wait3A_1045, %dma_wait3A_1046] : memref<50x4x128x8x128xf32, #tpu.memory_space<hbm>> -> memref<1x4x128x8x128xf32, #tpu.memory_space<hbm>>
        %dma_wait3A_1048 = tpu.memref_squeeze %dma_wait3A_1047 : memref<1x4x128x8x128xf32, #tpu.memory_space<hbm>> -> memref<4x128x8x128xf32, #tpu.memory_space<hbm>>
        %dma_wait3A_1049 = arith.constant 0 : i32
        %dma_wait3A_1050 = arith.constant 0 : i32
        %dma_wait3A_1051 = arith.constant 0 : i32
        %dma_wait3A_1052 = tpu.memref_slice %dma_wait3A_1048[%dma_wait3A_1014, %dma_wait3A_1049, %dma_wait3A_1050, %dma_wait3A_1051] : memref<4x128x8x128xf32, #tpu.memory_space<hbm>> -> memref<1x128x8x128xf32, #tpu.memory_space<hbm>>
        %dma_wait3A_1053 = tpu.memref_squeeze %dma_wait3A_1052 : memref<1x128x8x128xf32, #tpu.memory_space<hbm>> -> memref<128x8x128xf32, #tpu.memory_space<hbm>>
        %dma_wait3A_1054 = arith.constant 0 : i32
        %dma_wait3A_1055 = arith.constant 0 : i32
        %dma_wait3A_1056 = tpu.memref_slice %dma_wait3A_1053[%mul3A_4, %dma_wait3A_1054, %dma_wait3A_1055] : memref<128x8x128xf32, #tpu.memory_space<hbm>> -> memref<4x8x128xf32, #tpu.memory_space<hbm>>
        %dma_wait3A_1057 = arith.constant 0 : i32
        %dma_wait3A_1058 = arith.constant 0 : i32
        %dma_wait3A_1059 = arith.constant 0 : i32
        %dma_wait3A_1060 = arith.constant 0 : i32
        %dma_wait3A_1061 = tpu.memref_slice %arg8[%dma_wait3A_1012, %dma_wait3A_1057, %dma_wait3A_1058, %dma_wait3A_1059, %dma_wait3A_1060] : memref<2x4x4x8x128xf32, #tpu.memory_space<vmem>> -> memref<1x4x4x8x128xf32, #tpu.memory_space<vmem>>
        %dma_wait3A_1062 = tpu.memref_squeeze %dma_wait3A_1061 : memref<1x4x4x8x128xf32, #tpu.memory_space<vmem>> -> memref<4x4x8x128xf32, #tpu.memory_space<vmem>>
        %dma_wait3A_1063 = arith.constant 0 : i32
        %dma_wait3A_1064 = arith.constant 0 : i32
        %dma_wait3A_1065 = arith.constant 0 : i32
        %dma_wait3A_1066 = tpu.memref_slice %dma_wait3A_1062[%dma_wait3A_1013, %dma_wait3A_1063, %dma_wait3A_1064, %dma_wait3A_1065] : memref<4x4x8x128xf32, #tpu.memory_space<vmem>> -> memref<1x4x8x128xf32, #tpu.memory_space<vmem>>
        %dma_wait3A_1067 = tpu.memref_squeeze %dma_wait3A_1066 : memref<1x4x8x128xf32, #tpu.memory_space<vmem>> -> memref<4x8x128xf32, #tpu.memory_space<vmem>>
        tpu.wait_dma2 semaphore(%dma_wait3A_1042 : memref<!tpu.dma_semaphore, #tpu.memory_space<semaphore_mem>>) src(%dma_wait3A_1067 : memref<4x8x128xf32, #tpu.memory_space<vmem>>) dst(%dma_wait3A_1056 : memref<4x8x128xf32, #tpu.memory_space<hbm>>)
        %dma_wait3A_1068 = arith.constant 1 : i32
        %dma_wait3A_1069 = arith.constant 1 : i32
        %dma_wait3A_1070 = arith.constant 1 : i32
        %dma_wait3A_1071 = arith.constant 1 : i32
        %dma_wait3A_1072 = arith.constant 0 : i32
        %dma_wait3A_1073 = arith.constant 0 : i32
        %dma_wait3A_1074 = arith.constant 0 : i32
        %dma_wait3A_1075 = arith.constant 0 : i32
        %dma_wait3A_1076 = tpu.memref_slice %arg8[%dma_wait3A_1068, %dma_wait3A_1072, %dma_wait3A_1073, %dma_wait3A_1074, %dma_wait3A_1075] : memref<2x4x4x8x128xf32, #tpu.memory_space<vmem>> -> memref<1x4x4x8x128xf32, #tpu.memory_space<vmem>>
        %dma_wait3A_1077 = tpu.memref_squeeze %dma_wait3A_1076 : memref<1x4x4x8x128xf32, #tpu.memory_space<vmem>> -> memref<4x4x8x128xf32, #tpu.memory_space<vmem>>
        %dma_wait3A_1078 = arith.constant 0 : i32
        %dma_wait3A_1079 = arith.constant 0 : i32
        %dma_wait3A_1080 = arith.constant 0 : i32
        %dma_wait3A_1081 = tpu.memref_slice %dma_wait3A_1077[%dma_wait3A_1069, %dma_wait3A_1078, %dma_wait3A_1079, %dma_wait3A_1080] : memref<4x4x8x128xf32, #tpu.memory_space<vmem>> -> memref<1x4x8x128xf32, #tpu.memory_space<vmem>>
        %dma_wait3A_1082 = tpu.memref_squeeze %dma_wait3A_1081 : memref<1x4x8x128xf32, #tpu.memory_space<vmem>> -> memref<4x8x128xf32, #tpu.memory_space<vmem>>
        %dma_wait3A_1083 = arith.constant 0 : i32
        %dma_wait3A_1084 = arith.constant 0 : i32
        %dma_wait3A_1085 = arith.constant 0 : i32
        %dma_wait3A_1086 = arith.constant 0 : i32
        %dma_wait3A_1087 = tpu.memref_slice %arg4[%add3A_756, %dma_wait3A_1083, %dma_wait3A_1084, %dma_wait3A_1085, %dma_wait3A_1086] : memref<50x4x128x8x128xf32, #tpu.memory_space<hbm>> -> memref<1x4x128x8x128xf32, #tpu.memory_space<hbm>>
        %dma_wait3A_1088 = tpu.memref_squeeze %dma_wait3A_1087 : memref<1x4x128x8x128xf32, #tpu.memory_space<hbm>> -> memref<4x128x8x128xf32, #tpu.memory_space<hbm>>
        %dma_wait3A_1089 = arith.constant 0 : i32
        %dma_wait3A_1090 = arith.constant 0 : i32
        %dma_wait3A_1091 = arith.constant 0 : i32
        %dma_wait3A_1092 = tpu.memref_slice %dma_wait3A_1088[%dma_wait3A_1070, %dma_wait3A_1089, %dma_wait3A_1090, %dma_wait3A_1091] : memref<4x128x8x128xf32, #tpu.memory_space<hbm>> -> memref<1x128x8x128xf32, #tpu.memory_space<hbm>>
        %dma_wait3A_1093 = tpu.memref_squeeze %dma_wait3A_1092 : memref<1x128x8x128xf32, #tpu.memory_space<hbm>> -> memref<128x8x128xf32, #tpu.memory_space<hbm>>
        %dma_wait3A_1094 = arith.constant 0 : i32
        %dma_wait3A_1095 = arith.constant 0 : i32
        %dma_wait3A_1096 = tpu.memref_slice %dma_wait3A_1093[%mul3A_4, %dma_wait3A_1094, %dma_wait3A_1095] : memref<128x8x128xf32, #tpu.memory_space<hbm>> -> memref<4x8x128xf32, #tpu.memory_space<hbm>>
        %dma_wait3A_1097 = tpu.memref_slice %arg10[%dma_wait3A_1071] : memref<2x!tpu.dma_semaphore, #tpu.memory_space<semaphore_mem>> -> memref<1x!tpu.dma_semaphore, #tpu.memory_space<semaphore_mem>>
        %dma_wait3A_1098 = tpu.memref_squeeze %dma_wait3A_1097 : memref<1x!tpu.dma_semaphore, #tpu.memory_space<semaphore_mem>> -> memref<!tpu.dma_semaphore, #tpu.memory_space<semaphore_mem>>
        %dma_wait3A_1099 = arith.constant 0 : i32
        %dma_wait3A_1100 = arith.constant 0 : i32
        %dma_wait3A_1101 = arith.constant 0 : i32
        %dma_wait3A_1102 = arith.constant 0 : i32
        %dma_wait3A_1103 = tpu.memref_slice %arg4[%add3A_756, %dma_wait3A_1099, %dma_wait3A_1100, %dma_wait3A_1101, %dma_wait3A_1102] : memref<50x4x128x8x128xf32, #tpu.memory_space<hbm>> -> memref<1x4x128x8x128xf32, #tpu.memory_space<hbm>>
        %dma_wait3A_1104 = tpu.memref_squeeze %dma_wait3A_1103 : memref<1x4x128x8x128xf32, #tpu.memory_space<hbm>> -> memref<4x128x8x128xf32, #tpu.memory_space<hbm>>
        %dma_wait3A_1105 = arith.constant 0 : i32
        %dma_wait3A_1106 = arith.constant 0 : i32
        %dma_wait3A_1107 = arith.constant 0 : i32
        %dma_wait3A_1108 = tpu.memref_slice %dma_wait3A_1104[%dma_wait3A_1070, %dma_wait3A_1105, %dma_wait3A_1106, %dma_wait3A_1107] : memref<4x128x8x128xf32, #tpu.memory_space<hbm>> -> memref<1x128x8x128xf32, #tpu.memory_space<hbm>>
        %dma_wait3A_1109 = tpu.memref_squeeze %dma_wait3A_1108 : memref<1x128x8x128xf32, #tpu.memory_space<hbm>> -> memref<128x8x128xf32, #tpu.memory_space<hbm>>
        %dma_wait3A_1110 = arith.constant 0 : i32
        %dma_wait3A_1111 = arith.constant 0 : i32
        %dma_wait3A_1112 = tpu.memref_slice %dma_wait3A_1109[%mul3A_4, %dma_wait3A_1110, %dma_wait3A_1111] : memref<128x8x128xf32, #tpu.memory_space<hbm>> -> memref<4x8x128xf32, #tpu.memory_space<hbm>>
        %dma_wait3A_1113 = arith.constant 0 : i32
        %dma_wait3A_1114 = arith.constant 0 : i32
        %dma_wait3A_1115 = arith.constant 0 : i32
        %dma_wait3A_1116 = arith.constant 0 : i32
        %dma_wait3A_1117 = tpu.memref_slice %arg8[%dma_wait3A_1068, %dma_wait3A_1113, %dma_wait3A_1114, %dma_wait3A_1115, %dma_wait3A_1116] : memref<2x4x4x8x128xf32, #tpu.memory_space<vmem>> -> memref<1x4x4x8x128xf32, #tpu.memory_space<vmem>>
        %dma_wait3A_1118 = tpu.memref_squeeze %dma_wait3A_1117 : memref<1x4x4x8x128xf32, #tpu.memory_space<vmem>> -> memref<4x4x8x128xf32, #tpu.memory_space<vmem>>
        %dma_wait3A_1119 = arith.constant 0 : i32
        %dma_wait3A_1120 = arith.constant 0 : i32
        %dma_wait3A_1121 = arith.constant 0 : i32
        %dma_wait3A_1122 = tpu.memref_slice %dma_wait3A_1118[%dma_wait3A_1069, %dma_wait3A_1119, %dma_wait3A_1120, %dma_wait3A_1121] : memref<4x4x8x128xf32, #tpu.memory_space<vmem>> -> memref<1x4x8x128xf32, #tpu.memory_space<vmem>>
        %dma_wait3A_1123 = tpu.memref_squeeze %dma_wait3A_1122 : memref<1x4x8x128xf32, #tpu.memory_space<vmem>> -> memref<4x8x128xf32, #tpu.memory_space<vmem>>
        tpu.wait_dma2 semaphore(%dma_wait3A_1098 : memref<!tpu.dma_semaphore, #tpu.memory_space<semaphore_mem>>) src(%dma_wait3A_1123 : memref<4x8x128xf32, #tpu.memory_space<vmem>>) dst(%dma_wait3A_1112 : memref<4x8x128xf32, #tpu.memory_space<hbm>>)
        %dma_wait3A_1124 = arith.constant 1 : i32
        %dma_wait3A_1125 = arith.constant 2 : i32
        %dma_wait3A_1126 = arith.constant 2 : i32
        %dma_wait3A_1127 = arith.constant 1 : i32
        %dma_wait3A_1128 = arith.constant 0 : i32
        %dma_wait3A_1129 = arith.constant 0 : i32
        %dma_wait3A_1130 = arith.constant 0 : i32
        %dma_wait3A_1131 = arith.constant 0 : i32
        %dma_wait3A_1132 = tpu.memref_slice %arg8[%dma_wait3A_1124, %dma_wait3A_1128, %dma_wait3A_1129, %dma_wait3A_1130, %dma_wait3A_1131] : memref<2x4x4x8x128xf32, #tpu.memory_space<vmem>> -> memref<1x4x4x8x128xf32, #tpu.memory_space<vmem>>
        %dma_wait3A_1133 = tpu.memref_squeeze %dma_wait3A_1132 : memref<1x4x4x8x128xf32, #tpu.memory_space<vmem>> -> memref<4x4x8x128xf32, #tpu.memory_space<vmem>>
        %dma_wait3A_1134 = arith.constant 0 : i32
        %dma_wait3A_1135 = arith.constant 0 : i32
        %dma_wait3A_1136 = arith.constant 0 : i32
        %dma_wait3A_1137 = tpu.memref_slice %dma_wait3A_1133[%dma_wait3A_1125, %dma_wait3A_1134, %dma_wait3A_1135, %dma_wait3A_1136] : memref<4x4x8x128xf32, #tpu.memory_space<vmem>> -> memref<1x4x8x128xf32, #tpu.memory_space<vmem>>
        %dma_wait3A_1138 = tpu.memref_squeeze %dma_wait3A_1137 : memref<1x4x8x128xf32, #tpu.memory_space<vmem>> -> memref<4x8x128xf32, #tpu.memory_space<vmem>>
        %dma_wait3A_1139 = arith.constant 0 : i32
        %dma_wait3A_1140 = arith.constant 0 : i32
        %dma_wait3A_1141 = arith.constant 0 : i32
        %dma_wait3A_1142 = arith.constant 0 : i32
        %dma_wait3A_1143 = tpu.memref_slice %arg4[%add3A_756, %dma_wait3A_1139, %dma_wait3A_1140, %dma_wait3A_1141, %dma_wait3A_1142] : memref<50x4x128x8x128xf32, #tpu.memory_space<hbm>> -> memref<1x4x128x8x128xf32, #tpu.memory_space<hbm>>
        %dma_wait3A_1144 = tpu.memref_squeeze %dma_wait3A_1143 : memref<1x4x128x8x128xf32, #tpu.memory_space<hbm>> -> memref<4x128x8x128xf32, #tpu.memory_space<hbm>>
        %dma_wait3A_1145 = arith.constant 0 : i32
        %dma_wait3A_1146 = arith.constant 0 : i32
        %dma_wait3A_1147 = arith.constant 0 : i32
        %dma_wait3A_1148 = tpu.memref_slice %dma_wait3A_1144[%dma_wait3A_1126, %dma_wait3A_1145, %dma_wait3A_1146, %dma_wait3A_1147] : memref<4x128x8x128xf32, #tpu.memory_space<hbm>> -> memref<1x128x8x128xf32, #tpu.memory_space<hbm>>
        %dma_wait3A_1149 = tpu.memref_squeeze %dma_wait3A_1148 : memref<1x128x8x128xf32, #tpu.memory_space<hbm>> -> memref<128x8x128xf32, #tpu.memory_space<hbm>>
        %dma_wait3A_1150 = arith.constant 0 : i32
        %dma_wait3A_1151 = arith.constant 0 : i32
        %dma_wait3A_1152 = tpu.memref_slice %dma_wait3A_1149[%mul3A_4, %dma_wait3A_1150, %dma_wait3A_1151] : memref<128x8x128xf32, #tpu.memory_space<hbm>> -> memref<4x8x128xf32, #tpu.memory_space<hbm>>
        %dma_wait3A_1153 = tpu.memref_slice %arg10[%dma_wait3A_1127] : memref<2x!tpu.dma_semaphore, #tpu.memory_space<semaphore_mem>> -> memref<1x!tpu.dma_semaphore, #tpu.memory_space<semaphore_mem>>
        %dma_wait3A_1154 = tpu.memref_squeeze %dma_wait3A_1153 : memref<1x!tpu.dma_semaphore, #tpu.memory_space<semaphore_mem>> -> memref<!tpu.dma_semaphore, #tpu.memory_space<semaphore_mem>>
        %dma_wait3A_1155 = arith.constant 0 : i32
        %dma_wait3A_1156 = arith.constant 0 : i32
        %dma_wait3A_1157 = arith.constant 0 : i32
        %dma_wait3A_1158 = arith.constant 0 : i32
        %dma_wait3A_1159 = tpu.memref_slice %arg4[%add3A_756, %dma_wait3A_1155, %dma_wait3A_1156, %dma_wait3A_1157, %dma_wait3A_1158] : memref<50x4x128x8x128xf32, #tpu.memory_space<hbm>> -> memref<1x4x128x8x128xf32, #tpu.memory_space<hbm>>
        %dma_wait3A_1160 = tpu.memref_squeeze %dma_wait3A_1159 : memref<1x4x128x8x128xf32, #tpu.memory_space<hbm>> -> memref<4x128x8x128xf32, #tpu.memory_space<hbm>>
        %dma_wait3A_1161 = arith.constant 0 : i32
        %dma_wait3A_1162 = arith.constant 0 : i32
        %dma_wait3A_1163 = arith.constant 0 : i32
        %dma_wait3A_1164 = tpu.memref_slice %dma_wait3A_1160[%dma_wait3A_1126, %dma_wait3A_1161, %dma_wait3A_1162, %dma_wait3A_1163] : memref<4x128x8x128xf32, #tpu.memory_space<hbm>> -> memref<1x128x8x128xf32, #tpu.memory_space<hbm>>
        %dma_wait3A_1165 = tpu.memref_squeeze %dma_wait3A_1164 : memref<1x128x8x128xf32, #tpu.memory_space<hbm>> -> memref<128x8x128xf32, #tpu.memory_space<hbm>>
        %dma_wait3A_1166 = arith.constant 0 : i32
        %dma_wait3A_1167 = arith.constant 0 : i32
        %dma_wait3A_1168 = tpu.memref_slice %dma_wait3A_1165[%mul3A_4, %dma_wait3A_1166, %dma_wait3A_1167] : memref<128x8x128xf32, #tpu.memory_space<hbm>> -> memref<4x8x128xf32, #tpu.memory_space<hbm>>
        %dma_wait3A_1169 = arith.constant 0 : i32
        %dma_wait3A_1170 = arith.constant 0 : i32
        %dma_wait3A_1171 = arith.constant 0 : i32
        %dma_wait3A_1172 = arith.constant 0 : i32
        %dma_wait3A_1173 = tpu.memref_slice %arg8[%dma_wait3A_1124, %dma_wait3A_1169, %dma_wait3A_1170, %dma_wait3A_1171, %dma_wait3A_1172] : memref<2x4x4x8x128xf32, #tpu.memory_space<vmem>> -> memref<1x4x4x8x128xf32, #tpu.memory_space<vmem>>
        %dma_wait3A_1174 = tpu.memref_squeeze %dma_wait3A_1173 : memref<1x4x4x8x128xf32, #tpu.memory_space<vmem>> -> memref<4x4x8x128xf32, #tpu.memory_space<vmem>>
        %dma_wait3A_1175 = arith.constant 0 : i32
        %dma_wait3A_1176 = arith.constant 0 : i32
        %dma_wait3A_1177 = arith.constant 0 : i32
        %dma_wait3A_1178 = tpu.memref_slice %dma_wait3A_1174[%dma_wait3A_1125, %dma_wait3A_1175, %dma_wait3A_1176, %dma_wait3A_1177] : memref<4x4x8x128xf32, #tpu.memory_space<vmem>> -> memref<1x4x8x128xf32, #tpu.memory_space<vmem>>
        %dma_wait3A_1179 = tpu.memref_squeeze %dma_wait3A_1178 : memref<1x4x8x128xf32, #tpu.memory_space<vmem>> -> memref<4x8x128xf32, #tpu.memory_space<vmem>>
        tpu.wait_dma2 semaphore(%dma_wait3A_1154 : memref<!tpu.dma_semaphore, #tpu.memory_space<semaphore_mem>>) src(%dma_wait3A_1179 : memref<4x8x128xf32, #tpu.memory_space<vmem>>) dst(%dma_wait3A_1168 : memref<4x8x128xf32, #tpu.memory_space<hbm>>)
        %dma_wait3A_1180 = arith.constant 1 : i32
        %dma_wait3A_1181 = arith.constant 3 : i32
        %dma_wait3A_1182 = arith.constant 3 : i32
        %dma_wait3A_1183 = arith.constant 1 : i32
        %dma_wait3A_1184 = arith.constant 0 : i32
        %dma_wait3A_1185 = arith.constant 0 : i32
        %dma_wait3A_1186 = arith.constant 0 : i32
        %dma_wait3A_1187 = arith.constant 0 : i32
        %dma_wait3A_1188 = tpu.memref_slice %arg8[%dma_wait3A_1180, %dma_wait3A_1184, %dma_wait3A_1185, %dma_wait3A_1186, %dma_wait3A_1187] : memref<2x4x4x8x128xf32, #tpu.memory_space<vmem>> -> memref<1x4x4x8x128xf32, #tpu.memory_space<vmem>>
        %dma_wait3A_1189 = tpu.memref_squeeze %dma_wait3A_1188 : memref<1x4x4x8x128xf32, #tpu.memory_space<vmem>> -> memref<4x4x8x128xf32, #tpu.memory_space<vmem>>
        %dma_wait3A_1190 = arith.constant 0 : i32
        %dma_wait3A_1191 = arith.constant 0 : i32
        %dma_wait3A_1192 = arith.constant 0 : i32
        %dma_wait3A_1193 = tpu.memref_slice %dma_wait3A_1189[%dma_wait3A_1181, %dma_wait3A_1190, %dma_wait3A_1191, %dma_wait3A_1192] : memref<4x4x8x128xf32, #tpu.memory_space<vmem>> -> memref<1x4x8x128xf32, #tpu.memory_space<vmem>>
        %dma_wait3A_1194 = tpu.memref_squeeze %dma_wait3A_1193 : memref<1x4x8x128xf32, #tpu.memory_space<vmem>> -> memref<4x8x128xf32, #tpu.memory_space<vmem>>
        %dma_wait3A_1195 = arith.constant 0 : i32
        %dma_wait3A_1196 = arith.constant 0 : i32
        %dma_wait3A_1197 = arith.constant 0 : i32
        %dma_wait3A_1198 = arith.constant 0 : i32
        %dma_wait3A_1199 = tpu.memref_slice %arg4[%add3A_756, %dma_wait3A_1195, %dma_wait3A_1196, %dma_wait3A_1197, %dma_wait3A_1198] : memref<50x4x128x8x128xf32, #tpu.memory_space<hbm>> -> memref<1x4x128x8x128xf32, #tpu.memory_space<hbm>>
        %dma_wait3A_1200 = tpu.memref_squeeze %dma_wait3A_1199 : memref<1x4x128x8x128xf32, #tpu.memory_space<hbm>> -> memref<4x128x8x128xf32, #tpu.memory_space<hbm>>
        %dma_wait3A_1201 = arith.constant 0 : i32
        %dma_wait3A_1202 = arith.constant 0 : i32
        %dma_wait3A_1203 = arith.constant 0 : i32
        %dma_wait3A_1204 = tpu.memref_slice %dma_wait3A_1200[%dma_wait3A_1182, %dma_wait3A_1201, %dma_wait3A_1202, %dma_wait3A_1203] : memref<4x128x8x128xf32, #tpu.memory_space<hbm>> -> memref<1x128x8x128xf32, #tpu.memory_space<hbm>>
        %dma_wait3A_1205 = tpu.memref_squeeze %dma_wait3A_1204 : memref<1x128x8x128xf32, #tpu.memory_space<hbm>> -> memref<128x8x128xf32, #tpu.memory_space<hbm>>
        %dma_wait3A_1206 = arith.constant 0 : i32
        %dma_wait3A_1207 = arith.constant 0 : i32
        %dma_wait3A_1208 = tpu.memref_slice %dma_wait3A_1205[%mul3A_4, %dma_wait3A_1206, %dma_wait3A_1207] : memref<128x8x128xf32, #tpu.memory_space<hbm>> -> memref<4x8x128xf32, #tpu.memory_space<hbm>>
        %dma_wait3A_1209 = tpu.memref_slice %arg10[%dma_wait3A_1183] : memref<2x!tpu.dma_semaphore, #tpu.memory_space<semaphore_mem>> -> memref<1x!tpu.dma_semaphore, #tpu.memory_space<semaphore_mem>>
        %dma_wait3A_1210 = tpu.memref_squeeze %dma_wait3A_1209 : memref<1x!tpu.dma_semaphore, #tpu.memory_space<semaphore_mem>> -> memref<!tpu.dma_semaphore, #tpu.memory_space<semaphore_mem>>
        %dma_wait3A_1211 = arith.constant 0 : i32
        %dma_wait3A_1212 = arith.constant 0 : i32
        %dma_wait3A_1213 = arith.constant 0 : i32
        %dma_wait3A_1214 = arith.constant 0 : i32
        %dma_wait3A_1215 = tpu.memref_slice %arg4[%add3A_756, %dma_wait3A_1211, %dma_wait3A_1212, %dma_wait3A_1213, %dma_wait3A_1214] : memref<50x4x128x8x128xf32, #tpu.memory_space<hbm>> -> memref<1x4x128x8x128xf32, #tpu.memory_space<hbm>>
        %dma_wait3A_1216 = tpu.memref_squeeze %dma_wait3A_1215 : memref<1x4x128x8x128xf32, #tpu.memory_space<hbm>> -> memref<4x128x8x128xf32, #tpu.memory_space<hbm>>
        %dma_wait3A_1217 = arith.constant 0 : i32
        %dma_wait3A_1218 = arith.constant 0 : i32
        %dma_wait3A_1219 = arith.constant 0 : i32
        %dma_wait3A_1220 = tpu.memref_slice %dma_wait3A_1216[%dma_wait3A_1182, %dma_wait3A_1217, %dma_wait3A_1218, %dma_wait3A_1219] : memref<4x128x8x128xf32, #tpu.memory_space<hbm>> -> memref<1x128x8x128xf32, #tpu.memory_space<hbm>>
        %dma_wait3A_1221 = tpu.memref_squeeze %dma_wait3A_1220 : memref<1x128x8x128xf32, #tpu.memory_space<hbm>> -> memref<128x8x128xf32, #tpu.memory_space<hbm>>
        %dma_wait3A_1222 = arith.constant 0 : i32
        %dma_wait3A_1223 = arith.constant 0 : i32
        %dma_wait3A_1224 = tpu.memref_slice %dma_wait3A_1221[%mul3A_4, %dma_wait3A_1222, %dma_wait3A_1223] : memref<128x8x128xf32, #tpu.memory_space<hbm>> -> memref<4x8x128xf32, #tpu.memory_space<hbm>>
        %dma_wait3A_1225 = arith.constant 0 : i32
        %dma_wait3A_1226 = arith.constant 0 : i32
        %dma_wait3A_1227 = arith.constant 0 : i32
        %dma_wait3A_1228 = arith.constant 0 : i32
        %dma_wait3A_1229 = tpu.memref_slice %arg8[%dma_wait3A_1180, %dma_wait3A_1225, %dma_wait3A_1226, %dma_wait3A_1227, %dma_wait3A_1228] : memref<2x4x4x8x128xf32, #tpu.memory_space<vmem>> -> memref<1x4x4x8x128xf32, #tpu.memory_space<vmem>>
        %dma_wait3A_1230 = tpu.memref_squeeze %dma_wait3A_1229 : memref<1x4x4x8x128xf32, #tpu.memory_space<vmem>> -> memref<4x4x8x128xf32, #tpu.memory_space<vmem>>
        %dma_wait3A_1231 = arith.constant 0 : i32
        %dma_wait3A_1232 = arith.constant 0 : i32
        %dma_wait3A_1233 = arith.constant 0 : i32
        %dma_wait3A_1234 = tpu.memref_slice %dma_wait3A_1230[%dma_wait3A_1181, %dma_wait3A_1231, %dma_wait3A_1232, %dma_wait3A_1233] : memref<4x4x8x128xf32, #tpu.memory_space<vmem>> -> memref<1x4x8x128xf32, #tpu.memory_space<vmem>>
        %dma_wait3A_1235 = tpu.memref_squeeze %dma_wait3A_1234 : memref<1x4x8x128xf32, #tpu.memory_space<vmem>> -> memref<4x8x128xf32, #tpu.memory_space<vmem>>
        tpu.wait_dma2 semaphore(%dma_wait3A_1210 : memref<!tpu.dma_semaphore, #tpu.memory_space<semaphore_mem>>) src(%dma_wait3A_1235 : memref<4x8x128xf32, #tpu.memory_space<vmem>>) dst(%dma_wait3A_1224 : memref<4x8x128xf32, #tpu.memory_space<hbm>>)
      } else {
      }
      %scan3A_776 = arith.constant 0 : i32
      %scan3A_777 = arith.constant 32 : i32
      %scan3A_778 = arith.addi %scan3A_776, %scan3A_777 : i32
      %scan3A_779 = arith.constant 1 : i32
      scf.for %scan3A_1012 = %scan3A_776 to %scan3A_778 step %scan3A_779  : i32 {
        %mul3A_1013 = arith.constant 1 : i32
        %mul3A_1014 = arith.muli %scan3A_1012, %mul3A_1013 : i32
        %add3A_1015 = arith.constant 0 : i32
        %add3A_1016 = arith.addi %add3A_1015, %mul3A_1014 : i32
        %add3A_1017 = vector.broadcast %add3A_1016 : i32 to vector<16xi32>
        %add3A_1018 = arith.addi %iota3A, %add3A_1017 : vector<16xi32>
        %and3A = arith.constant 15 : i32
        %and3A_1019 = vector.broadcast %and3A : i32 to vector<16xi32>
        %and3A_1020 = arith.andi %add3A_1018, %and3A_1019 : vector<16xi32>
        %shift_right_arithmetic3A = arith.constant 4 : i32
        %shift_right_arithmetic3A_1021 = arith.shrsi %add3A_1016, %shift_right_arithmetic3A : i32
        %shift_left3A = arith.constant 4 : i32
        %shift_left3A_1022 = arith.shli %shift_right_arithmetic3A_1021, %shift_left3A : i32
        %add3A_1023 = vector.broadcast %shift_left3A_1022 : i32 to vector<16xi32>
        %add3A_1024 = arith.addi %and3A_1020, %add3A_1023 : vector<16xi32>
        %shift_right_arithmetic3A_1025 = arith.constant 3 : i32
        %shift_right_arithmetic3A_1026 = vector.broadcast %shift_right_arithmetic3A_1025 : i32 to vector<16xi32>
        %shift_right_arithmetic3A_1027 = arith.shrsi %add3A_1024, %shift_right_arithmetic3A_1026 : vector<16xi32>
        %and3A_1028 = arith.constant 7 : i32
        %and3A_1029 = vector.broadcast %and3A_1028 : i32 to vector<16xi32>
        %and3A_1030 = arith.andi %add3A_1024, %and3A_1029 : vector<16xi32>
        %add3A_1031 = arith.constant 0 : i32
        %add3A_1032 = vector.broadcast %add3A_1031 : i32 to vector<16xi32>
        %add3A_1033 = arith.addi %iota3A, %add3A_1032 : vector<16xi32>
        %gather3A = arith.constant 1 : i32
        %gather3A_1034 = arith.constant 0 : i32
        %gather3A_1035 = arith.constant 0 : i32
        %gather3A_1036 = tpu.memref_slice %arg7[%gather3A, %gather3A_1034, %gather3A_1035] : memref<2x512x32xf32, #tpu.memory_space<vmem>> -> memref<1x512x32xf32, #tpu.memory_space<vmem>>
        %gather3A_1037 = tpu.memref_squeeze %gather3A_1036 : memref<1x512x32xf32, #tpu.memory_space<vmem>> -> memref<512x32xf32, #tpu.memory_space<vmem>>
        %gather3A_1038 = tpu.vector_load_idx %gather3A_1037[%add3A_1033, %add3A_1024] : memref<512x32xf32, #tpu.memory_space<vmem>>[vector<16xi32>, vector<16xi32>], vector<16xf32>,
        %add3A_1039 = arith.constant 0 : i32
        %add3A_1040 = vector.broadcast %add3A_1039 : i32 to vector<16xi32>
        %add3A_1041 = arith.addi %mul3A_7, %add3A_1040 : vector<16xi32>
        %add3A_1042 = arith.constant 0 : i32
        %add3A_1043 = vector.broadcast %add3A_1042 : i32 to vector<16xi32>
        %add3A_1044 = arith.addi %iota3A, %add3A_1043 : vector<16xi32>
        %scatter3A = arith.constant 1 : i32
        %scatter3A_1045 = arith.constant 0 : i32
        %scatter3A_1046 = arith.constant 0 : i32
        %scatter3A_1047 = arith.constant 0 : i32
        %scatter3A_1048 = arith.constant 0 : i32
        %scatter3A_1049 = tpu.memref_slice %arg8[%scatter3A, %scatter3A_1045, %scatter3A_1046, %scatter3A_1047, %scatter3A_1048] : memref<2x4x4x8x128xf32, #tpu.memory_space<vmem>> -> memref<1x4x4x8x128xf32, #tpu.memory_space<vmem>>
        %scatter3A_1050 = tpu.memref_squeeze %scatter3A_1049 : memref<1x4x4x8x128xf32, #tpu.memory_space<vmem>> -> memref<4x4x8x128xf32, #tpu.memory_space<vmem>>
        tpu.vector_store_idx %scatter3A_1050[%shift_right_arithmetic3A_1027, %add3A_1041, %and3A_1030, %add3A_1044], %gather3A_1038 : memref<4x4x8x128xf32, #tpu.memory_space<vmem>>[vector<16xi32>, vector<16xi32>, vector<16xi32>, vector<16xi32>], vector<16xf32>,
        %add3A_1051 = arith.constant 16 : i32
        %add3A_1052 = vector.broadcast %add3A_1051 : i32 to vector<16xi32>
        %add3A_1053 = arith.addi %iota3A, %add3A_1052 : vector<16xi32>
        %gather3A_1054 = arith.constant 1 : i32
        %gather3A_1055 = arith.constant 0 : i32
        %gather3A_1056 = arith.constant 0 : i32
        %gather3A_1057 = tpu.memref_slice %arg7[%gather3A_1054, %gather3A_1055, %gather3A_1056] : memref<2x512x32xf32, #tpu.memory_space<vmem>> -> memref<1x512x32xf32, #tpu.memory_space<vmem>>
        %gather3A_1058 = tpu.memref_squeeze %gather3A_1057 : memref<1x512x32xf32, #tpu.memory_space<vmem>> -> memref<512x32xf32, #tpu.memory_space<vmem>>
        %gather3A_1059 = tpu.vector_load_idx %gather3A_1058[%add3A_1053, %add3A_1024] : memref<512x32xf32, #tpu.memory_space<vmem>>[vector<16xi32>, vector<16xi32>], vector<16xf32>,
        %add3A_1060 = arith.constant 0 : i32
        %add3A_1061 = vector.broadcast %add3A_1060 : i32 to vector<16xi32>
        %add3A_1062 = arith.addi %mul3A_7, %add3A_1061 : vector<16xi32>
        %add3A_1063 = arith.constant 16 : i32
        %add3A_1064 = vector.broadcast %add3A_1063 : i32 to vector<16xi32>
        %add3A_1065 = arith.addi %iota3A, %add3A_1064 : vector<16xi32>
        %scatter3A_1066 = arith.constant 1 : i32
        %scatter3A_1067 = arith.constant 0 : i32
        %scatter3A_1068 = arith.constant 0 : i32
        %scatter3A_1069 = arith.constant 0 : i32
        %scatter3A_1070 = arith.constant 0 : i32
        %scatter3A_1071 = tpu.memref_slice %arg8[%scatter3A_1066, %scatter3A_1067, %scatter3A_1068, %scatter3A_1069, %scatter3A_1070] : memref<2x4x4x8x128xf32, #tpu.memory_space<vmem>> -> memref<1x4x4x8x128xf32, #tpu.memory_space<vmem>>
        %scatter3A_1072 = tpu.memref_squeeze %scatter3A_1071 : memref<1x4x4x8x128xf32, #tpu.memory_space<vmem>> -> memref<4x4x8x128xf32, #tpu.memory_space<vmem>>
        tpu.vector_store_idx %scatter3A_1072[%shift_right_arithmetic3A_1027, %add3A_1062, %and3A_1030, %add3A_1065], %gather3A_1059 : memref<4x4x8x128xf32, #tpu.memory_space<vmem>>[vector<16xi32>, vector<16xi32>, vector<16xi32>, vector<16xi32>], vector<16xf32>,
        %add3A_1073 = arith.constant 32 : i32
        %add3A_1074 = vector.broadcast %add3A_1073 : i32 to vector<16xi32>
        %add3A_1075 = arith.addi %iota3A, %add3A_1074 : vector<16xi32>
        %gather3A_1076 = arith.constant 1 : i32
        %gather3A_1077 = arith.constant 0 : i32
        %gather3A_1078 = arith.constant 0 : i32
        %gather3A_1079 = tpu.memref_slice %arg7[%gather3A_1076, %gather3A_1077, %gather3A_1078] : memref<2x512x32xf32, #tpu.memory_space<vmem>> -> memref<1x512x32xf32, #tpu.memory_space<vmem>>
        %gather3A_1080 = tpu.memref_squeeze %gather3A_1079 : memref<1x512x32xf32, #tpu.memory_space<vmem>> -> memref<512x32xf32, #tpu.memory_space<vmem>>
        %gather3A_1081 = tpu.vector_load_idx %gather3A_1080[%add3A_1075, %add3A_1024] : memref<512x32xf32, #tpu.memory_space<vmem>>[vector<16xi32>, vector<16xi32>], vector<16xf32>,
        %add3A_1082 = arith.constant 0 : i32
        %add3A_1083 = vector.broadcast %add3A_1082 : i32 to vector<16xi32>
        %add3A_1084 = arith.addi %mul3A_7, %add3A_1083 : vector<16xi32>
        %add3A_1085 = arith.constant 32 : i32
        %add3A_1086 = vector.broadcast %add3A_1085 : i32 to vector<16xi32>
        %add3A_1087 = arith.addi %iota3A, %add3A_1086 : vector<16xi32>
        %scatter3A_1088 = arith.constant 1 : i32
        %scatter3A_1089 = arith.constant 0 : i32
        %scatter3A_1090 = arith.constant 0 : i32
        %scatter3A_1091 = arith.constant 0 : i32
        %scatter3A_1092 = arith.constant 0 : i32
        %scatter3A_1093 = tpu.memref_slice %arg8[%scatter3A_1088, %scatter3A_1089, %scatter3A_1090, %scatter3A_1091, %scatter3A_1092] : memref<2x4x4x8x128xf32, #tpu.memory_space<vmem>> -> memref<1x4x4x8x128xf32, #tpu.memory_space<vmem>>
        %scatter3A_1094 = tpu.memref_squeeze %scatter3A_1093 : memref<1x4x4x8x128xf32, #tpu.memory_space<vmem>> -> memref<4x4x8x128xf32, #tpu.memory_space<vmem>>
        tpu.vector_store_idx %scatter3A_1094[%shift_right_arithmetic3A_1027, %add3A_1084, %and3A_1030, %add3A_1087], %gather3A_1081 : memref<4x4x8x128xf32, #tpu.memory_space<vmem>>[vector<16xi32>, vector<16xi32>, vector<16xi32>, vector<16xi32>], vector<16xf32>,
        %add3A_1095 = arith.constant 48 : i32
        %add3A_1096 = vector.broadcast %add3A_1095 : i32 to vector<16xi32>
        %add3A_1097 = arith.addi %iota3A, %add3A_1096 : vector<16xi32>
        %gather3A_1098 = arith.constant 1 : i32
        %gather3A_1099 = arith.constant 0 : i32
        %gather3A_1100 = arith.constant 0 : i32
        %gather3A_1101 = tpu.memref_slice %arg7[%gather3A_1098, %gather3A_1099, %gather3A_1100] : memref<2x512x32xf32, #tpu.memory_space<vmem>> -> memref<1x512x32xf32, #tpu.memory_space<vmem>>
        %gather3A_1102 = tpu.memref_squeeze %gather3A_1101 : memref<1x512x32xf32, #tpu.memory_space<vmem>> -> memref<512x32xf32, #tpu.memory_space<vmem>>
        %gather3A_1103 = tpu.vector_load_idx %gather3A_1102[%add3A_1097, %add3A_1024] : memref<512x32xf32, #tpu.memory_space<vmem>>[vector<16xi32>, vector<16xi32>], vector<16xf32>,
        %add3A_1104 = arith.constant 0 : i32
        %add3A_1105 = vector.broadcast %add3A_1104 : i32 to vector<16xi32>
        %add3A_1106 = arith.addi %mul3A_7, %add3A_1105 : vector<16xi32>
        %add3A_1107 = arith.constant 48 : i32
        %add3A_1108 = vector.broadcast %add3A_1107 : i32 to vector<16xi32>
        %add3A_1109 = arith.addi %iota3A, %add3A_1108 : vector<16xi32>
        %scatter3A_1110 = arith.constant 1 : i32
        %scatter3A_1111 = arith.constant 0 : i32
        %scatter3A_1112 = arith.constant 0 : i32
        %scatter3A_1113 = arith.constant 0 : i32
        %scatter3A_1114 = arith.constant 0 : i32
        %scatter3A_1115 = tpu.memref_slice %arg8[%scatter3A_1110, %scatter3A_1111, %scatter3A_1112, %scatter3A_1113, %scatter3A_1114] : memref<2x4x4x8x128xf32, #tpu.memory_space<vmem>> -> memref<1x4x4x8x128xf32, #tpu.memory_space<vmem>>
        %scatter3A_1116 = tpu.memref_squeeze %scatter3A_1115 : memref<1x4x4x8x128xf32, #tpu.memory_space<vmem>> -> memref<4x4x8x128xf32, #tpu.memory_space<vmem>>
        tpu.vector_store_idx %scatter3A_1116[%shift_right_arithmetic3A_1027, %add3A_1106, %and3A_1030, %add3A_1109], %gather3A_1103 : memref<4x4x8x128xf32, #tpu.memory_space<vmem>>[vector<16xi32>, vector<16xi32>, vector<16xi32>, vector<16xi32>], vector<16xf32>,
        %add3A_1117 = arith.constant 64 : i32
        %add3A_1118 = vector.broadcast %add3A_1117 : i32 to vector<16xi32>
        %add3A_1119 = arith.addi %iota3A, %add3A_1118 : vector<16xi32>
        %gather3A_1120 = arith.constant 1 : i32
        %gather3A_1121 = arith.constant 0 : i32
        %gather3A_1122 = arith.constant 0 : i32
        %gather3A_1123 = tpu.memref_slice %arg7[%gather3A_1120, %gather3A_1121, %gather3A_1122] : memref<2x512x32xf32, #tpu.memory_space<vmem>> -> memref<1x512x32xf32, #tpu.memory_space<vmem>>
        %gather3A_1124 = tpu.memref_squeeze %gather3A_1123 : memref<1x512x32xf32, #tpu.memory_space<vmem>> -> memref<512x32xf32, #tpu.memory_space<vmem>>
        %gather3A_1125 = tpu.vector_load_idx %gather3A_1124[%add3A_1119, %add3A_1024] : memref<512x32xf32, #tpu.memory_space<vmem>>[vector<16xi32>, vector<16xi32>], vector<16xf32>,
        %add3A_1126 = arith.constant 0 : i32
        %add3A_1127 = vector.broadcast %add3A_1126 : i32 to vector<16xi32>
        %add3A_1128 = arith.addi %mul3A_7, %add3A_1127 : vector<16xi32>
        %add3A_1129 = arith.constant 64 : i32
        %add3A_1130 = vector.broadcast %add3A_1129 : i32 to vector<16xi32>
        %add3A_1131 = arith.addi %iota3A, %add3A_1130 : vector<16xi32>
        %scatter3A_1132 = arith.constant 1 : i32
        %scatter3A_1133 = arith.constant 0 : i32
        %scatter3A_1134 = arith.constant 0 : i32
        %scatter3A_1135 = arith.constant 0 : i32
        %scatter3A_1136 = arith.constant 0 : i32
        %scatter3A_1137 = tpu.memref_slice %arg8[%scatter3A_1132, %scatter3A_1133, %scatter3A_1134, %scatter3A_1135, %scatter3A_1136] : memref<2x4x4x8x128xf32, #tpu.memory_space<vmem>> -> memref<1x4x4x8x128xf32, #tpu.memory_space<vmem>>
        %scatter3A_1138 = tpu.memref_squeeze %scatter3A_1137 : memref<1x4x4x8x128xf32, #tpu.memory_space<vmem>> -> memref<4x4x8x128xf32, #tpu.memory_space<vmem>>
        tpu.vector_store_idx %scatter3A_1138[%shift_right_arithmetic3A_1027, %add3A_1128, %and3A_1030, %add3A_1131], %gather3A_1125 : memref<4x4x8x128xf32, #tpu.memory_space<vmem>>[vector<16xi32>, vector<16xi32>, vector<16xi32>, vector<16xi32>], vector<16xf32>,
        %add3A_1139 = arith.constant 80 : i32
        %add3A_1140 = vector.broadcast %add3A_1139 : i32 to vector<16xi32>
        %add3A_1141 = arith.addi %iota3A, %add3A_1140 : vector<16xi32>
        %gather3A_1142 = arith.constant 1 : i32
        %gather3A_1143 = arith.constant 0 : i32
        %gather3A_1144 = arith.constant 0 : i32
        %gather3A_1145 = tpu.memref_slice %arg7[%gather3A_1142, %gather3A_1143, %gather3A_1144] : memref<2x512x32xf32, #tpu.memory_space<vmem>> -> memref<1x512x32xf32, #tpu.memory_space<vmem>>
        %gather3A_1146 = tpu.memref_squeeze %gather3A_1145 : memref<1x512x32xf32, #tpu.memory_space<vmem>> -> memref<512x32xf32, #tpu.memory_space<vmem>>
        %gather3A_1147 = tpu.vector_load_idx %gather3A_1146[%add3A_1141, %add3A_1024] : memref<512x32xf32, #tpu.memory_space<vmem>>[vector<16xi32>, vector<16xi32>], vector<16xf32>,
        %add3A_1148 = arith.constant 0 : i32
        %add3A_1149 = vector.broadcast %add3A_1148 : i32 to vector<16xi32>
        %add3A_1150 = arith.addi %mul3A_7, %add3A_1149 : vector<16xi32>
        %add3A_1151 = arith.constant 80 : i32
        %add3A_1152 = vector.broadcast %add3A_1151 : i32 to vector<16xi32>
        %add3A_1153 = arith.addi %iota3A, %add3A_1152 : vector<16xi32>
        %scatter3A_1154 = arith.constant 1 : i32
        %scatter3A_1155 = arith.constant 0 : i32
        %scatter3A_1156 = arith.constant 0 : i32
        %scatter3A_1157 = arith.constant 0 : i32
        %scatter3A_1158 = arith.constant 0 : i32
        %scatter3A_1159 = tpu.memref_slice %arg8[%scatter3A_1154, %scatter3A_1155, %scatter3A_1156, %scatter3A_1157, %scatter3A_1158] : memref<2x4x4x8x128xf32, #tpu.memory_space<vmem>> -> memref<1x4x4x8x128xf32, #tpu.memory_space<vmem>>
        %scatter3A_1160 = tpu.memref_squeeze %scatter3A_1159 : memref<1x4x4x8x128xf32, #tpu.memory_space<vmem>> -> memref<4x4x8x128xf32, #tpu.memory_space<vmem>>
        tpu.vector_store_idx %scatter3A_1160[%shift_right_arithmetic3A_1027, %add3A_1150, %and3A_1030, %add3A_1153], %gather3A_1147 : memref<4x4x8x128xf32, #tpu.memory_space<vmem>>[vector<16xi32>, vector<16xi32>, vector<16xi32>, vector<16xi32>], vector<16xf32>,
        %add3A_1161 = arith.constant 96 : i32
        %add3A_1162 = vector.broadcast %add3A_1161 : i32 to vector<16xi32>
        %add3A_1163 = arith.addi %iota3A, %add3A_1162 : vector<16xi32>
        %gather3A_1164 = arith.constant 1 : i32
        %gather3A_1165 = arith.constant 0 : i32
        %gather3A_1166 = arith.constant 0 : i32
        %gather3A_1167 = tpu.memref_slice %arg7[%gather3A_1164, %gather3A_1165, %gather3A_1166] : memref<2x512x32xf32, #tpu.memory_space<vmem>> -> memref<1x512x32xf32, #tpu.memory_space<vmem>>
        %gather3A_1168 = tpu.memref_squeeze %gather3A_1167 : memref<1x512x32xf32, #tpu.memory_space<vmem>> -> memref<512x32xf32, #tpu.memory_space<vmem>>
        %gather3A_1169 = tpu.vector_load_idx %gather3A_1168[%add3A_1163, %add3A_1024] : memref<512x32xf32, #tpu.memory_space<vmem>>[vector<16xi32>, vector<16xi32>], vector<16xf32>,
        %add3A_1170 = arith.constant 0 : i32
        %add3A_1171 = vector.broadcast %add3A_1170 : i32 to vector<16xi32>
        %add3A_1172 = arith.addi %mul3A_7, %add3A_1171 : vector<16xi32>
        %add3A_1173 = arith.constant 96 : i32
        %add3A_1174 = vector.broadcast %add3A_1173 : i32 to vector<16xi32>
        %add3A_1175 = arith.addi %iota3A, %add3A_1174 : vector<16xi32>
        %scatter3A_1176 = arith.constant 1 : i32
        %scatter3A_1177 = arith.constant 0 : i32
        %scatter3A_1178 = arith.constant 0 : i32
        %scatter3A_1179 = arith.constant 0 : i32
        %scatter3A_1180 = arith.constant 0 : i32
        %scatter3A_1181 = tpu.memref_slice %arg8[%scatter3A_1176, %scatter3A_1177, %scatter3A_1178, %scatter3A_1179, %scatter3A_1180] : memref<2x4x4x8x128xf32, #tpu.memory_space<vmem>> -> memref<1x4x4x8x128xf32, #tpu.memory_space<vmem>>
        %scatter3A_1182 = tpu.memref_squeeze %scatter3A_1181 : memref<1x4x4x8x128xf32, #tpu.memory_space<vmem>> -> memref<4x4x8x128xf32, #tpu.memory_space<vmem>>
        tpu.vector_store_idx %scatter3A_1182[%shift_right_arithmetic3A_1027, %add3A_1172, %and3A_1030, %add3A_1175], %gather3A_1169 : memref<4x4x8x128xf32, #tpu.memory_space<vmem>>[vector<16xi32>, vector<16xi32>, vector<16xi32>, vector<16xi32>], vector<16xf32>,
        %add3A_1183 = arith.constant 112 : i32
        %add3A_1184 = vector.broadcast %add3A_1183 : i32 to vector<16xi32>
        %add3A_1185 = arith.addi %iota3A, %add3A_1184 : vector<16xi32>
        %gather3A_1186 = arith.constant 1 : i32
        %gather3A_1187 = arith.constant 0 : i32
        %gather3A_1188 = arith.constant 0 : i32
        %gather3A_1189 = tpu.memref_slice %arg7[%gather3A_1186, %gather3A_1187, %gather3A_1188] : memref<2x512x32xf32, #tpu.memory_space<vmem>> -> memref<1x512x32xf32, #tpu.memory_space<vmem>>
        %gather3A_1190 = tpu.memref_squeeze %gather3A_1189 : memref<1x512x32xf32, #tpu.memory_space<vmem>> -> memref<512x32xf32, #tpu.memory_space<vmem>>
        %gather3A_1191 = tpu.vector_load_idx %gather3A_1190[%add3A_1185, %add3A_1024] : memref<512x32xf32, #tpu.memory_space<vmem>>[vector<16xi32>, vector<16xi32>], vector<16xf32>,
        %add3A_1192 = arith.constant 0 : i32
        %add3A_1193 = vector.broadcast %add3A_1192 : i32 to vector<16xi32>
        %add3A_1194 = arith.addi %mul3A_7, %add3A_1193 : vector<16xi32>
        %add3A_1195 = arith.constant 112 : i32
        %add3A_1196 = vector.broadcast %add3A_1195 : i32 to vector<16xi32>
        %add3A_1197 = arith.addi %iota3A, %add3A_1196 : vector<16xi32>
        %scatter3A_1198 = arith.constant 1 : i32
        %scatter3A_1199 = arith.constant 0 : i32
        %scatter3A_1200 = arith.constant 0 : i32
        %scatter3A_1201 = arith.constant 0 : i32
        %scatter3A_1202 = arith.constant 0 : i32
        %scatter3A_1203 = tpu.memref_slice %arg8[%scatter3A_1198, %scatter3A_1199, %scatter3A_1200, %scatter3A_1201, %scatter3A_1202] : memref<2x4x4x8x128xf32, #tpu.memory_space<vmem>> -> memref<1x4x4x8x128xf32, #tpu.memory_space<vmem>>
        %scatter3A_1204 = tpu.memref_squeeze %scatter3A_1203 : memref<1x4x4x8x128xf32, #tpu.memory_space<vmem>> -> memref<4x4x8x128xf32, #tpu.memory_space<vmem>>
        tpu.vector_store_idx %scatter3A_1204[%shift_right_arithmetic3A_1027, %add3A_1194, %and3A_1030, %add3A_1197], %gather3A_1191 : memref<4x4x8x128xf32, #tpu.memory_space<vmem>>[vector<16xi32>, vector<16xi32>, vector<16xi32>, vector<16xi32>], vector<16xf32>,
        %add3A_1205 = arith.constant 128 : i32
        %add3A_1206 = vector.broadcast %add3A_1205 : i32 to vector<16xi32>
        %add3A_1207 = arith.addi %iota3A, %add3A_1206 : vector<16xi32>
        %gather3A_1208 = arith.constant 1 : i32
        %gather3A_1209 = arith.constant 0 : i32
        %gather3A_1210 = arith.constant 0 : i32
        %gather3A_1211 = tpu.memref_slice %arg7[%gather3A_1208, %gather3A_1209, %gather3A_1210] : memref<2x512x32xf32, #tpu.memory_space<vmem>> -> memref<1x512x32xf32, #tpu.memory_space<vmem>>
        %gather3A_1212 = tpu.memref_squeeze %gather3A_1211 : memref<1x512x32xf32, #tpu.memory_space<vmem>> -> memref<512x32xf32, #tpu.memory_space<vmem>>
        %gather3A_1213 = tpu.vector_load_idx %gather3A_1212[%add3A_1207, %add3A_1024] : memref<512x32xf32, #tpu.memory_space<vmem>>[vector<16xi32>, vector<16xi32>], vector<16xf32>,
        %add3A_1214 = arith.constant 1 : i32
        %add3A_1215 = vector.broadcast %add3A_1214 : i32 to vector<16xi32>
        %add3A_1216 = arith.addi %mul3A_7, %add3A_1215 : vector<16xi32>
        %add3A_1217 = arith.constant 0 : i32
        %add3A_1218 = vector.broadcast %add3A_1217 : i32 to vector<16xi32>
        %add3A_1219 = arith.addi %iota3A, %add3A_1218 : vector<16xi32>
        %scatter3A_1220 = arith.constant 1 : i32
        %scatter3A_1221 = arith.constant 0 : i32
        %scatter3A_1222 = arith.constant 0 : i32
        %scatter3A_1223 = arith.constant 0 : i32
        %scatter3A_1224 = arith.constant 0 : i32
        %scatter3A_1225 = tpu.memref_slice %arg8[%scatter3A_1220, %scatter3A_1221, %scatter3A_1222, %scatter3A_1223, %scatter3A_1224] : memref<2x4x4x8x128xf32, #tpu.memory_space<vmem>> -> memref<1x4x4x8x128xf32, #tpu.memory_space<vmem>>
        %scatter3A_1226 = tpu.memref_squeeze %scatter3A_1225 : memref<1x4x4x8x128xf32, #tpu.memory_space<vmem>> -> memref<4x4x8x128xf32, #tpu.memory_space<vmem>>
        tpu.vector_store_idx %scatter3A_1226[%shift_right_arithmetic3A_1027, %add3A_1216, %and3A_1030, %add3A_1219], %gather3A_1213 : memref<4x4x8x128xf32, #tpu.memory_space<vmem>>[vector<16xi32>, vector<16xi32>, vector<16xi32>, vector<16xi32>], vector<16xf32>,
        %add3A_1227 = arith.constant 144 : i32
        %add3A_1228 = vector.broadcast %add3A_1227 : i32 to vector<16xi32>
        %add3A_1229 = arith.addi %iota3A, %add3A_1228 : vector<16xi32>
        %gather3A_1230 = arith.constant 1 : i32
        %gather3A_1231 = arith.constant 0 : i32
        %gather3A_1232 = arith.constant 0 : i32
        %gather3A_1233 = tpu.memref_slice %arg7[%gather3A_1230, %gather3A_1231, %gather3A_1232] : memref<2x512x32xf32, #tpu.memory_space<vmem>> -> memref<1x512x32xf32, #tpu.memory_space<vmem>>
        %gather3A_1234 = tpu.memref_squeeze %gather3A_1233 : memref<1x512x32xf32, #tpu.memory_space<vmem>> -> memref<512x32xf32, #tpu.memory_space<vmem>>
        %gather3A_1235 = tpu.vector_load_idx %gather3A_1234[%add3A_1229, %add3A_1024] : memref<512x32xf32, #tpu.memory_space<vmem>>[vector<16xi32>, vector<16xi32>], vector<16xf32>,
        %add3A_1236 = arith.constant 1 : i32
        %add3A_1237 = vector.broadcast %add3A_1236 : i32 to vector<16xi32>
        %add3A_1238 = arith.addi %mul3A_7, %add3A_1237 : vector<16xi32>
        %add3A_1239 = arith.constant 16 : i32
        %add3A_1240 = vector.broadcast %add3A_1239 : i32 to vector<16xi32>
        %add3A_1241 = arith.addi %iota3A, %add3A_1240 : vector<16xi32>
        %scatter3A_1242 = arith.constant 1 : i32
        %scatter3A_1243 = arith.constant 0 : i32
        %scatter3A_1244 = arith.constant 0 : i32
        %scatter3A_1245 = arith.constant 0 : i32
        %scatter3A_1246 = arith.constant 0 : i32
        %scatter3A_1247 = tpu.memref_slice %arg8[%scatter3A_1242, %scatter3A_1243, %scatter3A_1244, %scatter3A_1245, %scatter3A_1246] : memref<2x4x4x8x128xf32, #tpu.memory_space<vmem>> -> memref<1x4x4x8x128xf32, #tpu.memory_space<vmem>>
        %scatter3A_1248 = tpu.memref_squeeze %scatter3A_1247 : memref<1x4x4x8x128xf32, #tpu.memory_space<vmem>> -> memref<4x4x8x128xf32, #tpu.memory_space<vmem>>
        tpu.vector_store_idx %scatter3A_1248[%shift_right_arithmetic3A_1027, %add3A_1238, %and3A_1030, %add3A_1241], %gather3A_1235 : memref<4x4x8x128xf32, #tpu.memory_space<vmem>>[vector<16xi32>, vector<16xi32>, vector<16xi32>, vector<16xi32>], vector<16xf32>,
        %add3A_1249 = arith.constant 160 : i32
        %add3A_1250 = vector.broadcast %add3A_1249 : i32 to vector<16xi32>
        %add3A_1251 = arith.addi %iota3A, %add3A_1250 : vector<16xi32>
        %gather3A_1252 = arith.constant 1 : i32
        %gather3A_1253 = arith.constant 0 : i32
        %gather3A_1254 = arith.constant 0 : i32
        %gather3A_1255 = tpu.memref_slice %arg7[%gather3A_1252, %gather3A_1253, %gather3A_1254] : memref<2x512x32xf32, #tpu.memory_space<vmem>> -> memref<1x512x32xf32, #tpu.memory_space<vmem>>
        %gather3A_1256 = tpu.memref_squeeze %gather3A_1255 : memref<1x512x32xf32, #tpu.memory_space<vmem>> -> memref<512x32xf32, #tpu.memory_space<vmem>>
        %gather3A_1257 = tpu.vector_load_idx %gather3A_1256[%add3A_1251, %add3A_1024] : memref<512x32xf32, #tpu.memory_space<vmem>>[vector<16xi32>, vector<16xi32>], vector<16xf32>,
        %add3A_1258 = arith.constant 1 : i32
        %add3A_1259 = vector.broadcast %add3A_1258 : i32 to vector<16xi32>
        %add3A_1260 = arith.addi %mul3A_7, %add3A_1259 : vector<16xi32>
        %add3A_1261 = arith.constant 32 : i32
        %add3A_1262 = vector.broadcast %add3A_1261 : i32 to vector<16xi32>
        %add3A_1263 = arith.addi %iota3A, %add3A_1262 : vector<16xi32>
        %scatter3A_1264 = arith.constant 1 : i32
        %scatter3A_1265 = arith.constant 0 : i32
        %scatter3A_1266 = arith.constant 0 : i32
        %scatter3A_1267 = arith.constant 0 : i32
        %scatter3A_1268 = arith.constant 0 : i32
        %scatter3A_1269 = tpu.memref_slice %arg8[%scatter3A_1264, %scatter3A_1265, %scatter3A_1266, %scatter3A_1267, %scatter3A_1268] : memref<2x4x4x8x128xf32, #tpu.memory_space<vmem>> -> memref<1x4x4x8x128xf32, #tpu.memory_space<vmem>>
        %scatter3A_1270 = tpu.memref_squeeze %scatter3A_1269 : memref<1x4x4x8x128xf32, #tpu.memory_space<vmem>> -> memref<4x4x8x128xf32, #tpu.memory_space<vmem>>
        tpu.vector_store_idx %scatter3A_1270[%shift_right_arithmetic3A_1027, %add3A_1260, %and3A_1030, %add3A_1263], %gather3A_1257 : memref<4x4x8x128xf32, #tpu.memory_space<vmem>>[vector<16xi32>, vector<16xi32>, vector<16xi32>, vector<16xi32>], vector<16xf32>,
        %add3A_1271 = arith.constant 176 : i32
        %add3A_1272 = vector.broadcast %add3A_1271 : i32 to vector<16xi32>
        %add3A_1273 = arith.addi %iota3A, %add3A_1272 : vector<16xi32>
        %gather3A_1274 = arith.constant 1 : i32
        %gather3A_1275 = arith.constant 0 : i32
        %gather3A_1276 = arith.constant 0 : i32
        %gather3A_1277 = tpu.memref_slice %arg7[%gather3A_1274, %gather3A_1275, %gather3A_1276] : memref<2x512x32xf32, #tpu.memory_space<vmem>> -> memref<1x512x32xf32, #tpu.memory_space<vmem>>
        %gather3A_1278 = tpu.memref_squeeze %gather3A_1277 : memref<1x512x32xf32, #tpu.memory_space<vmem>> -> memref<512x32xf32, #tpu.memory_space<vmem>>
        %gather3A_1279 = tpu.vector_load_idx %gather3A_1278[%add3A_1273, %add3A_1024] : memref<512x32xf32, #tpu.memory_space<vmem>>[vector<16xi32>, vector<16xi32>], vector<16xf32>,
        %add3A_1280 = arith.constant 1 : i32
        %add3A_1281 = vector.broadcast %add3A_1280 : i32 to vector<16xi32>
        %add3A_1282 = arith.addi %mul3A_7, %add3A_1281 : vector<16xi32>
        %add3A_1283 = arith.constant 48 : i32
        %add3A_1284 = vector.broadcast %add3A_1283 : i32 to vector<16xi32>
        %add3A_1285 = arith.addi %iota3A, %add3A_1284 : vector<16xi32>
        %scatter3A_1286 = arith.constant 1 : i32
        %scatter3A_1287 = arith.constant 0 : i32
        %scatter3A_1288 = arith.constant 0 : i32
        %scatter3A_1289 = arith.constant 0 : i32
        %scatter3A_1290 = arith.constant 0 : i32
        %scatter3A_1291 = tpu.memref_slice %arg8[%scatter3A_1286, %scatter3A_1287, %scatter3A_1288, %scatter3A_1289, %scatter3A_1290] : memref<2x4x4x8x128xf32, #tpu.memory_space<vmem>> -> memref<1x4x4x8x128xf32, #tpu.memory_space<vmem>>
        %scatter3A_1292 = tpu.memref_squeeze %scatter3A_1291 : memref<1x4x4x8x128xf32, #tpu.memory_space<vmem>> -> memref<4x4x8x128xf32, #tpu.memory_space<vmem>>
        tpu.vector_store_idx %scatter3A_1292[%shift_right_arithmetic3A_1027, %add3A_1282, %and3A_1030, %add3A_1285], %gather3A_1279 : memref<4x4x8x128xf32, #tpu.memory_space<vmem>>[vector<16xi32>, vector<16xi32>, vector<16xi32>, vector<16xi32>], vector<16xf32>,
        %add3A_1293 = arith.constant 192 : i32
        %add3A_1294 = vector.broadcast %add3A_1293 : i32 to vector<16xi32>
        %add3A_1295 = arith.addi %iota3A, %add3A_1294 : vector<16xi32>
        %gather3A_1296 = arith.constant 1 : i32
        %gather3A_1297 = arith.constant 0 : i32
        %gather3A_1298 = arith.constant 0 : i32
        %gather3A_1299 = tpu.memref_slice %arg7[%gather3A_1296, %gather3A_1297, %gather3A_1298] : memref<2x512x32xf32, #tpu.memory_space<vmem>> -> memref<1x512x32xf32, #tpu.memory_space<vmem>>
        %gather3A_1300 = tpu.memref_squeeze %gather3A_1299 : memref<1x512x32xf32, #tpu.memory_space<vmem>> -> memref<512x32xf32, #tpu.memory_space<vmem>>
        %gather3A_1301 = tpu.vector_load_idx %gather3A_1300[%add3A_1295, %add3A_1024] : memref<512x32xf32, #tpu.memory_space<vmem>>[vector<16xi32>, vector<16xi32>], vector<16xf32>,
        %add3A_1302 = arith.constant 1 : i32
        %add3A_1303 = vector.broadcast %add3A_1302 : i32 to vector<16xi32>
        %add3A_1304 = arith.addi %mul3A_7, %add3A_1303 : vector<16xi32>
        %add3A_1305 = arith.constant 64 : i32
        %add3A_1306 = vector.broadcast %add3A_1305 : i32 to vector<16xi32>
        %add3A_1307 = arith.addi %iota3A, %add3A_1306 : vector<16xi32>
        %scatter3A_1308 = arith.constant 1 : i32
        %scatter3A_1309 = arith.constant 0 : i32
        %scatter3A_1310 = arith.constant 0 : i32
        %scatter3A_1311 = arith.constant 0 : i32
        %scatter3A_1312 = arith.constant 0 : i32
        %scatter3A_1313 = tpu.memref_slice %arg8[%scatter3A_1308, %scatter3A_1309, %scatter3A_1310, %scatter3A_1311, %scatter3A_1312] : memref<2x4x4x8x128xf32, #tpu.memory_space<vmem>> -> memref<1x4x4x8x128xf32, #tpu.memory_space<vmem>>
        %scatter3A_1314 = tpu.memref_squeeze %scatter3A_1313 : memref<1x4x4x8x128xf32, #tpu.memory_space<vmem>> -> memref<4x4x8x128xf32, #tpu.memory_space<vmem>>
        tpu.vector_store_idx %scatter3A_1314[%shift_right_arithmetic3A_1027, %add3A_1304, %and3A_1030, %add3A_1307], %gather3A_1301 : memref<4x4x8x128xf32, #tpu.memory_space<vmem>>[vector<16xi32>, vector<16xi32>, vector<16xi32>, vector<16xi32>], vector<16xf32>,
        %add3A_1315 = arith.constant 208 : i32
        %add3A_1316 = vector.broadcast %add3A_1315 : i32 to vector<16xi32>
        %add3A_1317 = arith.addi %iota3A, %add3A_1316 : vector<16xi32>
        %gather3A_1318 = arith.constant 1 : i32
        %gather3A_1319 = arith.constant 0 : i32
        %gather3A_1320 = arith.constant 0 : i32
        %gather3A_1321 = tpu.memref_slice %arg7[%gather3A_1318, %gather3A_1319, %gather3A_1320] : memref<2x512x32xf32, #tpu.memory_space<vmem>> -> memref<1x512x32xf32, #tpu.memory_space<vmem>>
        %gather3A_1322 = tpu.memref_squeeze %gather3A_1321 : memref<1x512x32xf32, #tpu.memory_space<vmem>> -> memref<512x32xf32, #tpu.memory_space<vmem>>
        %gather3A_1323 = tpu.vector_load_idx %gather3A_1322[%add3A_1317, %add3A_1024] : memref<512x32xf32, #tpu.memory_space<vmem>>[vector<16xi32>, vector<16xi32>], vector<16xf32>,
        %add3A_1324 = arith.constant 1 : i32
        %add3A_1325 = vector.broadcast %add3A_1324 : i32 to vector<16xi32>
        %add3A_1326 = arith.addi %mul3A_7, %add3A_1325 : vector<16xi32>
        %add3A_1327 = arith.constant 80 : i32
        %add3A_1328 = vector.broadcast %add3A_1327 : i32 to vector<16xi32>
        %add3A_1329 = arith.addi %iota3A, %add3A_1328 : vector<16xi32>
        %scatter3A_1330 = arith.constant 1 : i32
        %scatter3A_1331 = arith.constant 0 : i32
        %scatter3A_1332 = arith.constant 0 : i32
        %scatter3A_1333 = arith.constant 0 : i32
        %scatter3A_1334 = arith.constant 0 : i32
        %scatter3A_1335 = tpu.memref_slice %arg8[%scatter3A_1330, %scatter3A_1331, %scatter3A_1332, %scatter3A_1333, %scatter3A_1334] : memref<2x4x4x8x128xf32, #tpu.memory_space<vmem>> -> memref<1x4x4x8x128xf32, #tpu.memory_space<vmem>>
        %scatter3A_1336 = tpu.memref_squeeze %scatter3A_1335 : memref<1x4x4x8x128xf32, #tpu.memory_space<vmem>> -> memref<4x4x8x128xf32, #tpu.memory_space<vmem>>
        tpu.vector_store_idx %scatter3A_1336[%shift_right_arithmetic3A_1027, %add3A_1326, %and3A_1030, %add3A_1329], %gather3A_1323 : memref<4x4x8x128xf32, #tpu.memory_space<vmem>>[vector<16xi32>, vector<16xi32>, vector<16xi32>, vector<16xi32>], vector<16xf32>,
        %add3A_1337 = arith.constant 224 : i32
        %add3A_1338 = vector.broadcast %add3A_1337 : i32 to vector<16xi32>
        %add3A_1339 = arith.addi %iota3A, %add3A_1338 : vector<16xi32>
        %gather3A_1340 = arith.constant 1 : i32
        %gather3A_1341 = arith.constant 0 : i32
        %gather3A_1342 = arith.constant 0 : i32
        %gather3A_1343 = tpu.memref_slice %arg7[%gather3A_1340, %gather3A_1341, %gather3A_1342] : memref<2x512x32xf32, #tpu.memory_space<vmem>> -> memref<1x512x32xf32, #tpu.memory_space<vmem>>
        %gather3A_1344 = tpu.memref_squeeze %gather3A_1343 : memref<1x512x32xf32, #tpu.memory_space<vmem>> -> memref<512x32xf32, #tpu.memory_space<vmem>>
        %gather3A_1345 = tpu.vector_load_idx %gather3A_1344[%add3A_1339, %add3A_1024] : memref<512x32xf32, #tpu.memory_space<vmem>>[vector<16xi32>, vector<16xi32>], vector<16xf32>,
        %add3A_1346 = arith.constant 1 : i32
        %add3A_1347 = vector.broadcast %add3A_1346 : i32 to vector<16xi32>
        %add3A_1348 = arith.addi %mul3A_7, %add3A_1347 : vector<16xi32>
        %add3A_1349 = arith.constant 96 : i32
        %add3A_1350 = vector.broadcast %add3A_1349 : i32 to vector<16xi32>
        %add3A_1351 = arith.addi %iota3A, %add3A_1350 : vector<16xi32>
        %scatter3A_1352 = arith.constant 1 : i32
        %scatter3A_1353 = arith.constant 0 : i32
        %scatter3A_1354 = arith.constant 0 : i32
        %scatter3A_1355 = arith.constant 0 : i32
        %scatter3A_1356 = arith.constant 0 : i32
        %scatter3A_1357 = tpu.memref_slice %arg8[%scatter3A_1352, %scatter3A_1353, %scatter3A_1354, %scatter3A_1355, %scatter3A_1356] : memref<2x4x4x8x128xf32, #tpu.memory_space<vmem>> -> memref<1x4x4x8x128xf32, #tpu.memory_space<vmem>>
        %scatter3A_1358 = tpu.memref_squeeze %scatter3A_1357 : memref<1x4x4x8x128xf32, #tpu.memory_space<vmem>> -> memref<4x4x8x128xf32, #tpu.memory_space<vmem>>
        tpu.vector_store_idx %scatter3A_1358[%shift_right_arithmetic3A_1027, %add3A_1348, %and3A_1030, %add3A_1351], %gather3A_1345 : memref<4x4x8x128xf32, #tpu.memory_space<vmem>>[vector<16xi32>, vector<16xi32>, vector<16xi32>, vector<16xi32>], vector<16xf32>,
        %add3A_1359 = arith.constant 240 : i32
        %add3A_1360 = vector.broadcast %add3A_1359 : i32 to vector<16xi32>
        %add3A_1361 = arith.addi %iota3A, %add3A_1360 : vector<16xi32>
        %gather3A_1362 = arith.constant 1 : i32
        %gather3A_1363 = arith.constant 0 : i32
        %gather3A_1364 = arith.constant 0 : i32
        %gather3A_1365 = tpu.memref_slice %arg7[%gather3A_1362, %gather3A_1363, %gather3A_1364] : memref<2x512x32xf32, #tpu.memory_space<vmem>> -> memref<1x512x32xf32, #tpu.memory_space<vmem>>
        %gather3A_1366 = tpu.memref_squeeze %gather3A_1365 : memref<1x512x32xf32, #tpu.memory_space<vmem>> -> memref<512x32xf32, #tpu.memory_space<vmem>>
        %gather3A_1367 = tpu.vector_load_idx %gather3A_1366[%add3A_1361, %add3A_1024] : memref<512x32xf32, #tpu.memory_space<vmem>>[vector<16xi32>, vector<16xi32>], vector<16xf32>,
        %add3A_1368 = arith.constant 1 : i32
        %add3A_1369 = vector.broadcast %add3A_1368 : i32 to vector<16xi32>
        %add3A_1370 = arith.addi %mul3A_7, %add3A_1369 : vector<16xi32>
        %add3A_1371 = arith.constant 112 : i32
        %add3A_1372 = vector.broadcast %add3A_1371 : i32 to vector<16xi32>
        %add3A_1373 = arith.addi %iota3A, %add3A_1372 : vector<16xi32>
        %scatter3A_1374 = arith.constant 1 : i32
        %scatter3A_1375 = arith.constant 0 : i32
        %scatter3A_1376 = arith.constant 0 : i32
        %scatter3A_1377 = arith.constant 0 : i32
        %scatter3A_1378 = arith.constant 0 : i32
        %scatter3A_1379 = tpu.memref_slice %arg8[%scatter3A_1374, %scatter3A_1375, %scatter3A_1376, %scatter3A_1377, %scatter3A_1378] : memref<2x4x4x8x128xf32, #tpu.memory_space<vmem>> -> memref<1x4x4x8x128xf32, #tpu.memory_space<vmem>>
        %scatter3A_1380 = tpu.memref_squeeze %scatter3A_1379 : memref<1x4x4x8x128xf32, #tpu.memory_space<vmem>> -> memref<4x4x8x128xf32, #tpu.memory_space<vmem>>
        tpu.vector_store_idx %scatter3A_1380[%shift_right_arithmetic3A_1027, %add3A_1370, %and3A_1030, %add3A_1373], %gather3A_1367 : memref<4x4x8x128xf32, #tpu.memory_space<vmem>>[vector<16xi32>, vector<16xi32>, vector<16xi32>, vector<16xi32>], vector<16xf32>,
        %add3A_1381 = arith.constant 256 : i32
        %add3A_1382 = vector.broadcast %add3A_1381 : i32 to vector<16xi32>
        %add3A_1383 = arith.addi %iota3A, %add3A_1382 : vector<16xi32>
        %gather3A_1384 = arith.constant 1 : i32
        %gather3A_1385 = arith.constant 0 : i32
        %gather3A_1386 = arith.constant 0 : i32
        %gather3A_1387 = tpu.memref_slice %arg7[%gather3A_1384, %gather3A_1385, %gather3A_1386] : memref<2x512x32xf32, #tpu.memory_space<vmem>> -> memref<1x512x32xf32, #tpu.memory_space<vmem>>
        %gather3A_1388 = tpu.memref_squeeze %gather3A_1387 : memref<1x512x32xf32, #tpu.memory_space<vmem>> -> memref<512x32xf32, #tpu.memory_space<vmem>>
        %gather3A_1389 = tpu.vector_load_idx %gather3A_1388[%add3A_1383, %add3A_1024] : memref<512x32xf32, #tpu.memory_space<vmem>>[vector<16xi32>, vector<16xi32>], vector<16xf32>,
        %add3A_1390 = arith.constant 2 : i32
        %add3A_1391 = vector.broadcast %add3A_1390 : i32 to vector<16xi32>
        %add3A_1392 = arith.addi %mul3A_7, %add3A_1391 : vector<16xi32>
        %add3A_1393 = arith.constant 0 : i32
        %add3A_1394 = vector.broadcast %add3A_1393 : i32 to vector<16xi32>
        %add3A_1395 = arith.addi %iota3A, %add3A_1394 : vector<16xi32>
        %scatter3A_1396 = arith.constant 1 : i32
        %scatter3A_1397 = arith.constant 0 : i32
        %scatter3A_1398 = arith.constant 0 : i32
        %scatter3A_1399 = arith.constant 0 : i32
        %scatter3A_1400 = arith.constant 0 : i32
        %scatter3A_1401 = tpu.memref_slice %arg8[%scatter3A_1396, %scatter3A_1397, %scatter3A_1398, %scatter3A_1399, %scatter3A_1400] : memref<2x4x4x8x128xf32, #tpu.memory_space<vmem>> -> memref<1x4x4x8x128xf32, #tpu.memory_space<vmem>>
        %scatter3A_1402 = tpu.memref_squeeze %scatter3A_1401 : memref<1x4x4x8x128xf32, #tpu.memory_space<vmem>> -> memref<4x4x8x128xf32, #tpu.memory_space<vmem>>
        tpu.vector_store_idx %scatter3A_1402[%shift_right_arithmetic3A_1027, %add3A_1392, %and3A_1030, %add3A_1395], %gather3A_1389 : memref<4x4x8x128xf32, #tpu.memory_space<vmem>>[vector<16xi32>, vector<16xi32>, vector<16xi32>, vector<16xi32>], vector<16xf32>,
        %add3A_1403 = arith.constant 272 : i32
        %add3A_1404 = vector.broadcast %add3A_1403 : i32 to vector<16xi32>
        %add3A_1405 = arith.addi %iota3A, %add3A_1404 : vector<16xi32>
        %gather3A_1406 = arith.constant 1 : i32
        %gather3A_1407 = arith.constant 0 : i32
        %gather3A_1408 = arith.constant 0 : i32
        %gather3A_1409 = tpu.memref_slice %arg7[%gather3A_1406, %gather3A_1407, %gather3A_1408] : memref<2x512x32xf32, #tpu.memory_space<vmem>> -> memref<1x512x32xf32, #tpu.memory_space<vmem>>
        %gather3A_1410 = tpu.memref_squeeze %gather3A_1409 : memref<1x512x32xf32, #tpu.memory_space<vmem>> -> memref<512x32xf32, #tpu.memory_space<vmem>>
        %gather3A_1411 = tpu.vector_load_idx %gather3A_1410[%add3A_1405, %add3A_1024] : memref<512x32xf32, #tpu.memory_space<vmem>>[vector<16xi32>, vector<16xi32>], vector<16xf32>,
        %add3A_1412 = arith.constant 2 : i32
        %add3A_1413 = vector.broadcast %add3A_1412 : i32 to vector<16xi32>
        %add3A_1414 = arith.addi %mul3A_7, %add3A_1413 : vector<16xi32>
        %add3A_1415 = arith.constant 16 : i32
        %add3A_1416 = vector.broadcast %add3A_1415 : i32 to vector<16xi32>
        %add3A_1417 = arith.addi %iota3A, %add3A_1416 : vector<16xi32>
        %scatter3A_1418 = arith.constant 1 : i32
        %scatter3A_1419 = arith.constant 0 : i32
        %scatter3A_1420 = arith.constant 0 : i32
        %scatter3A_1421 = arith.constant 0 : i32
        %scatter3A_1422 = arith.constant 0 : i32
        %scatter3A_1423 = tpu.memref_slice %arg8[%scatter3A_1418, %scatter3A_1419, %scatter3A_1420, %scatter3A_1421, %scatter3A_1422] : memref<2x4x4x8x128xf32, #tpu.memory_space<vmem>> -> memref<1x4x4x8x128xf32, #tpu.memory_space<vmem>>
        %scatter3A_1424 = tpu.memref_squeeze %scatter3A_1423 : memref<1x4x4x8x128xf32, #tpu.memory_space<vmem>> -> memref<4x4x8x128xf32, #tpu.memory_space<vmem>>
        tpu.vector_store_idx %scatter3A_1424[%shift_right_arithmetic3A_1027, %add3A_1414, %and3A_1030, %add3A_1417], %gather3A_1411 : memref<4x4x8x128xf32, #tpu.memory_space<vmem>>[vector<16xi32>, vector<16xi32>, vector<16xi32>, vector<16xi32>], vector<16xf32>,
        %add3A_1425 = arith.constant 288 : i32
        %add3A_1426 = vector.broadcast %add3A_1425 : i32 to vector<16xi32>
        %add3A_1427 = arith.addi %iota3A, %add3A_1426 : vector<16xi32>
        %gather3A_1428 = arith.constant 1 : i32
        %gather3A_1429 = arith.constant 0 : i32
        %gather3A_1430 = arith.constant 0 : i32
        %gather3A_1431 = tpu.memref_slice %arg7[%gather3A_1428, %gather3A_1429, %gather3A_1430] : memref<2x512x32xf32, #tpu.memory_space<vmem>> -> memref<1x512x32xf32, #tpu.memory_space<vmem>>
        %gather3A_1432 = tpu.memref_squeeze %gather3A_1431 : memref<1x512x32xf32, #tpu.memory_space<vmem>> -> memref<512x32xf32, #tpu.memory_space<vmem>>
        %gather3A_1433 = tpu.vector_load_idx %gather3A_1432[%add3A_1427, %add3A_1024] : memref<512x32xf32, #tpu.memory_space<vmem>>[vector<16xi32>, vector<16xi32>], vector<16xf32>,
        %add3A_1434 = arith.constant 2 : i32
        %add3A_1435 = vector.broadcast %add3A_1434 : i32 to vector<16xi32>
        %add3A_1436 = arith.addi %mul3A_7, %add3A_1435 : vector<16xi32>
        %add3A_1437 = arith.constant 32 : i32
        %add3A_1438 = vector.broadcast %add3A_1437 : i32 to vector<16xi32>
        %add3A_1439 = arith.addi %iota3A, %add3A_1438 : vector<16xi32>
        %scatter3A_1440 = arith.constant 1 : i32
        %scatter3A_1441 = arith.constant 0 : i32
        %scatter3A_1442 = arith.constant 0 : i32
        %scatter3A_1443 = arith.constant 0 : i32
        %scatter3A_1444 = arith.constant 0 : i32
        %scatter3A_1445 = tpu.memref_slice %arg8[%scatter3A_1440, %scatter3A_1441, %scatter3A_1442, %scatter3A_1443, %scatter3A_1444] : memref<2x4x4x8x128xf32, #tpu.memory_space<vmem>> -> memref<1x4x4x8x128xf32, #tpu.memory_space<vmem>>
        %scatter3A_1446 = tpu.memref_squeeze %scatter3A_1445 : memref<1x4x4x8x128xf32, #tpu.memory_space<vmem>> -> memref<4x4x8x128xf32, #tpu.memory_space<vmem>>
        tpu.vector_store_idx %scatter3A_1446[%shift_right_arithmetic3A_1027, %add3A_1436, %and3A_1030, %add3A_1439], %gather3A_1433 : memref<4x4x8x128xf32, #tpu.memory_space<vmem>>[vector<16xi32>, vector<16xi32>, vector<16xi32>, vector<16xi32>], vector<16xf32>,
        %add3A_1447 = arith.constant 304 : i32
        %add3A_1448 = vector.broadcast %add3A_1447 : i32 to vector<16xi32>
        %add3A_1449 = arith.addi %iota3A, %add3A_1448 : vector<16xi32>
        %gather3A_1450 = arith.constant 1 : i32
        %gather3A_1451 = arith.constant 0 : i32
        %gather3A_1452 = arith.constant 0 : i32
        %gather3A_1453 = tpu.memref_slice %arg7[%gather3A_1450, %gather3A_1451, %gather3A_1452] : memref<2x512x32xf32, #tpu.memory_space<vmem>> -> memref<1x512x32xf32, #tpu.memory_space<vmem>>
        %gather3A_1454 = tpu.memref_squeeze %gather3A_1453 : memref<1x512x32xf32, #tpu.memory_space<vmem>> -> memref<512x32xf32, #tpu.memory_space<vmem>>
        %gather3A_1455 = tpu.vector_load_idx %gather3A_1454[%add3A_1449, %add3A_1024] : memref<512x32xf32, #tpu.memory_space<vmem>>[vector<16xi32>, vector<16xi32>], vector<16xf32>,
        %add3A_1456 = arith.constant 2 : i32
        %add3A_1457 = vector.broadcast %add3A_1456 : i32 to vector<16xi32>
        %add3A_1458 = arith.addi %mul3A_7, %add3A_1457 : vector<16xi32>
        %add3A_1459 = arith.constant 48 : i32
        %add3A_1460 = vector.broadcast %add3A_1459 : i32 to vector<16xi32>
        %add3A_1461 = arith.addi %iota3A, %add3A_1460 : vector<16xi32>
        %scatter3A_1462 = arith.constant 1 : i32
        %scatter3A_1463 = arith.constant 0 : i32
        %scatter3A_1464 = arith.constant 0 : i32
        %scatter3A_1465 = arith.constant 0 : i32
        %scatter3A_1466 = arith.constant 0 : i32
        %scatter3A_1467 = tpu.memref_slice %arg8[%scatter3A_1462, %scatter3A_1463, %scatter3A_1464, %scatter3A_1465, %scatter3A_1466] : memref<2x4x4x8x128xf32, #tpu.memory_space<vmem>> -> memref<1x4x4x8x128xf32, #tpu.memory_space<vmem>>
        %scatter3A_1468 = tpu.memref_squeeze %scatter3A_1467 : memref<1x4x4x8x128xf32, #tpu.memory_space<vmem>> -> memref<4x4x8x128xf32, #tpu.memory_space<vmem>>
        tpu.vector_store_idx %scatter3A_1468[%shift_right_arithmetic3A_1027, %add3A_1458, %and3A_1030, %add3A_1461], %gather3A_1455 : memref<4x4x8x128xf32, #tpu.memory_space<vmem>>[vector<16xi32>, vector<16xi32>, vector<16xi32>, vector<16xi32>], vector<16xf32>,
        %add3A_1469 = arith.constant 320 : i32
        %add3A_1470 = vector.broadcast %add3A_1469 : i32 to vector<16xi32>
        %add3A_1471 = arith.addi %iota3A, %add3A_1470 : vector<16xi32>
        %gather3A_1472 = arith.constant 1 : i32
        %gather3A_1473 = arith.constant 0 : i32
        %gather3A_1474 = arith.constant 0 : i32
        %gather3A_1475 = tpu.memref_slice %arg7[%gather3A_1472, %gather3A_1473, %gather3A_1474] : memref<2x512x32xf32, #tpu.memory_space<vmem>> -> memref<1x512x32xf32, #tpu.memory_space<vmem>>
        %gather3A_1476 = tpu.memref_squeeze %gather3A_1475 : memref<1x512x32xf32, #tpu.memory_space<vmem>> -> memref<512x32xf32, #tpu.memory_space<vmem>>
        %gather3A_1477 = tpu.vector_load_idx %gather3A_1476[%add3A_1471, %add3A_1024] : memref<512x32xf32, #tpu.memory_space<vmem>>[vector<16xi32>, vector<16xi32>], vector<16xf32>,
        %add3A_1478 = arith.constant 2 : i32
        %add3A_1479 = vector.broadcast %add3A_1478 : i32 to vector<16xi32>
        %add3A_1480 = arith.addi %mul3A_7, %add3A_1479 : vector<16xi32>
        %add3A_1481 = arith.constant 64 : i32
        %add3A_1482 = vector.broadcast %add3A_1481 : i32 to vector<16xi32>
        %add3A_1483 = arith.addi %iota3A, %add3A_1482 : vector<16xi32>
        %scatter3A_1484 = arith.constant 1 : i32
        %scatter3A_1485 = arith.constant 0 : i32
        %scatter3A_1486 = arith.constant 0 : i32
        %scatter3A_1487 = arith.constant 0 : i32
        %scatter3A_1488 = arith.constant 0 : i32
        %scatter3A_1489 = tpu.memref_slice %arg8[%scatter3A_1484, %scatter3A_1485, %scatter3A_1486, %scatter3A_1487, %scatter3A_1488] : memref<2x4x4x8x128xf32, #tpu.memory_space<vmem>> -> memref<1x4x4x8x128xf32, #tpu.memory_space<vmem>>
        %scatter3A_1490 = tpu.memref_squeeze %scatter3A_1489 : memref<1x4x4x8x128xf32, #tpu.memory_space<vmem>> -> memref<4x4x8x128xf32, #tpu.memory_space<vmem>>
        tpu.vector_store_idx %scatter3A_1490[%shift_right_arithmetic3A_1027, %add3A_1480, %and3A_1030, %add3A_1483], %gather3A_1477 : memref<4x4x8x128xf32, #tpu.memory_space<vmem>>[vector<16xi32>, vector<16xi32>, vector<16xi32>, vector<16xi32>], vector<16xf32>,
        %add3A_1491 = arith.constant 336 : i32
        %add3A_1492 = vector.broadcast %add3A_1491 : i32 to vector<16xi32>
        %add3A_1493 = arith.addi %iota3A, %add3A_1492 : vector<16xi32>
        %gather3A_1494 = arith.constant 1 : i32
        %gather3A_1495 = arith.constant 0 : i32
        %gather3A_1496 = arith.constant 0 : i32
        %gather3A_1497 = tpu.memref_slice %arg7[%gather3A_1494, %gather3A_1495, %gather3A_1496] : memref<2x512x32xf32, #tpu.memory_space<vmem>> -> memref<1x512x32xf32, #tpu.memory_space<vmem>>
        %gather3A_1498 = tpu.memref_squeeze %gather3A_1497 : memref<1x512x32xf32, #tpu.memory_space<vmem>> -> memref<512x32xf32, #tpu.memory_space<vmem>>
        %gather3A_1499 = tpu.vector_load_idx %gather3A_1498[%add3A_1493, %add3A_1024] : memref<512x32xf32, #tpu.memory_space<vmem>>[vector<16xi32>, vector<16xi32>], vector<16xf32>,
        %add3A_1500 = arith.constant 2 : i32
        %add3A_1501 = vector.broadcast %add3A_1500 : i32 to vector<16xi32>
        %add3A_1502 = arith.addi %mul3A_7, %add3A_1501 : vector<16xi32>
        %add3A_1503 = arith.constant 80 : i32
        %add3A_1504 = vector.broadcast %add3A_1503 : i32 to vector<16xi32>
        %add3A_1505 = arith.addi %iota3A, %add3A_1504 : vector<16xi32>
        %scatter3A_1506 = arith.constant 1 : i32
        %scatter3A_1507 = arith.constant 0 : i32
        %scatter3A_1508 = arith.constant 0 : i32
        %scatter3A_1509 = arith.constant 0 : i32
        %scatter3A_1510 = arith.constant 0 : i32
        %scatter3A_1511 = tpu.memref_slice %arg8[%scatter3A_1506, %scatter3A_1507, %scatter3A_1508, %scatter3A_1509, %scatter3A_1510] : memref<2x4x4x8x128xf32, #tpu.memory_space<vmem>> -> memref<1x4x4x8x128xf32, #tpu.memory_space<vmem>>
        %scatter3A_1512 = tpu.memref_squeeze %scatter3A_1511 : memref<1x4x4x8x128xf32, #tpu.memory_space<vmem>> -> memref<4x4x8x128xf32, #tpu.memory_space<vmem>>
        tpu.vector_store_idx %scatter3A_1512[%shift_right_arithmetic3A_1027, %add3A_1502, %and3A_1030, %add3A_1505], %gather3A_1499 : memref<4x4x8x128xf32, #tpu.memory_space<vmem>>[vector<16xi32>, vector<16xi32>, vector<16xi32>, vector<16xi32>], vector<16xf32>,
        %add3A_1513 = arith.constant 352 : i32
        %add3A_1514 = vector.broadcast %add3A_1513 : i32 to vector<16xi32>
        %add3A_1515 = arith.addi %iota3A, %add3A_1514 : vector<16xi32>
        %gather3A_1516 = arith.constant 1 : i32
        %gather3A_1517 = arith.constant 0 : i32
        %gather3A_1518 = arith.constant 0 : i32
        %gather3A_1519 = tpu.memref_slice %arg7[%gather3A_1516, %gather3A_1517, %gather3A_1518] : memref<2x512x32xf32, #tpu.memory_space<vmem>> -> memref<1x512x32xf32, #tpu.memory_space<vmem>>
        %gather3A_1520 = tpu.memref_squeeze %gather3A_1519 : memref<1x512x32xf32, #tpu.memory_space<vmem>> -> memref<512x32xf32, #tpu.memory_space<vmem>>
        %gather3A_1521 = tpu.vector_load_idx %gather3A_1520[%add3A_1515, %add3A_1024] : memref<512x32xf32, #tpu.memory_space<vmem>>[vector<16xi32>, vector<16xi32>], vector<16xf32>,
        %add3A_1522 = arith.constant 2 : i32
        %add3A_1523 = vector.broadcast %add3A_1522 : i32 to vector<16xi32>
        %add3A_1524 = arith.addi %mul3A_7, %add3A_1523 : vector<16xi32>
        %add3A_1525 = arith.constant 96 : i32
        %add3A_1526 = vector.broadcast %add3A_1525 : i32 to vector<16xi32>
        %add3A_1527 = arith.addi %iota3A, %add3A_1526 : vector<16xi32>
        %scatter3A_1528 = arith.constant 1 : i32
        %scatter3A_1529 = arith.constant 0 : i32
        %scatter3A_1530 = arith.constant 0 : i32
        %scatter3A_1531 = arith.constant 0 : i32
        %scatter3A_1532 = arith.constant 0 : i32
        %scatter3A_1533 = tpu.memref_slice %arg8[%scatter3A_1528, %scatter3A_1529, %scatter3A_1530, %scatter3A_1531, %scatter3A_1532] : memref<2x4x4x8x128xf32, #tpu.memory_space<vmem>> -> memref<1x4x4x8x128xf32, #tpu.memory_space<vmem>>
        %scatter3A_1534 = tpu.memref_squeeze %scatter3A_1533 : memref<1x4x4x8x128xf32, #tpu.memory_space<vmem>> -> memref<4x4x8x128xf32, #tpu.memory_space<vmem>>
        tpu.vector_store_idx %scatter3A_1534[%shift_right_arithmetic3A_1027, %add3A_1524, %and3A_1030, %add3A_1527], %gather3A_1521 : memref<4x4x8x128xf32, #tpu.memory_space<vmem>>[vector<16xi32>, vector<16xi32>, vector<16xi32>, vector<16xi32>], vector<16xf32>,
        %add3A_1535 = arith.constant 368 : i32
        %add3A_1536 = vector.broadcast %add3A_1535 : i32 to vector<16xi32>
        %add3A_1537 = arith.addi %iota3A, %add3A_1536 : vector<16xi32>
        %gather3A_1538 = arith.constant 1 : i32
        %gather3A_1539 = arith.constant 0 : i32
        %gather3A_1540 = arith.constant 0 : i32
        %gather3A_1541 = tpu.memref_slice %arg7[%gather3A_1538, %gather3A_1539, %gather3A_1540] : memref<2x512x32xf32, #tpu.memory_space<vmem>> -> memref<1x512x32xf32, #tpu.memory_space<vmem>>
        %gather3A_1542 = tpu.memref_squeeze %gather3A_1541 : memref<1x512x32xf32, #tpu.memory_space<vmem>> -> memref<512x32xf32, #tpu.memory_space<vmem>>
        %gather3A_1543 = tpu.vector_load_idx %gather3A_1542[%add3A_1537, %add3A_1024] : memref<512x32xf32, #tpu.memory_space<vmem>>[vector<16xi32>, vector<16xi32>], vector<16xf32>,
        %add3A_1544 = arith.constant 2 : i32
        %add3A_1545 = vector.broadcast %add3A_1544 : i32 to vector<16xi32>
        %add3A_1546 = arith.addi %mul3A_7, %add3A_1545 : vector<16xi32>
        %add3A_1547 = arith.constant 112 : i32
        %add3A_1548 = vector.broadcast %add3A_1547 : i32 to vector<16xi32>
        %add3A_1549 = arith.addi %iota3A, %add3A_1548 : vector<16xi32>
        %scatter3A_1550 = arith.constant 1 : i32
        %scatter3A_1551 = arith.constant 0 : i32
        %scatter3A_1552 = arith.constant 0 : i32
        %scatter3A_1553 = arith.constant 0 : i32
        %scatter3A_1554 = arith.constant 0 : i32
        %scatter3A_1555 = tpu.memref_slice %arg8[%scatter3A_1550, %scatter3A_1551, %scatter3A_1552, %scatter3A_1553, %scatter3A_1554] : memref<2x4x4x8x128xf32, #tpu.memory_space<vmem>> -> memref<1x4x4x8x128xf32, #tpu.memory_space<vmem>>
        %scatter3A_1556 = tpu.memref_squeeze %scatter3A_1555 : memref<1x4x4x8x128xf32, #tpu.memory_space<vmem>> -> memref<4x4x8x128xf32, #tpu.memory_space<vmem>>
        tpu.vector_store_idx %scatter3A_1556[%shift_right_arithmetic3A_1027, %add3A_1546, %and3A_1030, %add3A_1549], %gather3A_1543 : memref<4x4x8x128xf32, #tpu.memory_space<vmem>>[vector<16xi32>, vector<16xi32>, vector<16xi32>, vector<16xi32>], vector<16xf32>,
        %add3A_1557 = arith.constant 384 : i32
        %add3A_1558 = vector.broadcast %add3A_1557 : i32 to vector<16xi32>
        %add3A_1559 = arith.addi %iota3A, %add3A_1558 : vector<16xi32>
        %gather3A_1560 = arith.constant 1 : i32
        %gather3A_1561 = arith.constant 0 : i32
        %gather3A_1562 = arith.constant 0 : i32
        %gather3A_1563 = tpu.memref_slice %arg7[%gather3A_1560, %gather3A_1561, %gather3A_1562] : memref<2x512x32xf32, #tpu.memory_space<vmem>> -> memref<1x512x32xf32, #tpu.memory_space<vmem>>
        %gather3A_1564 = tpu.memref_squeeze %gather3A_1563 : memref<1x512x32xf32, #tpu.memory_space<vmem>> -> memref<512x32xf32, #tpu.memory_space<vmem>>
        %gather3A_1565 = tpu.vector_load_idx %gather3A_1564[%add3A_1559, %add3A_1024] : memref<512x32xf32, #tpu.memory_space<vmem>>[vector<16xi32>, vector<16xi32>], vector<16xf32>,
        %add3A_1566 = arith.constant 3 : i32
        %add3A_1567 = vector.broadcast %add3A_1566 : i32 to vector<16xi32>
        %add3A_1568 = arith.addi %mul3A_7, %add3A_1567 : vector<16xi32>
        %add3A_1569 = arith.constant 0 : i32
        %add3A_1570 = vector.broadcast %add3A_1569 : i32 to vector<16xi32>
        %add3A_1571 = arith.addi %iota3A, %add3A_1570 : vector<16xi32>
        %scatter3A_1572 = arith.constant 1 : i32
        %scatter3A_1573 = arith.constant 0 : i32
        %scatter3A_1574 = arith.constant 0 : i32
        %scatter3A_1575 = arith.constant 0 : i32
        %scatter3A_1576 = arith.constant 0 : i32
        %scatter3A_1577 = tpu.memref_slice %arg8[%scatter3A_1572, %scatter3A_1573, %scatter3A_1574, %scatter3A_1575, %scatter3A_1576] : memref<2x4x4x8x128xf32, #tpu.memory_space<vmem>> -> memref<1x4x4x8x128xf32, #tpu.memory_space<vmem>>
        %scatter3A_1578 = tpu.memref_squeeze %scatter3A_1577 : memref<1x4x4x8x128xf32, #tpu.memory_space<vmem>> -> memref<4x4x8x128xf32, #tpu.memory_space<vmem>>
        tpu.vector_store_idx %scatter3A_1578[%shift_right_arithmetic3A_1027, %add3A_1568, %and3A_1030, %add3A_1571], %gather3A_1565 : memref<4x4x8x128xf32, #tpu.memory_space<vmem>>[vector<16xi32>, vector<16xi32>, vector<16xi32>, vector<16xi32>], vector<16xf32>,
        %add3A_1579 = arith.constant 400 : i32
        %add3A_1580 = vector.broadcast %add3A_1579 : i32 to vector<16xi32>
        %add3A_1581 = arith.addi %iota3A, %add3A_1580 : vector<16xi32>
        %gather3A_1582 = arith.constant 1 : i32
        %gather3A_1583 = arith.constant 0 : i32
        %gather3A_1584 = arith.constant 0 : i32
        %gather3A_1585 = tpu.memref_slice %arg7[%gather3A_1582, %gather3A_1583, %gather3A_1584] : memref<2x512x32xf32, #tpu.memory_space<vmem>> -> memref<1x512x32xf32, #tpu.memory_space<vmem>>
        %gather3A_1586 = tpu.memref_squeeze %gather3A_1585 : memref<1x512x32xf32, #tpu.memory_space<vmem>> -> memref<512x32xf32, #tpu.memory_space<vmem>>
        %gather3A_1587 = tpu.vector_load_idx %gather3A_1586[%add3A_1581, %add3A_1024] : memref<512x32xf32, #tpu.memory_space<vmem>>[vector<16xi32>, vector<16xi32>], vector<16xf32>,
        %add3A_1588 = arith.constant 3 : i32
        %add3A_1589 = vector.broadcast %add3A_1588 : i32 to vector<16xi32>
        %add3A_1590 = arith.addi %mul3A_7, %add3A_1589 : vector<16xi32>
        %add3A_1591 = arith.constant 16 : i32
        %add3A_1592 = vector.broadcast %add3A_1591 : i32 to vector<16xi32>
        %add3A_1593 = arith.addi %iota3A, %add3A_1592 : vector<16xi32>
        %scatter3A_1594 = arith.constant 1 : i32
        %scatter3A_1595 = arith.constant 0 : i32
        %scatter3A_1596 = arith.constant 0 : i32
        %scatter3A_1597 = arith.constant 0 : i32
        %scatter3A_1598 = arith.constant 0 : i32
        %scatter3A_1599 = tpu.memref_slice %arg8[%scatter3A_1594, %scatter3A_1595, %scatter3A_1596, %scatter3A_1597, %scatter3A_1598] : memref<2x4x4x8x128xf32, #tpu.memory_space<vmem>> -> memref<1x4x4x8x128xf32, #tpu.memory_space<vmem>>
        %scatter3A_1600 = tpu.memref_squeeze %scatter3A_1599 : memref<1x4x4x8x128xf32, #tpu.memory_space<vmem>> -> memref<4x4x8x128xf32, #tpu.memory_space<vmem>>
        tpu.vector_store_idx %scatter3A_1600[%shift_right_arithmetic3A_1027, %add3A_1590, %and3A_1030, %add3A_1593], %gather3A_1587 : memref<4x4x8x128xf32, #tpu.memory_space<vmem>>[vector<16xi32>, vector<16xi32>, vector<16xi32>, vector<16xi32>], vector<16xf32>,
        %add3A_1601 = arith.constant 416 : i32
        %add3A_1602 = vector.broadcast %add3A_1601 : i32 to vector<16xi32>
        %add3A_1603 = arith.addi %iota3A, %add3A_1602 : vector<16xi32>
        %gather3A_1604 = arith.constant 1 : i32
        %gather3A_1605 = arith.constant 0 : i32
        %gather3A_1606 = arith.constant 0 : i32
        %gather3A_1607 = tpu.memref_slice %arg7[%gather3A_1604, %gather3A_1605, %gather3A_1606] : memref<2x512x32xf32, #tpu.memory_space<vmem>> -> memref<1x512x32xf32, #tpu.memory_space<vmem>>
        %gather3A_1608 = tpu.memref_squeeze %gather3A_1607 : memref<1x512x32xf32, #tpu.memory_space<vmem>> -> memref<512x32xf32, #tpu.memory_space<vmem>>
        %gather3A_1609 = tpu.vector_load_idx %gather3A_1608[%add3A_1603, %add3A_1024] : memref<512x32xf32, #tpu.memory_space<vmem>>[vector<16xi32>, vector<16xi32>], vector<16xf32>,
        %add3A_1610 = arith.constant 3 : i32
        %add3A_1611 = vector.broadcast %add3A_1610 : i32 to vector<16xi32>
        %add3A_1612 = arith.addi %mul3A_7, %add3A_1611 : vector<16xi32>
        %add3A_1613 = arith.constant 32 : i32
        %add3A_1614 = vector.broadcast %add3A_1613 : i32 to vector<16xi32>
        %add3A_1615 = arith.addi %iota3A, %add3A_1614 : vector<16xi32>
        %scatter3A_1616 = arith.constant 1 : i32
        %scatter3A_1617 = arith.constant 0 : i32
        %scatter3A_1618 = arith.constant 0 : i32
        %scatter3A_1619 = arith.constant 0 : i32
        %scatter3A_1620 = arith.constant 0 : i32
        %scatter3A_1621 = tpu.memref_slice %arg8[%scatter3A_1616, %scatter3A_1617, %scatter3A_1618, %scatter3A_1619, %scatter3A_1620] : memref<2x4x4x8x128xf32, #tpu.memory_space<vmem>> -> memref<1x4x4x8x128xf32, #tpu.memory_space<vmem>>
        %scatter3A_1622 = tpu.memref_squeeze %scatter3A_1621 : memref<1x4x4x8x128xf32, #tpu.memory_space<vmem>> -> memref<4x4x8x128xf32, #tpu.memory_space<vmem>>
        tpu.vector_store_idx %scatter3A_1622[%shift_right_arithmetic3A_1027, %add3A_1612, %and3A_1030, %add3A_1615], %gather3A_1609 : memref<4x4x8x128xf32, #tpu.memory_space<vmem>>[vector<16xi32>, vector<16xi32>, vector<16xi32>, vector<16xi32>], vector<16xf32>,
        %add3A_1623 = arith.constant 432 : i32
        %add3A_1624 = vector.broadcast %add3A_1623 : i32 to vector<16xi32>
        %add3A_1625 = arith.addi %iota3A, %add3A_1624 : vector<16xi32>
        %gather3A_1626 = arith.constant 1 : i32
        %gather3A_1627 = arith.constant 0 : i32
        %gather3A_1628 = arith.constant 0 : i32
        %gather3A_1629 = tpu.memref_slice %arg7[%gather3A_1626, %gather3A_1627, %gather3A_1628] : memref<2x512x32xf32, #tpu.memory_space<vmem>> -> memref<1x512x32xf32, #tpu.memory_space<vmem>>
        %gather3A_1630 = tpu.memref_squeeze %gather3A_1629 : memref<1x512x32xf32, #tpu.memory_space<vmem>> -> memref<512x32xf32, #tpu.memory_space<vmem>>
        %gather3A_1631 = tpu.vector_load_idx %gather3A_1630[%add3A_1625, %add3A_1024] : memref<512x32xf32, #tpu.memory_space<vmem>>[vector<16xi32>, vector<16xi32>], vector<16xf32>,
        %add3A_1632 = arith.constant 3 : i32
        %add3A_1633 = vector.broadcast %add3A_1632 : i32 to vector<16xi32>
        %add3A_1634 = arith.addi %mul3A_7, %add3A_1633 : vector<16xi32>
        %add3A_1635 = arith.constant 48 : i32
        %add3A_1636 = vector.broadcast %add3A_1635 : i32 to vector<16xi32>
        %add3A_1637 = arith.addi %iota3A, %add3A_1636 : vector<16xi32>
        %scatter3A_1638 = arith.constant 1 : i32
        %scatter3A_1639 = arith.constant 0 : i32
        %scatter3A_1640 = arith.constant 0 : i32
        %scatter3A_1641 = arith.constant 0 : i32
        %scatter3A_1642 = arith.constant 0 : i32
        %scatter3A_1643 = tpu.memref_slice %arg8[%scatter3A_1638, %scatter3A_1639, %scatter3A_1640, %scatter3A_1641, %scatter3A_1642] : memref<2x4x4x8x128xf32, #tpu.memory_space<vmem>> -> memref<1x4x4x8x128xf32, #tpu.memory_space<vmem>>
        %scatter3A_1644 = tpu.memref_squeeze %scatter3A_1643 : memref<1x4x4x8x128xf32, #tpu.memory_space<vmem>> -> memref<4x4x8x128xf32, #tpu.memory_space<vmem>>
        tpu.vector_store_idx %scatter3A_1644[%shift_right_arithmetic3A_1027, %add3A_1634, %and3A_1030, %add3A_1637], %gather3A_1631 : memref<4x4x8x128xf32, #tpu.memory_space<vmem>>[vector<16xi32>, vector<16xi32>, vector<16xi32>, vector<16xi32>], vector<16xf32>,
        %add3A_1645 = arith.constant 448 : i32
        %add3A_1646 = vector.broadcast %add3A_1645 : i32 to vector<16xi32>
        %add3A_1647 = arith.addi %iota3A, %add3A_1646 : vector<16xi32>
        %gather3A_1648 = arith.constant 1 : i32
        %gather3A_1649 = arith.constant 0 : i32
        %gather3A_1650 = arith.constant 0 : i32
        %gather3A_1651 = tpu.memref_slice %arg7[%gather3A_1648, %gather3A_1649, %gather3A_1650] : memref<2x512x32xf32, #tpu.memory_space<vmem>> -> memref<1x512x32xf32, #tpu.memory_space<vmem>>
        %gather3A_1652 = tpu.memref_squeeze %gather3A_1651 : memref<1x512x32xf32, #tpu.memory_space<vmem>> -> memref<512x32xf32, #tpu.memory_space<vmem>>
        %gather3A_1653 = tpu.vector_load_idx %gather3A_1652[%add3A_1647, %add3A_1024] : memref<512x32xf32, #tpu.memory_space<vmem>>[vector<16xi32>, vector<16xi32>], vector<16xf32>,
        %add3A_1654 = arith.constant 3 : i32
        %add3A_1655 = vector.broadcast %add3A_1654 : i32 to vector<16xi32>
        %add3A_1656 = arith.addi %mul3A_7, %add3A_1655 : vector<16xi32>
        %add3A_1657 = arith.constant 64 : i32
        %add3A_1658 = vector.broadcast %add3A_1657 : i32 to vector<16xi32>
        %add3A_1659 = arith.addi %iota3A, %add3A_1658 : vector<16xi32>
        %scatter3A_1660 = arith.constant 1 : i32
        %scatter3A_1661 = arith.constant 0 : i32
        %scatter3A_1662 = arith.constant 0 : i32
        %scatter3A_1663 = arith.constant 0 : i32
        %scatter3A_1664 = arith.constant 0 : i32
        %scatter3A_1665 = tpu.memref_slice %arg8[%scatter3A_1660, %scatter3A_1661, %scatter3A_1662, %scatter3A_1663, %scatter3A_1664] : memref<2x4x4x8x128xf32, #tpu.memory_space<vmem>> -> memref<1x4x4x8x128xf32, #tpu.memory_space<vmem>>
        %scatter3A_1666 = tpu.memref_squeeze %scatter3A_1665 : memref<1x4x4x8x128xf32, #tpu.memory_space<vmem>> -> memref<4x4x8x128xf32, #tpu.memory_space<vmem>>
        tpu.vector_store_idx %scatter3A_1666[%shift_right_arithmetic3A_1027, %add3A_1656, %and3A_1030, %add3A_1659], %gather3A_1653 : memref<4x4x8x128xf32, #tpu.memory_space<vmem>>[vector<16xi32>, vector<16xi32>, vector<16xi32>, vector<16xi32>], vector<16xf32>,
        %add3A_1667 = arith.constant 464 : i32
        %add3A_1668 = vector.broadcast %add3A_1667 : i32 to vector<16xi32>
        %add3A_1669 = arith.addi %iota3A, %add3A_1668 : vector<16xi32>
        %gather3A_1670 = arith.constant 1 : i32
        %gather3A_1671 = arith.constant 0 : i32
        %gather3A_1672 = arith.constant 0 : i32
        %gather3A_1673 = tpu.memref_slice %arg7[%gather3A_1670, %gather3A_1671, %gather3A_1672] : memref<2x512x32xf32, #tpu.memory_space<vmem>> -> memref<1x512x32xf32, #tpu.memory_space<vmem>>
        %gather3A_1674 = tpu.memref_squeeze %gather3A_1673 : memref<1x512x32xf32, #tpu.memory_space<vmem>> -> memref<512x32xf32, #tpu.memory_space<vmem>>
        %gather3A_1675 = tpu.vector_load_idx %gather3A_1674[%add3A_1669, %add3A_1024] : memref<512x32xf32, #tpu.memory_space<vmem>>[vector<16xi32>, vector<16xi32>], vector<16xf32>,
        %add3A_1676 = arith.constant 3 : i32
        %add3A_1677 = vector.broadcast %add3A_1676 : i32 to vector<16xi32>
        %add3A_1678 = arith.addi %mul3A_7, %add3A_1677 : vector<16xi32>
        %add3A_1679 = arith.constant 80 : i32
        %add3A_1680 = vector.broadcast %add3A_1679 : i32 to vector<16xi32>
        %add3A_1681 = arith.addi %iota3A, %add3A_1680 : vector<16xi32>
        %scatter3A_1682 = arith.constant 1 : i32
        %scatter3A_1683 = arith.constant 0 : i32
        %scatter3A_1684 = arith.constant 0 : i32
        %scatter3A_1685 = arith.constant 0 : i32
        %scatter3A_1686 = arith.constant 0 : i32
        %scatter3A_1687 = tpu.memref_slice %arg8[%scatter3A_1682, %scatter3A_1683, %scatter3A_1684, %scatter3A_1685, %scatter3A_1686] : memref<2x4x4x8x128xf32, #tpu.memory_space<vmem>> -> memref<1x4x4x8x128xf32, #tpu.memory_space<vmem>>
        %scatter3A_1688 = tpu.memref_squeeze %scatter3A_1687 : memref<1x4x4x8x128xf32, #tpu.memory_space<vmem>> -> memref<4x4x8x128xf32, #tpu.memory_space<vmem>>
        tpu.vector_store_idx %scatter3A_1688[%shift_right_arithmetic3A_1027, %add3A_1678, %and3A_1030, %add3A_1681], %gather3A_1675 : memref<4x4x8x128xf32, #tpu.memory_space<vmem>>[vector<16xi32>, vector<16xi32>, vector<16xi32>, vector<16xi32>], vector<16xf32>,
        %add3A_1689 = arith.constant 480 : i32
        %add3A_1690 = vector.broadcast %add3A_1689 : i32 to vector<16xi32>
        %add3A_1691 = arith.addi %iota3A, %add3A_1690 : vector<16xi32>
        %gather3A_1692 = arith.constant 1 : i32
        %gather3A_1693 = arith.constant 0 : i32
        %gather3A_1694 = arith.constant 0 : i32
        %gather3A_1695 = tpu.memref_slice %arg7[%gather3A_1692, %gather3A_1693, %gather3A_1694] : memref<2x512x32xf32, #tpu.memory_space<vmem>> -> memref<1x512x32xf32, #tpu.memory_space<vmem>>
        %gather3A_1696 = tpu.memref_squeeze %gather3A_1695 : memref<1x512x32xf32, #tpu.memory_space<vmem>> -> memref<512x32xf32, #tpu.memory_space<vmem>>
        %gather3A_1697 = tpu.vector_load_idx %gather3A_1696[%add3A_1691, %add3A_1024] : memref<512x32xf32, #tpu.memory_space<vmem>>[vector<16xi32>, vector<16xi32>], vector<16xf32>,
        %add3A_1698 = arith.constant 3 : i32
        %add3A_1699 = vector.broadcast %add3A_1698 : i32 to vector<16xi32>
        %add3A_1700 = arith.addi %mul3A_7, %add3A_1699 : vector<16xi32>
        %add3A_1701 = arith.constant 96 : i32
        %add3A_1702 = vector.broadcast %add3A_1701 : i32 to vector<16xi32>
        %add3A_1703 = arith.addi %iota3A, %add3A_1702 : vector<16xi32>
        %scatter3A_1704 = arith.constant 1 : i32
        %scatter3A_1705 = arith.constant 0 : i32
        %scatter3A_1706 = arith.constant 0 : i32
        %scatter3A_1707 = arith.constant 0 : i32
        %scatter3A_1708 = arith.constant 0 : i32
        %scatter3A_1709 = tpu.memref_slice %arg8[%scatter3A_1704, %scatter3A_1705, %scatter3A_1706, %scatter3A_1707, %scatter3A_1708] : memref<2x4x4x8x128xf32, #tpu.memory_space<vmem>> -> memref<1x4x4x8x128xf32, #tpu.memory_space<vmem>>
        %scatter3A_1710 = tpu.memref_squeeze %scatter3A_1709 : memref<1x4x4x8x128xf32, #tpu.memory_space<vmem>> -> memref<4x4x8x128xf32, #tpu.memory_space<vmem>>
        tpu.vector_store_idx %scatter3A_1710[%shift_right_arithmetic3A_1027, %add3A_1700, %and3A_1030, %add3A_1703], %gather3A_1697 : memref<4x4x8x128xf32, #tpu.memory_space<vmem>>[vector<16xi32>, vector<16xi32>, vector<16xi32>, vector<16xi32>], vector<16xf32>,
        %add3A_1711 = arith.constant 496 : i32
        %add3A_1712 = vector.broadcast %add3A_1711 : i32 to vector<16xi32>
        %add3A_1713 = arith.addi %iota3A, %add3A_1712 : vector<16xi32>
        %gather3A_1714 = arith.constant 1 : i32
        %gather3A_1715 = arith.constant 0 : i32
        %gather3A_1716 = arith.constant 0 : i32
        %gather3A_1717 = tpu.memref_slice %arg7[%gather3A_1714, %gather3A_1715, %gather3A_1716] : memref<2x512x32xf32, #tpu.memory_space<vmem>> -> memref<1x512x32xf32, #tpu.memory_space<vmem>>
        %gather3A_1718 = tpu.memref_squeeze %gather3A_1717 : memref<1x512x32xf32, #tpu.memory_space<vmem>> -> memref<512x32xf32, #tpu.memory_space<vmem>>
        %gather3A_1719 = tpu.vector_load_idx %gather3A_1718[%add3A_1713, %add3A_1024] : memref<512x32xf32, #tpu.memory_space<vmem>>[vector<16xi32>, vector<16xi32>], vector<16xf32>,
        %add3A_1720 = arith.constant 3 : i32
        %add3A_1721 = vector.broadcast %add3A_1720 : i32 to vector<16xi32>
        %add3A_1722 = arith.addi %mul3A_7, %add3A_1721 : vector<16xi32>
        %add3A_1723 = arith.constant 112 : i32
        %add3A_1724 = vector.broadcast %add3A_1723 : i32 to vector<16xi32>
        %add3A_1725 = arith.addi %iota3A, %add3A_1724 : vector<16xi32>
        %scatter3A_1726 = arith.constant 1 : i32
        %scatter3A_1727 = arith.constant 0 : i32
        %scatter3A_1728 = arith.constant 0 : i32
        %scatter3A_1729 = arith.constant 0 : i32
        %scatter3A_1730 = arith.constant 0 : i32
        %scatter3A_1731 = tpu.memref_slice %arg8[%scatter3A_1726, %scatter3A_1727, %scatter3A_1728, %scatter3A_1729, %scatter3A_1730] : memref<2x4x4x8x128xf32, #tpu.memory_space<vmem>> -> memref<1x4x4x8x128xf32, #tpu.memory_space<vmem>>
        %scatter3A_1732 = tpu.memref_squeeze %scatter3A_1731 : memref<1x4x4x8x128xf32, #tpu.memory_space<vmem>> -> memref<4x4x8x128xf32, #tpu.memory_space<vmem>>
        tpu.vector_store_idx %scatter3A_1732[%shift_right_arithmetic3A_1027, %add3A_1722, %and3A_1030, %add3A_1725], %gather3A_1719 : memref<4x4x8x128xf32, #tpu.memory_space<vmem>>[vector<16xi32>, vector<16xi32>, vector<16xi32>, vector<16xi32>], vector<16xf32>,
      }
      %scan3A_780 = arith.constant 32 : i32
      %dma_start3A_781 = arith.constant 1 : i32
      %dma_start3A_782 = arith.constant 0 : i32
      %dma_start3A_783 = arith.constant 0 : i32
      %dma_start3A_784 = arith.constant 1 : i32
      %dma_start3A_785 = arith.constant 0 : i32
      %dma_start3A_786 = arith.constant 0 : i32
      %dma_start3A_787 = arith.constant 0 : i32
      %dma_start3A_788 = arith.constant 0 : i32
      %dma_start3A_789 = tpu.memref_slice %arg8[%dma_start3A_781, %dma_start3A_785, %dma_start3A_786, %dma_start3A_787, %dma_start3A_788] : memref<2x4x4x8x128xf32, #tpu.memory_space<vmem>> -> memref<1x4x4x8x128xf32, #tpu.memory_space<vmem>>
      %dma_start3A_790 = tpu.memref_squeeze %dma_start3A_789 : memref<1x4x4x8x128xf32, #tpu.memory_space<vmem>> -> memref<4x4x8x128xf32, #tpu.memory_space<vmem>>
      %dma_start3A_791 = arith.constant 0 : i32
      %dma_start3A_792 = arith.constant 0 : i32
      %dma_start3A_793 = arith.constant 0 : i32
      %dma_start3A_794 = tpu.memref_slice %dma_start3A_790[%dma_start3A_782, %dma_start3A_791, %dma_start3A_792, %dma_start3A_793] : memref<4x4x8x128xf32, #tpu.memory_space<vmem>> -> memref<1x4x8x128xf32, #tpu.memory_space<vmem>>
      %dma_start3A_795 = tpu.memref_squeeze %dma_start3A_794 : memref<1x4x8x128xf32, #tpu.memory_space<vmem>> -> memref<4x8x128xf32, #tpu.memory_space<vmem>>
      %dma_start3A_796 = arith.constant 0 : i32
      %dma_start3A_797 = arith.constant 0 : i32
      %dma_start3A_798 = arith.constant 0 : i32
      %dma_start3A_799 = arith.constant 0 : i32
      %dma_start3A_800 = tpu.memref_slice %arg4[%add3A_756, %dma_start3A_796, %dma_start3A_797, %dma_start3A_798, %dma_start3A_799] : memref<50x4x128x8x128xf32, #tpu.memory_space<hbm>> -> memref<1x4x128x8x128xf32, #tpu.memory_space<hbm>>
      %dma_start3A_801 = tpu.memref_squeeze %dma_start3A_800 : memref<1x4x128x8x128xf32, #tpu.memory_space<hbm>> -> memref<4x128x8x128xf32, #tpu.memory_space<hbm>>
      %dma_start3A_802 = arith.constant 0 : i32
      %dma_start3A_803 = arith.constant 0 : i32
      %dma_start3A_804 = arith.constant 0 : i32
      %dma_start3A_805 = tpu.memref_slice %dma_start3A_801[%dma_start3A_783, %dma_start3A_802, %dma_start3A_803, %dma_start3A_804] : memref<4x128x8x128xf32, #tpu.memory_space<hbm>> -> memref<1x128x8x128xf32, #tpu.memory_space<hbm>>
      %dma_start3A_806 = tpu.memref_squeeze %dma_start3A_805 : memref<1x128x8x128xf32, #tpu.memory_space<hbm>> -> memref<128x8x128xf32, #tpu.memory_space<hbm>>
      %dma_start3A_807 = arith.constant 0 : i32
      %dma_start3A_808 = arith.constant 0 : i32
      %dma_start3A_809 = tpu.memref_slice %dma_start3A_806[%mul3A_4, %dma_start3A_807, %dma_start3A_808] : memref<128x8x128xf32, #tpu.memory_space<hbm>> -> memref<4x8x128xf32, #tpu.memory_space<hbm>>
      %dma_start3A_810 = tpu.memref_slice %arg10[%dma_start3A_784] : memref<2x!tpu.dma_semaphore, #tpu.memory_space<semaphore_mem>> -> memref<1x!tpu.dma_semaphore, #tpu.memory_space<semaphore_mem>>
      %dma_start3A_811 = tpu.memref_squeeze %dma_start3A_810 : memref<1x!tpu.dma_semaphore, #tpu.memory_space<semaphore_mem>> -> memref<!tpu.dma_semaphore, #tpu.memory_space<semaphore_mem>>
      %dma_start3A_812 = arith.constant 0 : i32
      %dma_start3A_813 = arith.constant 0 : i32
      %dma_start3A_814 = arith.constant 0 : i32
      %dma_start3A_815 = arith.constant 0 : i32
      %dma_start3A_816 = tpu.memref_slice %arg4[%add3A_756, %dma_start3A_812, %dma_start3A_813, %dma_start3A_814, %dma_start3A_815] : memref<50x4x128x8x128xf32, #tpu.memory_space<hbm>> -> memref<1x4x128x8x128xf32, #tpu.memory_space<hbm>>
      %dma_start3A_817 = tpu.memref_squeeze %dma_start3A_816 : memref<1x4x128x8x128xf32, #tpu.memory_space<hbm>> -> memref<4x128x8x128xf32, #tpu.memory_space<hbm>>
      %dma_start3A_818 = arith.constant 0 : i32
      %dma_start3A_819 = arith.constant 0 : i32
      %dma_start3A_820 = arith.constant 0 : i32
      %dma_start3A_821 = tpu.memref_slice %dma_start3A_817[%dma_start3A_783, %dma_start3A_818, %dma_start3A_819, %dma_start3A_820] : memref<4x128x8x128xf32, #tpu.memory_space<hbm>> -> memref<1x128x8x128xf32, #tpu.memory_space<hbm>>
      %dma_start3A_822 = tpu.memref_squeeze %dma_start3A_821 : memref<1x128x8x128xf32, #tpu.memory_space<hbm>> -> memref<128x8x128xf32, #tpu.memory_space<hbm>>
      %dma_start3A_823 = arith.constant 0 : i32
      %dma_start3A_824 = arith.constant 0 : i32
      %dma_start3A_825 = tpu.memref_slice %dma_start3A_822[%mul3A_4, %dma_start3A_823, %dma_start3A_824] : memref<128x8x128xf32, #tpu.memory_space<hbm>> -> memref<4x8x128xf32, #tpu.memory_space<hbm>>
      %dma_start3A_826 = arith.constant 0 : i32
      %dma_start3A_827 = arith.constant 0 : i32
      %dma_start3A_828 = arith.constant 0 : i32
      %dma_start3A_829 = arith.constant 0 : i32
      %dma_start3A_830 = tpu.memref_slice %arg8[%dma_start3A_781, %dma_start3A_826, %dma_start3A_827, %dma_start3A_828, %dma_start3A_829] : memref<2x4x4x8x128xf32, #tpu.memory_space<vmem>> -> memref<1x4x4x8x128xf32, #tpu.memory_space<vmem>>
      %dma_start3A_831 = tpu.memref_squeeze %dma_start3A_830 : memref<1x4x4x8x128xf32, #tpu.memory_space<vmem>> -> memref<4x4x8x128xf32, #tpu.memory_space<vmem>>
      %dma_start3A_832 = arith.constant 0 : i32
      %dma_start3A_833 = arith.constant 0 : i32
      %dma_start3A_834 = arith.constant 0 : i32
      %dma_start3A_835 = tpu.memref_slice %dma_start3A_831[%dma_start3A_782, %dma_start3A_832, %dma_start3A_833, %dma_start3A_834] : memref<4x4x8x128xf32, #tpu.memory_space<vmem>> -> memref<1x4x8x128xf32, #tpu.memory_space<vmem>>
      %dma_start3A_836 = tpu.memref_squeeze %dma_start3A_835 : memref<1x4x8x128xf32, #tpu.memory_space<vmem>> -> memref<4x8x128xf32, #tpu.memory_space<vmem>>
      tpu.enqueue_dma source(%dma_start3A_836 : memref<4x8x128xf32, #tpu.memory_space<vmem>>) target(%dma_start3A_825 : memref<4x8x128xf32, #tpu.memory_space<hbm>>) target_semaphore(%dma_start3A_811 : memref<!tpu.dma_semaphore, #tpu.memory_space<semaphore_mem>>)
      %dma_start3A_837 = arith.constant 1 : i32
      %dma_start3A_838 = arith.constant 1 : i32
      %dma_start3A_839 = arith.constant 1 : i32
      %dma_start3A_840 = arith.constant 1 : i32
      %dma_start3A_841 = arith.constant 0 : i32
      %dma_start3A_842 = arith.constant 0 : i32
      %dma_start3A_843 = arith.constant 0 : i32
      %dma_start3A_844 = arith.constant 0 : i32
      %dma_start3A_845 = tpu.memref_slice %arg8[%dma_start3A_837, %dma_start3A_841, %dma_start3A_842, %dma_start3A_843, %dma_start3A_844] : memref<2x4x4x8x128xf32, #tpu.memory_space<vmem>> -> memref<1x4x4x8x128xf32, #tpu.memory_space<vmem>>
      %dma_start3A_846 = tpu.memref_squeeze %dma_start3A_845 : memref<1x4x4x8x128xf32, #tpu.memory_space<vmem>> -> memref<4x4x8x128xf32, #tpu.memory_space<vmem>>
      %dma_start3A_847 = arith.constant 0 : i32
      %dma_start3A_848 = arith.constant 0 : i32
      %dma_start3A_849 = arith.constant 0 : i32
      %dma_start3A_850 = tpu.memref_slice %dma_start3A_846[%dma_start3A_838, %dma_start3A_847, %dma_start3A_848, %dma_start3A_849] : memref<4x4x8x128xf32, #tpu.memory_space<vmem>> -> memref<1x4x8x128xf32, #tpu.memory_space<vmem>>
      %dma_start3A_851 = tpu.memref_squeeze %dma_start3A_850 : memref<1x4x8x128xf32, #tpu.memory_space<vmem>> -> memref<4x8x128xf32, #tpu.memory_space<vmem>>
      %dma_start3A_852 = arith.constant 0 : i32
      %dma_start3A_853 = arith.constant 0 : i32
      %dma_start3A_854 = arith.constant 0 : i32
      %dma_start3A_855 = arith.constant 0 : i32
      %dma_start3A_856 = tpu.memref_slice %arg4[%add3A_756, %dma_start3A_852, %dma_start3A_853, %dma_start3A_854, %dma_start3A_855] : memref<50x4x128x8x128xf32, #tpu.memory_space<hbm>> -> memref<1x4x128x8x128xf32, #tpu.memory_space<hbm>>
      %dma_start3A_857 = tpu.memref_squeeze %dma_start3A_856 : memref<1x4x128x8x128xf32, #tpu.memory_space<hbm>> -> memref<4x128x8x128xf32, #tpu.memory_space<hbm>>
      %dma_start3A_858 = arith.constant 0 : i32
      %dma_start3A_859 = arith.constant 0 : i32
      %dma_start3A_860 = arith.constant 0 : i32
      %dma_start3A_861 = tpu.memref_slice %dma_start3A_857[%dma_start3A_839, %dma_start3A_858, %dma_start3A_859, %dma_start3A_860] : memref<4x128x8x128xf32, #tpu.memory_space<hbm>> -> memref<1x128x8x128xf32, #tpu.memory_space<hbm>>
      %dma_start3A_862 = tpu.memref_squeeze %dma_start3A_861 : memref<1x128x8x128xf32, #tpu.memory_space<hbm>> -> memref<128x8x128xf32, #tpu.memory_space<hbm>>
      %dma_start3A_863 = arith.constant 0 : i32
      %dma_start3A_864 = arith.constant 0 : i32
      %dma_start3A_865 = tpu.memref_slice %dma_start3A_862[%mul3A_4, %dma_start3A_863, %dma_start3A_864] : memref<128x8x128xf32, #tpu.memory_space<hbm>> -> memref<4x8x128xf32, #tpu.memory_space<hbm>>
      %dma_start3A_866 = tpu.memref_slice %arg10[%dma_start3A_840] : memref<2x!tpu.dma_semaphore, #tpu.memory_space<semaphore_mem>> -> memref<1x!tpu.dma_semaphore, #tpu.memory_space<semaphore_mem>>
      %dma_start3A_867 = tpu.memref_squeeze %dma_start3A_866 : memref<1x!tpu.dma_semaphore, #tpu.memory_space<semaphore_mem>> -> memref<!tpu.dma_semaphore, #tpu.memory_space<semaphore_mem>>
      %dma_start3A_868 = arith.constant 0 : i32
      %dma_start3A_869 = arith.constant 0 : i32
      %dma_start3A_870 = arith.constant 0 : i32
      %dma_start3A_871 = arith.constant 0 : i32
      %dma_start3A_872 = tpu.memref_slice %arg4[%add3A_756, %dma_start3A_868, %dma_start3A_869, %dma_start3A_870, %dma_start3A_871] : memref<50x4x128x8x128xf32, #tpu.memory_space<hbm>> -> memref<1x4x128x8x128xf32, #tpu.memory_space<hbm>>
      %dma_start3A_873 = tpu.memref_squeeze %dma_start3A_872 : memref<1x4x128x8x128xf32, #tpu.memory_space<hbm>> -> memref<4x128x8x128xf32, #tpu.memory_space<hbm>>
      %dma_start3A_874 = arith.constant 0 : i32
      %dma_start3A_875 = arith.constant 0 : i32
      %dma_start3A_876 = arith.constant 0 : i32
      %dma_start3A_877 = tpu.memref_slice %dma_start3A_873[%dma_start3A_839, %dma_start3A_874, %dma_start3A_875, %dma_start3A_876] : memref<4x128x8x128xf32, #tpu.memory_space<hbm>> -> memref<1x128x8x128xf32, #tpu.memory_space<hbm>>
      %dma_start3A_878 = tpu.memref_squeeze %dma_start3A_877 : memref<1x128x8x128xf32, #tpu.memory_space<hbm>> -> memref<128x8x128xf32, #tpu.memory_space<hbm>>
      %dma_start3A_879 = arith.constant 0 : i32
      %dma_start3A_880 = arith.constant 0 : i32
      %dma_start3A_881 = tpu.memref_slice %dma_start3A_878[%mul3A_4, %dma_start3A_879, %dma_start3A_880] : memref<128x8x128xf32, #tpu.memory_space<hbm>> -> memref<4x8x128xf32, #tpu.memory_space<hbm>>
      %dma_start3A_882 = arith.constant 0 : i32
      %dma_start3A_883 = arith.constant 0 : i32
      %dma_start3A_884 = arith.constant 0 : i32
      %dma_start3A_885 = arith.constant 0 : i32
      %dma_start3A_886 = tpu.memref_slice %arg8[%dma_start3A_837, %dma_start3A_882, %dma_start3A_883, %dma_start3A_884, %dma_start3A_885] : memref<2x4x4x8x128xf32, #tpu.memory_space<vmem>> -> memref<1x4x4x8x128xf32, #tpu.memory_space<vmem>>
      %dma_start3A_887 = tpu.memref_squeeze %dma_start3A_886 : memref<1x4x4x8x128xf32, #tpu.memory_space<vmem>> -> memref<4x4x8x128xf32, #tpu.memory_space<vmem>>
      %dma_start3A_888 = arith.constant 0 : i32
      %dma_start3A_889 = arith.constant 0 : i32
      %dma_start3A_890 = arith.constant 0 : i32
      %dma_start3A_891 = tpu.memref_slice %dma_start3A_887[%dma_start3A_838, %dma_start3A_888, %dma_start3A_889, %dma_start3A_890] : memref<4x4x8x128xf32, #tpu.memory_space<vmem>> -> memref<1x4x8x128xf32, #tpu.memory_space<vmem>>
      %dma_start3A_892 = tpu.memref_squeeze %dma_start3A_891 : memref<1x4x8x128xf32, #tpu.memory_space<vmem>> -> memref<4x8x128xf32, #tpu.memory_space<vmem>>
      tpu.enqueue_dma source(%dma_start3A_892 : memref<4x8x128xf32, #tpu.memory_space<vmem>>) target(%dma_start3A_881 : memref<4x8x128xf32, #tpu.memory_space<hbm>>) target_semaphore(%dma_start3A_867 : memref<!tpu.dma_semaphore, #tpu.memory_space<semaphore_mem>>)
      %dma_start3A_893 = arith.constant 1 : i32
      %dma_start3A_894 = arith.constant 2 : i32
      %dma_start3A_895 = arith.constant 2 : i32
      %dma_start3A_896 = arith.constant 1 : i32
      %dma_start3A_897 = arith.constant 0 : i32
      %dma_start3A_898 = arith.constant 0 : i32
      %dma_start3A_899 = arith.constant 0 : i32
      %dma_start3A_900 = arith.constant 0 : i32
      %dma_start3A_901 = tpu.memref_slice %arg8[%dma_start3A_893, %dma_start3A_897, %dma_start3A_898, %dma_start3A_899, %dma_start3A_900] : memref<2x4x4x8x128xf32, #tpu.memory_space<vmem>> -> memref<1x4x4x8x128xf32, #tpu.memory_space<vmem>>
      %dma_start3A_902 = tpu.memref_squeeze %dma_start3A_901 : memref<1x4x4x8x128xf32, #tpu.memory_space<vmem>> -> memref<4x4x8x128xf32, #tpu.memory_space<vmem>>
      %dma_start3A_903 = arith.constant 0 : i32
      %dma_start3A_904 = arith.constant 0 : i32
      %dma_start3A_905 = arith.constant 0 : i32
      %dma_start3A_906 = tpu.memref_slice %dma_start3A_902[%dma_start3A_894, %dma_start3A_903, %dma_start3A_904, %dma_start3A_905] : memref<4x4x8x128xf32, #tpu.memory_space<vmem>> -> memref<1x4x8x128xf32, #tpu.memory_space<vmem>>
      %dma_start3A_907 = tpu.memref_squeeze %dma_start3A_906 : memref<1x4x8x128xf32, #tpu.memory_space<vmem>> -> memref<4x8x128xf32, #tpu.memory_space<vmem>>
      %dma_start3A_908 = arith.constant 0 : i32
      %dma_start3A_909 = arith.constant 0 : i32
      %dma_start3A_910 = arith.constant 0 : i32
      %dma_start3A_911 = arith.constant 0 : i32
      %dma_start3A_912 = tpu.memref_slice %arg4[%add3A_756, %dma_start3A_908, %dma_start3A_909, %dma_start3A_910, %dma_start3A_911] : memref<50x4x128x8x128xf32, #tpu.memory_space<hbm>> -> memref<1x4x128x8x128xf32, #tpu.memory_space<hbm>>
      %dma_start3A_913 = tpu.memref_squeeze %dma_start3A_912 : memref<1x4x128x8x128xf32, #tpu.memory_space<hbm>> -> memref<4x128x8x128xf32, #tpu.memory_space<hbm>>
      %dma_start3A_914 = arith.constant 0 : i32
      %dma_start3A_915 = arith.constant 0 : i32
      %dma_start3A_916 = arith.constant 0 : i32
      %dma_start3A_917 = tpu.memref_slice %dma_start3A_913[%dma_start3A_895, %dma_start3A_914, %dma_start3A_915, %dma_start3A_916] : memref<4x128x8x128xf32, #tpu.memory_space<hbm>> -> memref<1x128x8x128xf32, #tpu.memory_space<hbm>>
      %dma_start3A_918 = tpu.memref_squeeze %dma_start3A_917 : memref<1x128x8x128xf32, #tpu.memory_space<hbm>> -> memref<128x8x128xf32, #tpu.memory_space<hbm>>
      %dma_start3A_919 = arith.constant 0 : i32
      %dma_start3A_920 = arith.constant 0 : i32
      %dma_start3A_921 = tpu.memref_slice %dma_start3A_918[%mul3A_4, %dma_start3A_919, %dma_start3A_920] : memref<128x8x128xf32, #tpu.memory_space<hbm>> -> memref<4x8x128xf32, #tpu.memory_space<hbm>>
      %dma_start3A_922 = tpu.memref_slice %arg10[%dma_start3A_896] : memref<2x!tpu.dma_semaphore, #tpu.memory_space<semaphore_mem>> -> memref<1x!tpu.dma_semaphore, #tpu.memory_space<semaphore_mem>>
      %dma_start3A_923 = tpu.memref_squeeze %dma_start3A_922 : memref<1x!tpu.dma_semaphore, #tpu.memory_space<semaphore_mem>> -> memref<!tpu.dma_semaphore, #tpu.memory_space<semaphore_mem>>
      %dma_start3A_924 = arith.constant 0 : i32
      %dma_start3A_925 = arith.constant 0 : i32
      %dma_start3A_926 = arith.constant 0 : i32
      %dma_start3A_927 = arith.constant 0 : i32
      %dma_start3A_928 = tpu.memref_slice %arg4[%add3A_756, %dma_start3A_924, %dma_start3A_925, %dma_start3A_926, %dma_start3A_927] : memref<50x4x128x8x128xf32, #tpu.memory_space<hbm>> -> memref<1x4x128x8x128xf32, #tpu.memory_space<hbm>>
      %dma_start3A_929 = tpu.memref_squeeze %dma_start3A_928 : memref<1x4x128x8x128xf32, #tpu.memory_space<hbm>> -> memref<4x128x8x128xf32, #tpu.memory_space<hbm>>
      %dma_start3A_930 = arith.constant 0 : i32
      %dma_start3A_931 = arith.constant 0 : i32
      %dma_start3A_932 = arith.constant 0 : i32
      %dma_start3A_933 = tpu.memref_slice %dma_start3A_929[%dma_start3A_895, %dma_start3A_930, %dma_start3A_931, %dma_start3A_932] : memref<4x128x8x128xf32, #tpu.memory_space<hbm>> -> memref<1x128x8x128xf32, #tpu.memory_space<hbm>>
      %dma_start3A_934 = tpu.memref_squeeze %dma_start3A_933 : memref<1x128x8x128xf32, #tpu.memory_space<hbm>> -> memref<128x8x128xf32, #tpu.memory_space<hbm>>
      %dma_start3A_935 = arith.constant 0 : i32
      %dma_start3A_936 = arith.constant 0 : i32
      %dma_start3A_937 = tpu.memref_slice %dma_start3A_934[%mul3A_4, %dma_start3A_935, %dma_start3A_936] : memref<128x8x128xf32, #tpu.memory_space<hbm>> -> memref<4x8x128xf32, #tpu.memory_space<hbm>>
      %dma_start3A_938 = arith.constant 0 : i32
      %dma_start3A_939 = arith.constant 0 : i32
      %dma_start3A_940 = arith.constant 0 : i32
      %dma_start3A_941 = arith.constant 0 : i32
      %dma_start3A_942 = tpu.memref_slice %arg8[%dma_start3A_893, %dma_start3A_938, %dma_start3A_939, %dma_start3A_940, %dma_start3A_941] : memref<2x4x4x8x128xf32, #tpu.memory_space<vmem>> -> memref<1x4x4x8x128xf32, #tpu.memory_space<vmem>>
      %dma_start3A_943 = tpu.memref_squeeze %dma_start3A_942 : memref<1x4x4x8x128xf32, #tpu.memory_space<vmem>> -> memref<4x4x8x128xf32, #tpu.memory_space<vmem>>
      %dma_start3A_944 = arith.constant 0 : i32
      %dma_start3A_945 = arith.constant 0 : i32
      %dma_start3A_946 = arith.constant 0 : i32
      %dma_start3A_947 = tpu.memref_slice %dma_start3A_943[%dma_start3A_894, %dma_start3A_944, %dma_start3A_945, %dma_start3A_946] : memref<4x4x8x128xf32, #tpu.memory_space<vmem>> -> memref<1x4x8x128xf32, #tpu.memory_space<vmem>>
      %dma_start3A_948 = tpu.memref_squeeze %dma_start3A_947 : memref<1x4x8x128xf32, #tpu.memory_space<vmem>> -> memref<4x8x128xf32, #tpu.memory_space<vmem>>
      tpu.enqueue_dma source(%dma_start3A_948 : memref<4x8x128xf32, #tpu.memory_space<vmem>>) target(%dma_start3A_937 : memref<4x8x128xf32, #tpu.memory_space<hbm>>) target_semaphore(%dma_start3A_923 : memref<!tpu.dma_semaphore, #tpu.memory_space<semaphore_mem>>)
      %dma_start3A_949 = arith.constant 1 : i32
      %dma_start3A_950 = arith.constant 3 : i32
      %dma_start3A_951 = arith.constant 3 : i32
      %dma_start3A_952 = arith.constant 1 : i32
      %dma_start3A_953 = arith.constant 0 : i32
      %dma_start3A_954 = arith.constant 0 : i32
      %dma_start3A_955 = arith.constant 0 : i32
      %dma_start3A_956 = arith.constant 0 : i32
      %dma_start3A_957 = tpu.memref_slice %arg8[%dma_start3A_949, %dma_start3A_953, %dma_start3A_954, %dma_start3A_955, %dma_start3A_956] : memref<2x4x4x8x128xf32, #tpu.memory_space<vmem>> -> memref<1x4x4x8x128xf32, #tpu.memory_space<vmem>>
      %dma_start3A_958 = tpu.memref_squeeze %dma_start3A_957 : memref<1x4x4x8x128xf32, #tpu.memory_space<vmem>> -> memref<4x4x8x128xf32, #tpu.memory_space<vmem>>
      %dma_start3A_959 = arith.constant 0 : i32
      %dma_start3A_960 = arith.constant 0 : i32
      %dma_start3A_961 = arith.constant 0 : i32
      %dma_start3A_962 = tpu.memref_slice %dma_start3A_958[%dma_start3A_950, %dma_start3A_959, %dma_start3A_960, %dma_start3A_961] : memref<4x4x8x128xf32, #tpu.memory_space<vmem>> -> memref<1x4x8x128xf32, #tpu.memory_space<vmem>>
      %dma_start3A_963 = tpu.memref_squeeze %dma_start3A_962 : memref<1x4x8x128xf32, #tpu.memory_space<vmem>> -> memref<4x8x128xf32, #tpu.memory_space<vmem>>
      %dma_start3A_964 = arith.constant 0 : i32
      %dma_start3A_965 = arith.constant 0 : i32
      %dma_start3A_966 = arith.constant 0 : i32
      %dma_start3A_967 = arith.constant 0 : i32
      %dma_start3A_968 = tpu.memref_slice %arg4[%add3A_756, %dma_start3A_964, %dma_start3A_965, %dma_start3A_966, %dma_start3A_967] : memref<50x4x128x8x128xf32, #tpu.memory_space<hbm>> -> memref<1x4x128x8x128xf32, #tpu.memory_space<hbm>>
      %dma_start3A_969 = tpu.memref_squeeze %dma_start3A_968 : memref<1x4x128x8x128xf32, #tpu.memory_space<hbm>> -> memref<4x128x8x128xf32, #tpu.memory_space<hbm>>
      %dma_start3A_970 = arith.constant 0 : i32
      %dma_start3A_971 = arith.constant 0 : i32
      %dma_start3A_972 = arith.constant 0 : i32
      %dma_start3A_973 = tpu.memref_slice %dma_start3A_969[%dma_start3A_951, %dma_start3A_970, %dma_start3A_971, %dma_start3A_972] : memref<4x128x8x128xf32, #tpu.memory_space<hbm>> -> memref<1x128x8x128xf32, #tpu.memory_space<hbm>>
      %dma_start3A_974 = tpu.memref_squeeze %dma_start3A_973 : memref<1x128x8x128xf32, #tpu.memory_space<hbm>> -> memref<128x8x128xf32, #tpu.memory_space<hbm>>
      %dma_start3A_975 = arith.constant 0 : i32
      %dma_start3A_976 = arith.constant 0 : i32
      %dma_start3A_977 = tpu.memref_slice %dma_start3A_974[%mul3A_4, %dma_start3A_975, %dma_start3A_976] : memref<128x8x128xf32, #tpu.memory_space<hbm>> -> memref<4x8x128xf32, #tpu.memory_space<hbm>>
      %dma_start3A_978 = tpu.memref_slice %arg10[%dma_start3A_952] : memref<2x!tpu.dma_semaphore, #tpu.memory_space<semaphore_mem>> -> memref<1x!tpu.dma_semaphore, #tpu.memory_space<semaphore_mem>>
      %dma_start3A_979 = tpu.memref_squeeze %dma_start3A_978 : memref<1x!tpu.dma_semaphore, #tpu.memory_space<semaphore_mem>> -> memref<!tpu.dma_semaphore, #tpu.memory_space<semaphore_mem>>
      %dma_start3A_980 = arith.constant 0 : i32
      %dma_start3A_981 = arith.constant 0 : i32
      %dma_start3A_982 = arith.constant 0 : i32
      %dma_start3A_983 = arith.constant 0 : i32
      %dma_start3A_984 = tpu.memref_slice %arg4[%add3A_756, %dma_start3A_980, %dma_start3A_981, %dma_start3A_982, %dma_start3A_983] : memref<50x4x128x8x128xf32, #tpu.memory_space<hbm>> -> memref<1x4x128x8x128xf32, #tpu.memory_space<hbm>>
      %dma_start3A_985 = tpu.memref_squeeze %dma_start3A_984 : memref<1x4x128x8x128xf32, #tpu.memory_space<hbm>> -> memref<4x128x8x128xf32, #tpu.memory_space<hbm>>
      %dma_start3A_986 = arith.constant 0 : i32
      %dma_start3A_987 = arith.constant 0 : i32
      %dma_start3A_988 = arith.constant 0 : i32
      %dma_start3A_989 = tpu.memref_slice %dma_start3A_985[%dma_start3A_951, %dma_start3A_986, %dma_start3A_987, %dma_start3A_988] : memref<4x128x8x128xf32, #tpu.memory_space<hbm>> -> memref<1x128x8x128xf32, #tpu.memory_space<hbm>>
      %dma_start3A_990 = tpu.memref_squeeze %dma_start3A_989 : memref<1x128x8x128xf32, #tpu.memory_space<hbm>> -> memref<128x8x128xf32, #tpu.memory_space<hbm>>
      %dma_start3A_991 = arith.constant 0 : i32
      %dma_start3A_992 = arith.constant 0 : i32
      %dma_start3A_993 = tpu.memref_slice %dma_start3A_990[%mul3A_4, %dma_start3A_991, %dma_start3A_992] : memref<128x8x128xf32, #tpu.memory_space<hbm>> -> memref<4x8x128xf32, #tpu.memory_space<hbm>>
      %dma_start3A_994 = arith.constant 0 : i32
      %dma_start3A_995 = arith.constant 0 : i32
      %dma_start3A_996 = arith.constant 0 : i32
      %dma_start3A_997 = arith.constant 0 : i32
      %dma_start3A_998 = tpu.memref_slice %arg8[%dma_start3A_949, %dma_start3A_994, %dma_start3A_995, %dma_start3A_996, %dma_start3A_997] : memref<2x4x4x8x128xf32, #tpu.memory_space<vmem>> -> memref<1x4x4x8x128xf32, #tpu.memory_space<vmem>>
      %dma_start3A_999 = tpu.memref_squeeze %dma_start3A_998 : memref<1x4x4x8x128xf32, #tpu.memory_space<vmem>> -> memref<4x4x8x128xf32, #tpu.memory_space<vmem>>
      %dma_start3A_1000 = arith.constant 0 : i32
      %dma_start3A_1001 = arith.constant 0 : i32
      %dma_start3A_1002 = arith.constant 0 : i32
      %dma_start3A_1003 = tpu.memref_slice %dma_start3A_999[%dma_start3A_950, %dma_start3A_1000, %dma_start3A_1001, %dma_start3A_1002] : memref<4x4x8x128xf32, #tpu.memory_space<vmem>> -> memref<1x4x8x128xf32, #tpu.memory_space<vmem>>
      %dma_start3A_1004 = tpu.memref_squeeze %dma_start3A_1003 : memref<1x4x8x128xf32, #tpu.memory_space<vmem>> -> memref<4x8x128xf32, #tpu.memory_space<vmem>>
      tpu.enqueue_dma source(%dma_start3A_1004 : memref<4x8x128xf32, #tpu.memory_space<vmem>>) target(%dma_start3A_993 : memref<4x8x128xf32, #tpu.memory_space<hbm>>) target_semaphore(%dma_start3A_979 : memref<!tpu.dma_semaphore, #tpu.memory_space<semaphore_mem>>)
      %add3A_1005 = arith.constant 2 : i32
      %add3A_1006 = arith.addi %add3A_756, %add3A_1005 : i32
      %lt3A_1007 = arith.constant 50 : i32
      %lt3A_1008 = arith.cmpi slt, %add3A_1006, %lt3A_1007 : i32
      %convert_element_type3A_1009 = arith.extui %lt3A_1008 : i1 to i32
      %cond3A_1010 = arith.constant 0 : i32
      %cond3A_1011 = arith.cmpi ne, %convert_element_type3A_1009, %cond3A_1010 : i32
      scf.if %cond3A_1011 {
        %add3A_1012 = arith.constant 2 : i32
        %add3A_1013 = arith.addi %add3A_756, %add3A_1012 : i32
        %mul3A_1014 = arith.constant 512 : i32
        %mul3A_1015 = arith.muli %add3A_1013, %mul3A_1014 : i32
        %dma_start3A_1016 = arith.constant 1 : i32
        %dma_start3A_1017 = arith.constant 1 : i32
        %dma_start3A_1018 = arith.constant 0 : i32
        %dma_start3A_1019 = arith.constant 0 : i32
        %dma_start3A_1020 = tpu.memref_slice %arg7[%dma_start3A_1016, %dma_start3A_1018, %dma_start3A_1019] : memref<2x512x32xf32, #tpu.memory_space<vmem>> -> memref<1x512x32xf32, #tpu.memory_space<vmem>>
        %dma_start3A_1021 = tpu.memref_squeeze %dma_start3A_1020 : memref<1x512x32xf32, #tpu.memory_space<vmem>> -> memref<512x32xf32, #tpu.memory_space<vmem>>
        %dma_start3A_1022 = tpu.memref_slice %arg6[%mul3A_1015] : memref<25600xi32, #tpu.memory_space<vmem>> -> memref<512xi32, #tpu.memory_space<vmem>>
        %dma_start3A_1023 = arith.constant 0 : i32
        %dma_start3A_1024 = arith.constant 0 : i32
        %dma_start3A_1025 = tpu.memref_slice %arg3[%dma_start3A_1023, %dma_start3A_1024] : memref<1000000x32xf32, #tpu.memory_space<hbm>> -> memref<1000000x32xf32, #tpu.memory_space<hbm>>
        %dma_start3A_1026 = tpu.memref_slice %arg9[%dma_start3A_1017] : memref<2x!tpu.dma_semaphore, #tpu.memory_space<semaphore_mem>> -> memref<1x!tpu.dma_semaphore, #tpu.memory_space<semaphore_mem>>
        %dma_start3A_1027 = tpu.memref_squeeze %dma_start3A_1026 : memref<1x!tpu.dma_semaphore, #tpu.memory_space<semaphore_mem>> -> memref<!tpu.dma_semaphore, #tpu.memory_space<semaphore_mem>>
        tpu.enqueue_indirect_dma source(%dma_start3A_1025 : memref<1000000x32xf32, #tpu.memory_space<hbm>>) target(%dma_start3A_1021 : memref<512x32xf32, #tpu.memory_space<vmem>>) offsets(%dma_start3A_1022 : memref<512xi32, #tpu.memory_space<vmem>>) semaphore(%dma_start3A_1027 : memref<!tpu.dma_semaphore, #tpu.memory_space<semaphore_mem>>)
      } else {
      }
    }
    %scan3A_41 = arith.constant 25 : i32
    %dma_wait3A = arith.constant 0 : i32
    %dma_wait3A_42 = arith.constant 0 : i32
    %dma_wait3A_43 = arith.constant 0 : i32
    %dma_wait3A_44 = arith.constant 0 : i32
    %dma_wait3A_45 = arith.constant 0 : i32
    %dma_wait3A_46 = arith.constant 0 : i32
    %dma_wait3A_47 = arith.constant 0 : i32
    %dma_wait3A_48 = arith.constant 0 : i32
    %dma_wait3A_49 = arith.constant 0 : i32
    %dma_wait3A_50 = tpu.memref_slice %arg8[%dma_wait3A, %dma_wait3A_46, %dma_wait3A_47, %dma_wait3A_48, %dma_wait3A_49] : memref<2x4x4x8x128xf32, #tpu.memory_space<vmem>> -> memref<1x4x4x8x128xf32, #tpu.memory_space<vmem>>
    %dma_wait3A_51 = tpu.memref_squeeze %dma_wait3A_50 : memref<1x4x4x8x128xf32, #tpu.memory_space<vmem>> -> memref<4x4x8x128xf32, #tpu.memory_space<vmem>>
    %dma_wait3A_52 = arith.constant 0 : i32
    %dma_wait3A_53 = arith.constant 0 : i32
    %dma_wait3A_54 = arith.constant 0 : i32
    %dma_wait3A_55 = tpu.memref_slice %dma_wait3A_51[%dma_wait3A_42, %dma_wait3A_52, %dma_wait3A_53, %dma_wait3A_54] : memref<4x4x8x128xf32, #tpu.memory_space<vmem>> -> memref<1x4x8x128xf32, #tpu.memory_space<vmem>>
    %dma_wait3A_56 = tpu.memref_squeeze %dma_wait3A_55 : memref<1x4x8x128xf32, #tpu.memory_space<vmem>> -> memref<4x8x128xf32, #tpu.memory_space<vmem>>
    %dma_wait3A_57 = arith.constant 0 : i32
    %dma_wait3A_58 = arith.constant 0 : i32
    %dma_wait3A_59 = arith.constant 0 : i32
    %dma_wait3A_60 = arith.constant 0 : i32
    %dma_wait3A_61 = tpu.memref_slice %arg4[%dma_wait3A_43, %dma_wait3A_57, %dma_wait3A_58, %dma_wait3A_59, %dma_wait3A_60] : memref<50x4x128x8x128xf32, #tpu.memory_space<hbm>> -> memref<1x4x128x8x128xf32, #tpu.memory_space<hbm>>
    %dma_wait3A_62 = tpu.memref_squeeze %dma_wait3A_61 : memref<1x4x128x8x128xf32, #tpu.memory_space<hbm>> -> memref<4x128x8x128xf32, #tpu.memory_space<hbm>>
    %dma_wait3A_63 = arith.constant 0 : i32
    %dma_wait3A_64 = arith.constant 0 : i32
    %dma_wait3A_65 = arith.constant 0 : i32
    %dma_wait3A_66 = tpu.memref_slice %dma_wait3A_62[%dma_wait3A_44, %dma_wait3A_63, %dma_wait3A_64, %dma_wait3A_65] : memref<4x128x8x128xf32, #tpu.memory_space<hbm>> -> memref<1x128x8x128xf32, #tpu.memory_space<hbm>>
    %dma_wait3A_67 = tpu.memref_squeeze %dma_wait3A_66 : memref<1x128x8x128xf32, #tpu.memory_space<hbm>> -> memref<128x8x128xf32, #tpu.memory_space<hbm>>
    %dma_wait3A_68 = arith.constant 0 : i32
    %dma_wait3A_69 = arith.constant 0 : i32
    %dma_wait3A_70 = tpu.memref_slice %dma_wait3A_67[%mul3A_4, %dma_wait3A_68, %dma_wait3A_69] : memref<128x8x128xf32, #tpu.memory_space<hbm>> -> memref<4x8x128xf32, #tpu.memory_space<hbm>>
    %dma_wait3A_71 = tpu.memref_slice %arg10[%dma_wait3A_45] : memref<2x!tpu.dma_semaphore, #tpu.memory_space<semaphore_mem>> -> memref<1x!tpu.dma_semaphore, #tpu.memory_space<semaphore_mem>>
    %dma_wait3A_72 = tpu.memref_squeeze %dma_wait3A_71 : memref<1x!tpu.dma_semaphore, #tpu.memory_space<semaphore_mem>> -> memref<!tpu.dma_semaphore, #tpu.memory_space<semaphore_mem>>
    %dma_wait3A_73 = arith.constant 0 : i32
    %dma_wait3A_74 = arith.constant 0 : i32
    %dma_wait3A_75 = arith.constant 0 : i32
    %dma_wait3A_76 = arith.constant 0 : i32
    %dma_wait3A_77 = tpu.memref_slice %arg4[%dma_wait3A_43, %dma_wait3A_73, %dma_wait3A_74, %dma_wait3A_75, %dma_wait3A_76] : memref<50x4x128x8x128xf32, #tpu.memory_space<hbm>> -> memref<1x4x128x8x128xf32, #tpu.memory_space<hbm>>
    %dma_wait3A_78 = tpu.memref_squeeze %dma_wait3A_77 : memref<1x4x128x8x128xf32, #tpu.memory_space<hbm>> -> memref<4x128x8x128xf32, #tpu.memory_space<hbm>>
    %dma_wait3A_79 = arith.constant 0 : i32
    %dma_wait3A_80 = arith.constant 0 : i32
    %dma_wait3A_81 = arith.constant 0 : i32
    %dma_wait3A_82 = tpu.memref_slice %dma_wait3A_78[%dma_wait3A_44, %dma_wait3A_79, %dma_wait3A_80, %dma_wait3A_81] : memref<4x128x8x128xf32, #tpu.memory_space<hbm>> -> memref<1x128x8x128xf32, #tpu.memory_space<hbm>>
    %dma_wait3A_83 = tpu.memref_squeeze %dma_wait3A_82 : memref<1x128x8x128xf32, #tpu.memory_space<hbm>> -> memref<128x8x128xf32, #tpu.memory_space<hbm>>
    %dma_wait3A_84 = arith.constant 0 : i32
    %dma_wait3A_85 = arith.constant 0 : i32
    %dma_wait3A_86 = tpu.memref_slice %dma_wait3A_83[%mul3A_4, %dma_wait3A_84, %dma_wait3A_85] : memref<128x8x128xf32, #tpu.memory_space<hbm>> -> memref<4x8x128xf32, #tpu.memory_space<hbm>>
    %dma_wait3A_87 = arith.constant 0 : i32
    %dma_wait3A_88 = arith.constant 0 : i32
    %dma_wait3A_89 = arith.constant 0 : i32
    %dma_wait3A_90 = arith.constant 0 : i32
    %dma_wait3A_91 = tpu.memref_slice %arg8[%dma_wait3A, %dma_wait3A_87, %dma_wait3A_88, %dma_wait3A_89, %dma_wait3A_90] : memref<2x4x4x8x128xf32, #tpu.memory_space<vmem>> -> memref<1x4x4x8x128xf32, #tpu.memory_space<vmem>>
    %dma_wait3A_92 = tpu.memref_squeeze %dma_wait3A_91 : memref<1x4x4x8x128xf32, #tpu.memory_space<vmem>> -> memref<4x4x8x128xf32, #tpu.memory_space<vmem>>
    %dma_wait3A_93 = arith.constant 0 : i32
    %dma_wait3A_94 = arith.constant 0 : i32
    %dma_wait3A_95 = arith.constant 0 : i32
    %dma_wait3A_96 = tpu.memref_slice %dma_wait3A_92[%dma_wait3A_42, %dma_wait3A_93, %dma_wait3A_94, %dma_wait3A_95] : memref<4x4x8x128xf32, #tpu.memory_space<vmem>> -> memref<1x4x8x128xf32, #tpu.memory_space<vmem>>
    %dma_wait3A_97 = tpu.memref_squeeze %dma_wait3A_96 : memref<1x4x8x128xf32, #tpu.memory_space<vmem>> -> memref<4x8x128xf32, #tpu.memory_space<vmem>>
    tpu.wait_dma2 semaphore(%dma_wait3A_72 : memref<!tpu.dma_semaphore, #tpu.memory_space<semaphore_mem>>) src(%dma_wait3A_97 : memref<4x8x128xf32, #tpu.memory_space<vmem>>) dst(%dma_wait3A_86 : memref<4x8x128xf32, #tpu.memory_space<hbm>>)
    %dma_wait3A_98 = arith.constant 0 : i32
    %dma_wait3A_99 = arith.constant 1 : i32
    %dma_wait3A_100 = arith.constant 0 : i32
    %dma_wait3A_101 = arith.constant 1 : i32
    %dma_wait3A_102 = arith.constant 0 : i32
    %dma_wait3A_103 = arith.constant 0 : i32
    %dma_wait3A_104 = arith.constant 0 : i32
    %dma_wait3A_105 = arith.constant 0 : i32
    %dma_wait3A_106 = arith.constant 0 : i32
    %dma_wait3A_107 = tpu.memref_slice %arg8[%dma_wait3A_98, %dma_wait3A_103, %dma_wait3A_104, %dma_wait3A_105, %dma_wait3A_106] : memref<2x4x4x8x128xf32, #tpu.memory_space<vmem>> -> memref<1x4x4x8x128xf32, #tpu.memory_space<vmem>>
    %dma_wait3A_108 = tpu.memref_squeeze %dma_wait3A_107 : memref<1x4x4x8x128xf32, #tpu.memory_space<vmem>> -> memref<4x4x8x128xf32, #tpu.memory_space<vmem>>
    %dma_wait3A_109 = arith.constant 0 : i32
    %dma_wait3A_110 = arith.constant 0 : i32
    %dma_wait3A_111 = arith.constant 0 : i32
    %dma_wait3A_112 = tpu.memref_slice %dma_wait3A_108[%dma_wait3A_99, %dma_wait3A_109, %dma_wait3A_110, %dma_wait3A_111] : memref<4x4x8x128xf32, #tpu.memory_space<vmem>> -> memref<1x4x8x128xf32, #tpu.memory_space<vmem>>
    %dma_wait3A_113 = tpu.memref_squeeze %dma_wait3A_112 : memref<1x4x8x128xf32, #tpu.memory_space<vmem>> -> memref<4x8x128xf32, #tpu.memory_space<vmem>>
    %dma_wait3A_114 = arith.constant 0 : i32
    %dma_wait3A_115 = arith.constant 0 : i32
    %dma_wait3A_116 = arith.constant 0 : i32
    %dma_wait3A_117 = arith.constant 0 : i32
    %dma_wait3A_118 = tpu.memref_slice %arg4[%dma_wait3A_100, %dma_wait3A_114, %dma_wait3A_115, %dma_wait3A_116, %dma_wait3A_117] : memref<50x4x128x8x128xf32, #tpu.memory_space<hbm>> -> memref<1x4x128x8x128xf32, #tpu.memory_space<hbm>>
    %dma_wait3A_119 = tpu.memref_squeeze %dma_wait3A_118 : memref<1x4x128x8x128xf32, #tpu.memory_space<hbm>> -> memref<4x128x8x128xf32, #tpu.memory_space<hbm>>
    %dma_wait3A_120 = arith.constant 0 : i32
    %dma_wait3A_121 = arith.constant 0 : i32
    %dma_wait3A_122 = arith.constant 0 : i32
    %dma_wait3A_123 = tpu.memref_slice %dma_wait3A_119[%dma_wait3A_101, %dma_wait3A_120, %dma_wait3A_121, %dma_wait3A_122] : memref<4x128x8x128xf32, #tpu.memory_space<hbm>> -> memref<1x128x8x128xf32, #tpu.memory_space<hbm>>
    %dma_wait3A_124 = tpu.memref_squeeze %dma_wait3A_123 : memref<1x128x8x128xf32, #tpu.memory_space<hbm>> -> memref<128x8x128xf32, #tpu.memory_space<hbm>>
    %dma_wait3A_125 = arith.constant 0 : i32
    %dma_wait3A_126 = arith.constant 0 : i32
    %dma_wait3A_127 = tpu.memref_slice %dma_wait3A_124[%mul3A_4, %dma_wait3A_125, %dma_wait3A_126] : memref<128x8x128xf32, #tpu.memory_space<hbm>> -> memref<4x8x128xf32, #tpu.memory_space<hbm>>
    %dma_wait3A_128 = tpu.memref_slice %arg10[%dma_wait3A_102] : memref<2x!tpu.dma_semaphore, #tpu.memory_space<semaphore_mem>> -> memref<1x!tpu.dma_semaphore, #tpu.memory_space<semaphore_mem>>
    %dma_wait3A_129 = tpu.memref_squeeze %dma_wait3A_128 : memref<1x!tpu.dma_semaphore, #tpu.memory_space<semaphore_mem>> -> memref<!tpu.dma_semaphore, #tpu.memory_space<semaphore_mem>>
    %dma_wait3A_130 = arith.constant 0 : i32
    %dma_wait3A_131 = arith.constant 0 : i32
    %dma_wait3A_132 = arith.constant 0 : i32
    %dma_wait3A_133 = arith.constant 0 : i32
    %dma_wait3A_134 = tpu.memref_slice %arg4[%dma_wait3A_100, %dma_wait3A_130, %dma_wait3A_131, %dma_wait3A_132, %dma_wait3A_133] : memref<50x4x128x8x128xf32, #tpu.memory_space<hbm>> -> memref<1x4x128x8x128xf32, #tpu.memory_space<hbm>>
    %dma_wait3A_135 = tpu.memref_squeeze %dma_wait3A_134 : memref<1x4x128x8x128xf32, #tpu.memory_space<hbm>> -> memref<4x128x8x128xf32, #tpu.memory_space<hbm>>
    %dma_wait3A_136 = arith.constant 0 : i32
    %dma_wait3A_137 = arith.constant 0 : i32
    %dma_wait3A_138 = arith.constant 0 : i32
    %dma_wait3A_139 = tpu.memref_slice %dma_wait3A_135[%dma_wait3A_101, %dma_wait3A_136, %dma_wait3A_137, %dma_wait3A_138] : memref<4x128x8x128xf32, #tpu.memory_space<hbm>> -> memref<1x128x8x128xf32, #tpu.memory_space<hbm>>
    %dma_wait3A_140 = tpu.memref_squeeze %dma_wait3A_139 : memref<1x128x8x128xf32, #tpu.memory_space<hbm>> -> memref<128x8x128xf32, #tpu.memory_space<hbm>>
    %dma_wait3A_141 = arith.constant 0 : i32
    %dma_wait3A_142 = arith.constant 0 : i32
    %dma_wait3A_143 = tpu.memref_slice %dma_wait3A_140[%mul3A_4, %dma_wait3A_141, %dma_wait3A_142] : memref<128x8x128xf32, #tpu.memory_space<hbm>> -> memref<4x8x128xf32, #tpu.memory_space<hbm>>
    %dma_wait3A_144 = arith.constant 0 : i32
    %dma_wait3A_145 = arith.constant 0 : i32
    %dma_wait3A_146 = arith.constant 0 : i32
    %dma_wait3A_147 = arith.constant 0 : i32
    %dma_wait3A_148 = tpu.memref_slice %arg8[%dma_wait3A_98, %dma_wait3A_144, %dma_wait3A_145, %dma_wait3A_146, %dma_wait3A_147] : memref<2x4x4x8x128xf32, #tpu.memory_space<vmem>> -> memref<1x4x4x8x128xf32, #tpu.memory_space<vmem>>
    %dma_wait3A_149 = tpu.memref_squeeze %dma_wait3A_148 : memref<1x4x4x8x128xf32, #tpu.memory_space<vmem>> -> memref<4x4x8x128xf32, #tpu.memory_space<vmem>>
    %dma_wait3A_150 = arith.constant 0 : i32
    %dma_wait3A_151 = arith.constant 0 : i32
    %dma_wait3A_152 = arith.constant 0 : i32
    %dma_wait3A_153 = tpu.memref_slice %dma_wait3A_149[%dma_wait3A_99, %dma_wait3A_150, %dma_wait3A_151, %dma_wait3A_152] : memref<4x4x8x128xf32, #tpu.memory_space<vmem>> -> memref<1x4x8x128xf32, #tpu.memory_space<vmem>>
    %dma_wait3A_154 = tpu.memref_squeeze %dma_wait3A_153 : memref<1x4x8x128xf32, #tpu.memory_space<vmem>> -> memref<4x8x128xf32, #tpu.memory_space<vmem>>
    tpu.wait_dma2 semaphore(%dma_wait3A_129 : memref<!tpu.dma_semaphore, #tpu.memory_space<semaphore_mem>>) src(%dma_wait3A_154 : memref<4x8x128xf32, #tpu.memory_space<vmem>>) dst(%dma_wait3A_143 : memref<4x8x128xf32, #tpu.memory_space<hbm>>)
    %dma_wait3A_155 = arith.constant 0 : i32
    %dma_wait3A_156 = arith.constant 2 : i32
    %dma_wait3A_157 = arith.constant 0 : i32
    %dma_wait3A_158 = arith.constant 2 : i32
    %dma_wait3A_159 = arith.constant 0 : i32
    %dma_wait3A_160 = arith.constant 0 : i32
    %dma_wait3A_161 = arith.constant 0 : i32
    %dma_wait3A_162 = arith.constant 0 : i32
    %dma_wait3A_163 = arith.constant 0 : i32
    %dma_wait3A_164 = tpu.memref_slice %arg8[%dma_wait3A_155, %dma_wait3A_160, %dma_wait3A_161, %dma_wait3A_162, %dma_wait3A_163] : memref<2x4x4x8x128xf32, #tpu.memory_space<vmem>> -> memref<1x4x4x8x128xf32, #tpu.memory_space<vmem>>
    %dma_wait3A_165 = tpu.memref_squeeze %dma_wait3A_164 : memref<1x4x4x8x128xf32, #tpu.memory_space<vmem>> -> memref<4x4x8x128xf32, #tpu.memory_space<vmem>>
    %dma_wait3A_166 = arith.constant 0 : i32
    %dma_wait3A_167 = arith.constant 0 : i32
    %dma_wait3A_168 = arith.constant 0 : i32
    %dma_wait3A_169 = tpu.memref_slice %dma_wait3A_165[%dma_wait3A_156, %dma_wait3A_166, %dma_wait3A_167, %dma_wait3A_168] : memref<4x4x8x128xf32, #tpu.memory_space<vmem>> -> memref<1x4x8x128xf32, #tpu.memory_space<vmem>>
    %dma_wait3A_170 = tpu.memref_squeeze %dma_wait3A_169 : memref<1x4x8x128xf32, #tpu.memory_space<vmem>> -> memref<4x8x128xf32, #tpu.memory_space<vmem>>
    %dma_wait3A_171 = arith.constant 0 : i32
    %dma_wait3A_172 = arith.constant 0 : i32
    %dma_wait3A_173 = arith.constant 0 : i32
    %dma_wait3A_174 = arith.constant 0 : i32
    %dma_wait3A_175 = tpu.memref_slice %arg4[%dma_wait3A_157, %dma_wait3A_171, %dma_wait3A_172, %dma_wait3A_173, %dma_wait3A_174] : memref<50x4x128x8x128xf32, #tpu.memory_space<hbm>> -> memref<1x4x128x8x128xf32, #tpu.memory_space<hbm>>
    %dma_wait3A_176 = tpu.memref_squeeze %dma_wait3A_175 : memref<1x4x128x8x128xf32, #tpu.memory_space<hbm>> -> memref<4x128x8x128xf32, #tpu.memory_space<hbm>>
    %dma_wait3A_177 = arith.constant 0 : i32
    %dma_wait3A_178 = arith.constant 0 : i32
    %dma_wait3A_179 = arith.constant 0 : i32
    %dma_wait3A_180 = tpu.memref_slice %dma_wait3A_176[%dma_wait3A_158, %dma_wait3A_177, %dma_wait3A_178, %dma_wait3A_179] : memref<4x128x8x128xf32, #tpu.memory_space<hbm>> -> memref<1x128x8x128xf32, #tpu.memory_space<hbm>>
    %dma_wait3A_181 = tpu.memref_squeeze %dma_wait3A_180 : memref<1x128x8x128xf32, #tpu.memory_space<hbm>> -> memref<128x8x128xf32, #tpu.memory_space<hbm>>
    %dma_wait3A_182 = arith.constant 0 : i32
    %dma_wait3A_183 = arith.constant 0 : i32
    %dma_wait3A_184 = tpu.memref_slice %dma_wait3A_181[%mul3A_4, %dma_wait3A_182, %dma_wait3A_183] : memref<128x8x128xf32, #tpu.memory_space<hbm>> -> memref<4x8x128xf32, #tpu.memory_space<hbm>>
    %dma_wait3A_185 = tpu.memref_slice %arg10[%dma_wait3A_159] : memref<2x!tpu.dma_semaphore, #tpu.memory_space<semaphore_mem>> -> memref<1x!tpu.dma_semaphore, #tpu.memory_space<semaphore_mem>>
    %dma_wait3A_186 = tpu.memref_squeeze %dma_wait3A_185 : memref<1x!tpu.dma_semaphore, #tpu.memory_space<semaphore_mem>> -> memref<!tpu.dma_semaphore, #tpu.memory_space<semaphore_mem>>
    %dma_wait3A_187 = arith.constant 0 : i32
    %dma_wait3A_188 = arith.constant 0 : i32
    %dma_wait3A_189 = arith.constant 0 : i32
    %dma_wait3A_190 = arith.constant 0 : i32
    %dma_wait3A_191 = tpu.memref_slice %arg4[%dma_wait3A_157, %dma_wait3A_187, %dma_wait3A_188, %dma_wait3A_189, %dma_wait3A_190] : memref<50x4x128x8x128xf32, #tpu.memory_space<hbm>> -> memref<1x4x128x8x128xf32, #tpu.memory_space<hbm>>
    %dma_wait3A_192 = tpu.memref_squeeze %dma_wait3A_191 : memref<1x4x128x8x128xf32, #tpu.memory_space<hbm>> -> memref<4x128x8x128xf32, #tpu.memory_space<hbm>>
    %dma_wait3A_193 = arith.constant 0 : i32
    %dma_wait3A_194 = arith.constant 0 : i32
    %dma_wait3A_195 = arith.constant 0 : i32
    %dma_wait3A_196 = tpu.memref_slice %dma_wait3A_192[%dma_wait3A_158, %dma_wait3A_193, %dma_wait3A_194, %dma_wait3A_195] : memref<4x128x8x128xf32, #tpu.memory_space<hbm>> -> memref<1x128x8x128xf32, #tpu.memory_space<hbm>>
    %dma_wait3A_197 = tpu.memref_squeeze %dma_wait3A_196 : memref<1x128x8x128xf32, #tpu.memory_space<hbm>> -> memref<128x8x128xf32, #tpu.memory_space<hbm>>
    %dma_wait3A_198 = arith.constant 0 : i32
    %dma_wait3A_199 = arith.constant 0 : i32
    %dma_wait3A_200 = tpu.memref_slice %dma_wait3A_197[%mul3A_4, %dma_wait3A_198, %dma_wait3A_199] : memref<128x8x128xf32, #tpu.memory_space<hbm>> -> memref<4x8x128xf32, #tpu.memory_space<hbm>>
    %dma_wait3A_201 = arith.constant 0 : i32
    %dma_wait3A_202 = arith.constant 0 : i32
    %dma_wait3A_203 = arith.constant 0 : i32
    %dma_wait3A_204 = arith.constant 0 : i32
    %dma_wait3A_205 = tpu.memref_slice %arg8[%dma_wait3A_155, %dma_wait3A_201, %dma_wait3A_202, %dma_wait3A_203, %dma_wait3A_204] : memref<2x4x4x8x128xf32, #tpu.memory_space<vmem>> -> memref<1x4x4x8x128xf32, #tpu.memory_space<vmem>>
    %dma_wait3A_206 = tpu.memref_squeeze %dma_wait3A_205 : memref<1x4x4x8x128xf32, #tpu.memory_space<vmem>> -> memref<4x4x8x128xf32, #tpu.memory_space<vmem>>
    %dma_wait3A_207 = arith.constant 0 : i32
    %dma_wait3A_208 = arith.constant 0 : i32
    %dma_wait3A_209 = arith.constant 0 : i32
    %dma_wait3A_210 = tpu.memref_slice %dma_wait3A_206[%dma_wait3A_156, %dma_wait3A_207, %dma_wait3A_208, %dma_wait3A_209] : memref<4x4x8x128xf32, #tpu.memory_space<vmem>> -> memref<1x4x8x128xf32, #tpu.memory_space<vmem>>
    %dma_wait3A_211 = tpu.memref_squeeze %dma_wait3A_210 : memref<1x4x8x128xf32, #tpu.memory_space<vmem>> -> memref<4x8x128xf32, #tpu.memory_space<vmem>>
    tpu.wait_dma2 semaphore(%dma_wait3A_186 : memref<!tpu.dma_semaphore, #tpu.memory_space<semaphore_mem>>) src(%dma_wait3A_211 : memref<4x8x128xf32, #tpu.memory_space<vmem>>) dst(%dma_wait3A_200 : memref<4x8x128xf32, #tpu.memory_space<hbm>>)
    %dma_wait3A_212 = arith.constant 0 : i32
    %dma_wait3A_213 = arith.constant 3 : i32
    %dma_wait3A_214 = arith.constant 0 : i32
    %dma_wait3A_215 = arith.constant 3 : i32
    %dma_wait3A_216 = arith.constant 0 : i32
    %dma_wait3A_217 = arith.constant 0 : i32
    %dma_wait3A_218 = arith.constant 0 : i32
    %dma_wait3A_219 = arith.constant 0 : i32
    %dma_wait3A_220 = arith.constant 0 : i32
    %dma_wait3A_221 = tpu.memref_slice %arg8[%dma_wait3A_212, %dma_wait3A_217, %dma_wait3A_218, %dma_wait3A_219, %dma_wait3A_220] : memref<2x4x4x8x128xf32, #tpu.memory_space<vmem>> -> memref<1x4x4x8x128xf32, #tpu.memory_space<vmem>>
    %dma_wait3A_222 = tpu.memref_squeeze %dma_wait3A_221 : memref<1x4x4x8x128xf32, #tpu.memory_space<vmem>> -> memref<4x4x8x128xf32, #tpu.memory_space<vmem>>
    %dma_wait3A_223 = arith.constant 0 : i32
    %dma_wait3A_224 = arith.constant 0 : i32
    %dma_wait3A_225 = arith.constant 0 : i32
    %dma_wait3A_226 = tpu.memref_slice %dma_wait3A_222[%dma_wait3A_213, %dma_wait3A_223, %dma_wait3A_224, %dma_wait3A_225] : memref<4x4x8x128xf32, #tpu.memory_space<vmem>> -> memref<1x4x8x128xf32, #tpu.memory_space<vmem>>
    %dma_wait3A_227 = tpu.memref_squeeze %dma_wait3A_226 : memref<1x4x8x128xf32, #tpu.memory_space<vmem>> -> memref<4x8x128xf32, #tpu.memory_space<vmem>>
    %dma_wait3A_228 = arith.constant 0 : i32
    %dma_wait3A_229 = arith.constant 0 : i32
    %dma_wait3A_230 = arith.constant 0 : i32
    %dma_wait3A_231 = arith.constant 0 : i32
    %dma_wait3A_232 = tpu.memref_slice %arg4[%dma_wait3A_214, %dma_wait3A_228, %dma_wait3A_229, %dma_wait3A_230, %dma_wait3A_231] : memref<50x4x128x8x128xf32, #tpu.memory_space<hbm>> -> memref<1x4x128x8x128xf32, #tpu.memory_space<hbm>>
    %dma_wait3A_233 = tpu.memref_squeeze %dma_wait3A_232 : memref<1x4x128x8x128xf32, #tpu.memory_space<hbm>> -> memref<4x128x8x128xf32, #tpu.memory_space<hbm>>
    %dma_wait3A_234 = arith.constant 0 : i32
    %dma_wait3A_235 = arith.constant 0 : i32
    %dma_wait3A_236 = arith.constant 0 : i32
    %dma_wait3A_237 = tpu.memref_slice %dma_wait3A_233[%dma_wait3A_215, %dma_wait3A_234, %dma_wait3A_235, %dma_wait3A_236] : memref<4x128x8x128xf32, #tpu.memory_space<hbm>> -> memref<1x128x8x128xf32, #tpu.memory_space<hbm>>
    %dma_wait3A_238 = tpu.memref_squeeze %dma_wait3A_237 : memref<1x128x8x128xf32, #tpu.memory_space<hbm>> -> memref<128x8x128xf32, #tpu.memory_space<hbm>>
    %dma_wait3A_239 = arith.constant 0 : i32
    %dma_wait3A_240 = arith.constant 0 : i32
    %dma_wait3A_241 = tpu.memref_slice %dma_wait3A_238[%mul3A_4, %dma_wait3A_239, %dma_wait3A_240] : memref<128x8x128xf32, #tpu.memory_space<hbm>> -> memref<4x8x128xf32, #tpu.memory_space<hbm>>
    %dma_wait3A_242 = tpu.memref_slice %arg10[%dma_wait3A_216] : memref<2x!tpu.dma_semaphore, #tpu.memory_space<semaphore_mem>> -> memref<1x!tpu.dma_semaphore, #tpu.memory_space<semaphore_mem>>
    %dma_wait3A_243 = tpu.memref_squeeze %dma_wait3A_242 : memref<1x!tpu.dma_semaphore, #tpu.memory_space<semaphore_mem>> -> memref<!tpu.dma_semaphore, #tpu.memory_space<semaphore_mem>>
    %dma_wait3A_244 = arith.constant 0 : i32
    %dma_wait3A_245 = arith.constant 0 : i32
    %dma_wait3A_246 = arith.constant 0 : i32
    %dma_wait3A_247 = arith.constant 0 : i32
    %dma_wait3A_248 = tpu.memref_slice %arg4[%dma_wait3A_214, %dma_wait3A_244, %dma_wait3A_245, %dma_wait3A_246, %dma_wait3A_247] : memref<50x4x128x8x128xf32, #tpu.memory_space<hbm>> -> memref<1x4x128x8x128xf32, #tpu.memory_space<hbm>>
    %dma_wait3A_249 = tpu.memref_squeeze %dma_wait3A_248 : memref<1x4x128x8x128xf32, #tpu.memory_space<hbm>> -> memref<4x128x8x128xf32, #tpu.memory_space<hbm>>
    %dma_wait3A_250 = arith.constant 0 : i32
    %dma_wait3A_251 = arith.constant 0 : i32
    %dma_wait3A_252 = arith.constant 0 : i32
    %dma_wait3A_253 = tpu.memref_slice %dma_wait3A_249[%dma_wait3A_215, %dma_wait3A_250, %dma_wait3A_251, %dma_wait3A_252] : memref<4x128x8x128xf32, #tpu.memory_space<hbm>> -> memref<1x128x8x128xf32, #tpu.memory_space<hbm>>
    %dma_wait3A_254 = tpu.memref_squeeze %dma_wait3A_253 : memref<1x128x8x128xf32, #tpu.memory_space<hbm>> -> memref<128x8x128xf32, #tpu.memory_space<hbm>>
    %dma_wait3A_255 = arith.constant 0 : i32
    %dma_wait3A_256 = arith.constant 0 : i32
    %dma_wait3A_257 = tpu.memref_slice %dma_wait3A_254[%mul3A_4, %dma_wait3A_255, %dma_wait3A_256] : memref<128x8x128xf32, #tpu.memory_space<hbm>> -> memref<4x8x128xf32, #tpu.memory_space<hbm>>
    %dma_wait3A_258 = arith.constant 0 : i32
    %dma_wait3A_259 = arith.constant 0 : i32
    %dma_wait3A_260 = arith.constant 0 : i32
    %dma_wait3A_261 = arith.constant 0 : i32
    %dma_wait3A_262 = tpu.memref_slice %arg8[%dma_wait3A_212, %dma_wait3A_258, %dma_wait3A_259, %dma_wait3A_260, %dma_wait3A_261] : memref<2x4x4x8x128xf32, #tpu.memory_space<vmem>> -> memref<1x4x4x8x128xf32, #tpu.memory_space<vmem>>
    %dma_wait3A_263 = tpu.memref_squeeze %dma_wait3A_262 : memref<1x4x4x8x128xf32, #tpu.memory_space<vmem>> -> memref<4x4x8x128xf32, #tpu.memory_space<vmem>>
    %dma_wait3A_264 = arith.constant 0 : i32
    %dma_wait3A_265 = arith.constant 0 : i32
    %dma_wait3A_266 = arith.constant 0 : i32
    %dma_wait3A_267 = tpu.memref_slice %dma_wait3A_263[%dma_wait3A_213, %dma_wait3A_264, %dma_wait3A_265, %dma_wait3A_266] : memref<4x4x8x128xf32, #tpu.memory_space<vmem>> -> memref<1x4x8x128xf32, #tpu.memory_space<vmem>>
    %dma_wait3A_268 = tpu.memref_squeeze %dma_wait3A_267 : memref<1x4x8x128xf32, #tpu.memory_space<vmem>> -> memref<4x8x128xf32, #tpu.memory_space<vmem>>
    tpu.wait_dma2 semaphore(%dma_wait3A_243 : memref<!tpu.dma_semaphore, #tpu.memory_space<semaphore_mem>>) src(%dma_wait3A_268 : memref<4x8x128xf32, #tpu.memory_space<vmem>>) dst(%dma_wait3A_257 : memref<4x8x128xf32, #tpu.memory_space<hbm>>)
    %dma_wait3A_269 = arith.constant 1 : i32
    %dma_wait3A_270 = arith.constant 0 : i32
    %dma_wait3A_271 = arith.constant 0 : i32
    %dma_wait3A_272 = arith.constant 0 : i32
    %dma_wait3A_273 = arith.constant 1 : i32
    %dma_wait3A_274 = arith.constant 0 : i32
    %dma_wait3A_275 = arith.constant 0 : i32
    %dma_wait3A_276 = arith.constant 0 : i32
    %dma_wait3A_277 = arith.constant 0 : i32
    %dma_wait3A_278 = tpu.memref_slice %arg8[%dma_wait3A_269, %dma_wait3A_274, %dma_wait3A_275, %dma_wait3A_276, %dma_wait3A_277] : memref<2x4x4x8x128xf32, #tpu.memory_space<vmem>> -> memref<1x4x4x8x128xf32, #tpu.memory_space<vmem>>
    %dma_wait3A_279 = tpu.memref_squeeze %dma_wait3A_278 : memref<1x4x4x8x128xf32, #tpu.memory_space<vmem>> -> memref<4x4x8x128xf32, #tpu.memory_space<vmem>>
    %dma_wait3A_280 = arith.constant 0 : i32
    %dma_wait3A_281 = arith.constant 0 : i32
    %dma_wait3A_282 = arith.constant 0 : i32
    %dma_wait3A_283 = tpu.memref_slice %dma_wait3A_279[%dma_wait3A_270, %dma_wait3A_280, %dma_wait3A_281, %dma_wait3A_282] : memref<4x4x8x128xf32, #tpu.memory_space<vmem>> -> memref<1x4x8x128xf32, #tpu.memory_space<vmem>>
    %dma_wait3A_284 = tpu.memref_squeeze %dma_wait3A_283 : memref<1x4x8x128xf32, #tpu.memory_space<vmem>> -> memref<4x8x128xf32, #tpu.memory_space<vmem>>
    %dma_wait3A_285 = arith.constant 0 : i32
    %dma_wait3A_286 = arith.constant 0 : i32
    %dma_wait3A_287 = arith.constant 0 : i32
    %dma_wait3A_288 = arith.constant 0 : i32
    %dma_wait3A_289 = tpu.memref_slice %arg4[%dma_wait3A_271, %dma_wait3A_285, %dma_wait3A_286, %dma_wait3A_287, %dma_wait3A_288] : memref<50x4x128x8x128xf32, #tpu.memory_space<hbm>> -> memref<1x4x128x8x128xf32, #tpu.memory_space<hbm>>
    %dma_wait3A_290 = tpu.memref_squeeze %dma_wait3A_289 : memref<1x4x128x8x128xf32, #tpu.memory_space<hbm>> -> memref<4x128x8x128xf32, #tpu.memory_space<hbm>>
    %dma_wait3A_291 = arith.constant 0 : i32
    %dma_wait3A_292 = arith.constant 0 : i32
    %dma_wait3A_293 = arith.constant 0 : i32
    %dma_wait3A_294 = tpu.memref_slice %dma_wait3A_290[%dma_wait3A_272, %dma_wait3A_291, %dma_wait3A_292, %dma_wait3A_293] : memref<4x128x8x128xf32, #tpu.memory_space<hbm>> -> memref<1x128x8x128xf32, #tpu.memory_space<hbm>>
    %dma_wait3A_295 = tpu.memref_squeeze %dma_wait3A_294 : memref<1x128x8x128xf32, #tpu.memory_space<hbm>> -> memref<128x8x128xf32, #tpu.memory_space<hbm>>
    %dma_wait3A_296 = arith.constant 0 : i32
    %dma_wait3A_297 = arith.constant 0 : i32
    %dma_wait3A_298 = tpu.memref_slice %dma_wait3A_295[%mul3A_4, %dma_wait3A_296, %dma_wait3A_297] : memref<128x8x128xf32, #tpu.memory_space<hbm>> -> memref<4x8x128xf32, #tpu.memory_space<hbm>>
    %dma_wait3A_299 = tpu.memref_slice %arg10[%dma_wait3A_273] : memref<2x!tpu.dma_semaphore, #tpu.memory_space<semaphore_mem>> -> memref<1x!tpu.dma_semaphore, #tpu.memory_space<semaphore_mem>>
    %dma_wait3A_300 = tpu.memref_squeeze %dma_wait3A_299 : memref<1x!tpu.dma_semaphore, #tpu.memory_space<semaphore_mem>> -> memref<!tpu.dma_semaphore, #tpu.memory_space<semaphore_mem>>
    %dma_wait3A_301 = arith.constant 0 : i32
    %dma_wait3A_302 = arith.constant 0 : i32
    %dma_wait3A_303 = arith.constant 0 : i32
    %dma_wait3A_304 = arith.constant 0 : i32
    %dma_wait3A_305 = tpu.memref_slice %arg4[%dma_wait3A_271, %dma_wait3A_301, %dma_wait3A_302, %dma_wait3A_303, %dma_wait3A_304] : memref<50x4x128x8x128xf32, #tpu.memory_space<hbm>> -> memref<1x4x128x8x128xf32, #tpu.memory_space<hbm>>
    %dma_wait3A_306 = tpu.memref_squeeze %dma_wait3A_305 : memref<1x4x128x8x128xf32, #tpu.memory_space<hbm>> -> memref<4x128x8x128xf32, #tpu.memory_space<hbm>>
    %dma_wait3A_307 = arith.constant 0 : i32
    %dma_wait3A_308 = arith.constant 0 : i32
    %dma_wait3A_309 = arith.constant 0 : i32
    %dma_wait3A_310 = tpu.memref_slice %dma_wait3A_306[%dma_wait3A_272, %dma_wait3A_307, %dma_wait3A_308, %dma_wait3A_309] : memref<4x128x8x128xf32, #tpu.memory_space<hbm>> -> memref<1x128x8x128xf32, #tpu.memory_space<hbm>>
    %dma_wait3A_311 = tpu.memref_squeeze %dma_wait3A_310 : memref<1x128x8x128xf32, #tpu.memory_space<hbm>> -> memref<128x8x128xf32, #tpu.memory_space<hbm>>
    %dma_wait3A_312 = arith.constant 0 : i32
    %dma_wait3A_313 = arith.constant 0 : i32
    %dma_wait3A_314 = tpu.memref_slice %dma_wait3A_311[%mul3A_4, %dma_wait3A_312, %dma_wait3A_313] : memref<128x8x128xf32, #tpu.memory_space<hbm>> -> memref<4x8x128xf32, #tpu.memory_space<hbm>>
    %dma_wait3A_315 = arith.constant 0 : i32
    %dma_wait3A_316 = arith.constant 0 : i32
    %dma_wait3A_317 = arith.constant 0 : i32
    %dma_wait3A_318 = arith.constant 0 : i32
    %dma_wait3A_319 = tpu.memref_slice %arg8[%dma_wait3A_269, %dma_wait3A_315, %dma_wait3A_316, %dma_wait3A_317, %dma_wait3A_318] : memref<2x4x4x8x128xf32, #tpu.memory_space<vmem>> -> memref<1x4x4x8x128xf32, #tpu.memory_space<vmem>>
    %dma_wait3A_320 = tpu.memref_squeeze %dma_wait3A_319 : memref<1x4x4x8x128xf32, #tpu.memory_space<vmem>> -> memref<4x4x8x128xf32, #tpu.memory_space<vmem>>
    %dma_wait3A_321 = arith.constant 0 : i32
    %dma_wait3A_322 = arith.constant 0 : i32
    %dma_wait3A_323 = arith.constant 0 : i32
    %dma_wait3A_324 = tpu.memref_slice %dma_wait3A_320[%dma_wait3A_270, %dma_wait3A_321, %dma_wait3A_322, %dma_wait3A_323] : memref<4x4x8x128xf32, #tpu.memory_space<vmem>> -> memref<1x4x8x128xf32, #tpu.memory_space<vmem>>
    %dma_wait3A_325 = tpu.memref_squeeze %dma_wait3A_324 : memref<1x4x8x128xf32, #tpu.memory_space<vmem>> -> memref<4x8x128xf32, #tpu.memory_space<vmem>>
    tpu.wait_dma2 semaphore(%dma_wait3A_300 : memref<!tpu.dma_semaphore, #tpu.memory_space<semaphore_mem>>) src(%dma_wait3A_325 : memref<4x8x128xf32, #tpu.memory_space<vmem>>) dst(%dma_wait3A_314 : memref<4x8x128xf32, #tpu.memory_space<hbm>>)
    %dma_wait3A_326 = arith.constant 1 : i32
    %dma_wait3A_327 = arith.constant 1 : i32
    %dma_wait3A_328 = arith.constant 0 : i32
    %dma_wait3A_329 = arith.constant 1 : i32
    %dma_wait3A_330 = arith.constant 1 : i32
    %dma_wait3A_331 = arith.constant 0 : i32
    %dma_wait3A_332 = arith.constant 0 : i32
    %dma_wait3A_333 = arith.constant 0 : i32
    %dma_wait3A_334 = arith.constant 0 : i32
    %dma_wait3A_335 = tpu.memref_slice %arg8[%dma_wait3A_326, %dma_wait3A_331, %dma_wait3A_332, %dma_wait3A_333, %dma_wait3A_334] : memref<2x4x4x8x128xf32, #tpu.memory_space<vmem>> -> memref<1x4x4x8x128xf32, #tpu.memory_space<vmem>>
    %dma_wait3A_336 = tpu.memref_squeeze %dma_wait3A_335 : memref<1x4x4x8x128xf32, #tpu.memory_space<vmem>> -> memref<4x4x8x128xf32, #tpu.memory_space<vmem>>
    %dma_wait3A_337 = arith.constant 0 : i32
    %dma_wait3A_338 = arith.constant 0 : i32
    %dma_wait3A_339 = arith.constant 0 : i32
    %dma_wait3A_340 = tpu.memref_slice %dma_wait3A_336[%dma_wait3A_327, %dma_wait3A_337, %dma_wait3A_338, %dma_wait3A_339] : memref<4x4x8x128xf32, #tpu.memory_space<vmem>> -> memref<1x4x8x128xf32, #tpu.memory_space<vmem>>
    %dma_wait3A_341 = tpu.memref_squeeze %dma_wait3A_340 : memref<1x4x8x128xf32, #tpu.memory_space<vmem>> -> memref<4x8x128xf32, #tpu.memory_space<vmem>>
    %dma_wait3A_342 = arith.constant 0 : i32
    %dma_wait3A_343 = arith.constant 0 : i32
    %dma_wait3A_344 = arith.constant 0 : i32
    %dma_wait3A_345 = arith.constant 0 : i32
    %dma_wait3A_346 = tpu.memref_slice %arg4[%dma_wait3A_328, %dma_wait3A_342, %dma_wait3A_343, %dma_wait3A_344, %dma_wait3A_345] : memref<50x4x128x8x128xf32, #tpu.memory_space<hbm>> -> memref<1x4x128x8x128xf32, #tpu.memory_space<hbm>>
    %dma_wait3A_347 = tpu.memref_squeeze %dma_wait3A_346 : memref<1x4x128x8x128xf32, #tpu.memory_space<hbm>> -> memref<4x128x8x128xf32, #tpu.memory_space<hbm>>
    %dma_wait3A_348 = arith.constant 0 : i32
    %dma_wait3A_349 = arith.constant 0 : i32
    %dma_wait3A_350 = arith.constant 0 : i32
    %dma_wait3A_351 = tpu.memref_slice %dma_wait3A_347[%dma_wait3A_329, %dma_wait3A_348, %dma_wait3A_349, %dma_wait3A_350] : memref<4x128x8x128xf32, #tpu.memory_space<hbm>> -> memref<1x128x8x128xf32, #tpu.memory_space<hbm>>
    %dma_wait3A_352 = tpu.memref_squeeze %dma_wait3A_351 : memref<1x128x8x128xf32, #tpu.memory_space<hbm>> -> memref<128x8x128xf32, #tpu.memory_space<hbm>>
    %dma_wait3A_353 = arith.constant 0 : i32
    %dma_wait3A_354 = arith.constant 0 : i32
    %dma_wait3A_355 = tpu.memref_slice %dma_wait3A_352[%mul3A_4, %dma_wait3A_353, %dma_wait3A_354] : memref<128x8x128xf32, #tpu.memory_space<hbm>> -> memref<4x8x128xf32, #tpu.memory_space<hbm>>
    %dma_wait3A_356 = tpu.memref_slice %arg10[%dma_wait3A_330] : memref<2x!tpu.dma_semaphore, #tpu.memory_space<semaphore_mem>> -> memref<1x!tpu.dma_semaphore, #tpu.memory_space<semaphore_mem>>
    %dma_wait3A_357 = tpu.memref_squeeze %dma_wait3A_356 : memref<1x!tpu.dma_semaphore, #tpu.memory_space<semaphore_mem>> -> memref<!tpu.dma_semaphore, #tpu.memory_space<semaphore_mem>>
    %dma_wait3A_358 = arith.constant 0 : i32
    %dma_wait3A_359 = arith.constant 0 : i32
    %dma_wait3A_360 = arith.constant 0 : i32
    %dma_wait3A_361 = arith.constant 0 : i32
    %dma_wait3A_362 = tpu.memref_slice %arg4[%dma_wait3A_328, %dma_wait3A_358, %dma_wait3A_359, %dma_wait3A_360, %dma_wait3A_361] : memref<50x4x128x8x128xf32, #tpu.memory_space<hbm>> -> memref<1x4x128x8x128xf32, #tpu.memory_space<hbm>>
    %dma_wait3A_363 = tpu.memref_squeeze %dma_wait3A_362 : memref<1x4x128x8x128xf32, #tpu.memory_space<hbm>> -> memref<4x128x8x128xf32, #tpu.memory_space<hbm>>
    %dma_wait3A_364 = arith.constant 0 : i32
    %dma_wait3A_365 = arith.constant 0 : i32
    %dma_wait3A_366 = arith.constant 0 : i32
    %dma_wait3A_367 = tpu.memref_slice %dma_wait3A_363[%dma_wait3A_329, %dma_wait3A_364, %dma_wait3A_365, %dma_wait3A_366] : memref<4x128x8x128xf32, #tpu.memory_space<hbm>> -> memref<1x128x8x128xf32, #tpu.memory_space<hbm>>
    %dma_wait3A_368 = tpu.memref_squeeze %dma_wait3A_367 : memref<1x128x8x128xf32, #tpu.memory_space<hbm>> -> memref<128x8x128xf32, #tpu.memory_space<hbm>>
    %dma_wait3A_369 = arith.constant 0 : i32
    %dma_wait3A_370 = arith.constant 0 : i32
    %dma_wait3A_371 = tpu.memref_slice %dma_wait3A_368[%mul3A_4, %dma_wait3A_369, %dma_wait3A_370] : memref<128x8x128xf32, #tpu.memory_space<hbm>> -> memref<4x8x128xf32, #tpu.memory_space<hbm>>
    %dma_wait3A_372 = arith.constant 0 : i32
    %dma_wait3A_373 = arith.constant 0 : i32
    %dma_wait3A_374 = arith.constant 0 : i32
    %dma_wait3A_375 = arith.constant 0 : i32
    %dma_wait3A_376 = tpu.memref_slice %arg8[%dma_wait3A_326, %dma_wait3A_372, %dma_wait3A_373, %dma_wait3A_374, %dma_wait3A_375] : memref<2x4x4x8x128xf32, #tpu.memory_space<vmem>> -> memref<1x4x4x8x128xf32, #tpu.memory_space<vmem>>
    %dma_wait3A_377 = tpu.memref_squeeze %dma_wait3A_376 : memref<1x4x4x8x128xf32, #tpu.memory_space<vmem>> -> memref<4x4x8x128xf32, #tpu.memory_space<vmem>>
    %dma_wait3A_378 = arith.constant 0 : i32
    %dma_wait3A_379 = arith.constant 0 : i32
    %dma_wait3A_380 = arith.constant 0 : i32
    %dma_wait3A_381 = tpu.memref_slice %dma_wait3A_377[%dma_wait3A_327, %dma_wait3A_378, %dma_wait3A_379, %dma_wait3A_380] : memref<4x4x8x128xf32, #tpu.memory_space<vmem>> -> memref<1x4x8x128xf32, #tpu.memory_space<vmem>>
    %dma_wait3A_382 = tpu.memref_squeeze %dma_wait3A_381 : memref<1x4x8x128xf32, #tpu.memory_space<vmem>> -> memref<4x8x128xf32, #tpu.memory_space<vmem>>
    tpu.wait_dma2 semaphore(%dma_wait3A_357 : memref<!tpu.dma_semaphore, #tpu.memory_space<semaphore_mem>>) src(%dma_wait3A_382 : memref<4x8x128xf32, #tpu.memory_space<vmem>>) dst(%dma_wait3A_371 : memref<4x8x128xf32, #tpu.memory_space<hbm>>)
    %dma_wait3A_383 = arith.constant 1 : i32
    %dma_wait3A_384 = arith.constant 2 : i32
    %dma_wait3A_385 = arith.constant 0 : i32
    %dma_wait3A_386 = arith.constant 2 : i32
    %dma_wait3A_387 = arith.constant 1 : i32
    %dma_wait3A_388 = arith.constant 0 : i32
    %dma_wait3A_389 = arith.constant 0 : i32
    %dma_wait3A_390 = arith.constant 0 : i32
    %dma_wait3A_391 = arith.constant 0 : i32
    %dma_wait3A_392 = tpu.memref_slice %arg8[%dma_wait3A_383, %dma_wait3A_388, %dma_wait3A_389, %dma_wait3A_390, %dma_wait3A_391] : memref<2x4x4x8x128xf32, #tpu.memory_space<vmem>> -> memref<1x4x4x8x128xf32, #tpu.memory_space<vmem>>
    %dma_wait3A_393 = tpu.memref_squeeze %dma_wait3A_392 : memref<1x4x4x8x128xf32, #tpu.memory_space<vmem>> -> memref<4x4x8x128xf32, #tpu.memory_space<vmem>>
    %dma_wait3A_394 = arith.constant 0 : i32
    %dma_wait3A_395 = arith.constant 0 : i32
    %dma_wait3A_396 = arith.constant 0 : i32
    %dma_wait3A_397 = tpu.memref_slice %dma_wait3A_393[%dma_wait3A_384, %dma_wait3A_394, %dma_wait3A_395, %dma_wait3A_396] : memref<4x4x8x128xf32, #tpu.memory_space<vmem>> -> memref<1x4x8x128xf32, #tpu.memory_space<vmem>>
    %dma_wait3A_398 = tpu.memref_squeeze %dma_wait3A_397 : memref<1x4x8x128xf32, #tpu.memory_space<vmem>> -> memref<4x8x128xf32, #tpu.memory_space<vmem>>
    %dma_wait3A_399 = arith.constant 0 : i32
    %dma_wait3A_400 = arith.constant 0 : i32
    %dma_wait3A_401 = arith.constant 0 : i32
    %dma_wait3A_402 = arith.constant 0 : i32
    %dma_wait3A_403 = tpu.memref_slice %arg4[%dma_wait3A_385, %dma_wait3A_399, %dma_wait3A_400, %dma_wait3A_401, %dma_wait3A_402] : memref<50x4x128x8x128xf32, #tpu.memory_space<hbm>> -> memref<1x4x128x8x128xf32, #tpu.memory_space<hbm>>
    %dma_wait3A_404 = tpu.memref_squeeze %dma_wait3A_403 : memref<1x4x128x8x128xf32, #tpu.memory_space<hbm>> -> memref<4x128x8x128xf32, #tpu.memory_space<hbm>>
    %dma_wait3A_405 = arith.constant 0 : i32
    %dma_wait3A_406 = arith.constant 0 : i32
    %dma_wait3A_407 = arith.constant 0 : i32
    %dma_wait3A_408 = tpu.memref_slice %dma_wait3A_404[%dma_wait3A_386, %dma_wait3A_405, %dma_wait3A_406, %dma_wait3A_407] : memref<4x128x8x128xf32, #tpu.memory_space<hbm>> -> memref<1x128x8x128xf32, #tpu.memory_space<hbm>>
    %dma_wait3A_409 = tpu.memref_squeeze %dma_wait3A_408 : memref<1x128x8x128xf32, #tpu.memory_space<hbm>> -> memref<128x8x128xf32, #tpu.memory_space<hbm>>
    %dma_wait3A_410 = arith.constant 0 : i32
    %dma_wait3A_411 = arith.constant 0 : i32
    %dma_wait3A_412 = tpu.memref_slice %dma_wait3A_409[%mul3A_4, %dma_wait3A_410, %dma_wait3A_411] : memref<128x8x128xf32, #tpu.memory_space<hbm>> -> memref<4x8x128xf32, #tpu.memory_space<hbm>>
    %dma_wait3A_413 = tpu.memref_slice %arg10[%dma_wait3A_387] : memref<2x!tpu.dma_semaphore, #tpu.memory_space<semaphore_mem>> -> memref<1x!tpu.dma_semaphore, #tpu.memory_space<semaphore_mem>>
    %dma_wait3A_414 = tpu.memref_squeeze %dma_wait3A_413 : memref<1x!tpu.dma_semaphore, #tpu.memory_space<semaphore_mem>> -> memref<!tpu.dma_semaphore, #tpu.memory_space<semaphore_mem>>
    %dma_wait3A_415 = arith.constant 0 : i32
    %dma_wait3A_416 = arith.constant 0 : i32
    %dma_wait3A_417 = arith.constant 0 : i32
    %dma_wait3A_418 = arith.constant 0 : i32
    %dma_wait3A_419 = tpu.memref_slice %arg4[%dma_wait3A_385, %dma_wait3A_415, %dma_wait3A_416, %dma_wait3A_417, %dma_wait3A_418] : memref<50x4x128x8x128xf32, #tpu.memory_space<hbm>> -> memref<1x4x128x8x128xf32, #tpu.memory_space<hbm>>
    %dma_wait3A_420 = tpu.memref_squeeze %dma_wait3A_419 : memref<1x4x128x8x128xf32, #tpu.memory_space<hbm>> -> memref<4x128x8x128xf32, #tpu.memory_space<hbm>>
    %dma_wait3A_421 = arith.constant 0 : i32
    %dma_wait3A_422 = arith.constant 0 : i32
    %dma_wait3A_423 = arith.constant 0 : i32
    %dma_wait3A_424 = tpu.memref_slice %dma_wait3A_420[%dma_wait3A_386, %dma_wait3A_421, %dma_wait3A_422, %dma_wait3A_423] : memref<4x128x8x128xf32, #tpu.memory_space<hbm>> -> memref<1x128x8x128xf32, #tpu.memory_space<hbm>>
    %dma_wait3A_425 = tpu.memref_squeeze %dma_wait3A_424 : memref<1x128x8x128xf32, #tpu.memory_space<hbm>> -> memref<128x8x128xf32, #tpu.memory_space<hbm>>
    %dma_wait3A_426 = arith.constant 0 : i32
    %dma_wait3A_427 = arith.constant 0 : i32
    %dma_wait3A_428 = tpu.memref_slice %dma_wait3A_425[%mul3A_4, %dma_wait3A_426, %dma_wait3A_427] : memref<128x8x128xf32, #tpu.memory_space<hbm>> -> memref<4x8x128xf32, #tpu.memory_space<hbm>>
    %dma_wait3A_429 = arith.constant 0 : i32
    %dma_wait3A_430 = arith.constant 0 : i32
    %dma_wait3A_431 = arith.constant 0 : i32
    %dma_wait3A_432 = arith.constant 0 : i32
    %dma_wait3A_433 = tpu.memref_slice %arg8[%dma_wait3A_383, %dma_wait3A_429, %dma_wait3A_430, %dma_wait3A_431, %dma_wait3A_432] : memref<2x4x4x8x128xf32, #tpu.memory_space<vmem>> -> memref<1x4x4x8x128xf32, #tpu.memory_space<vmem>>
    %dma_wait3A_434 = tpu.memref_squeeze %dma_wait3A_433 : memref<1x4x4x8x128xf32, #tpu.memory_space<vmem>> -> memref<4x4x8x128xf32, #tpu.memory_space<vmem>>
    %dma_wait3A_435 = arith.constant 0 : i32
    %dma_wait3A_436 = arith.constant 0 : i32
    %dma_wait3A_437 = arith.constant 0 : i32
    %dma_wait3A_438 = tpu.memref_slice %dma_wait3A_434[%dma_wait3A_384, %dma_wait3A_435, %dma_wait3A_436, %dma_wait3A_437] : memref<4x4x8x128xf32, #tpu.memory_space<vmem>> -> memref<1x4x8x128xf32, #tpu.memory_space<vmem>>
    %dma_wait3A_439 = tpu.memref_squeeze %dma_wait3A_438 : memref<1x4x8x128xf32, #tpu.memory_space<vmem>> -> memref<4x8x128xf32, #tpu.memory_space<vmem>>
    tpu.wait_dma2 semaphore(%dma_wait3A_414 : memref<!tpu.dma_semaphore, #tpu.memory_space<semaphore_mem>>) src(%dma_wait3A_439 : memref<4x8x128xf32, #tpu.memory_space<vmem>>) dst(%dma_wait3A_428 : memref<4x8x128xf32, #tpu.memory_space<hbm>>)
    %dma_wait3A_440 = arith.constant 1 : i32
    %dma_wait3A_441 = arith.constant 3 : i32
    %dma_wait3A_442 = arith.constant 0 : i32
    %dma_wait3A_443 = arith.constant 3 : i32
    %dma_wait3A_444 = arith.constant 1 : i32
    %dma_wait3A_445 = arith.constant 0 : i32
    %dma_wait3A_446 = arith.constant 0 : i32
    %dma_wait3A_447 = arith.constant 0 : i32
    %dma_wait3A_448 = arith.constant 0 : i32
    %dma_wait3A_449 = tpu.memref_slice %arg8[%dma_wait3A_440, %dma_wait3A_445, %dma_wait3A_446, %dma_wait3A_447, %dma_wait3A_448] : memref<2x4x4x8x128xf32, #tpu.memory_space<vmem>> -> memref<1x4x4x8x128xf32, #tpu.memory_space<vmem>>
    %dma_wait3A_450 = tpu.memref_squeeze %dma_wait3A_449 : memref<1x4x4x8x128xf32, #tpu.memory_space<vmem>> -> memref<4x4x8x128xf32, #tpu.memory_space<vmem>>
    %dma_wait3A_451 = arith.constant 0 : i32
    %dma_wait3A_452 = arith.constant 0 : i32
    %dma_wait3A_453 = arith.constant 0 : i32
    %dma_wait3A_454 = tpu.memref_slice %dma_wait3A_450[%dma_wait3A_441, %dma_wait3A_451, %dma_wait3A_452, %dma_wait3A_453] : memref<4x4x8x128xf32, #tpu.memory_space<vmem>> -> memref<1x4x8x128xf32, #tpu.memory_space<vmem>>
    %dma_wait3A_455 = tpu.memref_squeeze %dma_wait3A_454 : memref<1x4x8x128xf32, #tpu.memory_space<vmem>> -> memref<4x8x128xf32, #tpu.memory_space<vmem>>
    %dma_wait3A_456 = arith.constant 0 : i32
    %dma_wait3A_457 = arith.constant 0 : i32
    %dma_wait3A_458 = arith.constant 0 : i32
    %dma_wait3A_459 = arith.constant 0 : i32
    %dma_wait3A_460 = tpu.memref_slice %arg4[%dma_wait3A_442, %dma_wait3A_456, %dma_wait3A_457, %dma_wait3A_458, %dma_wait3A_459] : memref<50x4x128x8x128xf32, #tpu.memory_space<hbm>> -> memref<1x4x128x8x128xf32, #tpu.memory_space<hbm>>
    %dma_wait3A_461 = tpu.memref_squeeze %dma_wait3A_460 : memref<1x4x128x8x128xf32, #tpu.memory_space<hbm>> -> memref<4x128x8x128xf32, #tpu.memory_space<hbm>>
    %dma_wait3A_462 = arith.constant 0 : i32
    %dma_wait3A_463 = arith.constant 0 : i32
    %dma_wait3A_464 = arith.constant 0 : i32
    %dma_wait3A_465 = tpu.memref_slice %dma_wait3A_461[%dma_wait3A_443, %dma_wait3A_462, %dma_wait3A_463, %dma_wait3A_464] : memref<4x128x8x128xf32, #tpu.memory_space<hbm>> -> memref<1x128x8x128xf32, #tpu.memory_space<hbm>>
    %dma_wait3A_466 = tpu.memref_squeeze %dma_wait3A_465 : memref<1x128x8x128xf32, #tpu.memory_space<hbm>> -> memref<128x8x128xf32, #tpu.memory_space<hbm>>
    %dma_wait3A_467 = arith.constant 0 : i32
    %dma_wait3A_468 = arith.constant 0 : i32
    %dma_wait3A_469 = tpu.memref_slice %dma_wait3A_466[%mul3A_4, %dma_wait3A_467, %dma_wait3A_468] : memref<128x8x128xf32, #tpu.memory_space<hbm>> -> memref<4x8x128xf32, #tpu.memory_space<hbm>>
    %dma_wait3A_470 = tpu.memref_slice %arg10[%dma_wait3A_444] : memref<2x!tpu.dma_semaphore, #tpu.memory_space<semaphore_mem>> -> memref<1x!tpu.dma_semaphore, #tpu.memory_space<semaphore_mem>>
    %dma_wait3A_471 = tpu.memref_squeeze %dma_wait3A_470 : memref<1x!tpu.dma_semaphore, #tpu.memory_space<semaphore_mem>> -> memref<!tpu.dma_semaphore, #tpu.memory_space<semaphore_mem>>
    %dma_wait3A_472 = arith.constant 0 : i32
    %dma_wait3A_473 = arith.constant 0 : i32
    %dma_wait3A_474 = arith.constant 0 : i32
    %dma_wait3A_475 = arith.constant 0 : i32
    %dma_wait3A_476 = tpu.memref_slice %arg4[%dma_wait3A_442, %dma_wait3A_472, %dma_wait3A_473, %dma_wait3A_474, %dma_wait3A_475] : memref<50x4x128x8x128xf32, #tpu.memory_space<hbm>> -> memref<1x4x128x8x128xf32, #tpu.memory_space<hbm>>
    %dma_wait3A_477 = tpu.memref_squeeze %dma_wait3A_476 : memref<1x4x128x8x128xf32, #tpu.memory_space<hbm>> -> memref<4x128x8x128xf32, #tpu.memory_space<hbm>>
    %dma_wait3A_478 = arith.constant 0 : i32
    %dma_wait3A_479 = arith.constant 0 : i32
    %dma_wait3A_480 = arith.constant 0 : i32
    %dma_wait3A_481 = tpu.memref_slice %dma_wait3A_477[%dma_wait3A_443, %dma_wait3A_478, %dma_wait3A_479, %dma_wait3A_480] : memref<4x128x8x128xf32, #tpu.memory_space<hbm>> -> memref<1x128x8x128xf32, #tpu.memory_space<hbm>>
    %dma_wait3A_482 = tpu.memref_squeeze %dma_wait3A_481 : memref<1x128x8x128xf32, #tpu.memory_space<hbm>> -> memref<128x8x128xf32, #tpu.memory_space<hbm>>
    %dma_wait3A_483 = arith.constant 0 : i32
    %dma_wait3A_484 = arith.constant 0 : i32
    %dma_wait3A_485 = tpu.memref_slice %dma_wait3A_482[%mul3A_4, %dma_wait3A_483, %dma_wait3A_484] : memref<128x8x128xf32, #tpu.memory_space<hbm>> -> memref<4x8x128xf32, #tpu.memory_space<hbm>>
    %dma_wait3A_486 = arith.constant 0 : i32
    %dma_wait3A_487 = arith.constant 0 : i32
    %dma_wait3A_488 = arith.constant 0 : i32
    %dma_wait3A_489 = arith.constant 0 : i32
    %dma_wait3A_490 = tpu.memref_slice %arg8[%dma_wait3A_440, %dma_wait3A_486, %dma_wait3A_487, %dma_wait3A_488, %dma_wait3A_489] : memref<2x4x4x8x128xf32, #tpu.memory_space<vmem>> -> memref<1x4x4x8x128xf32, #tpu.memory_space<vmem>>
    %dma_wait3A_491 = tpu.memref_squeeze %dma_wait3A_490 : memref<1x4x4x8x128xf32, #tpu.memory_space<vmem>> -> memref<4x4x8x128xf32, #tpu.memory_space<vmem>>
    %dma_wait3A_492 = arith.constant 0 : i32
    %dma_wait3A_493 = arith.constant 0 : i32
    %dma_wait3A_494 = arith.constant 0 : i32
    %dma_wait3A_495 = tpu.memref_slice %dma_wait3A_491[%dma_wait3A_441, %dma_wait3A_492, %dma_wait3A_493, %dma_wait3A_494] : memref<4x4x8x128xf32, #tpu.memory_space<vmem>> -> memref<1x4x8x128xf32, #tpu.memory_space<vmem>>
    %dma_wait3A_496 = tpu.memref_squeeze %dma_wait3A_495 : memref<1x4x8x128xf32, #tpu.memory_space<vmem>> -> memref<4x8x128xf32, #tpu.memory_space<vmem>>
    tpu.wait_dma2 semaphore(%dma_wait3A_471 : memref<!tpu.dma_semaphore, #tpu.memory_space<semaphore_mem>>) src(%dma_wait3A_496 : memref<4x8x128xf32, #tpu.memory_space<vmem>>) dst(%dma_wait3A_485 : memref<4x8x128xf32, #tpu.memory_space<hbm>>)
    return
  }
}

</mosaic_0001>

<sc_bundles>
// kernel: kernel.3.cloned.1.call-start
scs
__scs_entry_jumppad:
0x0: {  	(pc) =	sbr.rel $0x88, $3  }
0x1: {  	(tag) =	ssettag $0x0;
	lr =	simm.s32 $0x1  }
0x2: {  	[smem:$0x3F9F] =	sst lr;
	_ =	strace $0xD0000000  }
0x3: {  	_ = 	snop  }
0x4: {  	_ = 	snop  }
0x5: {  	_ = 	snop  }
0x6: {  	_ = 	snop  }
0x7: {  	_ = 	snop  }
__scs_overlays_trampoline_lowered:
0x8: {  	[smem:$0x3FAE] =	sst s0  }
0x9: {  	[smem:$0x3FAF] =	sst s1  }
0xa: {  	[smem:$0x3FB0] =	sst s2  }
0xb: {  	[smem:$0x3FB1] =	sst s3  }
0xc: {  	[smem:$0x3FB2] =	sst s4  }
0xd: {  	[smem:$0x3FB3] =	sst s5  }
0xe: {  	[smem:$0x3FB4] =	sst s6  }
0xf: {  	[smem:$0x3FB5] =	sst s7  }
0x10: {  	[smem:$0x3FB6] =	sst s8  }
0x11: {  	[smem:$0x3FB7] =	sst s9;
	s0 =	simm.s32 @!p0 $0x0  }
0x12: {  	s1 =	sld [smem:$0x3F9D];
	s0 =	simm.s32 @p0 $0x1  }
0x13: {  	[smem:$0x3FB8] =	sst s0;
	s0 =	simm.s32 @!p1 $0x0  }
0x14: {  	s2 =	sld [smem:$0x3F9C];
	s0 =	simm.s32 @p1 $0x1  }
0x15: {  	[smem:$0x3FB9] =	sst s0;
	s0 =	simm.s32 @!p2 $0x0  }
0x16: {  	s3 =	sld [smem:$0x3FDB];
	s0 =	simm.s32 @p2 $0x1  }
0x17: {  	s4 =	simm.s32 $0x1BF5;
	[smem:$0x3FBB] =	sst s0  }
0x18: {  	s0 =	sld [smem:$0x3F9E];
	_ =	swait.ge [sflag:s4], $0x0  }
0x19: {  	s7 =	sld [smem:$0x3F9F]  }
0x1a: {  	s8 =	sadd.s32 $0xFFFFE003, lr  }
0x1b: {  	s9 =	sadd.s32 $0xFFFFFEF7, lr;
	s5 =	simm.s32 $0xFFFFFFFF;
	p2 =	slt.u32 s8, $0xFFFFF086  }
0x1c: {  	p1 =	slt.u32 s9, $0xF7A;
	s5 =	simm.s32 @!p2 $0x0  }
0x1d: {  	s5 =	simm.s32 @p1 $0x1;
	p0 =	seq.s32 s7, s2  }
0x1e: {  	s7 =	smul.u32 @!p0 $0xF7A, s2;
	p2 =	seq.s32 @!p0 s5, $0x0  }
0x1f: {  	s9 =	smul.u32 $0xF7A, s1;
	s8 =	simm.s32 @!p0 $0x1BF5;
	p2 =	por !p2, p0  }
0x20: {  	[sflag:s8] =	ssyncset.s32 @!p0 $0xFFFFF086;
	s6 =	sadd.s32 @!p0 s3, s7;
	s7 =	simm.s32 @!p0 $0x108  }
0x21: {  	s3 =	sadd.s32 s3, s9;
	s6 =	sadd.s32 @!p0 $0x88, s6;
	s7 =	simm.s32 @p2 $0x1082  }
0x22: {  	[simem:s7], [sflag:s8] =	dma.local @!p0 [hbm:s6], $0xF7A  }
0x23: {  	s9 =	sor.u32 $0xD0000000, s2;
	s6 =	simm.s32 $0x108;
	_ =	swait.ge @!p0 [sflag:s8], $0x0  }
0x24: {  	s3 =	sadd.s32 $0x88, s3;
	s6 =	simm.s32 @!p1 $0x1082;
	[sflag:s4] =	ssyncset.s32 $0xFFFFF086  }
0x25: {  	[simem:s6], [sflag:s4] =	dma.local [hbm:s3], $0xF7A  }
0x26: {  	[smem:$0x3F9F] =	sst s1;
	(tag) =	ssettag s2;
	_ =	strace s9  }
0x27: {  	s1 =	sld [smem:$0x3FAF]  }
0x28: {  	s2 =	sld [smem:$0x3FB0]  }
0x29: {  	s4 =	sld [smem:$0x3FB2]  }
0x2a: {  	p0 =	seq.s32 s5, $0x0;
	s5 =	sld [smem:$0x3FB3]  }
0x2b: {  	s6 =	sld [smem:$0x3FB4]  }
0x2c: {  	s7 =	sld [smem:$0x3FB5]  }
0x2d: {  	s3 =	simm.s32 $0x108;
	s8 =	sld [smem:$0x3FB6]  }
0x2e: {  	s3 =	simm.s32 @!p0 $0x1082;
	s9 =	sld [smem:$0x3FB7]  }
0x2f: {  	lr =	sadd.s32 s0, s3;
	s0 =	sld [smem:$0x3FAE]  }
0x30: {  	s3 =	sld [smem:$0x3FB1]  }
0x31: {  	[smem:$0x3FBA] =	sst s10  }
0x32: {  	s10 =	sld [smem:$0x3FB8];
	_ =	sdelay $0x3  }
0x33: {  	p0 =	seq.s32 s10, $0x1;
	s10 =	sld [smem:$0x3FBA];
	_ =	sdelay $0x3  }
0x34: {  	[smem:$0x3FBA] =	sst s10  }
0x35: {  	s10 =	sld [smem:$0x3FB9];
	_ =	sdelay $0x3  }
0x36: {  	p1 =	seq.s32 s10, $0x1;
	s10 =	sld [smem:$0x3FBA];
	_ =	sdelay $0x3  }
0x37: {  	[smem:$0x3FBA] =	sst s10  }
0x38: {  	s10 =	sld [smem:$0x3FBB]  }
0x39: {  	_ = 	snop;
	(pc) =	sbr.ind lr, $3  }
0x3a: {  	_ = 	snop  }
0x3b: {  	_ = 	snop  }
0x3c: {  	p2 =	seq.s32 s10, $0x1;
	s10 =	sld [smem:$0x3FBA]  }
0x3d: {  	_ =	shalt  }
0x3e: {  	_ =	shalt  }
0x3f: {  	_ =	shalt  }
0x40: {  	_ =	shalt  }
0x41: {  	_ =	shalt  }
0x42: {  	_ =	shalt  }
0x43: {  	_ =	shalt  }
0x44: {  	_ =	shalt  }
0x45: {  	_ =	shalt  }
0x46: {  	_ =	shalt  }
0x47: {  	_ =	shalt  }
0x48: {  	_ =	shalt  }
0x49: {  	_ =	shalt  }
0x4a: {  	_ =	shalt  }
0x4b: {  	_ =	shalt  }
0x4c: {  	_ =	shalt  }
0x4d: {  	_ =	shalt  }
0x4e: {  	_ =	shalt  }
0x4f: {  	_ =	shalt  }
0x50: {  	_ =	shalt  }
0x51: {  	_ =	shalt  }
0x52: {  	_ =	shalt  }
0x53: {  	_ =	shalt  }
0x54: {  	_ =	shalt  }
0x55: {  	_ =	shalt  }
0x56: {  	_ =	shalt  }
0x57: {  	_ =	shalt  }
0x58: {  	_ =	shalt  }
0x59: {  	_ =	shalt  }
0x5a: {  	_ =	shalt  }
0x5b: {  	_ =	shalt  }
0x5c: {  	_ =	shalt  }
0x5d: {  	_ =	shalt  }
0x5e: {  	_ =	shalt  }
0x5f: {  	_ =	shalt  }
0x60: {  	_ =	shalt  }
0x61: {  	_ =	shalt  }
0x62: {  	_ =	shalt  }
0x63: {  	_ =	shalt  }
0x64: {  	_ =	shalt  }
0x65: {  	_ =	shalt  }
0x66: {  	_ =	shalt  }
0x67: {  	_ =	shalt  }
0x68: {  	_ =	shalt  }
0x69: {  	_ =	shalt  }
0x6a: {  	_ =	shalt  }
0x6b: {  	_ =	shalt  }
0x6c: {  	_ =	shalt  }
0x6d: {  	_ =	shalt  }
0x6e: {  	_ =	shalt  }
0x6f: {  	_ =	shalt  }
0x70: {  	_ =	shalt  }
0x71: {  	_ =	shalt  }
0x72: {  	_ =	shalt  }
0x73: {  	_ =	shalt  }
0x74: {  	_ =	shalt  }
0x75: {  	_ =	shalt  }
0x76: {  	_ =	shalt  }
0x77: {  	_ =	shalt  }
0x78: {  	_ =	shalt  }
0x79: {  	_ =	shalt  }
0x7a: {  	_ =	shalt  }
0x7b: {  	_ =	shalt  }
0x7c: {  	_ =	shalt  }
0x7d: {  	_ =	shalt  }
0x7e: {  	_ =	shalt  }
0x7f: {  	_ =	shalt  }
0x80: {  	_ =	shalt  }
0x81: {  	_ =	shalt  }
0x82: {  	_ =	shalt  }
0x83: {  	_ =	shalt  }
0x84: {  	_ =	shalt  }
0x85: {  	_ =	shalt  }
0x86: {  	_ =	shalt  }
0x87: {  	_ =	shalt  }
.Lfunc_end0:
.L_simem_size_0:
called_computation_lowered:
.L_overlay_start_0:
0x88: {  	s2 =	sld [smem:$0x3FD9]  }
0x89: {  	s3 =	sld [smem:$0x3FFE];
	_ =	sdelay $0x1  }
0x8a: {  	s1 =	srdreg.scid  }
0x8b: {  	s0 =	sand.u32 $0x1, s1  }
0x8c: {  	s17 =	sshll.u32 s0, $0xA;
	s2 =	sadd.s32 s3, s2  }
0x8d: {  	s2 =	sadd.s32 s2, s17  }
0x8e: {  	[smem:$0x3FC6] =	sst s2  }
0x8f: {  	_ = 	snop  }
0x90: {  	s2 =	sld [smem:$0x3FD0];
	(tm) =	ssettm $0x1  }
0x91: {  	s18 =	sld [smem:$0x3FFB];
	_ =	sdelay $0x3  }
0x92: {  	_ =	strace s18  }
0x93: {  	s3 =	sld [smem:$0x3FFC];
	_ =	sdelay $0x3  }
0x94: {  	_ =	strace s3  }
0x95: {  	s3 =	sld [smem:$0x3FFD];
	_ =	sdelay $0x3  }
0x96: {  	_ =	strace s3  }
0x97: {  	_ =	strace $0x8FFFFFFF  }
0x98: {  	s19 =	sld [smem:$0x3FDB];
	_ =	sdelay $0x1  }
0x99: {  	s4 =	simm.s32 $_scs_section_size  }
0x9a: {  	s5 =	simm.s32 $_size__tile_overlayer_lowered;
	s6 =	simm.s32 $_tile_overlayer_lowered  }
0x9b: {  	s22 =	simm.s32 $0x1BFF;
	s21 =	sshll.u32 s6, $0x1;
	s3 =	sadd.s32 s4, s19  }
0x9c: {  	s7 =	simm.s32 $0x0;
	s20 =	sshll.u32 s5, $0x1;
	s5 =	sadd.s32 s21, s3  }
0x9d: {  	[timem:s7], [sflag:s22] =	dma.local [hbm:s5], s20  }
0x9e: {  	_ =	swait.ge [sflag:s22], s20  }
0x9f: {  	s4 =	ssub.s32 $0x0, s20;
	[sflag:s22] =	ssyncset.done $0x0  }
0xa0: {  	[sflag:s22] =	ssyncadd.s32 s4;
	_ =	sdelay $0x1  }
0xa1: {  	s23 =	simm.s32 $0x1B8B  }
0xa2: {  	_ =	swait.ge [sflag:s23], $0x1  }
0xa3: {  	[sflag:s23] =	ssyncset.done $0x0  }
0xa4: {  	s25 =	simm.s32 $0x1B8E;
	s24 =	sld [smem:$0x3FFE];
	[sflag:s23] =	ssyncadd.s32 $0xFFFFFFFF  }
0xa5: {  	s26 =	simm.s32 $execute0_lowered;
	[smem:$0x3FD2] =	sst s25  }
0xa6: {  	s5 =	sshll.u32 s26, $0x1;
	_ =	strace $0x80000046;
	[dreg:$0x1] =	wrdreg $0xFFFFFFFF  }
0xa7: {  	s28 =	simm.s32 $_size_execute0_lowered;
	s3 =	sadd.s32 s3, s5;
	[dreg:$0x0] =	wrdreg $0x0  }
0xa8: {  	s5 =	sshll.u32 s28, $0x1;
	[dreg:$0x2] =	wrdreg s3  }
0xa9: {  	[dreg:$0x3] =	wrdreg s5  }
0xaa: {  	[dreg:$0x4] =	wrdreg $0xC0  }
0xab: {  	_ =	task [dreg:s7], $0x5FFFF  }
0xac: {  	[dreg:$0x1] =	wrdreg $0xFFFFFFFF  }
0xad: {  	[dreg:$0x0] =	wrdreg $0x60  }
0xae: {  	[dreg:$0x2] =	wrdreg s24  }
0xaf: {  	[dreg:$0x3] =	wrdreg s2  }
0xb0: {  	[dreg:$0x4] =	wrdreg $0x9  }
0xb1: {  	_ =	task.clear_ibuf [dreg:s7], $0x5FFFF;
	_ =	strace $0x90000046  }
0xb2: {  	s29 =	simm.s32 $0x9;
	_ =	strace $0x80000048  }
0xb3: {  	_ =	swait.ge [sflag:s29], $0x1  }
0xb4: {  	[sflag:s29] =	ssyncadd.s32 $0xFFFFFFFF  }
0xb5: {  	_ =	strace $0x90000048  }
0xb6: {  	_ =	sfence  }
0xb7: {  	s30 =	sld [smem:$0x0];
	_ =	sdelay $0x2  }
0xb8: {  	s31 =	sshll.u32 s1, $0xD;
	s1 =	sshrl.u32 s1, $0x2  }
0xb9: {  	s3 =	sand.u32 $0x4000, s31;
	s1 =	sadd.s32 s1, s30  }
0xba: {  	s0 =	sor.u32 s3, s0;
	s1 =	sshll.u32 s1, $0x11  }
0xbb: {  	s0 =	sor.u32 s1, s0  }
0xbc: {  	s0 =	sadd.s32 $0x8F2B, s0  }
0xbd: {  	[sflag:s0] =	ssyncadd.remote.s32 $0x1  }
0xbe: {  	_ =	sfence.sel $0xFFFF  }
0xbf: {  	[dreg:$0x0] =	wrdreg $0xFFFFFFFF;
	(pc) =	sbr.abs _section_cstart, $3  }
0xc0: {  	[dreg:$0x1] =	wrdreg $0xFFFFFFFF  }
0xc1: {  	_ =	task.clear_ibuf [dreg:s7], $0x2FFFF;
	_ =	strace $0x9FFFFFFF  }
0xc2: {  	(tm) =	ssettm $0x7FFFFFFF  }
0xc3: {  	_ =	shalt  }
tec
execute0_lowered:
.L_overlay_start_1:
0x0: {  	(tag) =	ssettag $0x1  }
0x1: {  	s3 =	stileid.u32  }
0x2: {  	v42 =	vlaneseq.u32;
	s0 =	rddreg [dreg:$0x0];
	s4 =	sshll.u32 s3, $0x1;
	s3 =	simm.s32 $0x0  }
0x3: {  	v62 =	vor.u32 $0x20, v42;
	[smem:$0x7FF] =	sst s3  }
0x4: {  	s2 =	rddreg [dreg:$0x1];
	v36 =	vor.u32 $0x30, v42;
	_ =	strace $0x80000047;
	[tilespmem:$0x1FC40] =	vst v62  }
0x5: {  	v41 =	vor.u32 $0x40, v42;
	[tilespmem:$0x1FC60] =	vst v36  }
0x6: {  	v44 =	vor.u32 $0x50, v42;
	[tilespmem:$0x1FC80] =	vst v41  }
0x7: {  	v46 =	vor.u32 $0x60, v42;
	[tilespmem:$0x1FCA0] =	vst v44  }
0x8: {  	v48 =	vor.u32 $0x70, v42;
	[tilespmem:$0x1FCC0] =	vst v46  }
0x9: {  	v50 =	vor.u32 $0x400, v42;
	[tilespmem:$0x1FCE0] =	vst v48  }
0xa: {  	v52 =	vor.u32 $0x410, v42;
	[tilespmem:$0x1FD00] =	vst v50  }
0xb: {  	v54 =	vor.u32 $0x420, v42;
	[tilespmem:$0x1FD20] =	vst v52  }
0xc: {  	v56 =	vor.u32 $0x430, v42;
	[tilespmem:$0x1FD40] =	vst v54  }
0xd: {  	v0 =	vor.u32 $0x440, v42;
	[tilespmem:$0x1FD60] =	vst v56  }
0xe: {  	v59 =	vor.u32 $0x450, v42;
	[tilespmem:$0x1FD80] =	vst v0  }
0xf: {  	v4 =	vmul.u32 $0x32, v42;
	v61 =	vor.u32 $0x460, v42;
	[tilespmem:$0x1FDA0] =	vst v59  }
0x10: {  	v40 =	vmul.u32 $0x20, v42;
	[tilespmem:$0x1FDC0] =	vst v61  }
0x11: {  	[tilespmem:$0x1FDF0] =	vst v4  }
0x12: {  	v1 =	vor.u32 $0x400, v40;
	[tilespmem:$0x1FFF0] =	vst v40  }
0x13: {  	v63 =	vor.u32 $0x600, v40;
	[tilespmem:$0x1FC30] =	vst v1  }
0x14: {  	v37 =	vor.u32 $0x800, v40;
	[tilespmem:$0x1FC50] =	vst v63  }
0x15: {  	v43 =	vor.u32 $0xA00, v40;
	[tilespmem:$0x1FC70] =	vst v37  }
0x16: {  	v45 =	vor.u32 $0xC00, v40;
	[tilespmem:$0x1FC90] =	vst v43  }
0x17: {  	v47 =	vor.u32 $0xE00, v40;
	[tilespmem:$0x1FCB0] =	vst v45  }
0x18: {  	v49 =	vor.u32 $0x1000, v40;
	[tilespmem:$0x1FCD0] =	vst v47  }
0x19: {  	v51 =	vor.u32 $0x1200, v40;
	[tilespmem:$0x1FCF0] =	vst v49  }
0x1a: {  	v53 =	vor.u32 $0x1400, v40;
	[tilespmem:$0x1FD10] =	vst v51  }
0x1b: {  	v55 =	vor.u32 $0x1600, v40;
	[tilespmem:$0x1FD30] =	vst v53  }
0x1c: {  	v57 =	vor.u32 $0x1800, v40;
	[tilespmem:$0x1FD50] =	vst v55  }
0x1d: {  	v58 =	vor.u32 $0x1A00, v40;
	[tilespmem:$0x1FD70] =	vst v57  }
0x1e: {  	v60 =	vor.u32 $0x1C00, v40;
	[tilespmem:$0x1FD90] =	vst v58  }
0x1f: {  	v62 =	vor.u32 $0x1E00, v40;
	[tilespmem:$0x1FDB0] =	vst v60  }
0x20: {  	v5 =	vadd.s32 $0x320, v4;
	[tilespmem:$0x1FDD0] =	vst v62  }
0x21: {  	v6 =	vadd.s32 $0x640, v4;
	[tilespmem:$0x1FE00] =	vst v5  }
0x22: {  	v7 =	vadd.s32 $0x960, v4;
	[tilespmem:$0x1FE10] =	vst v6  }
0x23: {  	v8 =	vadd.s32 $0xC80, v4;
	[tilespmem:$0x1FE20] =	vst v7  }
0x24: {  	v9 =	vadd.s32 $0xFA0, v4;
	[tilespmem:$0x1FE30] =	vst v8  }
0x25: {  	v10 =	vadd.s32 $0x12C0, v4;
	[tilespmem:$0x1FE40] =	vst v9  }
0x26: {  	v11 =	vadd.s32 $0x15E0, v4;
	[tilespmem:$0x1FE50] =	vst v10  }
0x27: {  	v12 =	vadd.s32 $0x1900, v4;
	[tilespmem:$0x1FE60] =	vst v11  }
0x28: {  	v13 =	vadd.s32 $0x1C20, v4;
	[tilespmem:$0x1FE70] =	vst v12  }
0x29: {  	v14 =	vadd.s32 $0x1F40, v4;
	[tilespmem:$0x1FE80] =	vst v13  }
0x2a: {  	v15 =	vadd.s32 $0x2260, v4;
	[tilespmem:$0x1FE90] =	vst v14  }
0x2b: {  	v16 =	vadd.s32 $0x2580, v4;
	[tilespmem:$0x1FEA0] =	vst v15  }
0x2c: {  	v17 =	vadd.s32 $0x28A0, v4;
	[tilespmem:$0x1FEB0] =	vst v16  }
0x2d: {  	v18 =	vadd.s32 $0x2BC0, v4;
	[tilespmem:$0x1FEC0] =	vst v17  }
0x2e: {  	v19 =	vadd.s32 $0x2EE0, v4;
	[tilespmem:$0x1FED0] =	vst v18  }
0x2f: {  	v20 =	vadd.s32 $0x3200, v4;
	[tilespmem:$0x1FEE0] =	vst v19  }
0x30: {  	v21 =	vadd.s32 $0x3520, v4;
	[tilespmem:$0x1FEF0] =	vst v20  }
0x31: {  	v22 =	vadd.s32 $0x3840, v4;
	[tilespmem:$0x1FF00] =	vst v21  }
0x32: {  	v23 =	vadd.s32 $0x3B60, v4;
	[tilespmem:$0x1FF10] =	vst v22  }
0x33: {  	v24 =	vadd.s32 $0x3E80, v4;
	[tilespmem:$0x1FF20] =	vst v23  }
0x34: {  	v25 =	vadd.s32 $0x41A0, v4;
	[tilespmem:$0x1FF30] =	vst v24  }
0x35: {  	v26 =	vadd.s32 $0x44C0, v4;
	[tilespmem:$0x1FF40] =	vst v25  }
0x36: {  	s1 =	srdreg.scid;
	s9 =	simm.s32 $0x5;
	s10 =	simm.s32 $0x6400;
	v27 =	vadd.s32 $0x47E0, v4;
	[tilespmem:$0x1FF50] =	vst v26  }
0x37: {  	s11 =	simm.s32 $0x200;
	s12 =	simm.s32 $0xC800;
	s14 =	simm.s32 $0x10800;
	v28 =	vadd.s32 $0x4B00, v4;
	[tilespmem:$0x1FF60] =	vst v27  }
0x38: {  	s15 =	simm.s32 $0x1;
	s16 =	simm.s32 $0x14800;
	s17 =	simm.s32 $0x15800;
	v29 =	vadd.s32 $0x4E20, v4;
	[tilespmem:$0x1FF70] =	vst v28  }
0x39: {  	s18 =	simm.s32 $0x16800;
	s19 =	simm.s32 $0x17800;
	s1 =	sand.u32 $0x1, s1;
	v30 =	vadd.s32 $0x5140, v4;
	[tilespmem:$0x1FF80] =	vst v29  }
0x3a: {  	s20 =	simm.s32 $0x2;
	s21 =	simm.s32 $0x4;
	s6 =	sor.u32 s1, s4;
	v31 =	vadd.s32 $0x5460, v4;
	[tilespmem:$0x1FF90] =	vst v30  }
0x3b: {  	s22 =	simm.s32 $0x18800;
	s23 =	simm.s32 $0x19800;
	v32 =	vadd.s32 $0x5780, v4;
	s4 =	smul.u32 $0xC80, s6;
	[tilespmem:$0x1FFA0] =	vst v31  }
.Ltmp0:
0x3c: {  	s24 =	simm.s32 $0x1A800;
	s25 =	simm.s32 $0x1B800;
	v33 =	vadd.s32 $0x5AA0, v4;
	[tilespmem:$0x1FFB0] =	vst v32;
	(pc) =	sbr.rel .LBB2_1-.Ltmp0, $4  }
0x3d: {  	s26 =	simm.s32 $0x3;
	s28 =	simm.s32 $0x0;
	s1 =	ssub.s32 $0x2, s1;
	v34 =	vadd.s32 $0x5DC0, v4;
	[tilespmem:$0x1FFC0] =	vst v33  }
0x3e: {  	s7 =	sadd.s32 $0x10000, s2;
	v35 =	vadd.s32 $0x60E0, v4;
	s30 =	sshrl.u32 s1, $0x1;
	[tilespmem:$0x1FFD0] =	vst v34;
	s5 =	sadd.s32 s4, s0  }
0x3f: {  	v63 =	vor.u32 $0x470, v42;
	[tilespmem:$0x1FFE0] =	vst v35;
	s4 =	sadd.s32 $0xF42A00, s0;
	s0 =	ssub.s32 s1, s30;
	s31 =	sadd.s32 $0x600, s5  }
0x40: {  	v39 =	vor.u32 $0x10, v42;
	v38 =	vor.u32 $0x200, v40;
	s6 =	sshll.u32 s6, $0x9;
	[tilespmem:$0x1FDE0] =	vst v63;
	s8 =	smax.u32 s0, $0x1;
	[dreg:$0x3] =	wrdreg s31  }
.LBB2_14:
0x41: {  	_ =	swait.ge [sflag:s26], $0x1000  }
0x42: {  	[sflag:s26] =	ssyncset.done $0x0  }
0x43: {  	[sflag:s26] =	ssyncadd.s32 $0xFFFFF000  }
0x44: {  	_ =	swait.ge [sflag:s26], $0x1000  }
0x45: {  	[sflag:s26] =	ssyncset.done $0x0  }
0x46: {  	[sflag:s26] =	ssyncadd.s32 $0xFFFFF000  }
0x47: {  	_ =	swait.ge [sflag:s26], $0x1000  }
0x48: {  	[sflag:s26] =	ssyncset.done $0x0  }
0x49: {  	[sflag:s26] =	ssyncadd.s32 $0xFFFFF000  }
0x4a: {  	_ =	swait.ge [sflag:s26], $0x1000  }
0x4b: {  	[sflag:s26] =	ssyncset.done $0x0  }
0x4c: {  	[sflag:s26] =	ssyncadd.s32 $0xFFFFF000  }
0x4d: {  	_ =	swait.ge [sflag:s21], $0x1000  }
0x4e: {  	[sflag:s21] =	ssyncset.done $0x0  }
0x4f: {  	[sflag:s21] =	ssyncadd.s32 $0xFFFFF000  }
0x50: {  	_ =	swait.ge [sflag:s21], $0x1000  }
0x51: {  	[sflag:s21] =	ssyncset.done $0x0  }
0x52: {  	[sflag:s21] =	ssyncadd.s32 $0xFFFFF000  }
0x53: {  	_ =	swait.ge [sflag:s21], $0x1000  }
0x54: {  	[sflag:s21] =	ssyncset.done $0x0  }
0x55: {  	[sflag:s21] =	ssyncadd.s32 $0xFFFFF000  }
0x56: {  	_ =	swait.ge [sflag:s21], $0x1000  }
0x57: {  	v4 =	vld [tilespmem:$0x1FDF0]  }
0x58: {  	v5 =	vld [tilespmem:$0x1FE00]  }
0x59: {  	v6 =	vld [tilespmem:$0x1FE10]  }
0x5a: {  	v7 =	vld [tilespmem:$0x1FE20]  }
0x5b: {  	v8 =	vld [tilespmem:$0x1FE30]  }
0x5c: {  	v9 =	vld [tilespmem:$0x1FE40]  }
0x5d: {  	v10 =	vld [tilespmem:$0x1FE50]  }
0x5e: {  	v11 =	vld [tilespmem:$0x1FE60]  }
0x5f: {  	v12 =	vld [tilespmem:$0x1FE70]  }
0x60: {  	v13 =	vld [tilespmem:$0x1FE80]  }
0x61: {  	v14 =	vld [tilespmem:$0x1FE90]  }
0x62: {  	v15 =	vld [tilespmem:$0x1FEA0]  }
0x63: {  	v16 =	vld [tilespmem:$0x1FEB0]  }
0x64: {  	v17 =	vld [tilespmem:$0x1FEC0]  }
0x65: {  	v18 =	vld [tilespmem:$0x1FED0]  }
0x66: {  	v19 =	vld [tilespmem:$0x1FEE0]  }
0x67: {  	v20 =	vld [tilespmem:$0x1FEF0]  }
0x68: {  	v21 =	vld [tilespmem:$0x1FF00]  }
0x69: {  	v22 =	vld [tilespmem:$0x1FF10]  }
0x6a: {  	v23 =	vld [tilespmem:$0x1FF20]  }
0x6b: {  	v24 =	vld [tilespmem:$0x1FF30]  }
0x6c: {  	v25 =	vld [tilespmem:$0x1FF40]  }
0x6d: {  	v26 =	vld [tilespmem:$0x1FF50]  }
0x6e: {  	v27 =	vld [tilespmem:$0x1FF60]  }
0x6f: {  	v28 =	vld [tilespmem:$0x1FF70]  }
0x70: {  	s28 =	sadd.s32 $0x1, s28;
	v29 =	vld [tilespmem:$0x1FF80]  }
0x71: {  	p0 =	sne.s32 s28, s8;
	v30 =	vld [tilespmem:$0x1FF90]  }
.Ltmp1:
0x72: {  	v31 =	vld [tilespmem:$0x1FFA0];
	(pc) =	sbr.rel @!p0 .LBB2_15-.Ltmp1, $4  }
0x73: {  	v32 =	vld [tilespmem:$0x1FFB0]  }
0x74: {  	v33 =	vld [tilespmem:$0x1FFC0]  }
0x75: {  	[sflag:s21] =	ssyncset.done $0x0;
	v34 =	vld [tilespmem:$0x1FFD0]  }
0x76: {  	v42 =	vlaneseq.u32;
	v35 =	vld [tilespmem:$0x1FFE0];
	[sflag:s21] =	ssyncadd.s32 $0xFFFFF000  }
.LBB2_1:
0x77: {  	v1 =	vadd.s32 s3, v4;
	s0 =	rddreg [dreg:$0x3]  }
0x78: {  	[tilespmem:s3], [sflag:$0x5] =	stream.linear.gather [hbm4b:s0+s3], $0x6400, $0x38;
	[tilespmem:$0x1C800] =	vst v63  }
0x79: {  	_ =	swait.ge [sflag:s9], $0x6400  }
0x7a: {  	[sflag:s9] =	ssyncset.done $0x0  }
0x7b: {  	s1 =	simm.s32 $0x0;
	[sflag:s9] =	ssyncadd.s32 $0xFFFF9C00  }
0x7c: {  	v2 =	vor.u32 s1, v42;
	v1 =	vld.idx.msk [tilespmem:v1+s3+$0x0], $0xffff  }
0x7d: {  	v3 =	vadd.s32 s3, v5;
	_ =	sdelay $0x3  }
0x7e: {  	s5 =	simm.s32 $0x10;
	[tilespmem:v2+s10+$0x0] =	vst.idx.msk $0xffff, v1  }
0x7f: {  	v2 =	vor.u32 s5, v42;
	v1 =	vld.idx.msk [tilespmem:v3+s3+$0x0], $0xffff  }
0x80: {  	v3 =	vadd.s32 s3, v6;
	_ =	sdelay $0x3  }
0x81: {  	s13 =	simm.s32 $0x20;
	[tilespmem:v2+s10+$0x0] =	vst.idx.msk $0xffff, v1  }
0x82: {  	v2 =	vor.u32 s13, v42;
	v1 =	vld.idx.msk [tilespmem:v3+s3+$0x0], $0xffff  }
0x83: {  	v3 =	vadd.s32 s3, v7;
	_ =	sdelay $0x3  }
0x84: {  	s31 =	simm.s32 $0x30;
	[tilespmem:v2+s10+$0x0] =	vst.idx.msk $0xffff, v1  }
0x85: {  	v2 =	vor.u32 s31, v42;
	v1 =	vld.idx.msk [tilespmem:v3+s3+$0x0], $0xffff  }
0x86: {  	v3 =	vadd.s32 s3, v8;
	_ =	sdelay $0x3  }
0x87: {  	s1 =	simm.s32 $0x40;
	[tilespmem:v2+s10+$0x0] =	vst.idx.msk $0xffff, v1  }
0x88: {  	v2 =	vor.u32 s1, v42;
	v1 =	vld.idx.msk [tilespmem:v3+s3+$0x0], $0xffff  }
0x89: {  	v3 =	vadd.s32 s3, v9;
	_ =	sdelay $0x3  }
0x8a: {  	s5 =	simm.s32 $0x50;
	[tilespmem:v2+s10+$0x0] =	vst.idx.msk $0xffff, v1  }
0x8b: {  	v2 =	vor.u32 s5, v42;
	v1 =	vld.idx.msk [tilespmem:v3+s3+$0x0], $0xffff  }
0x8c: {  	v3 =	vadd.s32 s3, v10;
	_ =	sdelay $0x3  }
0x8d: {  	s13 =	simm.s32 $0x60;
	[tilespmem:v2+s10+$0x0] =	vst.idx.msk $0xffff, v1  }
0x8e: {  	v2 =	vor.u32 s13, v42;
	v1 =	vld.idx.msk [tilespmem:v3+s3+$0x0], $0xffff  }
0x8f: {  	v3 =	vadd.s32 s3, v11;
	_ =	sdelay $0x3  }
0x90: {  	s31 =	simm.s32 $0x70;
	[tilespmem:v2+s10+$0x0] =	vst.idx.msk $0xffff, v1  }
0x91: {  	v2 =	vor.u32 s31, v42;
	v1 =	vld.idx.msk [tilespmem:v3+s3+$0x0], $0xffff  }
0x92: {  	v3 =	vadd.s32 s3, v12;
	_ =	sdelay $0x3  }
0x93: {  	s1 =	simm.s32 $0x80;
	[tilespmem:v2+s10+$0x0] =	vst.idx.msk $0xffff, v1  }
0x94: {  	v2 =	vor.u32 s1, v42;
	v1 =	vld.idx.msk [tilespmem:v3+s3+$0x0], $0xffff  }
0x95: {  	v3 =	vadd.s32 s3, v13;
	_ =	sdelay $0x3  }
0x96: {  	s5 =	simm.s32 $0x90;
	[tilespmem:v2+s10+$0x0] =	vst.idx.msk $0xffff, v1  }
0x97: {  	v2 =	vor.u32 s5, v42;
	v1 =	vld.idx.msk [tilespmem:v3+s3+$0x0], $0xffff  }
0x98: {  	v3 =	vadd.s32 s3, v14;
	_ =	sdelay $0x3  }
0x99: {  	s13 =	simm.s32 $0xA0;
	[tilespmem:v2+s10+$0x0] =	vst.idx.msk $0xffff, v1  }
0x9a: {  	v2 =	vor.u32 s13, v42;
	v1 =	vld.idx.msk [tilespmem:v3+s3+$0x0], $0xffff  }
0x9b: {  	v3 =	vadd.s32 s3, v15;
	_ =	sdelay $0x3  }
0x9c: {  	s31 =	simm.s32 $0xB0;
	[tilespmem:v2+s10+$0x0] =	vst.idx.msk $0xffff, v1  }
0x9d: {  	v2 =	vor.u32 s31, v42;
	v1 =	vld.idx.msk [tilespmem:v3+s3+$0x0], $0xffff  }
0x9e: {  	v3 =	vadd.s32 s3, v16;
	_ =	sdelay $0x3  }
0x9f: {  	s1 =	simm.s32 $0xC0;
	[tilespmem:v2+s10+$0x0] =	vst.idx.msk $0xffff, v1  }
0xa0: {  	v2 =	vor.u32 s1, v42;
	v1 =	vld.idx.msk [tilespmem:v3+s3+$0x0], $0xffff  }
0xa1: {  	v3 =	vadd.s32 s3, v17;
	_ =	sdelay $0x3  }
0xa2: {  	s5 =	simm.s32 $0xD0;
	[tilespmem:v2+s10+$0x0] =	vst.idx.msk $0xffff, v1  }
0xa3: {  	v2 =	vor.u32 s5, v42;
	v1 =	vld.idx.msk [tilespmem:v3+s3+$0x0], $0xffff  }
0xa4: {  	v3 =	vadd.s32 s3, v18;
	_ =	sdelay $0x3  }
0xa5: {  	s13 =	simm.s32 $0xE0;
	[tilespmem:v2+s10+$0x0] =	vst.idx.msk $0xffff, v1  }
0xa6: {  	v2 =	vor.u32 s13, v42;
	v1 =	vld.idx.msk [tilespmem:v3+s3+$0x0], $0xffff  }
0xa7: {  	v3 =	vadd.s32 s3, v19;
	_ =	sdelay $0x3  }
0xa8: {  	s31 =	simm.s32 $0xF0;
	[tilespmem:v2+s10+$0x0] =	vst.idx.msk $0xffff, v1  }
0xa9: {  	v2 =	vor.u32 s31, v42;
	v1 =	vld.idx.msk [tilespmem:v3+s3+$0x0], $0xffff  }
0xaa: {  	v3 =	vadd.s32 s3, v20;
	_ =	sdelay $0x3  }
0xab: {  	s1 =	simm.s32 $0x100;
	[tilespmem:v2+s10+$0x0] =	vst.idx.msk $0xffff, v1  }
0xac: {  	v2 =	vor.u32 s1, v42;
	v1 =	vld.idx.msk [tilespmem:v3+s3+$0x0], $0xffff  }
0xad: {  	v3 =	vadd.s32 s3, v21;
	_ =	sdelay $0x3  }
0xae: {  	s5 =	simm.s32 $0x110;
	[tilespmem:v2+s10+$0x0] =	vst.idx.msk $0xffff, v1  }
0xaf: {  	v2 =	vor.u32 s5, v42;
	v1 =	vld.idx.msk [tilespmem:v3+s3+$0x0], $0xffff  }
0xb0: {  	v3 =	vadd.s32 s3, v22;
	_ =	sdelay $0x3  }
0xb1: {  	s13 =	simm.s32 $0x120;
	[tilespmem:v2+s10+$0x0] =	vst.idx.msk $0xffff, v1  }
0xb2: {  	v2 =	vor.u32 s13, v42;
	v1 =	vld.idx.msk [tilespmem:v3+s3+$0x0], $0xffff  }
0xb3: {  	v3 =	vadd.s32 s3, v23;
	_ =	sdelay $0x3  }
0xb4: {  	s31 =	simm.s32 $0x130;
	[tilespmem:v2+s10+$0x0] =	vst.idx.msk $0xffff, v1  }
0xb5: {  	v2 =	vor.u32 s31, v42;
	v1 =	vld.idx.msk [tilespmem:v3+s3+$0x0], $0xffff  }
0xb6: {  	v3 =	vadd.s32 s3, v24;
	_ =	sdelay $0x3  }
0xb7: {  	s1 =	simm.s32 $0x140;
	[tilespmem:v2+s10+$0x0] =	vst.idx.msk $0xffff, v1  }
0xb8: {  	v2 =	vor.u32 s1, v42;
	v1 =	vld.idx.msk [tilespmem:v3+s3+$0x0], $0xffff  }
0xb9: {  	v3 =	vadd.s32 s3, v25;
	_ =	sdelay $0x3  }
0xba: {  	s5 =	simm.s32 $0x150;
	[tilespmem:v2+s10+$0x0] =	vst.idx.msk $0xffff, v1  }
0xbb: {  	v2 =	vor.u32 s5, v42;
	v1 =	vld.idx.msk [tilespmem:v3+s3+$0x0], $0xffff  }
0xbc: {  	v3 =	vadd.s32 s3, v26;
	_ =	sdelay $0x3  }
0xbd: {  	s13 =	simm.s32 $0x160;
	[tilespmem:v2+s10+$0x0] =	vst.idx.msk $0xffff, v1  }
0xbe: {  	v2 =	vor.u32 s13, v42;
	v1 =	vld.idx.msk [tilespmem:v3+s3+$0x0], $0xffff  }
0xbf: {  	v3 =	vadd.s32 s3, v27;
	_ =	sdelay $0x3  }
0xc0: {  	s31 =	simm.s32 $0x170;
	[tilespmem:v2+s10+$0x0] =	vst.idx.msk $0xffff, v1  }
0xc1: {  	v2 =	vor.u32 s31, v42;
	v1 =	vld.idx.msk [tilespmem:v3+s3+$0x0], $0xffff  }
0xc2: {  	v3 =	vadd.s32 s3, v28;
	_ =	sdelay $0x3  }
0xc3: {  	s1 =	simm.s32 $0x180;
	[tilespmem:v2+s10+$0x0] =	vst.idx.msk $0xffff, v1  }
0xc4: {  	v2 =	vor.u32 s1, v42;
	v1 =	vld.idx.msk [tilespmem:v3+s3+$0x0], $0xffff  }
0xc5: {  	v3 =	vadd.s32 s3, v29;
	_ =	sdelay $0x3  }
0xc6: {  	s5 =	simm.s32 $0x190;
	[tilespmem:v2+s10+$0x0] =	vst.idx.msk $0xffff, v1  }
0xc7: {  	v2 =	vor.u32 s5, v42;
	v1 =	vld.idx.msk [tilespmem:v3+s3+$0x0], $0xffff  }
0xc8: {  	v3 =	vadd.s32 s3, v30;
	_ =	sdelay $0x3  }
0xc9: {  	s13 =	simm.s32 $0x1A0;
	[tilespmem:v2+s10+$0x0] =	vst.idx.msk $0xffff, v1  }
0xca: {  	v2 =	vor.u32 s13, v42;
	v1 =	vld.idx.msk [tilespmem:v3+s3+$0x0], $0xffff  }
0xcb: {  	v3 =	vadd.s32 s3, v31;
	_ =	sdelay $0x3  }
0xcc: {  	s31 =	simm.s32 $0x1B0;
	[tilespmem:v2+s10+$0x0] =	vst.idx.msk $0xffff, v1  }
0xcd: {  	v2 =	vor.u32 s31, v42;
	v1 =	vld.idx.msk [tilespmem:v3+s3+$0x0], $0xffff  }
0xce: {  	v3 =	vadd.s32 s3, v32;
	_ =	sdelay $0x3  }
0xcf: {  	s1 =	simm.s32 $0x1C0;
	[tilespmem:v2+s10+$0x0] =	vst.idx.msk $0xffff, v1  }
0xd0: {  	v2 =	vor.u32 s1, v42;
	v1 =	vld.idx.msk [tilespmem:v3+s3+$0x0], $0xffff  }
0xd1: {  	v3 =	vadd.s32 s3, v33;
	_ =	sdelay $0x3  }
0xd2: {  	s5 =	simm.s32 $0x1D0;
	[tilespmem:v2+s10+$0x0] =	vst.idx.msk $0xffff, v1  }
0xd3: {  	v2 =	vor.u32 s5, v42;
	v1 =	vld.idx.msk [tilespmem:v3+s3+$0x0], $0xffff  }
0xd4: {  	v3 =	vadd.s32 s3, v34;
	_ =	sdelay $0x3  }
0xd5: {  	s13 =	simm.s32 $0x1E0;
	[tilespmem:v2+s10+$0x0] =	vst.idx.msk $0xffff, v1  }
0xd6: {  	v2 =	vor.u32 s13, v42;
	v1 =	vld.idx.msk [tilespmem:v3+s3+$0x0], $0xffff  }
0xd7: {  	v3 =	vadd.s32 s3, v35;
	_ =	sdelay $0x3  }
0xd8: {  	s31 =	simm.s32 $0x1F0;
	[tilespmem:v2+s10+$0x0] =	vst.idx.msk $0xffff, v1  }
0xd9: {  	s29 =	simm.s32 $0x1;
	v2 =	vor.u32 s31, v42;
	v1 =	vld.idx.msk [tilespmem:v3+s3+$0x0], $0xffff  }
0xda: {  	s30 =	simm.s32 $0x5F0;
	s1 =	simm.s32 $0x3F0;
	v3 =	vadd.s32 s29, v4  }
.LBB2_2:
0xdb: {  	p0 =	sne.s32 s30, $0x63F0;
	_ =	sdelay $0x2  }
0xdc: {  	[tilespmem:v2+s10+$0x0] =	vst.idx.msk $0xffff, v1  }
0xdd: {  	s0 =	sadd.s32 $0xFFFFFE10, s1;
	v1 =	vld.idx.msk [tilespmem:v3+s3+$0x0], $0xffff  }
0xde: {  	v2 =	vor.u32 s0, v42  }
0xdf: {  	v3 =	vadd.s32 s29, v5;
	_ =	sdelay $0x3  }
0xe0: {  	[tilespmem:v2+s10+$0x0] =	vst.idx.msk $0xffff, v1  }
0xe1: {  	s0 =	sadd.s32 $0xFFFFFE20, s1;
	v1 =	vld.idx.msk [tilespmem:v3+s3+$0x0], $0xffff  }
0xe2: {  	v2 =	vor.u32 s0, v42  }
0xe3: {  	v3 =	vadd.s32 s29, v6;
	_ =	sdelay $0x3  }
0xe4: {  	[tilespmem:v2+s10+$0x0] =	vst.idx.msk $0xffff, v1  }
0xe5: {  	s0 =	sadd.s32 $0xFFFFFE30, s1;
	v1 =	vld.idx.msk [tilespmem:v3+s3+$0x0], $0xffff  }
0xe6: {  	v2 =	vor.u32 s0, v42  }
0xe7: {  	v3 =	vadd.s32 s29, v7;
	_ =	sdelay $0x3  }
0xe8: {  	[tilespmem:v2+s10+$0x0] =	vst.idx.msk $0xffff, v1  }
0xe9: {  	s0 =	sadd.s32 $0xFFFFFE40, s1;
	v1 =	vld.idx.msk [tilespmem:v3+s3+$0x0], $0xffff  }
0xea: {  	v2 =	vor.u32 s0, v42  }
0xeb: {  	v3 =	vadd.s32 s29, v8;
	_ =	sdelay $0x3  }
0xec: {  	[tilespmem:v2+s10+$0x0] =	vst.idx.msk $0xffff, v1  }
0xed: {  	s0 =	sadd.s32 $0xFFFFFE50, s1;
	v1 =	vld.idx.msk [tilespmem:v3+s3+$0x0], $0xffff  }
0xee: {  	v2 =	vor.u32 s0, v42  }
0xef: {  	v3 =	vadd.s32 s29, v9;
	_ =	sdelay $0x3  }
0xf0: {  	[tilespmem:v2+s10+$0x0] =	vst.idx.msk $0xffff, v1  }
0xf1: {  	s0 =	sadd.s32 $0xFFFFFE60, s1;
	v1 =	vld.idx.msk [tilespmem:v3+s3+$0x0], $0xffff  }
0xf2: {  	v2 =	vor.u32 s0, v42  }
0xf3: {  	v3 =	vadd.s32 s29, v10;
	_ =	sdelay $0x3  }
0xf4: {  	[tilespmem:v2+s10+$0x0] =	vst.idx.msk $0xffff, v1  }
0xf5: {  	s0 =	sadd.s32 $0xFFFFFE70, s1;
	v1 =	vld.idx.msk [tilespmem:v3+s3+$0x0], $0xffff  }
0xf6: {  	v2 =	vor.u32 s0, v42  }
0xf7: {  	v3 =	vadd.s32 s29, v11;
	_ =	sdelay $0x3  }
0xf8: {  	[tilespmem:v2+s10+$0x0] =	vst.idx.msk $0xffff, v1  }
0xf9: {  	s0 =	sadd.s32 $0xFFFFFE80, s1;
	v1 =	vld.idx.msk [tilespmem:v3+s3+$0x0], $0xffff  }
0xfa: {  	v2 =	vor.u32 s0, v42  }
0xfb: {  	v3 =	vadd.s32 s29, v12;
	_ =	sdelay $0x3  }
0xfc: {  	[tilespmem:v2+s10+$0x0] =	vst.idx.msk $0xffff, v1  }
0xfd: {  	s0 =	sadd.s32 $0xFFFFFE90, s1;
	v1 =	vld.idx.msk [tilespmem:v3+s3+$0x0], $0xffff  }
0xfe: {  	v2 =	vor.u32 s0, v42  }
0xff: {  	v3 =	vadd.s32 s29, v13;
	_ =	sdelay $0x3  }
0x100: {  	[tilespmem:v2+s10+$0x0] =	vst.idx.msk $0xffff, v1  }
0x101: {  	s0 =	sadd.s32 $0xFFFFFEA0, s1;
	v1 =	vld.idx.msk [tilespmem:v3+s3+$0x0], $0xffff  }
0x102: {  	v2 =	vor.u32 s0, v42  }
0x103: {  	v3 =	vadd.s32 s29, v14;
	_ =	sdelay $0x3  }
0x104: {  	[tilespmem:v2+s10+$0x0] =	vst.idx.msk $0xffff, v1  }
0x105: {  	s0 =	sadd.s32 $0xFFFFFEB0, s1;
	v1 =	vld.idx.msk [tilespmem:v3+s3+$0x0], $0xffff  }
0x106: {  	v2 =	vor.u32 s0, v42  }
0x107: {  	v3 =	vadd.s32 s29, v15;
	_ =	sdelay $0x3  }
0x108: {  	[tilespmem:v2+s10+$0x0] =	vst.idx.msk $0xffff, v1  }
0x109: {  	s0 =	sadd.s32 $0xFFFFFEC0, s1;
	v1 =	vld.idx.msk [tilespmem:v3+s3+$0x0], $0xffff  }
0x10a: {  	v2 =	vor.u32 s0, v42  }
0x10b: {  	v3 =	vadd.s32 s29, v16;
	_ =	sdelay $0x3  }
0x10c: {  	[tilespmem:v2+s10+$0x0] =	vst.idx.msk $0xffff, v1  }
0x10d: {  	s0 =	sadd.s32 $0xFFFFFED0, s1;
	v1 =	vld.idx.msk [tilespmem:v3+s3+$0x0], $0xffff  }
0x10e: {  	v2 =	vor.u32 s0, v42  }
0x10f: {  	v3 =	vadd.s32 s29, v17;
	_ =	sdelay $0x3  }
0x110: {  	[tilespmem:v2+s10+$0x0] =	vst.idx.msk $0xffff, v1  }
0x111: {  	s0 =	sadd.s32 $0xFFFFFEE0, s1;
	v1 =	vld.idx.msk [tilespmem:v3+s3+$0x0], $0xffff  }
0x112: {  	v2 =	vor.u32 s0, v42  }
0x113: {  	v3 =	vadd.s32 s29, v18;
	_ =	sdelay $0x3  }
0x114: {  	[tilespmem:v2+s10+$0x0] =	vst.idx.msk $0xffff, v1  }
0x115: {  	s0 =	sadd.s32 $0xFFFFFEF0, s1;
	v1 =	vld.idx.msk [tilespmem:v3+s3+$0x0], $0xffff  }
0x116: {  	v2 =	vor.u32 s0, v42  }
0x117: {  	v3 =	vadd.s32 s29, v19;
	_ =	sdelay $0x3  }
0x118: {  	[tilespmem:v2+s10+$0x0] =	vst.idx.msk $0xffff, v1  }
0x119: {  	s0 =	sadd.s32 $0xFFFFFF00, s1;
	v1 =	vld.idx.msk [tilespmem:v3+s3+$0x0], $0xffff  }
0x11a: {  	v2 =	vor.u32 s0, v42  }
0x11b: {  	v3 =	vadd.s32 s29, v20;
	_ =	sdelay $0x3  }
0x11c: {  	[tilespmem:v2+s10+$0x0] =	vst.idx.msk $0xffff, v1  }
0x11d: {  	s0 =	sadd.s32 $0xFFFFFF10, s1;
	v1 =	vld.idx.msk [tilespmem:v3+s3+$0x0], $0xffff  }
0x11e: {  	v2 =	vor.u32 s0, v42  }
0x11f: {  	v3 =	vadd.s32 s29, v21;
	_ =	sdelay $0x3  }
0x120: {  	[tilespmem:v2+s10+$0x0] =	vst.idx.msk $0xffff, v1  }
0x121: {  	s0 =	sadd.s32 $0xFFFFFF20, s1;
	v1 =	vld.idx.msk [tilespmem:v3+s3+$0x0], $0xffff  }
0x122: {  	v2 =	vor.u32 s0, v42  }
0x123: {  	v3 =	vadd.s32 s29, v22;
	_ =	sdelay $0x3  }
0x124: {  	[tilespmem:v2+s10+$0x0] =	vst.idx.msk $0xffff, v1  }
0x125: {  	s0 =	sadd.s32 $0xFFFFFF30, s1;
	v1 =	vld.idx.msk [tilespmem:v3+s3+$0x0], $0xffff  }
0x126: {  	v2 =	vor.u32 s0, v42  }
0x127: {  	v3 =	vadd.s32 s29, v23;
	_ =	sdelay $0x3  }
0x128: {  	[tilespmem:v2+s10+$0x0] =	vst.idx.msk $0xffff, v1  }
0x129: {  	s0 =	sadd.s32 $0xFFFFFF40, s1;
	v1 =	vld.idx.msk [tilespmem:v3+s3+$0x0], $0xffff  }
0x12a: {  	v2 =	vor.u32 s0, v42  }
0x12b: {  	v3 =	vadd.s32 s29, v24;
	_ =	sdelay $0x3  }
0x12c: {  	[tilespmem:v2+s10+$0x0] =	vst.idx.msk $0xffff, v1  }
0x12d: {  	s0 =	sadd.s32 $0xFFFFFF50, s1;
	v1 =	vld.idx.msk [tilespmem:v3+s3+$0x0], $0xffff  }
0x12e: {  	v2 =	vor.u32 s0, v42  }
0x12f: {  	v3 =	vadd.s32 s29, v25;
	_ =	sdelay $0x3  }
0x130: {  	[tilespmem:v2+s10+$0x0] =	vst.idx.msk $0xffff, v1  }
0x131: {  	s0 =	sadd.s32 $0xFFFFFF60, s1;
	v1 =	vld.idx.msk [tilespmem:v3+s3+$0x0], $0xffff  }
0x132: {  	v2 =	vor.u32 s0, v42  }
0x133: {  	v3 =	vadd.s32 s29, v26;
	_ =	sdelay $0x3  }
0x134: {  	[tilespmem:v2+s10+$0x0] =	vst.idx.msk $0xffff, v1  }
0x135: {  	s0 =	sadd.s32 $0xFFFFFF70, s1;
	v1 =	vld.idx.msk [tilespmem:v3+s3+$0x0], $0xffff  }
0x136: {  	v2 =	vor.u32 s0, v42  }
0x137: {  	v3 =	vadd.s32 s29, v27;
	_ =	sdelay $0x3  }
0x138: {  	[tilespmem:v2+s10+$0x0] =	vst.idx.msk $0xffff, v1  }
0x139: {  	s0 =	sadd.s32 $0xFFFFFF80, s1;
	v1 =	vld.idx.msk [tilespmem:v3+s3+$0x0], $0xffff  }
0x13a: {  	v2 =	vor.u32 s0, v42  }
0x13b: {  	v3 =	vadd.s32 s29, v28;
	_ =	sdelay $0x3  }
0x13c: {  	[tilespmem:v2+s10+$0x0] =	vst.idx.msk $0xffff, v1  }
0x13d: {  	s0 =	sadd.s32 $0xFFFFFF90, s1;
	v1 =	vld.idx.msk [tilespmem:v3+s3+$0x0], $0xffff  }
0x13e: {  	v2 =	vor.u32 s0, v42  }
0x13f: {  	v3 =	vadd.s32 s29, v29;
	_ =	sdelay $0x3  }
0x140: {  	[tilespmem:v2+s10+$0x0] =	vst.idx.msk $0xffff, v1  }
0x141: {  	s0 =	sadd.s32 $0xFFFFFFA0, s1;
	v1 =	vld.idx.msk [tilespmem:v3+s3+$0x0], $0xffff  }
0x142: {  	v2 =	vor.u32 s0, v42  }
0x143: {  	v3 =	vadd.s32 s29, v30;
	_ =	sdelay $0x3  }
0x144: {  	[tilespmem:v2+s10+$0x0] =	vst.idx.msk $0xffff, v1  }
0x145: {  	s0 =	sadd.s32 $0xFFFFFFB0, s1;
	v1 =	vld.idx.msk [tilespmem:v3+s3+$0x0], $0xffff  }
0x146: {  	v2 =	vor.u32 s0, v42  }
0x147: {  	v3 =	vadd.s32 s29, v31;
	_ =	sdelay $0x3  }
0x148: {  	[tilespmem:v2+s10+$0x0] =	vst.idx.msk $0xffff, v1  }
0x149: {  	s0 =	sadd.s32 $0xFFFFFFC0, s1;
	v1 =	vld.idx.msk [tilespmem:v3+s3+$0x0], $0xffff  }
0x14a: {  	v2 =	vor.u32 s0, v42  }
0x14b: {  	v3 =	vadd.s32 s29, v32;
	_ =	sdelay $0x3  }
0x14c: {  	[tilespmem:v2+s10+$0x0] =	vst.idx.msk $0xffff, v1  }
0x14d: {  	s0 =	sadd.s32 $0xFFFFFFD0, s1;
	v1 =	vld.idx.msk [tilespmem:v3+s3+$0x0], $0xffff  }
0x14e: {  	v2 =	vor.u32 s0, v42  }
0x14f: {  	v3 =	vadd.s32 s29, v33;
	_ =	sdelay $0x3  }
0x150: {  	[tilespmem:v2+s10+$0x0] =	vst.idx.msk $0xffff, v1  }
0x151: {  	s0 =	sadd.s32 $0xFFFFFFE0, s1;
	v1 =	vld.idx.msk [tilespmem:v3+s3+$0x0], $0xffff  }
0x152: {  	v2 =	vor.u32 s0, v42  }
0x153: {  	v3 =	vadd.s32 s29, v34;
	_ =	sdelay $0x3  }
0x154: {  	[tilespmem:v2+s10+$0x0] =	vst.idx.msk $0xffff, v1  }
0x155: {  	s0 =	sadd.s32 $0xFFFFFFF0, s1;
	v1 =	vld.idx.msk [tilespmem:v3+s3+$0x0], $0xffff  }
0x156: {  	v2 =	vor.u32 s0, v42  }
0x157: {  	v3 =	vadd.s32 s29, v35;
	_ =	sdelay $0x2  }
.Ltmp2:
0x158: {  	(pc) =	sbr.rel @p0 .LBB2_2-.Ltmp2, $4  }
0x159: {  	[tilespmem:v2+s10+$0x0] =	vst.idx.msk $0xffff, v1  }
0x15a: {  	v1 =	vld.idx.msk [tilespmem:v3+s3+$0x0], $0xffff  }
0x15b: {  	s29 =	sadd.s32 $0x1, s29;
	v2 =	vor.u32 s1, v42;
	s1 =	smov.u32 s30  }
0x15c: {  	s30 =	sadd.s32 $0x200, s30;
	v3 =	vadd.s32 s29, v4  }
0x15d: {  	_ =	sdelay $0x3  }
0x15e: {  	s0 =	sadd.s32 $0xFFFFFE10, s1;
	[tilespmem:v2+s10+$0x0] =	vst.idx.msk $0xffff, v1  }
0x15f: {  	v43 =	vor.u32 s0, v42;
	v1 =	vld.idx.msk [tilespmem:v3+s3+$0x0], $0xffff  }
0x160: {  	v44 =	vadd.s32 s29, v5;
	_ =	sdelay $0x3  }
0x161: {  	s31 =	sadd.s32 $0xFFFFFE20, s1;
	[tilespmem:v43+s10+$0x0] =	vst.idx.msk $0xffff, v1  }
0x162: {  	v45 =	vor.u32 s31, v42;
	v1 =	vld.idx.msk [tilespmem:v44+s3+$0x0], $0xffff  }
0x163: {  	v46 =	vadd.s32 s29, v6;
	_ =	sdelay $0x3  }
0x164: {  	s5 =	sadd.s32 $0xFFFFFE30, s1;
	[tilespmem:v45+s10+$0x0] =	vst.idx.msk $0xffff, v1  }
0x165: {  	v47 =	vor.u32 s5, v42;
	v1 =	vld.idx.msk [tilespmem:v46+s3+$0x0], $0xffff  }
0x166: {  	v48 =	vadd.s32 s29, v7;
	_ =	sdelay $0x3  }
0x167: {  	s13 =	sadd.s32 $0xFFFFFE40, s1;
	[tilespmem:v47+s10+$0x0] =	vst.idx.msk $0xffff, v1  }
0x168: {  	v49 =	vor.u32 s13, v42;
	v1 =	vld.idx.msk [tilespmem:v48+s3+$0x0], $0xffff  }
0x169: {  	v50 =	vadd.s32 s29, v8;
	_ =	sdelay $0x3  }
0x16a: {  	s31 =	sadd.s32 $0xFFFFFE50, s1;
	[tilespmem:v49+s10+$0x0] =	vst.idx.msk $0xffff, v1  }
0x16b: {  	v51 =	vor.u32 s31, v42;
	v1 =	vld.idx.msk [tilespmem:v50+s3+$0x0], $0xffff  }
0x16c: {  	v52 =	vadd.s32 s29, v9;
	_ =	sdelay $0x3  }
0x16d: {  	s5 =	sadd.s32 $0xFFFFFE60, s1;
	[tilespmem:v51+s10+$0x0] =	vst.idx.msk $0xffff, v1  }
0x16e: {  	v53 =	vor.u32 s5, v42;
	v1 =	vld.idx.msk [tilespmem:v52+s3+$0x0], $0xffff  }
0x16f: {  	v54 =	vadd.s32 s29, v10;
	_ =	sdelay $0x3  }
0x170: {  	s13 =	sadd.s32 $0xFFFFFE70, s1;
	[tilespmem:v53+s10+$0x0] =	vst.idx.msk $0xffff, v1  }
0x171: {  	v55 =	vor.u32 s13, v42;
	v1 =	vld.idx.msk [tilespmem:v54+s3+$0x0], $0xffff  }
0x172: {  	v56 =	vadd.s32 s29, v11;
	_ =	sdelay $0x3  }
0x173: {  	s31 =	sadd.s32 $0xFFFFFE80, s1;
	[tilespmem:v55+s10+$0x0] =	vst.idx.msk $0xffff, v1  }
0x174: {  	v57 =	vor.u32 s31, v42;
	v1 =	vld.idx.msk [tilespmem:v56+s3+$0x0], $0xffff  }
0x175: {  	v58 =	vadd.s32 s29, v12;
	_ =	sdelay $0x3  }
0x176: {  	s5 =	sadd.s32 $0xFFFFFE90, s1;
	[tilespmem:v57+s10+$0x0] =	vst.idx.msk $0xffff, v1  }
0x177: {  	v59 =	vor.u32 s5, v42;
	v1 =	vld.idx.msk [tilespmem:v58+s3+$0x0], $0xffff  }
0x178: {  	v60 =	vadd.s32 s29, v13;
	_ =	sdelay $0x3  }
0x179: {  	s13 =	sadd.s32 $0xFFFFFEA0, s1;
	[tilespmem:v59+s10+$0x0] =	vst.idx.msk $0xffff, v1  }
0x17a: {  	v61 =	vor.u32 s13, v42;
	v1 =	vld.idx.msk [tilespmem:v60+s3+$0x0], $0xffff  }
0x17b: {  	v62 =	vadd.s32 s29, v14;
	_ =	sdelay $0x3  }
0x17c: {  	s31 =	sadd.s32 $0xFFFFFEB0, s1;
	[tilespmem:v61+s10+$0x0] =	vst.idx.msk $0xffff, v1  }
0x17d: {  	v63 =	vor.u32 s31, v42;
	v1 =	vld.idx.msk [tilespmem:v62+s3+$0x0], $0xffff  }
0x17e: {  	v6 =	vadd.s32 s29, v15;
	_ =	sdelay $0x3  }
0x17f: {  	s5 =	sadd.s32 $0xFFFFFEC0, s1;
	[tilespmem:v63+s10+$0x0] =	vst.idx.msk $0xffff, v1  }
0x180: {  	v7 =	vor.u32 s5, v42;
	v1 =	vld.idx.msk [tilespmem:v6+s3+$0x0], $0xffff  }
0x181: {  	v8 =	vadd.s32 s29, v16;
	_ =	sdelay $0x3  }
0x182: {  	s13 =	sadd.s32 $0xFFFFFED0, s1;
	[tilespmem:v7+s10+$0x0] =	vst.idx.msk $0xffff, v1  }
0x183: {  	v9 =	vor.u32 s13, v42;
	v1 =	vld.idx.msk [tilespmem:v8+s3+$0x0], $0xffff  }
0x184: {  	v10 =	vadd.s32 s29, v17;
	_ =	sdelay $0x3  }
0x185: {  	s31 =	sadd.s32 $0xFFFFFEE0, s1;
	[tilespmem:v9+s10+$0x0] =	vst.idx.msk $0xffff, v1  }
0x186: {  	v11 =	vor.u32 s31, v42;
	v1 =	vld.idx.msk [tilespmem:v10+s3+$0x0], $0xffff  }
0x187: {  	v12 =	vadd.s32 s29, v18;
	_ =	sdelay $0x3  }
0x188: {  	s5 =	sadd.s32 $0xFFFFFEF0, s1;
	[tilespmem:v11+s10+$0x0] =	vst.idx.msk $0xffff, v1  }
0x189: {  	v13 =	vor.u32 s5, v42;
	v1 =	vld.idx.msk [tilespmem:v12+s3+$0x0], $0xffff  }
0x18a: {  	v14 =	vadd.s32 s29, v19;
	_ =	sdelay $0x3  }
0x18b: {  	s13 =	sadd.s32 $0xFFFFFF00, s1;
	[tilespmem:v13+s10+$0x0] =	vst.idx.msk $0xffff, v1  }
0x18c: {  	v15 =	vor.u32 s13, v42;
	v1 =	vld.idx.msk [tilespmem:v14+s3+$0x0], $0xffff  }
0x18d: {  	v16 =	vadd.s32 s29, v20;
	_ =	sdelay $0x3  }
0x18e: {  	s31 =	sadd.s32 $0xFFFFFF10, s1;
	[tilespmem:v15+s10+$0x0] =	vst.idx.msk $0xffff, v1  }
0x18f: {  	v17 =	vor.u32 s31, v42;
	v1 =	vld.idx.msk [tilespmem:v16+s3+$0x0], $0xffff  }
0x190: {  	v18 =	vadd.s32 s29, v21;
	_ =	sdelay $0x3  }
0x191: {  	s5 =	sadd.s32 $0xFFFFFF20, s1;
	[tilespmem:v17+s10+$0x0] =	vst.idx.msk $0xffff, v1  }
0x192: {  	v19 =	vor.u32 s5, v42;
	v1 =	vld.idx.msk [tilespmem:v18+s3+$0x0], $0xffff  }
0x193: {  	v20 =	vadd.s32 s29, v22;
	_ =	sdelay $0x3  }
0x194: {  	s13 =	sadd.s32 $0xFFFFFF30, s1;
	[tilespmem:v19+s10+$0x0] =	vst.idx.msk $0xffff, v1  }
0x195: {  	v21 =	vor.u32 s13, v42;
	v1 =	vld.idx.msk [tilespmem:v20+s3+$0x0], $0xffff  }
0x196: {  	v22 =	vadd.s32 s29, v23;
	_ =	sdelay $0x3  }
0x197: {  	s31 =	sadd.s32 $0xFFFFFF40, s1;
	[tilespmem:v21+s10+$0x0] =	vst.idx.msk $0xffff, v1  }
0x198: {  	v23 =	vor.u32 s31, v42;
	v1 =	vld.idx.msk [tilespmem:v22+s3+$0x0], $0xffff  }
0x199: {  	v36 =	vadd.s32 s29, v24;
	_ =	sdelay $0x3  }
0x19a: {  	s5 =	sadd.s32 $0xFFFFFF50, s1;
	[tilespmem:v23+s10+$0x0] =	vst.idx.msk $0xffff, v1  }
0x19b: {  	v37 =	vor.u32 s5, v42;
	v1 =	vld.idx.msk [tilespmem:v36+s3+$0x0], $0xffff  }
0x19c: {  	v41 =	vadd.s32 s29, v25;
	_ =	sdelay $0x3  }
0x19d: {  	s13 =	sadd.s32 $0xFFFFFF60, s1;
	[tilespmem:v37+s10+$0x0] =	vst.idx.msk $0xffff, v1  }
0x19e: {  	v43 =	vor.u32 s13, v42;
	v1 =	vld.idx.msk [tilespmem:v41+s3+$0x0], $0xffff  }
0x19f: {  	v44 =	vadd.s32 s29, v26;
	_ =	sdelay $0x3  }
0x1a0: {  	s31 =	sadd.s32 $0xFFFFFF70, s1;
	[tilespmem:v43+s10+$0x0] =	vst.idx.msk $0xffff, v1  }
0x1a1: {  	v45 =	vor.u32 s31, v42;
	v1 =	vld.idx.msk [tilespmem:v44+s3+$0x0], $0xffff  }
0x1a2: {  	v46 =	vadd.s32 s29, v27;
	_ =	sdelay $0x3  }
0x1a3: {  	s5 =	sadd.s32 $0xFFFFFF80, s1;
	[tilespmem:v45+s10+$0x0] =	vst.idx.msk $0xffff, v1  }
0x1a4: {  	v47 =	vor.u32 s5, v42;
	v1 =	vld.idx.msk [tilespmem:v46+s3+$0x0], $0xffff  }
0x1a5: {  	v48 =	vadd.s32 s29, v28;
	_ =	sdelay $0x3  }
0x1a6: {  	s13 =	sadd.s32 $0xFFFFFF90, s1;
	[tilespmem:v47+s10+$0x0] =	vst.idx.msk $0xffff, v1  }
0x1a7: {  	v49 =	vor.u32 s13, v42;
	v1 =	vld.idx.msk [tilespmem:v48+s3+$0x0], $0xffff  }
0x1a8: {  	v50 =	vadd.s32 s29, v29;
	_ =	sdelay $0x3  }
0x1a9: {  	s31 =	sadd.s32 $0xFFFFFFA0, s1;
	[tilespmem:v49+s10+$0x0] =	vst.idx.msk $0xffff, v1  }
0x1aa: {  	v51 =	vor.u32 s31, v42;
	v1 =	vld.idx.msk [tilespmem:v50+s3+$0x0], $0xffff  }
0x1ab: {  	v52 =	vadd.s32 s29, v30;
	_ =	sdelay $0x3  }
0x1ac: {  	s5 =	sadd.s32 $0xFFFFFFB0, s1;
	[tilespmem:v51+s10+$0x0] =	vst.idx.msk $0xffff, v1  }
0x1ad: {  	v53 =	vor.u32 s5, v42;
	v1 =	vld.idx.msk [tilespmem:v52+s3+$0x0], $0xffff  }
0x1ae: {  	v54 =	vadd.s32 s29, v31;
	_ =	sdelay $0x3  }
0x1af: {  	s13 =	sadd.s32 $0xFFFFFFC0, s1;
	[tilespmem:v53+s10+$0x0] =	vst.idx.msk $0xffff, v1  }
0x1b0: {  	v55 =	vor.u32 s13, v42;
	v1 =	vld.idx.msk [tilespmem:v54+s3+$0x0], $0xffff  }
0x1b1: {  	v56 =	vadd.s32 s29, v32;
	_ =	sdelay $0x3  }
0x1b2: {  	s31 =	sadd.s32 $0xFFFFFFD0, s1;
	[tilespmem:v55+s10+$0x0] =	vst.idx.msk $0xffff, v1  }
0x1b3: {  	v57 =	vor.u32 s31, v42;
	v1 =	vld.idx.msk [tilespmem:v56+s3+$0x0], $0xffff  }
0x1b4: {  	v58 =	vadd.s32 s29, v33;
	_ =	sdelay $0x3  }
0x1b5: {  	s5 =	sadd.s32 $0xFFFFFFE0, s1;
	[tilespmem:v57+s10+$0x0] =	vst.idx.msk $0xffff, v1  }
0x1b6: {  	v59 =	vor.u32 s5, v42;
	v1 =	vld.idx.msk [tilespmem:v58+s3+$0x0], $0xffff  }
0x1b7: {  	v60 =	vadd.s32 s29, v34;
	_ =	sdelay $0x3  }
0x1b8: {  	s13 =	sadd.s32 $0xFFFFFFF0, s1;
	[tilespmem:v59+s10+$0x0] =	vst.idx.msk $0xffff, v1  }
0x1b9: {  	v61 =	vor.u32 s13, v42;
	v1 =	vld.idx.msk [tilespmem:v60+s3+$0x0], $0xffff  }
0x1ba: {  	v62 =	vadd.s32 s29, v35;
	_ =	sdelay $0x3  }
0x1bb: {  	[tilespmem:v61+s10+$0x0] =	vst.idx.msk $0xffff, v1  }
0x1bc: {  	v63 =	vor.u32 s1, v42;
	v1 =	vld.idx.msk [tilespmem:v62+s3+$0x0], $0xffff;
	_ =	sdelay $0x4  }
0x1bd: {  	[tilespmem:v63+s10+$0x0] =	vst.idx.msk $0xffff, v1  }
0x1be: {  	[tilespmem:s12], [sflag:$0x1] =	stream.indirect.gather [hbm4b:s4+s11], $0x20, s10, s11, $0xb8;
	[tilespmem:$0x1C800] =	vst v63  }
0x1bf: {  	s30 =	simm.s32 $0x0;
	s31 =	simm.s32 $0x6600;
	s29 =	simm.s32 $0x0  }
0x1c0: {  	[tilespmem:s14], [sflag:$0x2] =	stream.indirect.gather [hbm4b:s4+s11], $0x20, s31, s11, $0xb8;
	[tilespmem:$0x1C800] =	vst v63  }
.LBB2_4:
0x1c1: {  	_ =	swait.ge [sflag:s15], $0x4000  }
0x1c2: {  	p0 =	seq.s32 s30, $0x0;
	[sflag:s15] =	ssyncset.done $0x0  }
0x1c3: {  	s0 =	simm.s32 @!p0 $0x3;
	[sflag:s15] =	ssyncadd.s32 $0xFFFFC000  }
0x1c4: {  	_ =	swait.ge @!p0 [sflag:s0], $0x1000  }
0x1c5: {  	[sflag:s0] =	ssyncset.done @!p0 $0x0  }
0x1c6: {  	v1 =	vadd.s32 s29, v42;
	[sflag:s0] =	ssyncadd.s32 @!p0 $0xFFFFF000  }
0x1c7: {  	s1 =	sand.u32 $0x10, s29;
	v2 =	vand.u32 $0xF, v1;
	_ =	swait.ge @!p0 [sflag:s0], $0x1000  }
0x1c8: {  	v2 =	vor.u32 s1, v2;
	[sflag:s0] =	ssyncset.done @!p0 $0x0  }
0x1c9: {  	v4 =	vand.u32 $0x7, v1;
	v3 =	vand.u32 $0x18, v2;
	[sflag:s0] =	ssyncadd.s32 @!p0 $0xFFFFF000  }
0x1ca: {  	v33 =	vor.u32 v4, v3;
	_ =	swait.ge @!p0 [sflag:s0], $0x1000  }
0x1cb: {  	v3 =	vor.u32 v40, v33;
	[sflag:s0] =	ssyncset.done @!p0 $0x0  }
0x1cc: {  	[sflag:s0] =	ssyncadd.s32 @!p0 $0xFFFFF000  }
0x1cd: {  	v1 =	vshll.u32 v1, $0x7;
	v2 =	vshll.u32 v2, $0x9;
	_ =	swait.ge @!p0 [sflag:s0], $0x1000  }
0x1ce: {  	v1 =	vand.u32 $0x380, v1;
	v2 =	vand.u32 $0x3000, v2;
	[sflag:s0] =	ssyncset.done @!p0 $0x0  }
0x1cf: {  	v34 =	vor.u32 v1, v2;
	[sflag:s0] =	ssyncadd.s32 @!p0 $0xFFFFF000  }
0x1d0: {  	v2 =	vor.u32 v42, v34;
	v1 =	vld.idx.msk [tilespmem:v3+s12+$0x0], $0xffff  }
0x1d1: {  	v3 =	vor.u32 v38, v33  }
0x1d2: {  	v0 =	vld [tilespmem:$0x1FC30];
	_ =	sdelay $0x2  }
0x1d3: {  	[tilespmem:v2+s16+$0x0] =	vst.idx.msk $0xffff, v1  }
0x1d4: {  	v1 =	vld.idx.msk [tilespmem:v3+s12+$0x0], $0xffff  }
0x1d5: {  	v49 =	vmov v0;
	v2 =	vor.u32 v39, v34;
	v3 =	vor.u32 v0, v33;
	v0 =	vld [tilespmem:$0x1FC40];
	_ =	sdelay $0x4  }
0x1d6: {  	[tilespmem:v2+s16+$0x0] =	vst.idx.msk $0xffff, v1;
	v51 =	vmov v0;
	v2 =	vor.u32 v0, v34;
	v0 =	vld [tilespmem:$0x1FC50];
	_ =	sdelay $0x3  }
0x1d7: {  	v1 =	vld.idx.msk [tilespmem:v3+s12+$0x0], $0xffff  }
0x1d8: {  	v52 =	vmov v0;
	v3 =	vor.u32 v0, v33;
	v0 =	vld [tilespmem:$0x1FC60];
	_ =	sdelay $0x4  }
0x1d9: {  	[tilespmem:v2+s16+$0x0] =	vst.idx.msk $0xffff, v1;
	v53 =	vmov v0;
	v2 =	vor.u32 v0, v34;
	v0 =	vld [tilespmem:$0x1FC70];
	_ =	sdelay $0x3  }
0x1da: {  	v1 =	vld.idx.msk [tilespmem:v3+s12+$0x0], $0xffff  }
0x1db: {  	v54 =	vmov v0;
	v3 =	vor.u32 v0, v33;
	v0 =	vld [tilespmem:$0x1FC80];
	_ =	sdelay $0x4  }
0x1dc: {  	[tilespmem:v2+s16+$0x0] =	vst.idx.msk $0xffff, v1;
	v55 =	vmov v0;
	v2 =	vor.u32 v0, v34;
	v0 =	vld [tilespmem:$0x1FC90];
	_ =	sdelay $0x3  }
0x1dd: {  	v1 =	vld.idx.msk [tilespmem:v3+s12+$0x0], $0xffff  }
0x1de: {  	v56 =	vmov v0;
	v3 =	vor.u32 v0, v33;
	v0 =	vld [tilespmem:$0x1FCA0];
	_ =	sdelay $0x4  }
0x1df: {  	[tilespmem:v2+s16+$0x0] =	vst.idx.msk $0xffff, v1;
	v57 =	vmov v0;
	v2 =	vor.u32 v0, v34;
	v0 =	vld [tilespmem:$0x1FCB0];
	_ =	sdelay $0x3  }
0x1e0: {  	v1 =	vld.idx.msk [tilespmem:v3+s12+$0x0], $0xffff  }
0x1e1: {  	v58 =	vmov v0;
	v3 =	vor.u32 v0, v33;
	v0 =	vld [tilespmem:$0x1FCC0];
	_ =	sdelay $0x4  }
0x1e2: {  	[tilespmem:v2+s16+$0x0] =	vst.idx.msk $0xffff, v1;
	v59 =	vmov v0;
	v2 =	vor.u32 v0, v34;
	v0 =	vld [tilespmem:$0x1FCD0];
	_ =	sdelay $0x3  }
0x1e3: {  	v1 =	vld.idx.msk [tilespmem:v3+s12+$0x0], $0xffff  }
0x1e4: {  	v60 =	vmov v0;
	v3 =	vor.u32 v0, v33;
	v0 =	vld [tilespmem:$0x1FCE0];
	_ =	sdelay $0x4  }
0x1e5: {  	[tilespmem:v2+s16+$0x0] =	vst.idx.msk $0xffff, v1;
	v61 =	vmov v0;
	v2 =	vor.u32 v0, v34;
	v0 =	vld [tilespmem:$0x1FCF0];
	_ =	sdelay $0x3  }
0x1e6: {  	v1 =	vld.idx.msk [tilespmem:v3+s12+$0x0], $0xffff  }
0x1e7: {  	v3 =	vor.u32 v0, v33;
	_ =	sdelay $0x3  }
0x1e8: {  	v62 =	vmov v0;
	[tilespmem:v2+s16+$0x0] =	vst.idx.msk $0xffff, v1;
	v0 =	vld [tilespmem:$0x1FD00]  }
0x1e9: {  	v1 =	vld.idx.msk [tilespmem:v3+s12+$0x0], $0xffff  }
0x1ea: {  	v3 =	vld [tilespmem:$0x1FD10];
	_ =	sdelay $0x3  }
0x1eb: {  	v2 =	vor.u32 v0, v34  }
0x1ec: {  	v3 =	vor.u32 v3, v33;
	_ =	sdelay $0x3  }
0x1ed: {  	[tilespmem:v2+s16+$0x0] =	vst.idx.msk $0xffff, v1;
	v2 =	vld [tilespmem:$0x1FD20]  }
0x1ee: {  	v1 =	vld.idx.msk [tilespmem:v3+s12+$0x0], $0xffff  }
0x1ef: {  	v3 =	vld [tilespmem:$0x1FD30];
	_ =	sdelay $0x3  }
0x1f0: {  	v2 =	vor.u32 v2, v34  }
0x1f1: {  	v3 =	vor.u32 v3, v33;
	_ =	sdelay $0x3  }
0x1f2: {  	[tilespmem:v2+s16+$0x0] =	vst.idx.msk $0xffff, v1;
	v2 =	vld [tilespmem:$0x1FD40]  }
0x1f3: {  	v1 =	vld.idx.msk [tilespmem:v3+s12+$0x0], $0xffff  }
0x1f4: {  	v3 =	vld [tilespmem:$0x1FD50];
	_ =	sdelay $0x3  }
0x1f5: {  	v2 =	vor.u32 v2, v34  }
0x1f6: {  	v47 =	vmov v3;
	v3 =	vor.u32 v3, v33;
	_ =	sdelay $0x3  }
0x1f7: {  	[tilespmem:v2+s16+$0x0] =	vst.idx.msk $0xffff, v1;
	v2 =	vld [tilespmem:$0x1FD60]  }
0x1f8: {  	v1 =	vld.idx.msk [tilespmem:v3+s12+$0x0], $0xffff  }
0x1f9: {  	v3 =	vld [tilespmem:$0x1FD70];
	_ =	sdelay $0x3  }
0x1fa: {  	v48 =	vmov v2;
	v2 =	vor.u32 v2, v34  }
0x1fb: {  	v50 =	vmov v3;
	v3 =	vor.u32 v3, v33;
	_ =	sdelay $0x3  }
0x1fc: {  	[tilespmem:v2+s16+$0x0] =	vst.idx.msk $0xffff, v1;
	v2 =	vld [tilespmem:$0x1FD80]  }
0x1fd: {  	v1 =	vld.idx.msk [tilespmem:v3+s12+$0x0], $0xffff  }
0x1fe: {  	v3 =	vld [tilespmem:$0x1FD90];
	_ =	sdelay $0x3  }
0x1ff: {  	v2 =	vor.u32 v2, v34  }
0x200: {  	v5 =	vld [tilespmem:$0x1FDA0];
	v3 =	vor.u32 v3, v33  }
0x201: {  	v6 =	vld [tilespmem:$0x1FDB0];
	_ =	sdelay $0x2  }
0x202: {  	[tilespmem:v2+s16+$0x0] =	vst.idx.msk $0xffff, v1  }
0x203: {  	v2 =	vor.u32 v5, v34;
	v1 =	vld.idx.msk [tilespmem:v3+s12+$0x0], $0xffff  }
0x204: {  	v7 =	vld [tilespmem:$0x1FDC0];
	v3 =	vor.u32 v6, v33  }
0x205: {  	v8 =	vld [tilespmem:$0x1FDD0];
	_ =	sdelay $0x2  }
0x206: {  	[tilespmem:v2+s16+$0x0] =	vst.idx.msk $0xffff, v1  }
0x207: {  	v2 =	vor.u32 v7, v34;
	v1 =	vld.idx.msk [tilespmem:v3+s12+$0x0], $0xffff  }
0x208: {  	v44 =	vld [tilespmem:$0x1FDE0];
	v3 =	vor.u32 v8, v33;
	_ =	sdelay $0x3  }
0x209: {  	[tilespmem:v2+s16+$0x0] =	vst.idx.msk $0xffff, v1  }
0x20a: {  	v4 =	vor.u32 $0x2000, v40;
	v1 =	vld.idx.msk [tilespmem:v3+s12+$0x0], $0xffff;
	v3 =	vor.u32 v44, v34  }
0x20b: {  	[tilespmem:$0x1FC20] =	vst v4;
	v4 =	vor.u32 v4, v33;
	_ =	sdelay $0x3  }
0x20c: {  	v11 =	vor.u32 $0x800, v42;
	[tilespmem:v3+s16+$0x0] =	vst.idx.msk $0xffff, v1  }
0x20d: {  	v12 =	vor.u32 $0x2200, v40;
	v3 =	vmov v5;
	v5 =	vor.u32 v11, v34;
	v4 =	vld.idx.msk [tilespmem:v4+s12+$0x0], $0xffff  }
0x20e: {  	v1 =	vmov v6;
	v6 =	vor.u32 v12, v33;
	_ =	sdelay $0x3  }
0x20f: {  	v13 =	vor.u32 $0x810, v42;
	[tilespmem:v5+s16+$0x0] =	vst.idx.msk $0xffff, v4  }
0x210: {  	v14 =	vor.u32 $0x2400, v40;
	v4 =	vmov v7;
	v7 =	vor.u32 v13, v34;
	v6 =	vld.idx.msk [tilespmem:v6+s12+$0x0], $0xffff  }
0x211: {  	v5 =	vmov v8;
	v8 =	vor.u32 v14, v33;
	_ =	sdelay $0x3  }
0x212: {  	v2 =	vor.u32 $0x820, v42;
	[tilespmem:v7+s16+$0x0] =	vst.idx.msk $0xffff, v6  }
0x213: {  	v15 =	vor.u32 $0x2600, v40;
	v9 =	vor.u32 v2, v34;
	v8 =	vld.idx.msk [tilespmem:v8+s12+$0x0], $0xffff  }
0x214: {  	v10 =	vor.u32 v15, v33;
	_ =	sdelay $0x3  }
0x215: {  	v17 =	vor.u32 $0x830, v42;
	[tilespmem:v9+s16+$0x0] =	vst.idx.msk $0xffff, v8  }
0x216: {  	v18 =	vor.u32 $0x2800, v40;
	v8 =	vmov v11;
	v11 =	vor.u32 v17, v34;
	v10 =	vld.idx.msk [tilespmem:v10+s12+$0x0], $0xffff  }
0x217: {  	v9 =	vmov v12;
	v12 =	vor.u32 v18, v33;
	_ =	sdelay $0x3  }
0x218: {  	v19 =	vor.u32 $0x840, v42;
	[tilespmem:v11+s16+$0x0] =	vst.idx.msk $0xffff, v10  }
0x219: {  	v20 =	vor.u32 $0x2A00, v40;
	v10 =	vmov v13;
	v13 =	vor.u32 v19, v34;
	v12 =	vld.idx.msk [tilespmem:v12+s12+$0x0], $0xffff  }
0x21a: {  	v11 =	vmov v14;
	v14 =	vor.u32 v20, v33;
	_ =	sdelay $0x3  }
0x21b: {  	[tilespmem:v13+s16+$0x0] =	vst.idx.msk $0xffff, v12;
	v12 =	vmov v2;
	v2 =	vor.u32 $0x850, v42  }
0x21c: {  	v21 =	vor.u32 $0x2C00, v40;
	v13 =	vmov v15;
	v14 =	vld.idx.msk [tilespmem:v14+s12+$0x0], $0xffff;
	v15 =	vor.u32 v2, v34  }
0x21d: {  	v16 =	vor.u32 v21, v33;
	_ =	sdelay $0x3  }
0x21e: {  	v23 =	vor.u32 $0x860, v42;
	[tilespmem:v15+s16+$0x0] =	vst.idx.msk $0xffff, v14  }
0x21f: {  	v24 =	vor.u32 $0x2E00, v40;
	v14 =	vmov v17;
	v17 =	vor.u32 v23, v34;
	v16 =	vld.idx.msk [tilespmem:v16+s12+$0x0], $0xffff  }
0x220: {  	v15 =	vmov v18;
	v18 =	vor.u32 v24, v33;
	_ =	sdelay $0x3  }
0x221: {  	v25 =	vor.u32 $0x870, v42;
	[tilespmem:v17+s16+$0x0] =	vst.idx.msk $0xffff, v16  }
0x222: {  	v26 =	vor.u32 $0x3000, v40;
	v16 =	vmov v19;
	v19 =	vor.u32 v25, v34;
	v18 =	vld.idx.msk [tilespmem:v18+s12+$0x0], $0xffff  }
0x223: {  	v17 =	vmov v20;
	v20 =	vor.u32 v26, v33;
	_ =	sdelay $0x3  }
0x224: {  	[tilespmem:v19+s16+$0x0] =	vst.idx.msk $0xffff, v18;
	v18 =	vmov v2;
	v2 =	vor.u32 $0xC00, v42  }
0x225: {  	v27 =	vor.u32 $0x3200, v40;
	v19 =	vmov v21;
	v20 =	vld.idx.msk [tilespmem:v20+s12+$0x0], $0xffff;
	v21 =	vor.u32 v2, v34  }
0x226: {  	v22 =	vor.u32 v27, v33;
	_ =	sdelay $0x3  }
0x227: {  	v29 =	vor.u32 $0xC10, v42;
	[tilespmem:v21+s16+$0x0] =	vst.idx.msk $0xffff, v20  }
0x228: {  	v30 =	vor.u32 $0x3400, v40;
	v20 =	vmov v23;
	v23 =	vor.u32 v29, v34;
	v22 =	vld.idx.msk [tilespmem:v22+s12+$0x0], $0xffff  }
0x229: {  	v21 =	vmov v24;
	v24 =	vor.u32 v30, v33;
	_ =	sdelay $0x3  }
0x22a: {  	v32 =	vor.u32 $0xC20, v42;
	[tilespmem:v23+s16+$0x0] =	vst.idx.msk $0xffff, v22  }
0x22b: {  	v35 =	vor.u32 $0x3600, v40;
	v22 =	vmov v25;
	v25 =	vor.u32 v32, v34;
	v24 =	vld.idx.msk [tilespmem:v24+s12+$0x0], $0xffff  }
0x22c: {  	v23 =	vmov v26;
	v26 =	vor.u32 v35, v33;
	_ =	sdelay $0x3  }
0x22d: {  	[tilespmem:v25+s16+$0x0] =	vst.idx.msk $0xffff, v24;
	v24 =	vmov v2;
	v2 =	vor.u32 $0xC30, v42  }
0x22e: {  	v37 =	vor.u32 $0x3800, v40;
	v25 =	vmov v27;
	v26 =	vld.idx.msk [tilespmem:v26+s12+$0x0], $0xffff;
	v27 =	vor.u32 v2, v34  }
0x22f: {  	v28 =	vor.u32 v37, v33;
	_ =	sdelay $0x3  }
0x230: {  	v7 =	vor.u32 $0xC40, v42;
	[tilespmem:v27+s16+$0x0] =	vst.idx.msk $0xffff, v26  }
0x231: {  	v27 =	vmovc v30;
	v26 =	vmov v29;
	v29 =	vor.u32 v7, v34;
	v30 =	vor.u32 $0x3A00, v40;
	v28 =	vld.idx.msk [tilespmem:v28+s12+$0x0], $0xffff  }
0x232: {  	v31 =	vor.u32 v30, v33;
	_ =	sdelay $0x3  }
0x233: {  	v63 =	vmovc v0;
	v0 =	vmov v7;
	v7 =	vmov v30;
	v30 =	vor.u32 $0xC50, v42;
	[tilespmem:v29+s16+$0x0] =	vst.idx.msk $0xffff, v28  }
0x234: {  	v43 =	vmov v30;
	v36 =	vor.u32 v30, v34;
	v30 =	vor.u32 $0x3C00, v40;
	v31 =	vld.idx.msk [tilespmem:v31+s12+$0x0], $0xffff  }
0x235: {  	v41 =	vor.u32 v30, v33;
	_ =	sdelay $0x2  }
0x236: {  	v46 =	vor.u32 $0xC60, v42;
	v45 =	vor.u32 $0x3E00, v40;
	v6 =	vmovc v30;
	v29 =	vmov v35  }
0x237: {  	s1 =	simm.s32 $0x1;
	v28 =	vmovc v32;
	v32 =	vmov v37;
	v35 =	vor.u32 v45, v33;
	[tilespmem:v36+s16+$0x0] =	vst.idx.msk $0xffff, v31;
	v31 =	vmov v2  }
0x238: {  	s31 =	sshll.u32 s30, $0xC;
	s0 =	simm.s32 $0x2;
	v36 =	vadd.s32 s1, v42;
	v2 =	vlaneseq.u32;
	v42 =	vmovc v39;
	v37 =	vld.idx.msk [tilespmem:v41+s12+$0x0], $0xffff;
	v41 =	vmovc v38;
	v38 =	vor.u32 v46, v34  }
.LBB2_5:
0x239: {  	_ =	sdelay $0x1  }
0x23a: {  	v33 =	vand.u32 $0xF, v36;
	s13 =	sand.u32 $0x10, s1  }
0x23b: {  	v39 =	vor.u32 s13, v33  }
0x23c: {  	v33 =	vor.u32 $0xC70, v2;
	[tilespmem:v38+s16+$0x0] =	vst.idx.msk $0xffff, v37;
	v37 =	vand.u32 $0x18, v39;
	v38 =	vand.u32 $0x7, v36  }
0x23d: {  	v34 =	vor.u32 v33, v34;
	v30 =	vld.idx.msk [tilespmem:v35+s12+$0x0], $0xffff;
	v35 =	vor.u32 v38, v37  }
0x23e: {  	v37 =	vor.u32 v40, v35;
	_ =	sdelay $0x1  }
0x23f: {  	v36 =	vshll.u32 v36, $0x7;
	v38 =	vshll.u32 v39, $0x9  }
0x240: {  	v36 =	vand.u32 $0x380, v36;
	v38 =	vand.u32 $0x3000, v38  }
0x241: {  	[tilespmem:v34+s16+$0x0] =	vst.idx.msk $0xffff, v30;
	v34 =	vor.u32 v36, v38  }
0x242: {  	v30 =	vld.idx.msk [tilespmem:v37+s12+$0x0], $0xffff;
	v36 =	vor.u32 v2, v34  }
0x243: {  	v37 =	vor.u32 v41, v35;
	_ =	sdelay $0x3  }
0x244: {  	[tilespmem:v36+s16+$0x0] =	vst.idx.msk $0xffff, v30  }
0x245: {  	v36 =	vor.u32 v42, v34;
	v30 =	vld.idx.msk [tilespmem:v37+s12+$0x0], $0xffff  }
0x246: {  	v37 =	vor.u32 v49, v35;
	_ =	sdelay $0x3  }
0x247: {  	[tilespmem:v36+s16+$0x0] =	vst.idx.msk $0xffff, v30  }
0x248: {  	v36 =	vor.u32 v51, v34;
	v30 =	vld.idx.msk [tilespmem:v37+s12+$0x0], $0xffff  }
0x249: {  	v37 =	vor.u32 v52, v35;
	_ =	sdelay $0x3  }
0x24a: {  	[tilespmem:v36+s16+$0x0] =	vst.idx.msk $0xffff, v30  }
0x24b: {  	v36 =	vor.u32 v53, v34;
	v30 =	vld.idx.msk [tilespmem:v37+s12+$0x0], $0xffff  }
0x24c: {  	v37 =	vor.u32 v54, v35;
	_ =	sdelay $0x3  }
0x24d: {  	[tilespmem:v36+s16+$0x0] =	vst.idx.msk $0xffff, v30  }
0x24e: {  	v36 =	vor.u32 v55, v34;
	v30 =	vld.idx.msk [tilespmem:v37+s12+$0x0], $0xffff  }
0x24f: {  	v37 =	vor.u32 v56, v35;
	_ =	sdelay $0x3  }
0x250: {  	[tilespmem:v36+s16+$0x0] =	vst.idx.msk $0xffff, v30  }
0x251: {  	v36 =	vor.u32 v57, v34;
	v30 =	vld.idx.msk [tilespmem:v37+s12+$0x0], $0xffff  }
0x252: {  	v37 =	vor.u32 v58, v35;
	_ =	sdelay $0x3  }
0x253: {  	[tilespmem:v36+s16+$0x0] =	vst.idx.msk $0xffff, v30  }
0x254: {  	v36 =	vor.u32 v59, v34;
	v30 =	vld.idx.msk [tilespmem:v37+s12+$0x0], $0xffff  }
0x255: {  	v37 =	vor.u32 v60, v35;
	_ =	sdelay $0x3  }
0x256: {  	[tilespmem:v36+s16+$0x0] =	vst.idx.msk $0xffff, v30  }
0x257: {  	v36 =	vor.u32 v61, v34;
	v30 =	vld.idx.msk [tilespmem:v37+s12+$0x0], $0xffff  }
0x258: {  	v37 =	vor.u32 v62, v35;
	_ =	sdelay $0x3  }
0x259: {  	[tilespmem:v36+s16+$0x0] =	vst.idx.msk $0xffff, v30  }
0x25a: {  	v30 =	vld.idx.msk [tilespmem:v37+s12+$0x0], $0xffff  }
0x25b: {  	v37 =	vld [tilespmem:$0x1FD10]  }
0x25c: {  	v36 =	vor.u32 v63, v34;
	_ =	sdelay $0x3  }
0x25d: {  	v37 =	vor.u32 v37, v35  }
0x25e: {  	[tilespmem:v36+s16+$0x0] =	vst.idx.msk $0xffff, v30;
	v36 =	vld [tilespmem:$0x1FD20];
	_ =	sdelay $0x3  }
0x25f: {  	v30 =	vld.idx.msk [tilespmem:v37+s12+$0x0], $0xffff  }
0x260: {  	v36 =	vor.u32 v36, v34;
	v37 =	vld [tilespmem:$0x1FD30];
	_ =	sdelay $0x4  }
0x261: {  	v37 =	vor.u32 v37, v35;
	[tilespmem:v36+s16+$0x0] =	vst.idx.msk $0xffff, v30;
	v36 =	vld [tilespmem:$0x1FD40];
	_ =	sdelay $0x4  }
0x262: {  	v30 =	vld.idx.msk [tilespmem:v37+s12+$0x0], $0xffff;
	v36 =	vor.u32 v36, v34  }
0x263: {  	v37 =	vor.u32 v47, v35;
	_ =	sdelay $0x3  }
0x264: {  	[tilespmem:v36+s16+$0x0] =	vst.idx.msk $0xffff, v30  }
0x265: {  	v36 =	vor.u32 v48, v34;
	v30 =	vld.idx.msk [tilespmem:v37+s12+$0x0], $0xffff  }
0x266: {  	v37 =	vor.u32 v50, v35;
	_ =	sdelay $0x3  }
0x267: {  	[tilespmem:v36+s16+$0x0] =	vst.idx.msk $0xffff, v30;
	v36 =	vld [tilespmem:$0x1FD80]  }
0x268: {  	v30 =	vld.idx.msk [tilespmem:v37+s12+$0x0], $0xffff  }
0x269: {  	v37 =	vld [tilespmem:$0x1FD90];
	_ =	sdelay $0x3  }
0x26a: {  	v36 =	vor.u32 v36, v34  }
0x26b: {  	v37 =	vor.u32 v37, v35;
	_ =	sdelay $0x3  }
0x26c: {  	[tilespmem:v36+s16+$0x0] =	vst.idx.msk $0xffff, v30  }
0x26d: {  	v36 =	vor.u32 v3, v34;
	v30 =	vld.idx.msk [tilespmem:v37+s12+$0x0], $0xffff  }
0x26e: {  	v37 =	vor.u32 v1, v35;
	_ =	sdelay $0x3  }
0x26f: {  	[tilespmem:v36+s16+$0x0] =	vst.idx.msk $0xffff, v30  }
0x270: {  	v36 =	vor.u32 v4, v34;
	v30 =	vld.idx.msk [tilespmem:v37+s12+$0x0], $0xffff  }
0x271: {  	v37 =	vor.u32 v5, v35;
	_ =	sdelay $0x3  }
0x272: {  	[tilespmem:v36+s16+$0x0] =	vst.idx.msk $0xffff, v30  }
0x273: {  	v30 =	vld.idx.msk [tilespmem:v37+s12+$0x0], $0xffff  }
0x274: {  	v37 =	vld [tilespmem:$0x1FC20];
	_ =	sdelay $0x3  }
0x275: {  	v36 =	vor.u32 v44, v34  }
0x276: {  	v37 =	vor.u32 v37, v35;
	_ =	sdelay $0x3  }
0x277: {  	[tilespmem:v36+s16+$0x0] =	vst.idx.msk $0xffff, v30  }
0x278: {  	v36 =	vor.u32 v8, v34;
	v30 =	vld.idx.msk [tilespmem:v37+s12+$0x0], $0xffff  }
0x279: {  	v37 =	vor.u32 v9, v35;
	_ =	sdelay $0x3  }
0x27a: {  	[tilespmem:v36+s16+$0x0] =	vst.idx.msk $0xffff, v30  }
0x27b: {  	v36 =	vor.u32 v10, v34;
	v30 =	vld.idx.msk [tilespmem:v37+s12+$0x0], $0xffff  }
0x27c: {  	v37 =	vor.u32 v11, v35;
	_ =	sdelay $0x3  }
0x27d: {  	[tilespmem:v36+s16+$0x0] =	vst.idx.msk $0xffff, v30  }
0x27e: {  	v36 =	vor.u32 v12, v34;
	v30 =	vld.idx.msk [tilespmem:v37+s12+$0x0], $0xffff  }
0x27f: {  	v37 =	vor.u32 v13, v35;
	_ =	sdelay $0x3  }
0x280: {  	[tilespmem:v36+s16+$0x0] =	vst.idx.msk $0xffff, v30  }
0x281: {  	v36 =	vor.u32 v14, v34;
	v30 =	vld.idx.msk [tilespmem:v37+s12+$0x0], $0xffff  }
0x282: {  	v37 =	vor.u32 v15, v35;
	_ =	sdelay $0x3  }
0x283: {  	[tilespmem:v36+s16+$0x0] =	vst.idx.msk $0xffff, v30  }
0x284: {  	v36 =	vor.u32 v16, v34;
	v30 =	vld.idx.msk [tilespmem:v37+s12+$0x0], $0xffff  }
0x285: {  	v37 =	vor.u32 v17, v35;
	_ =	sdelay $0x3  }
0x286: {  	[tilespmem:v36+s16+$0x0] =	vst.idx.msk $0xffff, v30  }
0x287: {  	v36 =	vor.u32 v18, v34;
	v30 =	vld.idx.msk [tilespmem:v37+s12+$0x0], $0xffff  }
0x288: {  	v37 =	vor.u32 v19, v35;
	_ =	sdelay $0x3  }
0x289: {  	[tilespmem:v36+s16+$0x0] =	vst.idx.msk $0xffff, v30  }
0x28a: {  	v36 =	vor.u32 v20, v34;
	v30 =	vld.idx.msk [tilespmem:v37+s12+$0x0], $0xffff  }
0x28b: {  	v37 =	vor.u32 v21, v35;
	_ =	sdelay $0x3  }
0x28c: {  	[tilespmem:v36+s16+$0x0] =	vst.idx.msk $0xffff, v30  }
0x28d: {  	v36 =	vor.u32 v22, v34;
	v30 =	vld.idx.msk [tilespmem:v37+s12+$0x0], $0xffff  }
0x28e: {  	v37 =	vor.u32 v23, v35;
	_ =	sdelay $0x3  }
0x28f: {  	[tilespmem:v36+s16+$0x0] =	vst.idx.msk $0xffff, v30  }
0x290: {  	v36 =	vor.u32 v24, v34;
	v30 =	vld.idx.msk [tilespmem:v37+s12+$0x0], $0xffff  }
0x291: {  	v37 =	vor.u32 v25, v35;
	_ =	sdelay $0x3  }
0x292: {  	[tilespmem:v36+s16+$0x0] =	vst.idx.msk $0xffff, v30  }
0x293: {  	v36 =	vor.u32 v26, v34;
	v30 =	vld.idx.msk [tilespmem:v37+s12+$0x0], $0xffff  }
0x294: {  	v37 =	vor.u32 v27, v35;
	_ =	sdelay $0x3  }
0x295: {  	[tilespmem:v36+s16+$0x0] =	vst.idx.msk $0xffff, v30  }
0x296: {  	v36 =	vor.u32 v28, v34;
	v30 =	vld.idx.msk [tilespmem:v37+s12+$0x0], $0xffff  }
0x297: {  	v37 =	vor.u32 v29, v35;
	_ =	sdelay $0x3  }
0x298: {  	[tilespmem:v36+s16+$0x0] =	vst.idx.msk $0xffff, v30  }
0x299: {  	v36 =	vor.u32 v31, v34;
	v30 =	vld.idx.msk [tilespmem:v37+s12+$0x0], $0xffff  }
0x29a: {  	v37 =	vor.u32 v32, v35;
	_ =	sdelay $0x3  }
0x29b: {  	[tilespmem:v36+s16+$0x0] =	vst.idx.msk $0xffff, v30  }
0x29c: {  	v36 =	vor.u32 v0, v34;
	v30 =	vld.idx.msk [tilespmem:v37+s12+$0x0], $0xffff  }
0x29d: {  	v37 =	vor.u32 v7, v35;
	_ =	sdelay $0x3  }
0x29e: {  	[tilespmem:v36+s16+$0x0] =	vst.idx.msk $0xffff, v30  }
0x29f: {  	v36 =	vor.u32 v43, v34;
	v30 =	vld.idx.msk [tilespmem:v37+s12+$0x0], $0xffff  }
0x2a0: {  	p1 =	sne.s32 s0, $0x1F;
	v37 =	vor.u32 v6, v35  }
.Ltmp3:
0x2a1: {  	_ = 	snop;
	(pc) =	sbr.rel @p1 .LBB2_5-.Ltmp3, $3  }
0x2a2: {  	_ =	sdelay $0x1  }
0x2a3: {  	s1 =	smov.u32 s0;
	[tilespmem:v36+s16+$0x0] =	vst.idx.msk $0xffff, v30  }
0x2a4: {  	s0 =	sadd.s32 $0x1, s0;
	v38 =	vor.u32 v46, v34;
	v35 =	vor.u32 v45, v35;
	v36 =	vadd.s32 s1, v2;
	v37 =	vld.idx.msk [tilespmem:v37+s12+$0x0], $0xffff  }
0x2a5: {  	_ =	sdelay $0x1  }
0x2a6: {  	v30 =	vand.u32 $0xF, v36;
	s0 =	sand.u32 $0x10, s1  }
0x2a7: {  	v30 =	vor.u32 s0, v30  }
0x2a8: {  	[tilespmem:v38+s16+$0x0] =	vst.idx.msk $0xffff, v37;
	v37 =	vand.u32 $0x18, v30;
	v38 =	vand.u32 $0x7, v36  }
0x2a9: {  	v34 =	vor.u32 v33, v34;
	v39 =	vld.idx.msk [tilespmem:v35+s12+$0x0], $0xffff;
	v35 =	vor.u32 v38, v37  }
0x2aa: {  	v37 =	vor.u32 v40, v35;
	_ =	sdelay $0x1  }
0x2ab: {  	v30 =	vshll.u32 v30, $0x9;
	v36 =	vshll.u32 v36, $0x7  }
0x2ac: {  	v30 =	vand.u32 $0x3000, v30;
	v36 =	vand.u32 $0x380, v36  }
0x2ad: {  	v30 =	vor.u32 v36, v30;
	[tilespmem:v34+s16+$0x0] =	vst.idx.msk $0xffff, v39  }
0x2ae: {  	v36 =	vor.u32 v2, v30;
	v34 =	vld.idx.msk [tilespmem:v37+s12+$0x0], $0xffff  }
0x2af: {  	v37 =	vor.u32 v41, v35;
	_ =	sdelay $0x3  }
0x2b0: {  	[tilespmem:v36+s16+$0x0] =	vst.idx.msk $0xffff, v34  }
0x2b1: {  	v36 =	vor.u32 v42, v30;
	v34 =	vld.idx.msk [tilespmem:v37+s12+$0x0], $0xffff  }
0x2b2: {  	v49 =	vor.u32 v49, v35;
	_ =	sdelay $0x3  }
0x2b3: {  	[tilespmem:v36+s16+$0x0] =	vst.idx.msk $0xffff, v34  }
0x2b4: {  	v51 =	vor.u32 v51, v30;
	v34 =	vld.idx.msk [tilespmem:v49+s12+$0x0], $0xffff  }
0x2b5: {  	v52 =	vor.u32 v52, v35;
	_ =	sdelay $0x3  }
0x2b6: {  	[tilespmem:v51+s16+$0x0] =	vst.idx.msk $0xffff, v34  }
0x2b7: {  	v49 =	vor.u32 v53, v30;
	v34 =	vld.idx.msk [tilespmem:v52+s12+$0x0], $0xffff  }
0x2b8: {  	v51 =	vor.u32 v54, v35;
	_ =	sdelay $0x3  }
0x2b9: {  	[tilespmem:v49+s16+$0x0] =	vst.idx.msk $0xffff, v34  }
0x2ba: {  	v52 =	vor.u32 v55, v30;
	v34 =	vld.idx.msk [tilespmem:v51+s12+$0x0], $0xffff  }
0x2bb: {  	v53 =	vor.u32 v56, v35;
	_ =	sdelay $0x3  }
0x2bc: {  	[tilespmem:v52+s16+$0x0] =	vst.idx.msk $0xffff, v34  }
0x2bd: {  	v54 =	vor.u32 v57, v30;
	v34 =	vld.idx.msk [tilespmem:v53+s12+$0x0], $0xffff  }
0x2be: {  	v39 =	vmov v55;
	v55 =	vor.u32 v58, v35;
	_ =	sdelay $0x3  }
0x2bf: {  	[tilespmem:v54+s16+$0x0] =	vst.idx.msk $0xffff, v34  }
0x2c0: {  	v38 =	vmov v56;
	v56 =	vor.u32 v59, v30;
	v34 =	vld.idx.msk [tilespmem:v55+s12+$0x0], $0xffff  }
0x2c1: {  	v49 =	vmov v57;
	v57 =	vor.u32 v60, v35;
	_ =	sdelay $0x3  }
0x2c2: {  	[tilespmem:v56+s16+$0x0] =	vst.idx.msk $0xffff, v34  }
0x2c3: {  	v51 =	vmov v58;
	v58 =	vor.u32 v61, v30;
	v34 =	vld.idx.msk [tilespmem:v57+s12+$0x0], $0xffff  }
0x2c4: {  	v52 =	vmov v59;
	v59 =	vor.u32 v62, v35  }
0x2c5: {  	v57 =	vld [tilespmem:$0x1FD10];
	_ =	sdelay $0x2  }
0x2c6: {  	[tilespmem:v58+s16+$0x0] =	vst.idx.msk $0xffff, v34  }
0x2c7: {  	v53 =	vmov v60;
	v60 =	vor.u32 v63, v30;
	v34 =	vld.idx.msk [tilespmem:v59+s12+$0x0], $0xffff  }
0x2c8: {  	v54 =	vmov v61;
	v61 =	vor.u32 v57, v35;
	v58 =	vld [tilespmem:$0x1FD20]  }
0x2c9: {  	v59 =	vld [tilespmem:$0x1FD30];
	_ =	sdelay $0x2  }
0x2ca: {  	[tilespmem:v60+s16+$0x0] =	vst.idx.msk $0xffff, v34  }
0x2cb: {  	v55 =	vmov v62;
	v62 =	vor.u32 v58, v30;
	v34 =	vld.idx.msk [tilespmem:v61+s12+$0x0], $0xffff  }
0x2cc: {  	v56 =	vmov v63;
	v63 =	vor.u32 v59, v35;
	v60 =	vld [tilespmem:$0x1FD40];
	_ =	sdelay $0x3  }
0x2cd: {  	[tilespmem:v62+s16+$0x0] =	vst.idx.msk $0xffff, v34  }
0x2ce: {  	v36 =	vor.u32 v60, v30;
	v34 =	vld.idx.msk [tilespmem:v63+s12+$0x0], $0xffff  }
0x2cf: {  	v61 =	vmov v47;
	v47 =	vor.u32 v47, v35;
	_ =	sdelay $0x3  }
0x2d0: {  	[tilespmem:v36+s16+$0x0] =	vst.idx.msk $0xffff, v34  }
0x2d1: {  	v62 =	vmov v48;
	v48 =	vor.u32 v48, v30;
	v34 =	vld.idx.msk [tilespmem:v47+s12+$0x0], $0xffff  }
0x2d2: {  	v63 =	vmov v50;
	v50 =	vor.u32 v50, v35;
	_ =	sdelay $0x3  }
0x2d3: {  	[tilespmem:v48+s16+$0x0] =	vst.idx.msk $0xffff, v34;
	v48 =	vld [tilespmem:$0x1FD80]  }
0x2d4: {  	v34 =	vld.idx.msk [tilespmem:v50+s12+$0x0], $0xffff  }
0x2d5: {  	v50 =	vld [tilespmem:$0x1FD90];
	_ =	sdelay $0x3  }
0x2d6: {  	v36 =	vor.u32 v48, v30  }
0x2d7: {  	v47 =	vor.u32 v50, v35;
	_ =	sdelay $0x3  }
0x2d8: {  	[tilespmem:v36+s16+$0x0] =	vst.idx.msk $0xffff, v34  }
0x2d9: {  	v36 =	vor.u32 v3, v30;
	v34 =	vld.idx.msk [tilespmem:v47+s12+$0x0], $0xffff  }
0x2da: {  	v47 =	vor.u32 v1, v35;
	_ =	sdelay $0x3  }
0x2db: {  	[tilespmem:v36+s16+$0x0] =	vst.idx.msk $0xffff, v34  }
0x2dc: {  	v36 =	vor.u32 v4, v30;
	v34 =	vld.idx.msk [tilespmem:v47+s12+$0x0], $0xffff  }
0x2dd: {  	v47 =	vor.u32 v5, v35  }
0x2de: {  	v1 =	vld [tilespmem:$0x1FC20];
	_ =	sdelay $0x2  }
0x2df: {  	[tilespmem:v36+s16+$0x0] =	vst.idx.msk $0xffff, v34  }
0x2e0: {  	v34 =	vld.idx.msk [tilespmem:v47+s12+$0x0], $0xffff;
	v47 =	vor.u32 v44, v30  }
0x2e1: {  	v44 =	vor.u32 v1, v35;
	_ =	sdelay $0x3  }
0x2e2: {  	[tilespmem:v47+s16+$0x0] =	vst.idx.msk $0xffff, v34  }
0x2e3: {  	v47 =	vor.u32 v8, v30;
	v34 =	vld.idx.msk [tilespmem:v44+s12+$0x0], $0xffff  }
0x2e4: {  	v44 =	vor.u32 v9, v35;
	_ =	sdelay $0x3  }
0x2e5: {  	v2 =	vmov v10;
	[tilespmem:v47+s16+$0x0] =	vst.idx.msk $0xffff, v34  }
0x2e6: {  	v1 =	vmov v11;
	v47 =	vor.u32 v2, v30;
	v34 =	vld.idx.msk [tilespmem:v44+s12+$0x0], $0xffff  }
0x2e7: {  	v44 =	vor.u32 v1, v35;
	_ =	sdelay $0x3  }
0x2e8: {  	v11 =	vmov v2;
	v2 =	vmov v12;
	[tilespmem:v47+s16+$0x0] =	vst.idx.msk $0xffff, v34  }
0x2e9: {  	v12 =	vmov v1;
	v1 =	vmov v13;
	v47 =	vor.u32 v2, v30;
	v34 =	vld.idx.msk [tilespmem:v44+s12+$0x0], $0xffff  }
0x2ea: {  	v44 =	vor.u32 v1, v35;
	_ =	sdelay $0x3  }
0x2eb: {  	v13 =	vmov v2;
	v2 =	vmov v14;
	[tilespmem:v47+s16+$0x0] =	vst.idx.msk $0xffff, v34  }
0x2ec: {  	v14 =	vmov v1;
	v1 =	vmov v15;
	v47 =	vor.u32 v2, v30;
	v34 =	vld.idx.msk [tilespmem:v44+s12+$0x0], $0xffff  }
0x2ed: {  	v44 =	vor.u32 v1, v35;
	_ =	sdelay $0x3  }
0x2ee: {  	v15 =	vmov v2;
	v2 =	vmov v16;
	[tilespmem:v47+s16+$0x0] =	vst.idx.msk $0xffff, v34  }
0x2ef: {  	v16 =	vmov v1;
	v1 =	vmov v17;
	v47 =	vor.u32 v2, v30;
	v34 =	vld.idx.msk [tilespmem:v44+s12+$0x0], $0xffff  }
0x2f0: {  	v44 =	vor.u32 v1, v35;
	_ =	sdelay $0x3  }
0x2f1: {  	v17 =	vmov v2;
	v2 =	vmov v18;
	[tilespmem:v47+s16+$0x0] =	vst.idx.msk $0xffff, v34  }
0x2f2: {  	v18 =	vmov v1;
	v1 =	vmov v19;
	v47 =	vor.u32 v2, v30;
	v34 =	vld.idx.msk [tilespmem:v44+s12+$0x0], $0xffff  }
0x2f3: {  	v44 =	vor.u32 v1, v35;
	_ =	sdelay $0x3  }
0x2f4: {  	v19 =	vmov v2;
	v2 =	vmov v20;
	[tilespmem:v47+s16+$0x0] =	vst.idx.msk $0xffff, v34  }
0x2f5: {  	v20 =	vmov v1;
	v1 =	vmov v21;
	v47 =	vor.u32 v2, v30;
	v34 =	vld.idx.msk [tilespmem:v44+s12+$0x0], $0xffff  }
0x2f6: {  	v44 =	vor.u32 v1, v35;
	_ =	sdelay $0x3  }
0x2f7: {  	v21 =	vmov v2;
	v2 =	vmov v22;
	[tilespmem:v47+s16+$0x0] =	vst.idx.msk $0xffff, v34  }
0x2f8: {  	v22 =	vmov v1;
	v1 =	vmov v23;
	v47 =	vor.u32 v2, v30;
	v34 =	vld.idx.msk [tilespmem:v44+s12+$0x0], $0xffff  }
0x2f9: {  	v44 =	vor.u32 v1, v35;
	_ =	sdelay $0x3  }
0x2fa: {  	v23 =	vmov v2;
	v2 =	vmov v24;
	[tilespmem:v47+s16+$0x0] =	vst.idx.msk $0xffff, v34  }
0x2fb: {  	v24 =	vmov v1;
	v1 =	vmov v25;
	v47 =	vor.u32 v2, v30;
	v34 =	vld.idx.msk [tilespmem:v44+s12+$0x0], $0xffff  }
0x2fc: {  	v44 =	vor.u32 v1, v35;
	_ =	sdelay $0x3  }
0x2fd: {  	v25 =	vmov v2;
	v2 =	vmov v26;
	[tilespmem:v47+s16+$0x0] =	vst.idx.msk $0xffff, v34  }
0x2fe: {  	v26 =	vmov v1;
	v1 =	vmov v27;
	v47 =	vor.u32 v2, v30;
	v34 =	vld.idx.msk [tilespmem:v44+s12+$0x0], $0xffff  }
0x2ff: {  	v44 =	vor.u32 v1, v35;
	_ =	sdelay $0x3  }
0x300: {  	v27 =	vmov v2;
	v2 =	vmov v28;
	[tilespmem:v47+s16+$0x0] =	vst.idx.msk $0xffff, v34  }
0x301: {  	v28 =	vmov v1;
	v1 =	vmov v29;
	v47 =	vor.u32 v2, v30;
	v34 =	vld.idx.msk [tilespmem:v44+s12+$0x0], $0xffff  }
0x302: {  	v44 =	vor.u32 v1, v35;
	_ =	sdelay $0x3  }
0x303: {  	v29 =	vmov v2;
	v2 =	vmov v31;
	[tilespmem:v47+s16+$0x0] =	vst.idx.msk $0xffff, v34  }
0x304: {  	v31 =	vmov v1;
	v1 =	vmov v32;
	v47 =	vor.u32 v2, v30;
	v34 =	vld.idx.msk [tilespmem:v44+s12+$0x0], $0xffff  }
0x305: {  	v44 =	vor.u32 v1, v35;
	_ =	sdelay $0x3  }
0x306: {  	[tilespmem:v47+s16+$0x0] =	vst.idx.msk $0xffff, v34  }
0x307: {  	v47 =	vor.u32 v0, v30;
	v34 =	vld.idx.msk [tilespmem:v44+s12+$0x0], $0xffff  }
0x308: {  	v44 =	vor.u32 v7, v35;
	_ =	sdelay $0x3  }
0x309: {  	[tilespmem:v47+s16+$0x0] =	vst.idx.msk $0xffff, v34  }
0x30a: {  	v47 =	vor.u32 v43, v30;
	v34 =	vld.idx.msk [tilespmem:v44+s12+$0x0], $0xffff  }
0x30b: {  	v44 =	vor.u32 v6, v35;
	_ =	sdelay $0x3  }
0x30c: {  	[tilespmem:v47+s16+$0x0] =	vst.idx.msk $0xffff, v34  }
0x30d: {  	v47 =	vor.u32 v46, v30;
	v34 =	vld.idx.msk [tilespmem:v44+s12+$0x0], $0xffff  }
0x30e: {  	v35 =	vor.u32 v45, v35;
	_ =	sdelay $0x3  }
0x30f: {  	[tilespmem:v47+s16+$0x0] =	vst.idx.msk $0xffff, v34  }
0x310: {  	v30 =	vor.u32 v33, v30;
	v34 =	vld.idx.msk [tilespmem:v35+s12+$0x0], $0xffff;
	_ =	sdelay $0x2  }
0x311: {  	s1 =	sshll.u32 s30, $0x11  }
0x312: {  	s13 =	sadd.s32 s2, s1  }
0x313: {  	s0 =	sadd.s32 s6, s13;
	[tilespmem:v30+s16+$0x0] =	vst.idx.msk $0xffff, v34  }
0x314: {  	[hbm4b:s0+s3] =	stream.linear.scatter [tilespmem:s16], [sflag:$0x3], $0x1000, $0x38;
	[tilespmem:$0x1C800] =	vst v63  }
0x315: {  	[tilespmem:$0x1FBE0] =	vst v8;
	p1 =	sne.s32 s30, $0x18;
	s13 =	sadd.s32 $0x4000, s0  }
0x316: {  	[hbm4b:s13+s3] =	stream.linear.scatter [tilespmem:s17], [sflag:$0x3], $0x1000, $0x38;
	[tilespmem:$0x1C800] =	vst v63  }
.Ltmp4:
0x317: {  	[tilespmem:$0x1FC00] =	vst v46;
	v3 =	vld [tilespmem:$0x1FC50];
	(pc) =	sbr.rel @p1 .LBB2_8-.Ltmp4, $4  }
0x318: {  	[tilespmem:$0x1FC10] =	vst v45;
	s5 =	sadd.s32 $0x8000, s0;
	v4 =	vld [tilespmem:$0x1FC70]  }
0x319: {  	v5 =	vmov v38;
	v38 =	vld [tilespmem:$0x1FC60];
	[hbm4b:s5+s3] =	stream.linear.scatter [tilespmem:s18], [sflag:$0x3], $0x1000, $0x38  }
0x31a: {  	v10 =	vmovc v9;
	v37 =	vmov v40;
	v40 =	vmov v42;
	[tilespmem:$0x1FBF0] =	vst v1;
	v1 =	vmov v0;
	v0 =	vld [tilespmem:$0x1FC30];
	s0 =	sadd.s32 $0xC000, s0  }
0x31b: {  	v42 =	vmovc v7;
	v9 =	vmovc v41;
	v32 =	vmov v2;
	v41 =	vmov v1;
	v44 =	vmov v6;
	v47 =	vld [tilespmem:$0x1FC40];
	[hbm4b:s0+s3] =	stream.linear.scatter [tilespmem:s19], [sflag:$0x3], $0x1000, $0x38  }
.Ltmp5:
0x31c: {  	(pc) =	sbr.rel .LBB2_9-.Ltmp5, $4  }
0x31d: {  	_ = 	snop  }
0x31e: {  	v8 =	vld [tilespmem:$0x1FC20];
	_ =	swait.ge [sflag:s20], $0x4000  }
0x31f: {  	[sflag:s20] =	ssyncset.done $0x0  }
0x320: {  	[sflag:s20] =	ssyncadd.s32 $0xFFFFC000  }
.LBB2_8:
0x321: {  	s0 =	sshrl.u32 s31, $0x2  }
.Ltmp6:
0x322: {  	s0 =	sadd.s32 $0x6800, s0;
	(pc) =	sbr.rel @p0 .LBB2_10-.Ltmp6, $4  }
0x323: {  	[tilespmem:s12], [sflag:$0x1] =	stream.indirect.gather [hbm4b:s4+s11], $0x20, s0, s11, $0xb8;
	[tilespmem:$0x1C800] =	vst v63  }
0x324: {  	v8 =	vld [tilespmem:$0x1FC20];
	_ =	swait.ge [sflag:s20], $0x4000  }
0x325: {  	[sflag:s20] =	ssyncset.done $0x0  }
0x326: {  	[sflag:s20] =	ssyncadd.s32 $0xFFFFC000  }
.LBB2_9:
0x327: {  	_ =	swait.ge [sflag:s21], $0x1000  }
0x328: {  	[sflag:s21] =	ssyncset.done $0x0  }
0x329: {  	[sflag:s21] =	ssyncadd.s32 $0xFFFFF000  }
0x32a: {  	_ =	swait.ge [sflag:s21], $0x1000  }
0x32b: {  	[sflag:s21] =	ssyncset.done $0x0  }
0x32c: {  	[sflag:s21] =	ssyncadd.s32 $0xFFFFF000  }
0x32d: {  	_ =	swait.ge [sflag:s21], $0x1000  }
0x32e: {  	[sflag:s21] =	ssyncset.done $0x0  }
0x32f: {  	[sflag:s21] =	ssyncadd.s32 $0xFFFFF000  }
0x330: {  	_ =	swait.ge [sflag:s21], $0x1000  }
0x331: {  	[sflag:s21] =	ssyncset.done $0x0  }
0x332: {  	[sflag:s21] =	ssyncadd.s32 $0xFFFFF000  }
.LBB2_10:
0x333: {  	s0 =	simm.s32 $0x0;
	v1 =	vlaneseq.u32  }
0x334: {  	v30 =	vadd.s32 s0, v1  }
0x335: {  	s0 =	sand.u32 $0x10, s0;
	v34 =	vand.u32 $0xF, v30  }
0x336: {  	v34 =	vor.u32 s0, v34  }
0x337: {  	v36 =	vand.u32 $0x7, v30;
	v35 =	vand.u32 $0x18, v34  }
0x338: {  	v35 =	vor.u32 v36, v35  }
0x339: {  	v36 =	vor.u32 v37, v35;
	_ =	sdelay $0x1  }
0x33a: {  	v30 =	vshll.u32 v30, $0x7;
	v34 =	vshll.u32 v34, $0x9  }
0x33b: {  	v30 =	vand.u32 $0x380, v30;
	v34 =	vand.u32 $0x3000, v34  }
0x33c: {  	v34 =	vor.u32 v30, v34  }
0x33d: {  	v30 =	vld.idx.msk [tilespmem:v36+s14+$0x0], $0xffff;
	v36 =	vor.u32 v1, v34  }
0x33e: {  	v46 =	vor.u32 v9, v35;
	_ =	sdelay $0x3  }
0x33f: {  	[tilespmem:v36+s22+$0x0] =	vst.idx.msk $0xffff, v30  }
0x340: {  	v36 =	vor.u32 v40, v34;
	v30 =	vld.idx.msk [tilespmem:v46+s14+$0x0], $0xffff  }
0x341: {  	v46 =	vor.u32 v0, v35;
	_ =	sdelay $0x3  }
0x342: {  	[tilespmem:v36+s22+$0x0] =	vst.idx.msk $0xffff, v30  }
0x343: {  	v36 =	vor.u32 v47, v34;
	v30 =	vld.idx.msk [tilespmem:v46+s14+$0x0], $0xffff  }
0x344: {  	v46 =	vor.u32 v3, v35;
	_ =	sdelay $0x3  }
0x345: {  	[tilespmem:v36+s22+$0x0] =	vst.idx.msk $0xffff, v30  }
0x346: {  	v36 =	vor.u32 v38, v34;
	v30 =	vld.idx.msk [tilespmem:v46+s14+$0x0], $0xffff  }
0x347: {  	v46 =	vor.u32 v4, v35;
	_ =	sdelay $0x3  }
0x348: {  	[tilespmem:v36+s22+$0x0] =	vst.idx.msk $0xffff, v30  }
0x349: {  	v36 =	vor.u32 v39, v34;
	v30 =	vld.idx.msk [tilespmem:v46+s14+$0x0], $0xffff  }
0x34a: {  	v46 =	vor.u32 v5, v35;
	_ =	sdelay $0x3  }
0x34b: {  	[tilespmem:v36+s22+$0x0] =	vst.idx.msk $0xffff, v30  }
0x34c: {  	v36 =	vor.u32 v49, v34;
	v30 =	vld.idx.msk [tilespmem:v46+s14+$0x0], $0xffff  }
0x34d: {  	v46 =	vor.u32 v51, v35;
	_ =	sdelay $0x3  }
0x34e: {  	[tilespmem:v36+s22+$0x0] =	vst.idx.msk $0xffff, v30  }
0x34f: {  	v36 =	vor.u32 v52, v34;
	v30 =	vld.idx.msk [tilespmem:v46+s14+$0x0], $0xffff  }
0x350: {  	v46 =	vor.u32 v53, v35;
	_ =	sdelay $0x3  }
0x351: {  	[tilespmem:v36+s22+$0x0] =	vst.idx.msk $0xffff, v30  }
0x352: {  	v36 =	vor.u32 v54, v34;
	v30 =	vld.idx.msk [tilespmem:v46+s14+$0x0], $0xffff  }
0x353: {  	v46 =	vor.u32 v55, v35;
	_ =	sdelay $0x3  }
0x354: {  	[tilespmem:v36+s22+$0x0] =	vst.idx.msk $0xffff, v30  }
0x355: {  	v36 =	vor.u32 v56, v34;
	v30 =	vld.idx.msk [tilespmem:v46+s14+$0x0], $0xffff  }
0x356: {  	v46 =	vor.u32 v57, v35;
	_ =	sdelay $0x3  }
0x357: {  	[tilespmem:v36+s22+$0x0] =	vst.idx.msk $0xffff, v30  }
0x358: {  	v36 =	vor.u32 v58, v34;
	v30 =	vld.idx.msk [tilespmem:v46+s14+$0x0], $0xffff  }
0x359: {  	v46 =	vor.u32 v59, v35;
	_ =	sdelay $0x3  }
0x35a: {  	[tilespmem:v36+s22+$0x0] =	vst.idx.msk $0xffff, v30  }
0x35b: {  	v36 =	vor.u32 v60, v34;
	v30 =	vld.idx.msk [tilespmem:v46+s14+$0x0], $0xffff  }
0x35c: {  	v46 =	vor.u32 v61, v35;
	_ =	sdelay $0x3  }
0x35d: {  	[tilespmem:v36+s22+$0x0] =	vst.idx.msk $0xffff, v30  }
0x35e: {  	v36 =	vor.u32 v62, v34;
	v30 =	vld.idx.msk [tilespmem:v46+s14+$0x0], $0xffff  }
0x35f: {  	v46 =	vor.u32 v63, v35;
	_ =	sdelay $0x3  }
0x360: {  	v1 =	vld [tilespmem:$0x1FDA0];
	[tilespmem:v36+s22+$0x0] =	vst.idx.msk $0xffff, v30  }
0x361: {  	v36 =	vor.u32 v48, v34;
	v30 =	vld.idx.msk [tilespmem:v46+s14+$0x0], $0xffff;
	_ =	sdelay $0x3  }
0x362: {  	v46 =	vor.u32 v50, v35  }
0x363: {  	[tilespmem:v36+s22+$0x0] =	vst.idx.msk $0xffff, v30;
	v36 =	vor.u32 v1, v34;
	v1 =	vld [tilespmem:$0x1FDB0];
	_ =	sdelay $0x3  }
0x364: {  	v30 =	vld.idx.msk [tilespmem:v46+s14+$0x0], $0xffff  }
0x365: {  	v46 =	vor.u32 v1, v35;
	v1 =	vld [tilespmem:$0x1FDC0];
	_ =	sdelay $0x4  }
0x366: {  	[tilespmem:v36+s22+$0x0] =	vst.idx.msk $0xffff, v30;
	v36 =	vor.u32 v1, v34;
	v1 =	vld [tilespmem:$0x1FDD0];
	_ =	sdelay $0x3  }
0x367: {  	v30 =	vld.idx.msk [tilespmem:v46+s14+$0x0], $0xffff  }
0x368: {  	v7 =	vld [tilespmem:$0x1FDE0];
	v46 =	vor.u32 v1, v35;
	_ =	sdelay $0x3  }
0x369: {  	[tilespmem:v36+s22+$0x0] =	vst.idx.msk $0xffff, v30  }
0x36a: {  	v36 =	vor.u32 v7, v34;
	v30 =	vld.idx.msk [tilespmem:v46+s14+$0x0], $0xffff  }
0x36b: {  	v45 =	vmov v9;
	v9 =	vld [tilespmem:$0x1FBE0];
	v46 =	vor.u32 v8, v35;
	_ =	sdelay $0x3  }
0x36c: {  	[tilespmem:v36+s22+$0x0] =	vst.idx.msk $0xffff, v30  }
0x36d: {  	v36 =	vor.u32 v9, v34;
	v30 =	vld.idx.msk [tilespmem:v46+s14+$0x0], $0xffff  }
0x36e: {  	v46 =	vor.u32 v10, v35;
	_ =	sdelay $0x3  }
0x36f: {  	[tilespmem:v36+s22+$0x0] =	vst.idx.msk $0xffff, v30  }
0x370: {  	v36 =	vor.u32 v11, v34;
	v30 =	vld.idx.msk [tilespmem:v46+s14+$0x0], $0xffff  }
0x371: {  	v46 =	vor.u32 v12, v35;
	_ =	sdelay $0x3  }
0x372: {  	[tilespmem:v36+s22+$0x0] =	vst.idx.msk $0xffff, v30  }
0x373: {  	v36 =	vor.u32 v13, v34;
	v30 =	vld.idx.msk [tilespmem:v46+s14+$0x0], $0xffff  }
0x374: {  	v46 =	vor.u32 v14, v35;
	_ =	sdelay $0x3  }
0x375: {  	[tilespmem:v36+s22+$0x0] =	vst.idx.msk $0xffff, v30  }
0x376: {  	v36 =	vor.u32 v15, v34;
	v30 =	vld.idx.msk [tilespmem:v46+s14+$0x0], $0xffff  }
0x377: {  	v46 =	vor.u32 v16, v35;
	_ =	sdelay $0x3  }
0x378: {  	[tilespmem:v36+s22+$0x0] =	vst.idx.msk $0xffff, v30  }
0x379: {  	v36 =	vor.u32 v17, v34;
	v30 =	vld.idx.msk [tilespmem:v46+s14+$0x0], $0xffff  }
0x37a: {  	v46 =	vor.u32 v18, v35;
	_ =	sdelay $0x3  }
0x37b: {  	[tilespmem:v36+s22+$0x0] =	vst.idx.msk $0xffff, v30  }
0x37c: {  	v36 =	vor.u32 v19, v34;
	v30 =	vld.idx.msk [tilespmem:v46+s14+$0x0], $0xffff  }
0x37d: {  	v46 =	vor.u32 v20, v35;
	_ =	sdelay $0x3  }
0x37e: {  	[tilespmem:v36+s22+$0x0] =	vst.idx.msk $0xffff, v30  }
0x37f: {  	v36 =	vor.u32 v21, v34;
	v30 =	vld.idx.msk [tilespmem:v46+s14+$0x0], $0xffff  }
0x380: {  	v46 =	vor.u32 v22, v35;
	_ =	sdelay $0x3  }
0x381: {  	[tilespmem:v36+s22+$0x0] =	vst.idx.msk $0xffff, v30  }
0x382: {  	v36 =	vor.u32 v23, v34;
	v30 =	vld.idx.msk [tilespmem:v46+s14+$0x0], $0xffff  }
0x383: {  	v46 =	vor.u32 v24, v35;
	_ =	sdelay $0x3  }
0x384: {  	[tilespmem:v36+s22+$0x0] =	vst.idx.msk $0xffff, v30  }
0x385: {  	v36 =	vor.u32 v25, v34;
	v30 =	vld.idx.msk [tilespmem:v46+s14+$0x0], $0xffff  }
0x386: {  	v46 =	vor.u32 v26, v35;
	_ =	sdelay $0x3  }
0x387: {  	[tilespmem:v36+s22+$0x0] =	vst.idx.msk $0xffff, v30  }
0x388: {  	v36 =	vor.u32 v27, v34;
	v30 =	vld.idx.msk [tilespmem:v46+s14+$0x0], $0xffff  }
0x389: {  	v46 =	vor.u32 v28, v35;
	_ =	sdelay $0x3  }
0x38a: {  	[tilespmem:v36+s22+$0x0] =	vst.idx.msk $0xffff, v30  }
0x38b: {  	v36 =	vor.u32 v29, v34;
	v30 =	vld.idx.msk [tilespmem:v46+s14+$0x0], $0xffff  }
0x38c: {  	v46 =	vor.u32 v31, v35  }
0x38d: {  	v6 =	vmov v40;
	v40 =	vld [tilespmem:$0x1FBF0];
	_ =	sdelay $0x2  }
0x38e: {  	[tilespmem:v36+s22+$0x0] =	vst.idx.msk $0xffff, v30  }
0x38f: {  	v36 =	vor.u32 v32, v34;
	v30 =	vld.idx.msk [tilespmem:v46+s14+$0x0], $0xffff  }
0x390: {  	v46 =	vor.u32 v40, v35;
	_ =	sdelay $0x3  }
0x391: {  	[tilespmem:v36+s22+$0x0] =	vst.idx.msk $0xffff, v30  }
0x392: {  	v36 =	vor.u32 v41, v34;
	v30 =	vld.idx.msk [tilespmem:v46+s14+$0x0], $0xffff  }
0x393: {  	v46 =	vor.u32 v42, v35;
	_ =	sdelay $0x3  }
0x394: {  	[tilespmem:v36+s22+$0x0] =	vst.idx.msk $0xffff, v30  }
0x395: {  	[tilespmem:$0x1FBC0] =	vst v43;
	v43 =	vor.u32 v43, v34;
	v30 =	vld.idx.msk [tilespmem:v46+s14+$0x0], $0xffff  }
0x396: {  	v46 =	vor.u32 v44, v35;
	_ =	sdelay $0x2  }
0x397: {  	[tilespmem:$0x1FBD0] =	vst v44;
	v44 =	vmov v4;
	v4 =	vmov v50  }
0x398: {  	[tilespmem:v43+s22+$0x0] =	vst.idx.msk $0xffff, v30;
	v43 =	vmovc v0;
	v0 =	vmov v48;
	v48 =	vmov v3;
	v3 =	vmov v4;
	v4 =	vld [tilespmem:$0x1FC00]  }
0x399: {  	v2 =	vmov v37;
	v37 =	vld.idx.msk [tilespmem:v46+s14+$0x0], $0xffff  }
0x39a: {  	v46 =	vmov v5;
	v5 =	vld [tilespmem:$0x1FC10];
	_ =	sdelay $0x3  }
0x39b: {  	s0 =	simm.s32 $0x1;
	v1 =	vmov v2;
	v2 =	vmov v45;
	v30 =	vlaneseq.u32  }
0x39c: {  	s13 =	simm.s32 $0x2;
	v45 =	vmovc v39;
	v50 =	vmovc v38;
	v36 =	vadd.s32 s0, v30;
	v38 =	vor.u32 v4, v34;
	v35 =	vor.u32 v5, v35  }
.LBB2_11:
0x39d: {  	_ =	sdelay $0x1  }
0x39e: {  	v30 =	vand.u32 $0xF, v36;
	s5 =	sand.u32 $0x10, s0  }
0x39f: {  	v30 =	vor.u32 s5, v30  }
0x3a0: {  	[tilespmem:v38+s22+$0x0] =	vst.idx.msk $0xffff, v37;
	v37 =	vand.u32 $0x18, v30;
	v38 =	vand.u32 $0x7, v36  }
0x3a1: {  	v34 =	vor.u32 v33, v34;
	v39 =	vld.idx.msk [tilespmem:v35+s14+$0x0], $0xffff;
	v35 =	vor.u32 v38, v37  }
0x3a2: {  	v37 =	vor.u32 v1, v35;
	_ =	sdelay $0x1  }
0x3a3: {  	v30 =	vshll.u32 v30, $0x9;
	v36 =	vshll.u32 v36, $0x7  }
0x3a4: {  	v30 =	vand.u32 $0x3000, v30;
	v36 =	vand.u32 $0x380, v36  }
0x3a5: {  	[tilespmem:v34+s22+$0x0] =	vst.idx.msk $0xffff, v39;
	v34 =	vor.u32 v36, v30;
	v39 =	vlaneseq.u32  }
0x3a6: {  	v37 =	vld.idx.msk [tilespmem:v37+s14+$0x0], $0xffff;
	v30 =	vor.u32 v39, v34  }
0x3a7: {  	v36 =	vor.u32 v2, v35;
	_ =	sdelay $0x3  }
0x3a8: {  	[tilespmem:v30+s22+$0x0] =	vst.idx.msk $0xffff, v37  }
0x3a9: {  	v30 =	vld.idx.msk [tilespmem:v36+s14+$0x0], $0xffff;
	v36 =	vor.u32 v6, v34  }
0x3aa: {  	v37 =	vor.u32 v43, v35;
	_ =	sdelay $0x3  }
0x3ab: {  	[tilespmem:v36+s22+$0x0] =	vst.idx.msk $0xffff, v30  }
0x3ac: {  	v36 =	vor.u32 v47, v34;
	v30 =	vld.idx.msk [tilespmem:v37+s14+$0x0], $0xffff  }
0x3ad: {  	v37 =	vor.u32 v48, v35;
	_ =	sdelay $0x3  }
0x3ae: {  	[tilespmem:v36+s22+$0x0] =	vst.idx.msk $0xffff, v30  }
0x3af: {  	v36 =	vor.u32 v50, v34;
	v30 =	vld.idx.msk [tilespmem:v37+s14+$0x0], $0xffff  }
0x3b0: {  	v37 =	vor.u32 v44, v35;
	_ =	sdelay $0x3  }
0x3b1: {  	[tilespmem:v36+s22+$0x0] =	vst.idx.msk $0xffff, v30  }
0x3b2: {  	v36 =	vor.u32 v45, v34;
	v30 =	vld.idx.msk [tilespmem:v37+s14+$0x0], $0xffff  }
0x3b3: {  	v37 =	vor.u32 v46, v35;
	_ =	sdelay $0x3  }
0x3b4: {  	[tilespmem:v36+s22+$0x0] =	vst.idx.msk $0xffff, v30  }
0x3b5: {  	v36 =	vor.u32 v49, v34;
	v30 =	vld.idx.msk [tilespmem:v37+s14+$0x0], $0xffff  }
0x3b6: {  	v37 =	vor.u32 v51, v35;
	_ =	sdelay $0x3  }
0x3b7: {  	[tilespmem:v36+s22+$0x0] =	vst.idx.msk $0xffff, v30  }
0x3b8: {  	v36 =	vor.u32 v52, v34;
	v30 =	vld.idx.msk [tilespmem:v37+s14+$0x0], $0xffff  }
0x3b9: {  	v37 =	vor.u32 v53, v35;
	_ =	sdelay $0x3  }
0x3ba: {  	[tilespmem:v36+s22+$0x0] =	vst.idx.msk $0xffff, v30  }
0x3bb: {  	v36 =	vor.u32 v54, v34;
	v30 =	vld.idx.msk [tilespmem:v37+s14+$0x0], $0xffff  }
0x3bc: {  	v37 =	vor.u32 v55, v35;
	_ =	sdelay $0x3  }
0x3bd: {  	[tilespmem:v36+s22+$0x0] =	vst.idx.msk $0xffff, v30  }
0x3be: {  	v36 =	vor.u32 v56, v34;
	v30 =	vld.idx.msk [tilespmem:v37+s14+$0x0], $0xffff  }
0x3bf: {  	v37 =	vor.u32 v57, v35;
	_ =	sdelay $0x3  }
0x3c0: {  	[tilespmem:v36+s22+$0x0] =	vst.idx.msk $0xffff, v30  }
0x3c1: {  	v36 =	vor.u32 v58, v34;
	v30 =	vld.idx.msk [tilespmem:v37+s14+$0x0], $0xffff  }
0x3c2: {  	v37 =	vor.u32 v59, v35;
	_ =	sdelay $0x3  }
0x3c3: {  	[tilespmem:v36+s22+$0x0] =	vst.idx.msk $0xffff, v30  }
0x3c4: {  	v36 =	vor.u32 v60, v34;
	v30 =	vld.idx.msk [tilespmem:v37+s14+$0x0], $0xffff  }
0x3c5: {  	v37 =	vor.u32 v61, v35;
	_ =	sdelay $0x3  }
0x3c6: {  	[tilespmem:v36+s22+$0x0] =	vst.idx.msk $0xffff, v30  }
0x3c7: {  	v36 =	vor.u32 v62, v34;
	v30 =	vld.idx.msk [tilespmem:v37+s14+$0x0], $0xffff  }
0x3c8: {  	v37 =	vor.u32 v63, v35;
	_ =	sdelay $0x3  }
0x3c9: {  	[tilespmem:v36+s22+$0x0] =	vst.idx.msk $0xffff, v30  }
0x3ca: {  	v36 =	vor.u32 v0, v34;
	v30 =	vld.idx.msk [tilespmem:v37+s14+$0x0], $0xffff  }
0x3cb: {  	v37 =	vor.u32 v3, v35;
	_ =	sdelay $0x3  }
0x3cc: {  	[tilespmem:v36+s22+$0x0] =	vst.idx.msk $0xffff, v30;
	v36 =	vld [tilespmem:$0x1FDA0]  }
0x3cd: {  	v30 =	vld.idx.msk [tilespmem:v37+s14+$0x0], $0xffff  }
0x3ce: {  	v37 =	vld [tilespmem:$0x1FDB0];
	_ =	sdelay $0x3  }
0x3cf: {  	v36 =	vor.u32 v36, v34  }
0x3d0: {  	v37 =	vor.u32 v37, v35;
	_ =	sdelay $0x3  }
0x3d1: {  	[tilespmem:v36+s22+$0x0] =	vst.idx.msk $0xffff, v30;
	v36 =	vld [tilespmem:$0x1FDC0]  }
0x3d2: {  	v30 =	vld.idx.msk [tilespmem:v37+s14+$0x0], $0xffff  }
0x3d3: {  	v37 =	vld [tilespmem:$0x1FDD0];
	_ =	sdelay $0x3  }
0x3d4: {  	v36 =	vor.u32 v36, v34  }
0x3d5: {  	v37 =	vor.u32 v37, v35;
	_ =	sdelay $0x3  }
0x3d6: {  	[tilespmem:v36+s22+$0x0] =	vst.idx.msk $0xffff, v30  }
0x3d7: {  	v36 =	vor.u32 v7, v34;
	v30 =	vld.idx.msk [tilespmem:v37+s14+$0x0], $0xffff  }
0x3d8: {  	v37 =	vor.u32 v8, v35;
	_ =	sdelay $0x3  }
0x3d9: {  	[tilespmem:v36+s22+$0x0] =	vst.idx.msk $0xffff, v30  }
0x3da: {  	v36 =	vor.u32 v9, v34;
	v30 =	vld.idx.msk [tilespmem:v37+s14+$0x0], $0xffff  }
0x3db: {  	v37 =	vor.u32 v10, v35;
	_ =	sdelay $0x3  }
0x3dc: {  	[tilespmem:v36+s22+$0x0] =	vst.idx.msk $0xffff, v30  }
0x3dd: {  	v36 =	vor.u32 v11, v34;
	v30 =	vld.idx.msk [tilespmem:v37+s14+$0x0], $0xffff  }
0x3de: {  	v37 =	vor.u32 v12, v35;
	_ =	sdelay $0x3  }
0x3df: {  	[tilespmem:v36+s22+$0x0] =	vst.idx.msk $0xffff, v30  }
0x3e0: {  	v36 =	vor.u32 v13, v34;
	v30 =	vld.idx.msk [tilespmem:v37+s14+$0x0], $0xffff  }
0x3e1: {  	v37 =	vor.u32 v14, v35;
	_ =	sdelay $0x3  }
0x3e2: {  	[tilespmem:v36+s22+$0x0] =	vst.idx.msk $0xffff, v30  }
0x3e3: {  	v36 =	vor.u32 v15, v34;
	v30 =	vld.idx.msk [tilespmem:v37+s14+$0x0], $0xffff  }
0x3e4: {  	v37 =	vor.u32 v16, v35;
	_ =	sdelay $0x3  }
0x3e5: {  	[tilespmem:v36+s22+$0x0] =	vst.idx.msk $0xffff, v30  }
0x3e6: {  	v36 =	vor.u32 v17, v34;
	v30 =	vld.idx.msk [tilespmem:v37+s14+$0x0], $0xffff  }
0x3e7: {  	v37 =	vor.u32 v18, v35;
	_ =	sdelay $0x3  }
0x3e8: {  	[tilespmem:v36+s22+$0x0] =	vst.idx.msk $0xffff, v30  }
0x3e9: {  	v36 =	vor.u32 v19, v34;
	v30 =	vld.idx.msk [tilespmem:v37+s14+$0x0], $0xffff  }
0x3ea: {  	v37 =	vor.u32 v20, v35;
	_ =	sdelay $0x3  }
0x3eb: {  	[tilespmem:v36+s22+$0x0] =	vst.idx.msk $0xffff, v30  }
0x3ec: {  	v36 =	vor.u32 v21, v34;
	v30 =	vld.idx.msk [tilespmem:v37+s14+$0x0], $0xffff  }
0x3ed: {  	v37 =	vor.u32 v22, v35;
	_ =	sdelay $0x3  }
0x3ee: {  	[tilespmem:v36+s22+$0x0] =	vst.idx.msk $0xffff, v30  }
0x3ef: {  	v36 =	vor.u32 v23, v34;
	v30 =	vld.idx.msk [tilespmem:v37+s14+$0x0], $0xffff  }
0x3f0: {  	v37 =	vor.u32 v24, v35;
	_ =	sdelay $0x3  }
0x3f1: {  	[tilespmem:v36+s22+$0x0] =	vst.idx.msk $0xffff, v30  }
0x3f2: {  	v36 =	vor.u32 v25, v34;
	v30 =	vld.idx.msk [tilespmem:v37+s14+$0x0], $0xffff  }
0x3f3: {  	v37 =	vor.u32 v26, v35;
	_ =	sdelay $0x3  }
0x3f4: {  	[tilespmem:v36+s22+$0x0] =	vst.idx.msk $0xffff, v30  }
0x3f5: {  	v36 =	vor.u32 v27, v34;
	v30 =	vld.idx.msk [tilespmem:v37+s14+$0x0], $0xffff  }
0x3f6: {  	v37 =	vor.u32 v28, v35;
	_ =	sdelay $0x3  }
0x3f7: {  	[tilespmem:v36+s22+$0x0] =	vst.idx.msk $0xffff, v30  }
0x3f8: {  	v36 =	vor.u32 v29, v34;
	v30 =	vld.idx.msk [tilespmem:v37+s14+$0x0], $0xffff  }
0x3f9: {  	v37 =	vor.u32 v31, v35;
	_ =	sdelay $0x3  }
0x3fa: {  	[tilespmem:v36+s22+$0x0] =	vst.idx.msk $0xffff, v30  }
0x3fb: {  	v36 =	vor.u32 v32, v34;
	v30 =	vld.idx.msk [tilespmem:v37+s14+$0x0], $0xffff  }
0x3fc: {  	v37 =	vor.u32 v40, v35;
	_ =	sdelay $0x3  }
0x3fd: {  	[tilespmem:v36+s22+$0x0] =	vst.idx.msk $0xffff, v30  }
0x3fe: {  	v36 =	vor.u32 v41, v34;
	v30 =	vld.idx.msk [tilespmem:v37+s14+$0x0], $0xffff  }
0x3ff: {  	v37 =	vor.u32 v42, v35;
	_ =	sdelay $0x3  }
0x400: {  	[tilespmem:v36+s22+$0x0] =	vst.idx.msk $0xffff, v30;
	v36 =	vld [tilespmem:$0x1FBC0]  }
0x401: {  	v30 =	vld.idx.msk [tilespmem:v37+s14+$0x0], $0xffff  }
0x402: {  	v37 =	vld [tilespmem:$0x1FBD0];
	_ =	sdelay $0x3  }
0x403: {  	v36 =	vor.u32 v36, v34  }
0x404: {  	p0 =	sne.s32 s13, $0x1F;
	v37 =	vor.u32 v37, v35  }
.Ltmp7:
0x405: {  	_ = 	snop;
	(pc) =	sbr.rel @p0 .LBB2_11-.Ltmp7, $3  }
0x406: {  	_ =	sdelay $0x1  }
0x407: {  	s0 =	smov.u32 s13;
	v38 =	vor.u32 v4, v34;
	[tilespmem:v36+s22+$0x0] =	vst.idx.msk $0xffff, v30  }
0x408: {  	s13 =	sadd.s32 $0x1, s13;
	v35 =	vor.u32 v5, v35;
	v30 =	vlaneseq.u32;
	v36 =	vadd.s32 s0, v39;
	v37 =	vld.idx.msk [tilespmem:v37+s14+$0x0], $0xffff  }
0x409: {  	_ =	sdelay $0x3  }
0x40a: {  	[tilespmem:v38+s22+$0x0] =	vst.idx.msk $0xffff, v37  }
0x40b: {  	v35 =	vld.idx.msk [tilespmem:v35+s14+$0x0], $0xffff;
	_ =	sdelay $0x2  }
0x40c: {  	v39 =	vand.u32 $0xF, v36;
	s0 =	sand.u32 $0x10, s0  }
0x40d: {  	v39 =	vor.u32 s0, v39  }
0x40e: {  	v37 =	vand.u32 $0x18, v39;
	v38 =	vand.u32 $0x7, v36;
	[tilespmem:$0x1FBB0] =	vst v35  }
0x40f: {  	v34 =	vor.u32 v33, v34;
	v35 =	vor.u32 v38, v37;
	v38 =	vld [tilespmem:$0x1FBB0]  }
0x410: {  	v37 =	vor.u32 v1, v35;
	_ =	sdelay $0x1  }
0x411: {  	v36 =	vshll.u32 v36, $0x7;
	v1 =	vshll.u32 v39, $0x9  }
0x412: {  	v36 =	vand.u32 $0x380, v36;
	v1 =	vand.u32 $0x3000, v1  }
0x413: {  	v39 =	vor.u32 v36, v1;
	[tilespmem:v34+s22+$0x0] =	vst.idx.msk $0xffff, v38  }
0x414: {  	v36 =	vor.u32 v30, v39;
	v34 =	vld.idx.msk [tilespmem:v37+s14+$0x0], $0xffff  }
0x415: {  	v30 =	vor.u32 v2, v35;
	_ =	sdelay $0x3  }
0x416: {  	[tilespmem:v36+s22+$0x0] =	vst.idx.msk $0xffff, v34  }
0x417: {  	v1 =	vor.u32 v6, v39;
	v34 =	vld.idx.msk [tilespmem:v30+s14+$0x0], $0xffff  }
0x418: {  	v38 =	vmov v2;
	v2 =	vor.u32 v43, v35;
	_ =	sdelay $0x3  }
0x419: {  	[tilespmem:v1+s22+$0x0] =	vst.idx.msk $0xffff, v34  }
0x41a: {  	v30 =	vor.u32 v47, v39;
	v34 =	vld.idx.msk [tilespmem:v2+s14+$0x0], $0xffff  }
0x41b: {  	v43 =	vor.u32 v48, v35;
	_ =	sdelay $0x3  }
0x41c: {  	[tilespmem:v30+s22+$0x0] =	vst.idx.msk $0xffff, v34  }
0x41d: {  	v47 =	vor.u32 v50, v39;
	v34 =	vld.idx.msk [tilespmem:v43+s14+$0x0], $0xffff  }
0x41e: {  	v48 =	vor.u32 v44, v35;
	_ =	sdelay $0x3  }
0x41f: {  	[tilespmem:v47+s22+$0x0] =	vst.idx.msk $0xffff, v34  }
0x420: {  	v50 =	vor.u32 v45, v39;
	v34 =	vld.idx.msk [tilespmem:v48+s14+$0x0], $0xffff  }
0x421: {  	v1 =	vor.u32 v46, v35;
	_ =	sdelay $0x3  }
0x422: {  	[tilespmem:v50+s22+$0x0] =	vst.idx.msk $0xffff, v34  }
0x423: {  	v2 =	vor.u32 v49, v39;
	v34 =	vld.idx.msk [tilespmem:v1+s14+$0x0], $0xffff  }
0x424: {  	v30 =	vor.u32 v51, v35;
	_ =	sdelay $0x3  }
0x425: {  	[tilespmem:v2+s22+$0x0] =	vst.idx.msk $0xffff, v34  }
0x426: {  	v43 =	vor.u32 v52, v39;
	v34 =	vld.idx.msk [tilespmem:v30+s14+$0x0], $0xffff  }
0x427: {  	v44 =	vor.u32 v53, v35;
	_ =	sdelay $0x3  }
0x428: {  	[tilespmem:v43+s22+$0x0] =	vst.idx.msk $0xffff, v34  }
0x429: {  	v45 =	vor.u32 v54, v39;
	v34 =	vld.idx.msk [tilespmem:v44+s14+$0x0], $0xffff  }
0x42a: {  	v46 =	vor.u32 v55, v35;
	_ =	sdelay $0x3  }
0x42b: {  	[tilespmem:v45+s22+$0x0] =	vst.idx.msk $0xffff, v34  }
0x42c: {  	v47 =	vor.u32 v56, v39;
	v34 =	vld.idx.msk [tilespmem:v46+s14+$0x0], $0xffff  }
0x42d: {  	v48 =	vor.u32 v57, v35;
	_ =	sdelay $0x3  }
0x42e: {  	[tilespmem:v47+s22+$0x0] =	vst.idx.msk $0xffff, v34  }
0x42f: {  	v49 =	vor.u32 v58, v39;
	v34 =	vld.idx.msk [tilespmem:v48+s14+$0x0], $0xffff  }
0x430: {  	v50 =	vor.u32 v59, v35;
	_ =	sdelay $0x3  }
0x431: {  	[tilespmem:v49+s22+$0x0] =	vst.idx.msk $0xffff, v34  }
0x432: {  	v51 =	vor.u32 v60, v39;
	v34 =	vld.idx.msk [tilespmem:v50+s14+$0x0], $0xffff  }
0x433: {  	v52 =	vor.u32 v61, v35;
	_ =	sdelay $0x3  }
0x434: {  	[tilespmem:v51+s22+$0x0] =	vst.idx.msk $0xffff, v34  }
0x435: {  	v53 =	vor.u32 v62, v39;
	v34 =	vld.idx.msk [tilespmem:v52+s14+$0x0], $0xffff  }
0x436: {  	v54 =	vor.u32 v63, v35;
	_ =	sdelay $0x3  }
0x437: {  	[tilespmem:v53+s22+$0x0] =	vst.idx.msk $0xffff, v34  }
0x438: {  	v55 =	vor.u32 v0, v39;
	v34 =	vld.idx.msk [tilespmem:v54+s14+$0x0], $0xffff  }
0x439: {  	v56 =	vor.u32 v3, v35;
	v57 =	vld [tilespmem:$0x1FDA0]  }
0x43a: {  	v59 =	vld [tilespmem:$0x1FDB0];
	_ =	sdelay $0x2  }
0x43b: {  	[tilespmem:v55+s22+$0x0] =	vst.idx.msk $0xffff, v34  }
0x43c: {  	v58 =	vor.u32 v57, v39;
	v34 =	vld.idx.msk [tilespmem:v56+s14+$0x0], $0xffff  }
0x43d: {  	v61 =	vld [tilespmem:$0x1FDC0];
	v60 =	vor.u32 v59, v35  }
0x43e: {  	v63 =	vld [tilespmem:$0x1FDD0];
	_ =	sdelay $0x2  }
0x43f: {  	[tilespmem:v58+s22+$0x0] =	vst.idx.msk $0xffff, v34  }
0x440: {  	v62 =	vor.u32 v61, v39;
	v34 =	vld.idx.msk [tilespmem:v60+s14+$0x0], $0xffff  }
0x441: {  	v3 =	vor.u32 v63, v35;
	_ =	sdelay $0x3  }
0x442: {  	[tilespmem:v62+s22+$0x0] =	vst.idx.msk $0xffff, v34  }
0x443: {  	v7 =	vor.u32 v7, v39;
	v34 =	vld.idx.msk [tilespmem:v3+s14+$0x0], $0xffff  }
0x444: {  	v8 =	vor.u32 v8, v35;
	_ =	sdelay $0x3  }
0x445: {  	[tilespmem:v7+s22+$0x0] =	vst.idx.msk $0xffff, v34  }
0x446: {  	v9 =	vor.u32 v9, v39;
	v2 =	vld.idx.msk [tilespmem:v8+s14+$0x0], $0xffff  }
0x447: {  	v10 =	vor.u32 v10, v35;
	_ =	sdelay $0x3  }
0x448: {  	[tilespmem:v9+s22+$0x0] =	vst.idx.msk $0xffff, v2  }
0x449: {  	v11 =	vor.u32 v11, v39;
	v1 =	vld.idx.msk [tilespmem:v10+s14+$0x0], $0xffff  }
0x44a: {  	v12 =	vor.u32 v12, v35;
	_ =	sdelay $0x3  }
0x44b: {  	[tilespmem:v11+s22+$0x0] =	vst.idx.msk $0xffff, v1  }
0x44c: {  	v13 =	vor.u32 v13, v39;
	v1 =	vld.idx.msk [tilespmem:v12+s14+$0x0], $0xffff  }
0x44d: {  	v14 =	vor.u32 v14, v35;
	_ =	sdelay $0x3  }
0x44e: {  	[tilespmem:v13+s22+$0x0] =	vst.idx.msk $0xffff, v1  }
0x44f: {  	v15 =	vor.u32 v15, v39;
	v1 =	vld.idx.msk [tilespmem:v14+s14+$0x0], $0xffff  }
0x450: {  	v16 =	vor.u32 v16, v35;
	_ =	sdelay $0x3  }
0x451: {  	[tilespmem:v15+s22+$0x0] =	vst.idx.msk $0xffff, v1  }
0x452: {  	v30 =	vor.u32 v17, v39;
	v1 =	vld.idx.msk [tilespmem:v16+s14+$0x0], $0xffff  }
0x453: {  	v34 =	vor.u32 v18, v35;
	_ =	sdelay $0x3  }
0x454: {  	[tilespmem:v30+s22+$0x0] =	vst.idx.msk $0xffff, v1  }
0x455: {  	v36 =	vor.u32 v19, v39;
	v1 =	vld.idx.msk [tilespmem:v34+s14+$0x0], $0xffff  }
0x456: {  	v37 =	vor.u32 v20, v35;
	_ =	sdelay $0x3  }
0x457: {  	[tilespmem:v36+s22+$0x0] =	vst.idx.msk $0xffff, v1  }
0x458: {  	v43 =	vor.u32 v21, v39;
	v1 =	vld.idx.msk [tilespmem:v37+s14+$0x0], $0xffff  }
0x459: {  	v44 =	vor.u32 v22, v35;
	_ =	sdelay $0x3  }
0x45a: {  	[tilespmem:v43+s22+$0x0] =	vst.idx.msk $0xffff, v1  }
0x45b: {  	v45 =	vor.u32 v23, v39;
	v1 =	vld.idx.msk [tilespmem:v44+s14+$0x0], $0xffff  }
0x45c: {  	v46 =	vor.u32 v24, v35;
	_ =	sdelay $0x3  }
0x45d: {  	[tilespmem:v45+s22+$0x0] =	vst.idx.msk $0xffff, v1  }
0x45e: {  	v47 =	vor.u32 v25, v39;
	v1 =	vld.idx.msk [tilespmem:v46+s14+$0x0], $0xffff  }
0x45f: {  	v48 =	vor.u32 v26, v35;
	_ =	sdelay $0x3  }
0x460: {  	[tilespmem:v47+s22+$0x0] =	vst.idx.msk $0xffff, v1  }
0x461: {  	v49 =	vor.u32 v27, v39;
	v1 =	vld.idx.msk [tilespmem:v48+s14+$0x0], $0xffff  }
0x462: {  	v50 =	vor.u32 v28, v35;
	_ =	sdelay $0x3  }
0x463: {  	[tilespmem:v49+s22+$0x0] =	vst.idx.msk $0xffff, v1  }
0x464: {  	v51 =	vor.u32 v29, v39;
	v1 =	vld.idx.msk [tilespmem:v50+s14+$0x0], $0xffff  }
0x465: {  	v52 =	vor.u32 v31, v35;
	_ =	sdelay $0x3  }
0x466: {  	[tilespmem:v51+s22+$0x0] =	vst.idx.msk $0xffff, v1  }
0x467: {  	v53 =	vor.u32 v32, v39;
	v1 =	vld.idx.msk [tilespmem:v52+s14+$0x0], $0xffff  }
0x468: {  	v54 =	vor.u32 v40, v35;
	_ =	sdelay $0x3  }
0x469: {  	[tilespmem:v53+s22+$0x0] =	vst.idx.msk $0xffff, v1  }
0x46a: {  	v55 =	vor.u32 v41, v39;
	v1 =	vld.idx.msk [tilespmem:v54+s14+$0x0], $0xffff  }
0x46b: {  	v57 =	vld [tilespmem:$0x1FBC0];
	v56 =	vor.u32 v42, v35  }
0x46c: {  	v59 =	vld [tilespmem:$0x1FBD0];
	_ =	sdelay $0x2  }
0x46d: {  	[tilespmem:v55+s22+$0x0] =	vst.idx.msk $0xffff, v1  }
0x46e: {  	v58 =	vor.u32 v57, v39;
	v1 =	vld.idx.msk [tilespmem:v56+s14+$0x0], $0xffff  }
0x46f: {  	v60 =	vor.u32 v59, v35;
	_ =	sdelay $0x3  }
0x470: {  	[tilespmem:v58+s22+$0x0] =	vst.idx.msk $0xffff, v1  }
0x471: {  	v61 =	vor.u32 v4, v39;
	v1 =	vld.idx.msk [tilespmem:v60+s14+$0x0], $0xffff  }
0x472: {  	v62 =	vor.u32 v5, v35;
	_ =	sdelay $0x3  }
0x473: {  	[tilespmem:v61+s22+$0x0] =	vst.idx.msk $0xffff, v1  }
0x474: {  	v63 =	vor.u32 v33, v39;
	v2 =	vld.idx.msk [tilespmem:v62+s14+$0x0], $0xffff;
	_ =	sdelay $0x3  }
0x475: {  	s1 =	sadd.s32 s1, s7  }
0x476: {  	s0 =	sadd.s32 s6, s1;
	[tilespmem:v63+s22+$0x0] =	vst.idx.msk $0xffff, v2  }
0x477: {  	[hbm4b:s0+s3] =	stream.linear.scatter [tilespmem:s22], [sflag:$0x4], $0x1000, $0x38;
	[tilespmem:$0x1C800] =	vst v63  }
0x478: {  	p0 =	seq.s32 s30, $0x18;
	s5 =	sadd.s32 $0x4000, s0  }
0x479: {  	[hbm4b:s5+s3] =	stream.linear.scatter [tilespmem:s23], [sflag:$0x4], $0x1000, $0x38;
	[tilespmem:$0x1C800] =	vst v63  }
.Ltmp8:
0x47a: {  	_ = 	snop;
	(pc) =	sbr.rel @p0 .LBB2_14-.Ltmp8, $4  }
0x47b: {  	s13 =	sadd.s32 $0x8000, s0  }
0x47c: {  	[hbm4b:s13+s3] =	stream.linear.scatter [tilespmem:s24], [sflag:$0x4], $0x1000, $0x38;
	[tilespmem:$0x1C800] =	vst v63  }
0x47d: {  	s0 =	sadd.s32 $0xC000, s0  }
0x47e: {  	v40 =	vld [tilespmem:$0x1FFF0];
	v39 =	vmov v6;
	[hbm4b:s0+s3] =	stream.linear.scatter [tilespmem:s25], [sflag:$0x4], $0x1000, $0x38  }
.Ltmp9:
0x47f: {  	(pc) =	sbr.rel .LBB2_4-.Ltmp9, $4  }
0x480: {  	_ = 	snop  }
0x481: {  	s0 =	sshrl.u32 s31, $0x2  }
0x482: {  	s30 =	sadd.s32 $0x1, s30;
	s0 =	sadd.s32 $0x6A00, s0  }
0x483: {  	v42 =	vlaneseq.u32;
	[tilespmem:s14], [sflag:$0x2] =	stream.indirect.gather [hbm4b:s4+s11], $0x20, s0, s11, $0xb8;
	[tilespmem:$0x1C800] =	vst v63  }
.LBB2_15:
0x484: {  	_ =	sfence.sel $0x180000  }
0x485: {  	[bflag:$0x0] =	sbarrier.arrive $0xFFFF  }
0x486: {  	_ =	strace $0x90000047  }
0x487: {  	s0 =	stileid.u32;
	[bflag:$0x2] =	sbarrier.arrive $0xFFFF  }
0x488: {  	p0 =	sne.s32 s0, $0x0;
	s0 =	rddreg [dreg:$0x2]  }
0x489: {  	s0 =	sadd.s32 @!p0 $0x100000, s0  }
0x48a: {  	[sflag:s0] =	ssyncadd.tile.s32 @!p0 $0x1;
	_ =	shalt  }
.Lfunc_end2:
_tile_overlayer_lowered:
.L_overlay_start_2:
0x48b: {  	(tag) =	ssettag $0x2  }
0x48c: {  	s0 =	rddreg [dreg:$0x0];
	s2 =	stileid.u32  }
0x48d: {  	s1 =	rddreg [dreg:$0x1];
	p0 =	sne.s32 s2, $0x0  }
0x48e: {  	s3 =	rddreg [dreg:$0x2];
	[bflag:$0x3] =	sbarrier.arrive $0xFFFF;
	s2 =	simm.s32 @!p0 $0x1C05  }
0x48f: {  	[timem:s3], [sflag:s2] =	dma.local @!p0 [hbm:s0], s1  }
0x490: {  	s0 =	simm.s32 @!p0 $0x5  }
0x491: {  	_ =	swait.ge @!p0 [sflag:s0], s1  }
0x492: {  	s1 =	ssub.s32 @!p0 $0x0, s1;
	[sflag:s0] =	ssyncset.done @!p0 $0x0  }
0x493: {  	[sflag:s0] =	ssyncadd.s32 @!p0 s1  }
0x494: {  	[bflag:$0x3] =	sbarrier.arrive $0xFFFF  }
0x495: {  	_ =	shalt  }

</sc_bundles>
